<compile_context>
chip_gen: v7x
topology: tpu7x:2x2x1
jax: 0.10.2.dev20260603
libtpu: 0.0.44.dev20260713+nightly
codegen_flags: <defaults>
</compile_context>

<pallas_src>
import functools

import jax
import jax.numpy as jnp
from jax import lax
from jax.experimental import pallas as pl
from jax.experimental.pallas import tpu as pltpu
from jax.experimental.pallas import tpu_sc as plsc

MAX_REL = 32
D = 16
L = 2048
TABLE_ROWS = 2 * MAX_REL + 1
CHUNK = 32
NUM_CORES = 2
NUM_SUBCORES = 16
INFLIGHT = 16

_mesh = plsc.VectorSubcoreMesh(
    core_axis_name="c",
    subcore_axis_name="s",
    num_cores=NUM_CORES,
    num_subcores=NUM_SUBCORES,
)


@functools.partial(
    pl.kernel,
    out_type=jax.ShapeDtypeStruct((L, D, L), jnp.float32),
    mesh=_mesh,
    compiler_params=pltpu.CompilerParams(needs_layout_passes=False),
    scratch_types=[
        pltpu.VMEM((TABLE_ROWS * D,), jnp.float32),
        pltpu.VMEM((CHUNK, 8, 128), jnp.float32),
        pltpu.VMEM((CHUNK, 8, 128), jnp.float32),
        pltpu.VMEM((CHUNK, 8, 128), jnp.float32),
        pltpu.SemaphoreType.DMA,
        pltpu.SemaphoreType.DMA,
    ],
)
def _rpe_sc(table_hbm, out_hbm, table_v, clo_v, chi_v, band_v, sem_c, sem_b):
    t = lax.axis_index("s")
    s = lax.axis_index("c")
    ds0 = pl.multiple_of(8 * s, 8)
    dj0 = pl.multiple_of(128 * t, 128)

    pltpu.sync_copy(table_hbm, table_v)

    tb_lo = jnp.maximum(128 * t - MAX_REL, 0)
    tb_hi = jnp.minimum(128 * t + 128 + MAX_REL, L)
    n_lo = tb_lo // CHUNK
    n_hi = (L - tb_hi) // CHUNK
    n_band = (tb_hi - tb_lo) // CHUNK

    def build_const(rr, carry):
        for dr in range(8):
            lane = jnp.full((D,), 8 * s + dr, jnp.int32)
            v_lo = plsc.load_gather(table_v, [lane])
            v_hi = plsc.load_gather(table_v, [(TABLE_ROWS - 1) * D + lane])
            for u in range(8):
                clo_v[rr, dr, pl.ds(16 * u, 16)] = v_lo
                chi_v[rr, dr, pl.ds(16 * u, 16)] = v_hi
        return carry

    lax.fori_loop(0, CHUNK, build_const, 0)

    n_const = n_lo + n_hi

    def drain_one():
        pltpu.make_async_copy(
            out_hbm.at[pl.ds(0, CHUNK), pl.ds(ds0, 8), pl.ds(dj0, 128)],
            clo_v,
            sem_c,
        ).wait()

    def fire_const(c, carry):
        @pl.when(c < n_lo)
        def _():
            pltpu.async_copy(
                chi_v,
                out_hbm.at[pl.ds(CHUNK * c, CHUNK), pl.ds(ds0, 8), pl.ds(dj0, 128)],
                sem_c,
            )

        @pl.when(c >= n_lo)
        def _():
            pltpu.async_copy(
                clo_v,
                out_hbm.at[
                    pl.ds(tb_hi + CHUNK * (c - n_lo), CHUNK),
                    pl.ds(ds0, 8),
                    pl.ds(dj0, 128),
                ],
                sem_c,
            )

        @pl.when(c >= INFLIGHT)
        def _():
            drain_one()

        return carry

    lax.fori_loop(0, n_const, fire_const, 0)

    def band_chunk(c, carry):
        i0 = tb_lo + CHUNK * c

        def stage_row(rr, carry2):
            i = i0 + rr
            for dr in range(8):
                d = 8 * s + dr
                for u in range(8):
                    j = dj0 + 16 * u + lax.iota(jnp.int32, D)
                    m = jnp.clip(j - i, -MAX_REL, MAX_REL) + MAX_REL
                    band_v[rr, dr, pl.ds(16 * u, 16)] = plsc.load_gather(
                        table_v, [m * D + d]
                    )
            return carry2

        lax.fori_loop(0, CHUNK, stage_row, 0)
        pltpu.async_copy(
            band_v,
            out_hbm.at[pl.ds(i0, CHUNK), pl.ds(ds0, 8), pl.ds(dj0, 128)],
            sem_b,
        ).wait()
        return carry

    lax.fori_loop(0, n_band, band_chunk, 0)

    def drain(c, carry):
        drain_one()
        return carry

    lax.fori_loop(0, jnp.minimum(n_const, INFLIGHT), drain, 0)


def kernel(length, emb_table):
    del length
    out = _rpe_sc(emb_table.reshape(TABLE_ROWS * D))
    return jnp.transpose(out, (0, 2, 1))

# --- scband reference (transcript-rebuilt; emitter-appended) ---
"""Pipeline reference for scband-relative-positional-encoding-50792283242873 (READ-ONLY COPY).

The authoritative reference and input builder live on the scoring server;
editing this copy changes nothing except your own understanding.
"""

import jax, jax.numpy as jnp
import numpy as np

MAX_REL = 32
D_MODEL = 16
LENGTH = 2048

def setup_inputs(seed: int = 0) -> dict:
    key = jax.random.key(seed)
    emb_table = jax.random.normal(key, (2 * MAX_REL + 1, D_MODEL), dtype=jnp.float32)
    return {"length": 2048, "emb_table": emb_table}

def reference(length, emb_table):
    # positions[i, j] = j - i, clamped to [-MAX_REL, MAX_REL], shifted to [0, 2*MAX_REL]
    idx = jnp.arange(LENGTH) + (length - LENGTH)
    pos = idx[None, :] - idx[:, None]
    pos = jnp.clip(pos, -MAX_REL, MAX_REL) + MAX_REL
    # embedding lookup: gather rows of emb_table -> [length, length, d_model]
    relative_position_encoding = jnp.take(emb_table, pos, axis=0)
    return relative_position_encoding

if __name__ == "__main__":
    import jax
    _d = setup_inputs()
    print(jax.jit(kernel)(*tuple(_d.values())))

</pallas_src>

<mosaic_0001>
#map = affine_map<(d0, d1) -> (0)>
#map1 = affine_map<(d0, d1) -> (0, 0, 0)>
module attributes {stable_mosaic.version = 14 : i64} {
  func.func @_rpe_sc(%arg0: i32, %arg1: i32, %arg2: memref<1040xf32, #tpu.memory_space<hbm>>, %arg3: memref<2048x16x2048xf32, #tpu.memory_space<hbm>>, %arg4: memref<1040xf32, #tpu.memory_space<vmem>>, %arg5: memref<32x8x128xf32, #tpu.memory_space<vmem>>, %arg6: memref<32x8x128xf32, #tpu.memory_space<vmem>>, %arg7: memref<32x8x128xf32, #tpu.memory_space<vmem>>, %arg8: memref<!tpu.dma_semaphore, #tpu.memory_space<semaphore_mem>>, %arg9: memref<!tpu.dma_semaphore, #tpu.memory_space<semaphore_mem>>) attributes {dimension_semantics = [#tpu.dimension_semantics<core_parallel>, #tpu.dimension_semantics<subcore_parallel>], iteration_bounds = array<i64: 2, 16>, scalar_prefetch = 0 : i64, scratch_operands = 6 : i64, tpu.core_type = #tpu.core_type<sc_vector_subcore>, window_params = [{transform_indices = #map}, {transform_indices = #map1}]} {
    %mul3A = arith.constant 8 : i32
    %mul3A_0 = arith.muli %mul3A, %arg0 : i32
    %multiple_of3A = tpu.assume_multiple %mul3A_0, 8 : i32
    %mul3A_1 = arith.constant 128 : i32
    %mul3A_2 = arith.muli %mul3A_1, %arg1 : i32
    %multiple_of3A_3 = tpu.assume_multiple %mul3A_2, 128 : i32
    "tpu.region"() ({
      %run_scoped3A = tpu.sem_alloc : memref<!tpu.dma_semaphore, #tpu.memory_space<semaphore_mem>>
      tpu.enqueue_dma source(%arg2 : memref<1040xf32, #tpu.memory_space<hbm>>) target(%arg4 : memref<1040xf32, #tpu.memory_space<vmem>>) target_semaphore(%run_scoped3A : memref<!tpu.dma_semaphore, #tpu.memory_space<semaphore_mem>>)
      tpu.wait_dma2 semaphore(%run_scoped3A : memref<!tpu.dma_semaphore, #tpu.memory_space<semaphore_mem>>) src(%arg2 : memref<1040xf32, #tpu.memory_space<hbm>>) dst(%arg4 : memref<1040xf32, #tpu.memory_space<vmem>>)
      tpu.yield
    }) : () -> ()
    %mul3A_4 = arith.constant 128 : i32
    %mul3A_5 = arith.muli %mul3A_4, %arg1 : i32
    %sub3A = arith.constant 32 : i32
    %sub3A_6 = arith.subi %mul3A_5, %sub3A : i32
    %max3A = arith.constant 0 : i32
    %max3A_7 = arith.maxsi %sub3A_6, %max3A : i32
    %mul3A_8 = arith.constant 128 : i32
    %mul3A_9 = arith.muli %mul3A_8, %arg1 : i32
    %add3A = arith.constant 128 : i32
    %add3A_10 = arith.addi %mul3A_9, %add3A : i32
    %add3A_11 = arith.constant 32 : i32
    %add3A_12 = arith.addi %add3A_10, %add3A_11 : i32
    %min3A = arith.constant 2048 : i32
    %min3A_13 = arith.minsi %add3A_12, %min3A : i32
    %jit3A = arith.constant 32 : i32
    %div3A = arith.divsi %max3A_7, %jit3A : i32
    %sign3A = arith.constant 0 : i32
    %sign3A_14 = arith.cmpi sgt, %max3A_7, %sign3A : i32
    %sign3A_15 = arith.extui %sign3A_14 : i1 to i32
    %sign3A_16 = arith.constant 0 : i32
    %sign3A_17 = arith.cmpi slt, %max3A_7, %sign3A_16 : i32
    %sign3A_18 = arith.extui %sign3A_17 : i1 to i32
    %sign3A_19 = arith.subi %sign3A_15, %sign3A_18 : i32
    %sign3A_20 = arith.constant 0 : i32
    %sign3A_21 = arith.cmpi sgt, %jit3A, %sign3A_20 : i32
    %sign3A_22 = arith.extui %sign3A_21 : i1 to i32
    %sign3A_23 = arith.constant 0 : i32
    %sign3A_24 = arith.cmpi slt, %jit3A, %sign3A_23 : i32
    %sign3A_25 = arith.extui %sign3A_24 : i1 to i32
    %sign3A_26 = arith.subi %sign3A_22, %sign3A_25 : i32
    %ne3A = arith.cmpi ne, %sign3A_19, %sign3A_26 : i32
    %rem3A = arith.remsi %max3A_7, %jit3A : i32
    %ne3A_27 = arith.constant 0 : i32
    %ne3A_28 = arith.cmpi ne, %rem3A, %ne3A_27 : i32
    %and3A = arith.andi %ne3A, %ne3A_28 : i1
    %sub3A_29 = arith.constant 1 : i32
    %sub3A_30 = arith.subi %div3A, %sub3A_29 : i32
    %select_n3A = arith.select %and3A, %sub3A_30, %div3A : i32
    %sub3A_31 = arith.constant 2048 : i32
    %sub3A_32 = arith.subi %sub3A_31, %min3A_13 : i32
    %jit3A_33 = arith.constant 32 : i32
    %div3A_34 = arith.divsi %sub3A_32, %jit3A_33 : i32
    %sign3A_35 = arith.constant 0 : i32
    %sign3A_36 = arith.cmpi sgt, %sub3A_32, %sign3A_35 : i32
    %sign3A_37 = arith.extui %sign3A_36 : i1 to i32
    %sign3A_38 = arith.constant 0 : i32
    %sign3A_39 = arith.cmpi slt, %sub3A_32, %sign3A_38 : i32
    %sign3A_40 = arith.extui %sign3A_39 : i1 to i32
    %sign3A_41 = arith.subi %sign3A_37, %sign3A_40 : i32
    %sign3A_42 = arith.constant 0 : i32
    %sign3A_43 = arith.cmpi sgt, %jit3A_33, %sign3A_42 : i32
    %sign3A_44 = arith.extui %sign3A_43 : i1 to i32
    %sign3A_45 = arith.constant 0 : i32
    %sign3A_46 = arith.cmpi slt, %jit3A_33, %sign3A_45 : i32
    %sign3A_47 = arith.extui %sign3A_46 : i1 to i32
    %sign3A_48 = arith.subi %sign3A_44, %sign3A_47 : i32
    %ne3A_49 = arith.cmpi ne, %sign3A_41, %sign3A_48 : i32
    %rem3A_50 = arith.remsi %sub3A_32, %jit3A_33 : i32
    %ne3A_51 = arith.constant 0 : i32
    %ne3A_52 = arith.cmpi ne, %rem3A_50, %ne3A_51 : i32
    %and3A_53 = arith.andi %ne3A_49, %ne3A_52 : i1
    %sub3A_54 = arith.constant 1 : i32
    %sub3A_55 = arith.subi %div3A_34, %sub3A_54 : i32
    %select_n3A_56 = arith.select %and3A_53, %sub3A_55, %div3A_34 : i32
    %sub3A_57 = arith.subi %min3A_13, %max3A_7 : i32
    %jit3A_58 = arith.constant 32 : i32
    %div3A_59 = arith.divsi %sub3A_57, %jit3A_58 : i32
    %sign3A_60 = arith.constant 0 : i32
    %sign3A_61 = arith.cmpi sgt, %sub3A_57, %sign3A_60 : i32
    %sign3A_62 = arith.extui %sign3A_61 : i1 to i32
    %sign3A_63 = arith.constant 0 : i32
    %sign3A_64 = arith.cmpi slt, %sub3A_57, %sign3A_63 : i32
    %sign3A_65 = arith.extui %sign3A_64 : i1 to i32
    %sign3A_66 = arith.subi %sign3A_62, %sign3A_65 : i32
    %sign3A_67 = arith.constant 0 : i32
    %sign3A_68 = arith.cmpi sgt, %jit3A_58, %sign3A_67 : i32
    %sign3A_69 = arith.extui %sign3A_68 : i1 to i32
    %sign3A_70 = arith.constant 0 : i32
    %sign3A_71 = arith.cmpi slt, %jit3A_58, %sign3A_70 : i32
    %sign3A_72 = arith.extui %sign3A_71 : i1 to i32
    %sign3A_73 = arith.subi %sign3A_69, %sign3A_72 : i32
    %ne3A_74 = arith.cmpi ne, %sign3A_66, %sign3A_73 : i32
    %rem3A_75 = arith.remsi %sub3A_57, %jit3A_58 : i32
    %ne3A_76 = arith.constant 0 : i32
    %ne3A_77 = arith.cmpi ne, %rem3A_75, %ne3A_76 : i32
    %and3A_78 = arith.andi %ne3A_74, %ne3A_77 : i1
    %sub3A_79 = arith.constant 1 : i32
    %sub3A_80 = arith.subi %div3A_59, %sub3A_79 : i32
    %select_n3A_81 = arith.select %and3A_78, %sub3A_80, %div3A_59 : i32
    %scan3A = arith.constant 0 : i32
    %scan3A_82 = arith.constant 0 : i32
    %scan3A_83 = arith.constant 32 : i32
    %scan3A_84 = arith.addi %scan3A_82, %scan3A_83 : i32
    %scan3A_85 = arith.constant 1 : i32
    scf.for %scan3A_119 = %scan3A_82 to %scan3A_84 step %scan3A_85  : i32 {
      %mul3A_120 = arith.constant 8 : i32
      %mul3A_121 = arith.muli %mul3A_120, %arg0 : i32
      %add3A_122 = arith.constant 0 : i32
      %add3A_123 = arith.addi %mul3A_121, %add3A_122 : i32
      %broadcast_in_dim3A = vector.broadcast %add3A_123 : i32 to vector<16xi32>
      %gather3A = tpu.vector_load_idx %arg4[%broadcast_in_dim3A] : memref<1040xf32, #tpu.memory_space<vmem>>[vector<16xi32>], vector<16xf32>,
      %add3A_124 = arith.constant 1024 : i32
      %add3A_125 = vector.broadcast %add3A_124 : i32 to vector<16xi32>
      %add3A_126 = arith.addi %add3A_125, %broadcast_in_dim3A : vector<16xi32>
      %gather3A_127 = tpu.vector_load_idx %arg4[%add3A_126] : memref<1040xf32, #tpu.memory_space<vmem>>[vector<16xi32>], vector<16xf32>,
      %swap3A = arith.constant 0 : i32
      %swap3A_128 = arith.index_cast %scan3A_119 : i32 to index
      %swap3A_129 = arith.index_cast %swap3A : i32 to index
      %swap3A_130 = arith.constant 0 : index
      %swap3A_131 = tpu.vector_load %arg5[%swap3A_128, %swap3A_129, %swap3A_130] {strides = array<i32>} : memref<32x8x128xf32, #tpu.memory_space<vmem>>, vector<16xf32>,
      tpu.vector_store %arg5[%swap3A_128, %swap3A_129, %swap3A_130], %gather3A {strides = array<i32>} : memref<32x8x128xf32, #tpu.memory_space<vmem>>, vector<16xf32>,
      %swap3A_132 = arith.constant 0 : i32
      %swap3A_133 = arith.index_cast %scan3A_119 : i32 to index
      %swap3A_134 = arith.index_cast %swap3A_132 : i32 to index
      %swap3A_135 = arith.constant 0 : index
      %swap3A_136 = tpu.vector_load %arg6[%swap3A_133, %swap3A_134, %swap3A_135] {strides = array<i32>} : memref<32x8x128xf32, #tpu.memory_space<vmem>>, vector<16xf32>,
      tpu.vector_store %arg6[%swap3A_133, %swap3A_134, %swap3A_135], %gather3A_127 {strides = array<i32>} : memref<32x8x128xf32, #tpu.memory_space<vmem>>, vector<16xf32>,
      %swap3A_137 = arith.constant 0 : i32
      %swap3A_138 = arith.index_cast %scan3A_119 : i32 to index
      %swap3A_139 = arith.index_cast %swap3A_137 : i32 to index
      %swap3A_140 = arith.constant 16 : index
      %swap3A_141 = tpu.vector_load %arg5[%swap3A_138, %swap3A_139, %swap3A_140] {strides = array<i32>} : memref<32x8x128xf32, #tpu.memory_space<vmem>>, vector<16xf32>,
      tpu.vector_store %arg5[%swap3A_138, %swap3A_139, %swap3A_140], %gather3A {strides = array<i32>} : memref<32x8x128xf32, #tpu.memory_space<vmem>>, vector<16xf32>,
      %swap3A_142 = arith.constant 0 : i32
      %swap3A_143 = arith.index_cast %scan3A_119 : i32 to index
      %swap3A_144 = arith.index_cast %swap3A_142 : i32 to index
      %swap3A_145 = arith.constant 16 : index
      %swap3A_146 = tpu.vector_load %arg6[%swap3A_143, %swap3A_144, %swap3A_145] {strides = array<i32>} : memref<32x8x128xf32, #tpu.memory_space<vmem>>, vector<16xf32>,
      tpu.vector_store %arg6[%swap3A_143, %swap3A_144, %swap3A_145], %gather3A_127 {strides = array<i32>} : memref<32x8x128xf32, #tpu.memory_space<vmem>>, vector<16xf32>,
      %swap3A_147 = arith.constant 0 : i32
      %swap3A_148 = arith.index_cast %scan3A_119 : i32 to index
      %swap3A_149 = arith.index_cast %swap3A_147 : i32 to index
      %swap3A_150 = arith.constant 32 : index
      %swap3A_151 = tpu.vector_load %arg5[%swap3A_148, %swap3A_149, %swap3A_150] {strides = array<i32>} : memref<32x8x128xf32, #tpu.memory_space<vmem>>, vector<16xf32>,
      tpu.vector_store %arg5[%swap3A_148, %swap3A_149, %swap3A_150], %gather3A {strides = array<i32>} : memref<32x8x128xf32, #tpu.memory_space<vmem>>, vector<16xf32>,
      %swap3A_152 = arith.constant 0 : i32
      %swap3A_153 = arith.index_cast %scan3A_119 : i32 to index
      %swap3A_154 = arith.index_cast %swap3A_152 : i32 to index
      %swap3A_155 = arith.constant 32 : index
      %swap3A_156 = tpu.vector_load %arg6[%swap3A_153, %swap3A_154, %swap3A_155] {strides = array<i32>} : memref<32x8x128xf32, #tpu.memory_space<vmem>>, vector<16xf32>,
      tpu.vector_store %arg6[%swap3A_153, %swap3A_154, %swap3A_155], %gather3A_127 {strides = array<i32>} : memref<32x8x128xf32, #tpu.memory_space<vmem>>, vector<16xf32>,
      %swap3A_157 = arith.constant 0 : i32
      %swap3A_158 = arith.index_cast %scan3A_119 : i32 to index
      %swap3A_159 = arith.index_cast %swap3A_157 : i32 to index
      %swap3A_160 = arith.constant 48 : index
      %swap3A_161 = tpu.vector_load %arg5[%swap3A_158, %swap3A_159, %swap3A_160] {strides = array<i32>} : memref<32x8x128xf32, #tpu.memory_space<vmem>>, vector<16xf32>,
      tpu.vector_store %arg5[%swap3A_158, %swap3A_159, %swap3A_160], %gather3A {strides = array<i32>} : memref<32x8x128xf32, #tpu.memory_space<vmem>>, vector<16xf32>,
      %swap3A_162 = arith.constant 0 : i32
      %swap3A_163 = arith.index_cast %scan3A_119 : i32 to index
      %swap3A_164 = arith.index_cast %swap3A_162 : i32 to index
      %swap3A_165 = arith.constant 48 : index
      %swap3A_166 = tpu.vector_load %arg6[%swap3A_163, %swap3A_164, %swap3A_165] {strides = array<i32>} : memref<32x8x128xf32, #tpu.memory_space<vmem>>, vector<16xf32>,
      tpu.vector_store %arg6[%swap3A_163, %swap3A_164, %swap3A_165], %gather3A_127 {strides = array<i32>} : memref<32x8x128xf32, #tpu.memory_space<vmem>>, vector<16xf32>,
      %swap3A_167 = arith.constant 0 : i32
      %swap3A_168 = arith.index_cast %scan3A_119 : i32 to index
      %swap3A_169 = arith.index_cast %swap3A_167 : i32 to index
      %swap3A_170 = arith.constant 64 : index
      %swap3A_171 = tpu.vector_load %arg5[%swap3A_168, %swap3A_169, %swap3A_170] {strides = array<i32>} : memref<32x8x128xf32, #tpu.memory_space<vmem>>, vector<16xf32>,
      tpu.vector_store %arg5[%swap3A_168, %swap3A_169, %swap3A_170], %gather3A {strides = array<i32>} : memref<32x8x128xf32, #tpu.memory_space<vmem>>, vector<16xf32>,
      %swap3A_172 = arith.constant 0 : i32
      %swap3A_173 = arith.index_cast %scan3A_119 : i32 to index
      %swap3A_174 = arith.index_cast %swap3A_172 : i32 to index
      %swap3A_175 = arith.constant 64 : index
      %swap3A_176 = tpu.vector_load %arg6[%swap3A_173, %swap3A_174, %swap3A_175] {strides = array<i32>} : memref<32x8x128xf32, #tpu.memory_space<vmem>>, vector<16xf32>,
      tpu.vector_store %arg6[%swap3A_173, %swap3A_174, %swap3A_175], %gather3A_127 {strides = array<i32>} : memref<32x8x128xf32, #tpu.memory_space<vmem>>, vector<16xf32>,
      %swap3A_177 = arith.constant 0 : i32
      %swap3A_178 = arith.index_cast %scan3A_119 : i32 to index
      %swap3A_179 = arith.index_cast %swap3A_177 : i32 to index
      %swap3A_180 = arith.constant 80 : index
      %swap3A_181 = tpu.vector_load %arg5[%swap3A_178, %swap3A_179, %swap3A_180] {strides = array<i32>} : memref<32x8x128xf32, #tpu.memory_space<vmem>>, vector<16xf32>,
      tpu.vector_store %arg5[%swap3A_178, %swap3A_179, %swap3A_180], %gather3A {strides = array<i32>} : memref<32x8x128xf32, #tpu.memory_space<vmem>>, vector<16xf32>,
      %swap3A_182 = arith.constant 0 : i32
      %swap3A_183 = arith.index_cast %scan3A_119 : i32 to index
      %swap3A_184 = arith.index_cast %swap3A_182 : i32 to index
      %swap3A_185 = arith.constant 80 : index
      %swap3A_186 = tpu.vector_load %arg6[%swap3A_183, %swap3A_184, %swap3A_185] {strides = array<i32>} : memref<32x8x128xf32, #tpu.memory_space<vmem>>, vector<16xf32>,
      tpu.vector_store %arg6[%swap3A_183, %swap3A_184, %swap3A_185], %gather3A_127 {strides = array<i32>} : memref<32x8x128xf32, #tpu.memory_space<vmem>>, vector<16xf32>,
      %swap3A_187 = arith.constant 0 : i32
      %swap3A_188 = arith.index_cast %scan3A_119 : i32 to index
      %swap3A_189 = arith.index_cast %swap3A_187 : i32 to index
      %swap3A_190 = arith.constant 96 : index
      %swap3A_191 = tpu.vector_load %arg5[%swap3A_188, %swap3A_189, %swap3A_190] {strides = array<i32>} : memref<32x8x128xf32, #tpu.memory_space<vmem>>, vector<16xf32>,
      tpu.vector_store %arg5[%swap3A_188, %swap3A_189, %swap3A_190], %gather3A {strides = array<i32>} : memref<32x8x128xf32, #tpu.memory_space<vmem>>, vector<16xf32>,
      %swap3A_192 = arith.constant 0 : i32
      %swap3A_193 = arith.index_cast %scan3A_119 : i32 to index
      %swap3A_194 = arith.index_cast %swap3A_192 : i32 to index
      %swap3A_195 = arith.constant 96 : index
      %swap3A_196 = tpu.vector_load %arg6[%swap3A_193, %swap3A_194, %swap3A_195] {strides = array<i32>} : memref<32x8x128xf32, #tpu.memory_space<vmem>>, vector<16xf32>,
      tpu.vector_store %arg6[%swap3A_193, %swap3A_194, %swap3A_195], %gather3A_127 {strides = array<i32>} : memref<32x8x128xf32, #tpu.memory_space<vmem>>, vector<16xf32>,
      %swap3A_197 = arith.constant 0 : i32
      %swap3A_198 = arith.index_cast %scan3A_119 : i32 to index
      %swap3A_199 = arith.index_cast %swap3A_197 : i32 to index
      %swap3A_200 = arith.constant 112 : index
      %swap3A_201 = tpu.vector_load %arg5[%swap3A_198, %swap3A_199, %swap3A_200] {strides = array<i32>} : memref<32x8x128xf32, #tpu.memory_space<vmem>>, vector<16xf32>,
      tpu.vector_store %arg5[%swap3A_198, %swap3A_199, %swap3A_200], %gather3A {strides = array<i32>} : memref<32x8x128xf32, #tpu.memory_space<vmem>>, vector<16xf32>,
      %swap3A_202 = arith.constant 0 : i32
      %swap3A_203 = arith.index_cast %scan3A_119 : i32 to index
      %swap3A_204 = arith.index_cast %swap3A_202 : i32 to index
      %swap3A_205 = arith.constant 112 : index
      %swap3A_206 = tpu.vector_load %arg6[%swap3A_203, %swap3A_204, %swap3A_205] {strides = array<i32>} : memref<32x8x128xf32, #tpu.memory_space<vmem>>, vector<16xf32>,
      tpu.vector_store %arg6[%swap3A_203, %swap3A_204, %swap3A_205], %gather3A_127 {strides = array<i32>} : memref<32x8x128xf32, #tpu.memory_space<vmem>>, vector<16xf32>,
      %mul3A_207 = arith.constant 8 : i32
      %mul3A_208 = arith.muli %mul3A_207, %arg0 : i32
      %add3A_209 = arith.constant 1 : i32
      %add3A_210 = arith.addi %mul3A_208, %add3A_209 : i32
      %broadcast_in_dim3A_211 = vector.broadcast %add3A_210 : i32 to vector<16xi32>
      %gather3A_212 = tpu.vector_load_idx %arg4[%broadcast_in_dim3A_211] : memref<1040xf32, #tpu.memory_space<vmem>>[vector<16xi32>], vector<16xf32>,
      %add3A_213 = arith.constant 1024 : i32
      %add3A_214 = vector.broadcast %add3A_213 : i32 to vector<16xi32>
      %add3A_215 = arith.addi %add3A_214, %broadcast_in_dim3A_211 : vector<16xi32>
      %gather3A_216 = tpu.vector_load_idx %arg4[%add3A_215] : memref<1040xf32, #tpu.memory_space<vmem>>[vector<16xi32>], vector<16xf32>,
      %swap3A_217 = arith.constant 1 : i32
      %swap3A_218 = arith.index_cast %scan3A_119 : i32 to index
      %swap3A_219 = arith.index_cast %swap3A_217 : i32 to index
      %swap3A_220 = arith.constant 0 : index
      %swap3A_221 = tpu.vector_load %arg5[%swap3A_218, %swap3A_219, %swap3A_220] {strides = array<i32>} : memref<32x8x128xf32, #tpu.memory_space<vmem>>, vector<16xf32>,
      tpu.vector_store %arg5[%swap3A_218, %swap3A_219, %swap3A_220], %gather3A_212 {strides = array<i32>} : memref<32x8x128xf32, #tpu.memory_space<vmem>>, vector<16xf32>,
      %swap3A_222 = arith.constant 1 : i32
      %swap3A_223 = arith.index_cast %scan3A_119 : i32 to index
      %swap3A_224 = arith.index_cast %swap3A_222 : i32 to index
      %swap3A_225 = arith.constant 0 : index
      %swap3A_226 = tpu.vector_load %arg6[%swap3A_223, %swap3A_224, %swap3A_225] {strides = array<i32>} : memref<32x8x128xf32, #tpu.memory_space<vmem>>, vector<16xf32>,
      tpu.vector_store %arg6[%swap3A_223, %swap3A_224, %swap3A_225], %gather3A_216 {strides = array<i32>} : memref<32x8x128xf32, #tpu.memory_space<vmem>>, vector<16xf32>,
      %swap3A_227 = arith.constant 1 : i32
      %swap3A_228 = arith.index_cast %scan3A_119 : i32 to index
      %swap3A_229 = arith.index_cast %swap3A_227 : i32 to index
      %swap3A_230 = arith.constant 16 : index
      %swap3A_231 = tpu.vector_load %arg5[%swap3A_228, %swap3A_229, %swap3A_230] {strides = array<i32>} : memref<32x8x128xf32, #tpu.memory_space<vmem>>, vector<16xf32>,
      tpu.vector_store %arg5[%swap3A_228, %swap3A_229, %swap3A_230], %gather3A_212 {strides = array<i32>} : memref<32x8x128xf32, #tpu.memory_space<vmem>>, vector<16xf32>,
      %swap3A_232 = arith.constant 1 : i32
      %swap3A_233 = arith.index_cast %scan3A_119 : i32 to index
      %swap3A_234 = arith.index_cast %swap3A_232 : i32 to index
      %swap3A_235 = arith.constant 16 : index
      %swap3A_236 = tpu.vector_load %arg6[%swap3A_233, %swap3A_234, %swap3A_235] {strides = array<i32>} : memref<32x8x128xf32, #tpu.memory_space<vmem>>, vector<16xf32>,
      tpu.vector_store %arg6[%swap3A_233, %swap3A_234, %swap3A_235], %gather3A_216 {strides = array<i32>} : memref<32x8x128xf32, #tpu.memory_space<vmem>>, vector<16xf32>,
      %swap3A_237 = arith.constant 1 : i32
      %swap3A_238 = arith.index_cast %scan3A_119 : i32 to index
      %swap3A_239 = arith.index_cast %swap3A_237 : i32 to index
      %swap3A_240 = arith.constant 32 : index
      %swap3A_241 = tpu.vector_load %arg5[%swap3A_238, %swap3A_239, %swap3A_240] {strides = array<i32>} : memref<32x8x128xf32, #tpu.memory_space<vmem>>, vector<16xf32>,
      tpu.vector_store %arg5[%swap3A_238, %swap3A_239, %swap3A_240], %gather3A_212 {strides = array<i32>} : memref<32x8x128xf32, #tpu.memory_space<vmem>>, vector<16xf32>,
      %swap3A_242 = arith.constant 1 : i32
      %swap3A_243 = arith.index_cast %scan3A_119 : i32 to index
      %swap3A_244 = arith.index_cast %swap3A_242 : i32 to index
      %swap3A_245 = arith.constant 32 : index
      %swap3A_246 = tpu.vector_load %arg6[%swap3A_243, %swap3A_244, %swap3A_245] {strides = array<i32>} : memref<32x8x128xf32, #tpu.memory_space<vmem>>, vector<16xf32>,
      tpu.vector_store %arg6[%swap3A_243, %swap3A_244, %swap3A_245], %gather3A_216 {strides = array<i32>} : memref<32x8x128xf32, #tpu.memory_space<vmem>>, vector<16xf32>,
      %swap3A_247 = arith.constant 1 : i32
      %swap3A_248 = arith.index_cast %scan3A_119 : i32 to index
      %swap3A_249 = arith.index_cast %swap3A_247 : i32 to index
      %swap3A_250 = arith.constant 48 : index
      %swap3A_251 = tpu.vector_load %arg5[%swap3A_248, %swap3A_249, %swap3A_250] {strides = array<i32>} : memref<32x8x128xf32, #tpu.memory_space<vmem>>, vector<16xf32>,
      tpu.vector_store %arg5[%swap3A_248, %swap3A_249, %swap3A_250], %gather3A_212 {strides = array<i32>} : memref<32x8x128xf32, #tpu.memory_space<vmem>>, vector<16xf32>,
      %swap3A_252 = arith.constant 1 : i32
      %swap3A_253 = arith.index_cast %scan3A_119 : i32 to index
      %swap3A_254 = arith.index_cast %swap3A_252 : i32 to index
      %swap3A_255 = arith.constant 48 : index
      %swap3A_256 = tpu.vector_load %arg6[%swap3A_253, %swap3A_254, %swap3A_255] {strides = array<i32>} : memref<32x8x128xf32, #tpu.memory_space<vmem>>, vector<16xf32>,
      tpu.vector_store %arg6[%swap3A_253, %swap3A_254, %swap3A_255], %gather3A_216 {strides = array<i32>} : memref<32x8x128xf32, #tpu.memory_space<vmem>>, vector<16xf32>,
      %swap3A_257 = arith.constant 1 : i32
      %swap3A_258 = arith.index_cast %scan3A_119 : i32 to index
      %swap3A_259 = arith.index_cast %swap3A_257 : i32 to index
      %swap3A_260 = arith.constant 64 : index
      %swap3A_261 = tpu.vector_load %arg5[%swap3A_258, %swap3A_259, %swap3A_260] {strides = array<i32>} : memref<32x8x128xf32, #tpu.memory_space<vmem>>, vector<16xf32>,
      tpu.vector_store %arg5[%swap3A_258, %swap3A_259, %swap3A_260], %gather3A_212 {strides = array<i32>} : memref<32x8x128xf32, #tpu.memory_space<vmem>>, vector<16xf32>,
      %swap3A_262 = arith.constant 1 : i32
      %swap3A_263 = arith.index_cast %scan3A_119 : i32 to index
      %swap3A_264 = arith.index_cast %swap3A_262 : i32 to index
      %swap3A_265 = arith.constant 64 : index
      %swap3A_266 = tpu.vector_load %arg6[%swap3A_263, %swap3A_264, %swap3A_265] {strides = array<i32>} : memref<32x8x128xf32, #tpu.memory_space<vmem>>, vector<16xf32>,
      tpu.vector_store %arg6[%swap3A_263, %swap3A_264, %swap3A_265], %gather3A_216 {strides = array<i32>} : memref<32x8x128xf32, #tpu.memory_space<vmem>>, vector<16xf32>,
      %swap3A_267 = arith.constant 1 : i32
      %swap3A_268 = arith.index_cast %scan3A_119 : i32 to index
      %swap3A_269 = arith.index_cast %swap3A_267 : i32 to index
      %swap3A_270 = arith.constant 80 : index
      %swap3A_271 = tpu.vector_load %arg5[%swap3A_268, %swap3A_269, %swap3A_270] {strides = array<i32>} : memref<32x8x128xf32, #tpu.memory_space<vmem>>, vector<16xf32>,
      tpu.vector_store %arg5[%swap3A_268, %swap3A_269, %swap3A_270], %gather3A_212 {strides = array<i32>} : memref<32x8x128xf32, #tpu.memory_space<vmem>>, vector<16xf32>,
      %swap3A_272 = arith.constant 1 : i32
      %swap3A_273 = arith.index_cast %scan3A_119 : i32 to index
      %swap3A_274 = arith.index_cast %swap3A_272 : i32 to index
      %swap3A_275 = arith.constant 80 : index
      %swap3A_276 = tpu.vector_load %arg6[%swap3A_273, %swap3A_274, %swap3A_275] {strides = array<i32>} : memref<32x8x128xf32, #tpu.memory_space<vmem>>, vector<16xf32>,
      tpu.vector_store %arg6[%swap3A_273, %swap3A_274, %swap3A_275], %gather3A_216 {strides = array<i32>} : memref<32x8x128xf32, #tpu.memory_space<vmem>>, vector<16xf32>,
      %swap3A_277 = arith.constant 1 : i32
      %swap3A_278 = arith.index_cast %scan3A_119 : i32 to index
      %swap3A_279 = arith.index_cast %swap3A_277 : i32 to index
      %swap3A_280 = arith.constant 96 : index
      %swap3A_281 = tpu.vector_load %arg5[%swap3A_278, %swap3A_279, %swap3A_280] {strides = array<i32>} : memref<32x8x128xf32, #tpu.memory_space<vmem>>, vector<16xf32>,
      tpu.vector_store %arg5[%swap3A_278, %swap3A_279, %swap3A_280], %gather3A_212 {strides = array<i32>} : memref<32x8x128xf32, #tpu.memory_space<vmem>>, vector<16xf32>,
      %swap3A_282 = arith.constant 1 : i32
      %swap3A_283 = arith.index_cast %scan3A_119 : i32 to index
      %swap3A_284 = arith.index_cast %swap3A_282 : i32 to index
      %swap3A_285 = arith.constant 96 : index
      %swap3A_286 = tpu.vector_load %arg6[%swap3A_283, %swap3A_284, %swap3A_285] {strides = array<i32>} : memref<32x8x128xf32, #tpu.memory_space<vmem>>, vector<16xf32>,
      tpu.vector_store %arg6[%swap3A_283, %swap3A_284, %swap3A_285], %gather3A_216 {strides = array<i32>} : memref<32x8x128xf32, #tpu.memory_space<vmem>>, vector<16xf32>,
      %swap3A_287 = arith.constant 1 : i32
      %swap3A_288 = arith.index_cast %scan3A_119 : i32 to index
      %swap3A_289 = arith.index_cast %swap3A_287 : i32 to index
      %swap3A_290 = arith.constant 112 : index
      %swap3A_291 = tpu.vector_load %arg5[%swap3A_288, %swap3A_289, %swap3A_290] {strides = array<i32>} : memref<32x8x128xf32, #tpu.memory_space<vmem>>, vector<16xf32>,
      tpu.vector_store %arg5[%swap3A_288, %swap3A_289, %swap3A_290], %gather3A_212 {strides = array<i32>} : memref<32x8x128xf32, #tpu.memory_space<vmem>>, vector<16xf32>,
      %swap3A_292 = arith.constant 1 : i32
      %swap3A_293 = arith.index_cast %scan3A_119 : i32 to index
      %swap3A_294 = arith.index_cast %swap3A_292 : i32 to index
      %swap3A_295 = arith.constant 112 : index
      %swap3A_296 = tpu.vector_load %arg6[%swap3A_293, %swap3A_294, %swap3A_295] {strides = array<i32>} : memref<32x8x128xf32, #tpu.memory_space<vmem>>, vector<16xf32>,
      tpu.vector_store %arg6[%swap3A_293, %swap3A_294, %swap3A_295], %gather3A_216 {strides = array<i32>} : memref<32x8x128xf32, #tpu.memory_space<vmem>>, vector<16xf32>,
      %mul3A_297 = arith.constant 8 : i32
      %mul3A_298 = arith.muli %mul3A_297, %arg0 : i32
      %add3A_299 = arith.constant 2 : i32
      %add3A_300 = arith.addi %mul3A_298, %add3A_299 : i32
      %broadcast_in_dim3A_301 = vector.broadcast %add3A_300 : i32 to vector<16xi32>
      %gather3A_302 = tpu.vector_load_idx %arg4[%broadcast_in_dim3A_301] : memref<1040xf32, #tpu.memory_space<vmem>>[vector<16xi32>], vector<16xf32>,
      %add3A_303 = arith.constant 1024 : i32
      %add3A_304 = vector.broadcast %add3A_303 : i32 to vector<16xi32>
      %add3A_305 = arith.addi %add3A_304, %broadcast_in_dim3A_301 : vector<16xi32>
      %gather3A_306 = tpu.vector_load_idx %arg4[%add3A_305] : memref<1040xf32, #tpu.memory_space<vmem>>[vector<16xi32>], vector<16xf32>,
      %swap3A_307 = arith.constant 2 : i32
      %swap3A_308 = arith.index_cast %scan3A_119 : i32 to index
      %swap3A_309 = arith.index_cast %swap3A_307 : i32 to index
      %swap3A_310 = arith.constant 0 : index
      %swap3A_311 = tpu.vector_load %arg5[%swap3A_308, %swap3A_309, %swap3A_310] {strides = array<i32>} : memref<32x8x128xf32, #tpu.memory_space<vmem>>, vector<16xf32>,
      tpu.vector_store %arg5[%swap3A_308, %swap3A_309, %swap3A_310], %gather3A_302 {strides = array<i32>} : memref<32x8x128xf32, #tpu.memory_space<vmem>>, vector<16xf32>,
      %swap3A_312 = arith.constant 2 : i32
      %swap3A_313 = arith.index_cast %scan3A_119 : i32 to index
      %swap3A_314 = arith.index_cast %swap3A_312 : i32 to index
      %swap3A_315 = arith.constant 0 : index
      %swap3A_316 = tpu.vector_load %arg6[%swap3A_313, %swap3A_314, %swap3A_315] {strides = array<i32>} : memref<32x8x128xf32, #tpu.memory_space<vmem>>, vector<16xf32>,
      tpu.vector_store %arg6[%swap3A_313, %swap3A_314, %swap3A_315], %gather3A_306 {strides = array<i32>} : memref<32x8x128xf32, #tpu.memory_space<vmem>>, vector<16xf32>,
      %swap3A_317 = arith.constant 2 : i32
      %swap3A_318 = arith.index_cast %scan3A_119 : i32 to index
      %swap3A_319 = arith.index_cast %swap3A_317 : i32 to index
      %swap3A_320 = arith.constant 16 : index
      %swap3A_321 = tpu.vector_load %arg5[%swap3A_318, %swap3A_319, %swap3A_320] {strides = array<i32>} : memref<32x8x128xf32, #tpu.memory_space<vmem>>, vector<16xf32>,
      tpu.vector_store %arg5[%swap3A_318, %swap3A_319, %swap3A_320], %gather3A_302 {strides = array<i32>} : memref<32x8x128xf32, #tpu.memory_space<vmem>>, vector<16xf32>,
      %swap3A_322 = arith.constant 2 : i32
      %swap3A_323 = arith.index_cast %scan3A_119 : i32 to index
      %swap3A_324 = arith.index_cast %swap3A_322 : i32 to index
      %swap3A_325 = arith.constant 16 : index
      %swap3A_326 = tpu.vector_load %arg6[%swap3A_323, %swap3A_324, %swap3A_325] {strides = array<i32>} : memref<32x8x128xf32, #tpu.memory_space<vmem>>, vector<16xf32>,
      tpu.vector_store %arg6[%swap3A_323, %swap3A_324, %swap3A_325], %gather3A_306 {strides = array<i32>} : memref<32x8x128xf32, #tpu.memory_space<vmem>>, vector<16xf32>,
      %swap3A_327 = arith.constant 2 : i32
      %swap3A_328 = arith.index_cast %scan3A_119 : i32 to index
      %swap3A_329 = arith.index_cast %swap3A_327 : i32 to index
      %swap3A_330 = arith.constant 32 : index
      %swap3A_331 = tpu.vector_load %arg5[%swap3A_328, %swap3A_329, %swap3A_330] {strides = array<i32>} : memref<32x8x128xf32, #tpu.memory_space<vmem>>, vector<16xf32>,
      tpu.vector_store %arg5[%swap3A_328, %swap3A_329, %swap3A_330], %gather3A_302 {strides = array<i32>} : memref<32x8x128xf32, #tpu.memory_space<vmem>>, vector<16xf32>,
      %swap3A_332 = arith.constant 2 : i32
      %swap3A_333 = arith.index_cast %scan3A_119 : i32 to index
      %swap3A_334 = arith.index_cast %swap3A_332 : i32 to index
      %swap3A_335 = arith.constant 32 : index
      %swap3A_336 = tpu.vector_load %arg6[%swap3A_333, %swap3A_334, %swap3A_335] {strides = array<i32>} : memref<32x8x128xf32, #tpu.memory_space<vmem>>, vector<16xf32>,
      tpu.vector_store %arg6[%swap3A_333, %swap3A_334, %swap3A_335], %gather3A_306 {strides = array<i32>} : memref<32x8x128xf32, #tpu.memory_space<vmem>>, vector<16xf32>,
      %swap3A_337 = arith.constant 2 : i32
      %swap3A_338 = arith.index_cast %scan3A_119 : i32 to index
      %swap3A_339 = arith.index_cast %swap3A_337 : i32 to index
      %swap3A_340 = arith.constant 48 : index
      %swap3A_341 = tpu.vector_load %arg5[%swap3A_338, %swap3A_339, %swap3A_340] {strides = array<i32>} : memref<32x8x128xf32, #tpu.memory_space<vmem>>, vector<16xf32>,
      tpu.vector_store %arg5[%swap3A_338, %swap3A_339, %swap3A_340], %gather3A_302 {strides = array<i32>} : memref<32x8x128xf32, #tpu.memory_space<vmem>>, vector<16xf32>,
      %swap3A_342 = arith.constant 2 : i32
      %swap3A_343 = arith.index_cast %scan3A_119 : i32 to index
      %swap3A_344 = arith.index_cast %swap3A_342 : i32 to index
      %swap3A_345 = arith.constant 48 : index
      %swap3A_346 = tpu.vector_load %arg6[%swap3A_343, %swap3A_344, %swap3A_345] {strides = array<i32>} : memref<32x8x128xf32, #tpu.memory_space<vmem>>, vector<16xf32>,
      tpu.vector_store %arg6[%swap3A_343, %swap3A_344, %swap3A_345], %gather3A_306 {strides = array<i32>} : memref<32x8x128xf32, #tpu.memory_space<vmem>>, vector<16xf32>,
      %swap3A_347 = arith.constant 2 : i32
      %swap3A_348 = arith.index_cast %scan3A_119 : i32 to index
      %swap3A_349 = arith.index_cast %swap3A_347 : i32 to index
      %swap3A_350 = arith.constant 64 : index
      %swap3A_351 = tpu.vector_load %arg5[%swap3A_348, %swap3A_349, %swap3A_350] {strides = array<i32>} : memref<32x8x128xf32, #tpu.memory_space<vmem>>, vector<16xf32>,
      tpu.vector_store %arg5[%swap3A_348, %swap3A_349, %swap3A_350], %gather3A_302 {strides = array<i32>} : memref<32x8x128xf32, #tpu.memory_space<vmem>>, vector<16xf32>,
      %swap3A_352 = arith.constant 2 : i32
      %swap3A_353 = arith.index_cast %scan3A_119 : i32 to index
      %swap3A_354 = arith.index_cast %swap3A_352 : i32 to index
      %swap3A_355 = arith.constant 64 : index
      %swap3A_356 = tpu.vector_load %arg6[%swap3A_353, %swap3A_354, %swap3A_355] {strides = array<i32>} : memref<32x8x128xf32, #tpu.memory_space<vmem>>, vector<16xf32>,
      tpu.vector_store %arg6[%swap3A_353, %swap3A_354, %swap3A_355], %gather3A_306 {strides = array<i32>} : memref<32x8x128xf32, #tpu.memory_space<vmem>>, vector<16xf32>,
      %swap3A_357 = arith.constant 2 : i32
      %swap3A_358 = arith.index_cast %scan3A_119 : i32 to index
      %swap3A_359 = arith.index_cast %swap3A_357 : i32 to index
      %swap3A_360 = arith.constant 80 : index
      %swap3A_361 = tpu.vector_load %arg5[%swap3A_358, %swap3A_359, %swap3A_360] {strides = array<i32>} : memref<32x8x128xf32, #tpu.memory_space<vmem>>, vector<16xf32>,
      tpu.vector_store %arg5[%swap3A_358, %swap3A_359, %swap3A_360], %gather3A_302 {strides = array<i32>} : memref<32x8x128xf32, #tpu.memory_space<vmem>>, vector<16xf32>,
      %swap3A_362 = arith.constant 2 : i32
      %swap3A_363 = arith.index_cast %scan3A_119 : i32 to index
      %swap3A_364 = arith.index_cast %swap3A_362 : i32 to index
      %swap3A_365 = arith.constant 80 : index
      %swap3A_366 = tpu.vector_load %arg6[%swap3A_363, %swap3A_364, %swap3A_365] {strides = array<i32>} : memref<32x8x128xf32, #tpu.memory_space<vmem>>, vector<16xf32>,
      tpu.vector_store %arg6[%swap3A_363, %swap3A_364, %swap3A_365], %gather3A_306 {strides = array<i32>} : memref<32x8x128xf32, #tpu.memory_space<vmem>>, vector<16xf32>,
      %swap3A_367 = arith.constant 2 : i32
      %swap3A_368 = arith.index_cast %scan3A_119 : i32 to index
      %swap3A_369 = arith.index_cast %swap3A_367 : i32 to index
      %swap3A_370 = arith.constant 96 : index
      %swap3A_371 = tpu.vector_load %arg5[%swap3A_368, %swap3A_369, %swap3A_370] {strides = array<i32>} : memref<32x8x128xf32, #tpu.memory_space<vmem>>, vector<16xf32>,
      tpu.vector_store %arg5[%swap3A_368, %swap3A_369, %swap3A_370], %gather3A_302 {strides = array<i32>} : memref<32x8x128xf32, #tpu.memory_space<vmem>>, vector<16xf32>,
      %swap3A_372 = arith.constant 2 : i32
      %swap3A_373 = arith.index_cast %scan3A_119 : i32 to index
      %swap3A_374 = arith.index_cast %swap3A_372 : i32 to index
      %swap3A_375 = arith.constant 96 : index
      %swap3A_376 = tpu.vector_load %arg6[%swap3A_373, %swap3A_374, %swap3A_375] {strides = array<i32>} : memref<32x8x128xf32, #tpu.memory_space<vmem>>, vector<16xf32>,
      tpu.vector_store %arg6[%swap3A_373, %swap3A_374, %swap3A_375], %gather3A_306 {strides = array<i32>} : memref<32x8x128xf32, #tpu.memory_space<vmem>>, vector<16xf32>,
      %swap3A_377 = arith.constant 2 : i32
      %swap3A_378 = arith.index_cast %scan3A_119 : i32 to index
      %swap3A_379 = arith.index_cast %swap3A_377 : i32 to index
      %swap3A_380 = arith.constant 112 : index
      %swap3A_381 = tpu.vector_load %arg5[%swap3A_378, %swap3A_379, %swap3A_380] {strides = array<i32>} : memref<32x8x128xf32, #tpu.memory_space<vmem>>, vector<16xf32>,
      tpu.vector_store %arg5[%swap3A_378, %swap3A_379, %swap3A_380], %gather3A_302 {strides = array<i32>} : memref<32x8x128xf32, #tpu.memory_space<vmem>>, vector<16xf32>,
      %swap3A_382 = arith.constant 2 : i32
      %swap3A_383 = arith.index_cast %scan3A_119 : i32 to index
      %swap3A_384 = arith.index_cast %swap3A_382 : i32 to index
      %swap3A_385 = arith.constant 112 : index
      %swap3A_386 = tpu.vector_load %arg6[%swap3A_383, %swap3A_384, %swap3A_385] {strides = array<i32>} : memref<32x8x128xf32, #tpu.memory_space<vmem>>, vector<16xf32>,
      tpu.vector_store %arg6[%swap3A_383, %swap3A_384, %swap3A_385], %gather3A_306 {strides = array<i32>} : memref<32x8x128xf32, #tpu.memory_space<vmem>>, vector<16xf32>,
      %mul3A_387 = arith.constant 8 : i32
      %mul3A_388 = arith.muli %mul3A_387, %arg0 : i32
      %add3A_389 = arith.constant 3 : i32
      %add3A_390 = arith.addi %mul3A_388, %add3A_389 : i32
      %broadcast_in_dim3A_391 = vector.broadcast %add3A_390 : i32 to vector<16xi32>
      %gather3A_392 = tpu.vector_load_idx %arg4[%broadcast_in_dim3A_391] : memref<1040xf32, #tpu.memory_space<vmem>>[vector<16xi32>], vector<16xf32>,
      %add3A_393 = arith.constant 1024 : i32
      %add3A_394 = vector.broadcast %add3A_393 : i32 to vector<16xi32>
      %add3A_395 = arith.addi %add3A_394, %broadcast_in_dim3A_391 : vector<16xi32>
      %gather3A_396 = tpu.vector_load_idx %arg4[%add3A_395] : memref<1040xf32, #tpu.memory_space<vmem>>[vector<16xi32>], vector<16xf32>,
      %swap3A_397 = arith.constant 3 : i32
      %swap3A_398 = arith.index_cast %scan3A_119 : i32 to index
      %swap3A_399 = arith.index_cast %swap3A_397 : i32 to index
      %swap3A_400 = arith.constant 0 : index
      %swap3A_401 = tpu.vector_load %arg5[%swap3A_398, %swap3A_399, %swap3A_400] {strides = array<i32>} : memref<32x8x128xf32, #tpu.memory_space<vmem>>, vector<16xf32>,
      tpu.vector_store %arg5[%swap3A_398, %swap3A_399, %swap3A_400], %gather3A_392 {strides = array<i32>} : memref<32x8x128xf32, #tpu.memory_space<vmem>>, vector<16xf32>,
      %swap3A_402 = arith.constant 3 : i32
      %swap3A_403 = arith.index_cast %scan3A_119 : i32 to index
      %swap3A_404 = arith.index_cast %swap3A_402 : i32 to index
      %swap3A_405 = arith.constant 0 : index
      %swap3A_406 = tpu.vector_load %arg6[%swap3A_403, %swap3A_404, %swap3A_405] {strides = array<i32>} : memref<32x8x128xf32, #tpu.memory_space<vmem>>, vector<16xf32>,
      tpu.vector_store %arg6[%swap3A_403, %swap3A_404, %swap3A_405], %gather3A_396 {strides = array<i32>} : memref<32x8x128xf32, #tpu.memory_space<vmem>>, vector<16xf32>,
      %swap3A_407 = arith.constant 3 : i32
      %swap3A_408 = arith.index_cast %scan3A_119 : i32 to index
      %swap3A_409 = arith.index_cast %swap3A_407 : i32 to index
      %swap3A_410 = arith.constant 16 : index
      %swap3A_411 = tpu.vector_load %arg5[%swap3A_408, %swap3A_409, %swap3A_410] {strides = array<i32>} : memref<32x8x128xf32, #tpu.memory_space<vmem>>, vector<16xf32>,
      tpu.vector_store %arg5[%swap3A_408, %swap3A_409, %swap3A_410], %gather3A_392 {strides = array<i32>} : memref<32x8x128xf32, #tpu.memory_space<vmem>>, vector<16xf32>,
      %swap3A_412 = arith.constant 3 : i32
      %swap3A_413 = arith.index_cast %scan3A_119 : i32 to index
      %swap3A_414 = arith.index_cast %swap3A_412 : i32 to index
      %swap3A_415 = arith.constant 16 : index
      %swap3A_416 = tpu.vector_load %arg6[%swap3A_413, %swap3A_414, %swap3A_415] {strides = array<i32>} : memref<32x8x128xf32, #tpu.memory_space<vmem>>, vector<16xf32>,
      tpu.vector_store %arg6[%swap3A_413, %swap3A_414, %swap3A_415], %gather3A_396 {strides = array<i32>} : memref<32x8x128xf32, #tpu.memory_space<vmem>>, vector<16xf32>,
      %swap3A_417 = arith.constant 3 : i32
      %swap3A_418 = arith.index_cast %scan3A_119 : i32 to index
      %swap3A_419 = arith.index_cast %swap3A_417 : i32 to index
      %swap3A_420 = arith.constant 32 : index
      %swap3A_421 = tpu.vector_load %arg5[%swap3A_418, %swap3A_419, %swap3A_420] {strides = array<i32>} : memref<32x8x128xf32, #tpu.memory_space<vmem>>, vector<16xf32>,
      tpu.vector_store %arg5[%swap3A_418, %swap3A_419, %swap3A_420], %gather3A_392 {strides = array<i32>} : memref<32x8x128xf32, #tpu.memory_space<vmem>>, vector<16xf32>,
      %swap3A_422 = arith.constant 3 : i32
      %swap3A_423 = arith.index_cast %scan3A_119 : i32 to index
      %swap3A_424 = arith.index_cast %swap3A_422 : i32 to index
      %swap3A_425 = arith.constant 32 : index
      %swap3A_426 = tpu.vector_load %arg6[%swap3A_423, %swap3A_424, %swap3A_425] {strides = array<i32>} : memref<32x8x128xf32, #tpu.memory_space<vmem>>, vector<16xf32>,
      tpu.vector_store %arg6[%swap3A_423, %swap3A_424, %swap3A_425], %gather3A_396 {strides = array<i32>} : memref<32x8x128xf32, #tpu.memory_space<vmem>>, vector<16xf32>,
      %swap3A_427 = arith.constant 3 : i32
      %swap3A_428 = arith.index_cast %scan3A_119 : i32 to index
      %swap3A_429 = arith.index_cast %swap3A_427 : i32 to index
      %swap3A_430 = arith.constant 48 : index
      %swap3A_431 = tpu.vector_load %arg5[%swap3A_428, %swap3A_429, %swap3A_430] {strides = array<i32>} : memref<32x8x128xf32, #tpu.memory_space<vmem>>, vector<16xf32>,
      tpu.vector_store %arg5[%swap3A_428, %swap3A_429, %swap3A_430], %gather3A_392 {strides = array<i32>} : memref<32x8x128xf32, #tpu.memory_space<vmem>>, vector<16xf32>,
      %swap3A_432 = arith.constant 3 : i32
      %swap3A_433 = arith.index_cast %scan3A_119 : i32 to index
      %swap3A_434 = arith.index_cast %swap3A_432 : i32 to index
      %swap3A_435 = arith.constant 48 : index
      %swap3A_436 = tpu.vector_load %arg6[%swap3A_433, %swap3A_434, %swap3A_435] {strides = array<i32>} : memref<32x8x128xf32, #tpu.memory_space<vmem>>, vector<16xf32>,
      tpu.vector_store %arg6[%swap3A_433, %swap3A_434, %swap3A_435], %gather3A_396 {strides = array<i32>} : memref<32x8x128xf32, #tpu.memory_space<vmem>>, vector<16xf32>,
      %swap3A_437 = arith.constant 3 : i32
      %swap3A_438 = arith.index_cast %scan3A_119 : i32 to index
      %swap3A_439 = arith.index_cast %swap3A_437 : i32 to index
      %swap3A_440 = arith.constant 64 : index
      %swap3A_441 = tpu.vector_load %arg5[%swap3A_438, %swap3A_439, %swap3A_440] {strides = array<i32>} : memref<32x8x128xf32, #tpu.memory_space<vmem>>, vector<16xf32>,
      tpu.vector_store %arg5[%swap3A_438, %swap3A_439, %swap3A_440], %gather3A_392 {strides = array<i32>} : memref<32x8x128xf32, #tpu.memory_space<vmem>>, vector<16xf32>,
      %swap3A_442 = arith.constant 3 : i32
      %swap3A_443 = arith.index_cast %scan3A_119 : i32 to index
      %swap3A_444 = arith.index_cast %swap3A_442 : i32 to index
      %swap3A_445 = arith.constant 64 : index
      %swap3A_446 = tpu.vector_load %arg6[%swap3A_443, %swap3A_444, %swap3A_445] {strides = array<i32>} : memref<32x8x128xf32, #tpu.memory_space<vmem>>, vector<16xf32>,
      tpu.vector_store %arg6[%swap3A_443, %swap3A_444, %swap3A_445], %gather3A_396 {strides = array<i32>} : memref<32x8x128xf32, #tpu.memory_space<vmem>>, vector<16xf32>,
      %swap3A_447 = arith.constant 3 : i32
      %swap3A_448 = arith.index_cast %scan3A_119 : i32 to index
      %swap3A_449 = arith.index_cast %swap3A_447 : i32 to index
      %swap3A_450 = arith.constant 80 : index
      %swap3A_451 = tpu.vector_load %arg5[%swap3A_448, %swap3A_449, %swap3A_450] {strides = array<i32>} : memref<32x8x128xf32, #tpu.memory_space<vmem>>, vector<16xf32>,
      tpu.vector_store %arg5[%swap3A_448, %swap3A_449, %swap3A_450], %gather3A_392 {strides = array<i32>} : memref<32x8x128xf32, #tpu.memory_space<vmem>>, vector<16xf32>,
      %swap3A_452 = arith.constant 3 : i32
      %swap3A_453 = arith.index_cast %scan3A_119 : i32 to index
      %swap3A_454 = arith.index_cast %swap3A_452 : i32 to index
      %swap3A_455 = arith.constant 80 : index
      %swap3A_456 = tpu.vector_load %arg6[%swap3A_453, %swap3A_454, %swap3A_455] {strides = array<i32>} : memref<32x8x128xf32, #tpu.memory_space<vmem>>, vector<16xf32>,
      tpu.vector_store %arg6[%swap3A_453, %swap3A_454, %swap3A_455], %gather3A_396 {strides = array<i32>} : memref<32x8x128xf32, #tpu.memory_space<vmem>>, vector<16xf32>,
      %swap3A_457 = arith.constant 3 : i32
      %swap3A_458 = arith.index_cast %scan3A_119 : i32 to index
      %swap3A_459 = arith.index_cast %swap3A_457 : i32 to index
      %swap3A_460 = arith.constant 96 : index
      %swap3A_461 = tpu.vector_load %arg5[%swap3A_458, %swap3A_459, %swap3A_460] {strides = array<i32>} : memref<32x8x128xf32, #tpu.memory_space<vmem>>, vector<16xf32>,
      tpu.vector_store %arg5[%swap3A_458, %swap3A_459, %swap3A_460], %gather3A_392 {strides = array<i32>} : memref<32x8x128xf32, #tpu.memory_space<vmem>>, vector<16xf32>,
      %swap3A_462 = arith.constant 3 : i32
      %swap3A_463 = arith.index_cast %scan3A_119 : i32 to index
      %swap3A_464 = arith.index_cast %swap3A_462 : i32 to index
      %swap3A_465 = arith.constant 96 : index
      %swap3A_466 = tpu.vector_load %arg6[%swap3A_463, %swap3A_464, %swap3A_465] {strides = array<i32>} : memref<32x8x128xf32, #tpu.memory_space<vmem>>, vector<16xf32>,
      tpu.vector_store %arg6[%swap3A_463, %swap3A_464, %swap3A_465], %gather3A_396 {strides = array<i32>} : memref<32x8x128xf32, #tpu.memory_space<vmem>>, vector<16xf32>,
      %swap3A_467 = arith.constant 3 : i32
      %swap3A_468 = arith.index_cast %scan3A_119 : i32 to index
      %swap3A_469 = arith.index_cast %swap3A_467 : i32 to index
      %swap3A_470 = arith.constant 112 : index
      %swap3A_471 = tpu.vector_load %arg5[%swap3A_468, %swap3A_469, %swap3A_470] {strides = array<i32>} : memref<32x8x128xf32, #tpu.memory_space<vmem>>, vector<16xf32>,
      tpu.vector_store %arg5[%swap3A_468, %swap3A_469, %swap3A_470], %gather3A_392 {strides = array<i32>} : memref<32x8x128xf32, #tpu.memory_space<vmem>>, vector<16xf32>,
      %swap3A_472 = arith.constant 3 : i32
      %swap3A_473 = arith.index_cast %scan3A_119 : i32 to index
      %swap3A_474 = arith.index_cast %swap3A_472 : i32 to index
      %swap3A_475 = arith.constant 112 : index
      %swap3A_476 = tpu.vector_load %arg6[%swap3A_473, %swap3A_474, %swap3A_475] {strides = array<i32>} : memref<32x8x128xf32, #tpu.memory_space<vmem>>, vector<16xf32>,
      tpu.vector_store %arg6[%swap3A_473, %swap3A_474, %swap3A_475], %gather3A_396 {strides = array<i32>} : memref<32x8x128xf32, #tpu.memory_space<vmem>>, vector<16xf32>,
      %mul3A_477 = arith.constant 8 : i32
      %mul3A_478 = arith.muli %mul3A_477, %arg0 : i32
      %add3A_479 = arith.constant 4 : i32
      %add3A_480 = arith.addi %mul3A_478, %add3A_479 : i32
      %broadcast_in_dim3A_481 = vector.broadcast %add3A_480 : i32 to vector<16xi32>
      %gather3A_482 = tpu.vector_load_idx %arg4[%broadcast_in_dim3A_481] : memref<1040xf32, #tpu.memory_space<vmem>>[vector<16xi32>], vector<16xf32>,
      %add3A_483 = arith.constant 1024 : i32
      %add3A_484 = vector.broadcast %add3A_483 : i32 to vector<16xi32>
      %add3A_485 = arith.addi %add3A_484, %broadcast_in_dim3A_481 : vector<16xi32>
      %gather3A_486 = tpu.vector_load_idx %arg4[%add3A_485] : memref<1040xf32, #tpu.memory_space<vmem>>[vector<16xi32>], vector<16xf32>,
      %swap3A_487 = arith.constant 4 : i32
      %swap3A_488 = arith.index_cast %scan3A_119 : i32 to index
      %swap3A_489 = arith.index_cast %swap3A_487 : i32 to index
      %swap3A_490 = arith.constant 0 : index
      %swap3A_491 = tpu.vector_load %arg5[%swap3A_488, %swap3A_489, %swap3A_490] {strides = array<i32>} : memref<32x8x128xf32, #tpu.memory_space<vmem>>, vector<16xf32>,
      tpu.vector_store %arg5[%swap3A_488, %swap3A_489, %swap3A_490], %gather3A_482 {strides = array<i32>} : memref<32x8x128xf32, #tpu.memory_space<vmem>>, vector<16xf32>,
      %swap3A_492 = arith.constant 4 : i32
      %swap3A_493 = arith.index_cast %scan3A_119 : i32 to index
      %swap3A_494 = arith.index_cast %swap3A_492 : i32 to index
      %swap3A_495 = arith.constant 0 : index
      %swap3A_496 = tpu.vector_load %arg6[%swap3A_493, %swap3A_494, %swap3A_495] {strides = array<i32>} : memref<32x8x128xf32, #tpu.memory_space<vmem>>, vector<16xf32>,
      tpu.vector_store %arg6[%swap3A_493, %swap3A_494, %swap3A_495], %gather3A_486 {strides = array<i32>} : memref<32x8x128xf32, #tpu.memory_space<vmem>>, vector<16xf32>,
      %swap3A_497 = arith.constant 4 : i32
      %swap3A_498 = arith.index_cast %scan3A_119 : i32 to index
      %swap3A_499 = arith.index_cast %swap3A_497 : i32 to index
      %swap3A_500 = arith.constant 16 : index
      %swap3A_501 = tpu.vector_load %arg5[%swap3A_498, %swap3A_499, %swap3A_500] {strides = array<i32>} : memref<32x8x128xf32, #tpu.memory_space<vmem>>, vector<16xf32>,
      tpu.vector_store %arg5[%swap3A_498, %swap3A_499, %swap3A_500], %gather3A_482 {strides = array<i32>} : memref<32x8x128xf32, #tpu.memory_space<vmem>>, vector<16xf32>,
      %swap3A_502 = arith.constant 4 : i32
      %swap3A_503 = arith.index_cast %scan3A_119 : i32 to index
      %swap3A_504 = arith.index_cast %swap3A_502 : i32 to index
      %swap3A_505 = arith.constant 16 : index
      %swap3A_506 = tpu.vector_load %arg6[%swap3A_503, %swap3A_504, %swap3A_505] {strides = array<i32>} : memref<32x8x128xf32, #tpu.memory_space<vmem>>, vector<16xf32>,
      tpu.vector_store %arg6[%swap3A_503, %swap3A_504, %swap3A_505], %gather3A_486 {strides = array<i32>} : memref<32x8x128xf32, #tpu.memory_space<vmem>>, vector<16xf32>,
      %swap3A_507 = arith.constant 4 : i32
      %swap3A_508 = arith.index_cast %scan3A_119 : i32 to index
      %swap3A_509 = arith.index_cast %swap3A_507 : i32 to index
      %swap3A_510 = arith.constant 32 : index
      %swap3A_511 = tpu.vector_load %arg5[%swap3A_508, %swap3A_509, %swap3A_510] {strides = array<i32>} : memref<32x8x128xf32, #tpu.memory_space<vmem>>, vector<16xf32>,
      tpu.vector_store %arg5[%swap3A_508, %swap3A_509, %swap3A_510], %gather3A_482 {strides = array<i32>} : memref<32x8x128xf32, #tpu.memory_space<vmem>>, vector<16xf32>,
      %swap3A_512 = arith.constant 4 : i32
      %swap3A_513 = arith.index_cast %scan3A_119 : i32 to index
      %swap3A_514 = arith.index_cast %swap3A_512 : i32 to index
      %swap3A_515 = arith.constant 32 : index
      %swap3A_516 = tpu.vector_load %arg6[%swap3A_513, %swap3A_514, %swap3A_515] {strides = array<i32>} : memref<32x8x128xf32, #tpu.memory_space<vmem>>, vector<16xf32>,
      tpu.vector_store %arg6[%swap3A_513, %swap3A_514, %swap3A_515], %gather3A_486 {strides = array<i32>} : memref<32x8x128xf32, #tpu.memory_space<vmem>>, vector<16xf32>,
      %swap3A_517 = arith.constant 4 : i32
      %swap3A_518 = arith.index_cast %scan3A_119 : i32 to index
      %swap3A_519 = arith.index_cast %swap3A_517 : i32 to index
      %swap3A_520 = arith.constant 48 : index
      %swap3A_521 = tpu.vector_load %arg5[%swap3A_518, %swap3A_519, %swap3A_520] {strides = array<i32>} : memref<32x8x128xf32, #tpu.memory_space<vmem>>, vector<16xf32>,
      tpu.vector_store %arg5[%swap3A_518, %swap3A_519, %swap3A_520], %gather3A_482 {strides = array<i32>} : memref<32x8x128xf32, #tpu.memory_space<vmem>>, vector<16xf32>,
      %swap3A_522 = arith.constant 4 : i32
      %swap3A_523 = arith.index_cast %scan3A_119 : i32 to index
      %swap3A_524 = arith.index_cast %swap3A_522 : i32 to index
      %swap3A_525 = arith.constant 48 : index
      %swap3A_526 = tpu.vector_load %arg6[%swap3A_523, %swap3A_524, %swap3A_525] {strides = array<i32>} : memref<32x8x128xf32, #tpu.memory_space<vmem>>, vector<16xf32>,
      tpu.vector_store %arg6[%swap3A_523, %swap3A_524, %swap3A_525], %gather3A_486 {strides = array<i32>} : memref<32x8x128xf32, #tpu.memory_space<vmem>>, vector<16xf32>,
      %swap3A_527 = arith.constant 4 : i32
      %swap3A_528 = arith.index_cast %scan3A_119 : i32 to index
      %swap3A_529 = arith.index_cast %swap3A_527 : i32 to index
      %swap3A_530 = arith.constant 64 : index
      %swap3A_531 = tpu.vector_load %arg5[%swap3A_528, %swap3A_529, %swap3A_530] {strides = array<i32>} : memref<32x8x128xf32, #tpu.memory_space<vmem>>, vector<16xf32>,
      tpu.vector_store %arg5[%swap3A_528, %swap3A_529, %swap3A_530], %gather3A_482 {strides = array<i32>} : memref<32x8x128xf32, #tpu.memory_space<vmem>>, vector<16xf32>,
      %swap3A_532 = arith.constant 4 : i32
      %swap3A_533 = arith.index_cast %scan3A_119 : i32 to index
      %swap3A_534 = arith.index_cast %swap3A_532 : i32 to index
      %swap3A_535 = arith.constant 64 : index
      %swap3A_536 = tpu.vector_load %arg6[%swap3A_533, %swap3A_534, %swap3A_535] {strides = array<i32>} : memref<32x8x128xf32, #tpu.memory_space<vmem>>, vector<16xf32>,
      tpu.vector_store %arg6[%swap3A_533, %swap3A_534, %swap3A_535], %gather3A_486 {strides = array<i32>} : memref<32x8x128xf32, #tpu.memory_space<vmem>>, vector<16xf32>,
      %swap3A_537 = arith.constant 4 : i32
      %swap3A_538 = arith.index_cast %scan3A_119 : i32 to index
      %swap3A_539 = arith.index_cast %swap3A_537 : i32 to index
      %swap3A_540 = arith.constant 80 : index
      %swap3A_541 = tpu.vector_load %arg5[%swap3A_538, %swap3A_539, %swap3A_540] {strides = array<i32>} : memref<32x8x128xf32, #tpu.memory_space<vmem>>, vector<16xf32>,
      tpu.vector_store %arg5[%swap3A_538, %swap3A_539, %swap3A_540], %gather3A_482 {strides = array<i32>} : memref<32x8x128xf32, #tpu.memory_space<vmem>>, vector<16xf32>,
      %swap3A_542 = arith.constant 4 : i32
      %swap3A_543 = arith.index_cast %scan3A_119 : i32 to index
      %swap3A_544 = arith.index_cast %swap3A_542 : i32 to index
      %swap3A_545 = arith.constant 80 : index
      %swap3A_546 = tpu.vector_load %arg6[%swap3A_543, %swap3A_544, %swap3A_545] {strides = array<i32>} : memref<32x8x128xf32, #tpu.memory_space<vmem>>, vector<16xf32>,
      tpu.vector_store %arg6[%swap3A_543, %swap3A_544, %swap3A_545], %gather3A_486 {strides = array<i32>} : memref<32x8x128xf32, #tpu.memory_space<vmem>>, vector<16xf32>,
      %swap3A_547 = arith.constant 4 : i32
      %swap3A_548 = arith.index_cast %scan3A_119 : i32 to index
      %swap3A_549 = arith.index_cast %swap3A_547 : i32 to index
      %swap3A_550 = arith.constant 96 : index
      %swap3A_551 = tpu.vector_load %arg5[%swap3A_548, %swap3A_549, %swap3A_550] {strides = array<i32>} : memref<32x8x128xf32, #tpu.memory_space<vmem>>, vector<16xf32>,
      tpu.vector_store %arg5[%swap3A_548, %swap3A_549, %swap3A_550], %gather3A_482 {strides = array<i32>} : memref<32x8x128xf32, #tpu.memory_space<vmem>>, vector<16xf32>,
      %swap3A_552 = arith.constant 4 : i32
      %swap3A_553 = arith.index_cast %scan3A_119 : i32 to index
      %swap3A_554 = arith.index_cast %swap3A_552 : i32 to index
      %swap3A_555 = arith.constant 96 : index
      %swap3A_556 = tpu.vector_load %arg6[%swap3A_553, %swap3A_554, %swap3A_555] {strides = array<i32>} : memref<32x8x128xf32, #tpu.memory_space<vmem>>, vector<16xf32>,
      tpu.vector_store %arg6[%swap3A_553, %swap3A_554, %swap3A_555], %gather3A_486 {strides = array<i32>} : memref<32x8x128xf32, #tpu.memory_space<vmem>>, vector<16xf32>,
      %swap3A_557 = arith.constant 4 : i32
      %swap3A_558 = arith.index_cast %scan3A_119 : i32 to index
      %swap3A_559 = arith.index_cast %swap3A_557 : i32 to index
      %swap3A_560 = arith.constant 112 : index
      %swap3A_561 = tpu.vector_load %arg5[%swap3A_558, %swap3A_559, %swap3A_560] {strides = array<i32>} : memref<32x8x128xf32, #tpu.memory_space<vmem>>, vector<16xf32>,
      tpu.vector_store %arg5[%swap3A_558, %swap3A_559, %swap3A_560], %gather3A_482 {strides = array<i32>} : memref<32x8x128xf32, #tpu.memory_space<vmem>>, vector<16xf32>,
      %swap3A_562 = arith.constant 4 : i32
      %swap3A_563 = arith.index_cast %scan3A_119 : i32 to index
      %swap3A_564 = arith.index_cast %swap3A_562 : i32 to index
      %swap3A_565 = arith.constant 112 : index
      %swap3A_566 = tpu.vector_load %arg6[%swap3A_563, %swap3A_564, %swap3A_565] {strides = array<i32>} : memref<32x8x128xf32, #tpu.memory_space<vmem>>, vector<16xf32>,
      tpu.vector_store %arg6[%swap3A_563, %swap3A_564, %swap3A_565], %gather3A_486 {strides = array<i32>} : memref<32x8x128xf32, #tpu.memory_space<vmem>>, vector<16xf32>,
      %mul3A_567 = arith.constant 8 : i32
      %mul3A_568 = arith.muli %mul3A_567, %arg0 : i32
      %add3A_569 = arith.constant 5 : i32
      %add3A_570 = arith.addi %mul3A_568, %add3A_569 : i32
      %broadcast_in_dim3A_571 = vector.broadcast %add3A_570 : i32 to vector<16xi32>
      %gather3A_572 = tpu.vector_load_idx %arg4[%broadcast_in_dim3A_571] : memref<1040xf32, #tpu.memory_space<vmem>>[vector<16xi32>], vector<16xf32>,
      %add3A_573 = arith.constant 1024 : i32
      %add3A_574 = vector.broadcast %add3A_573 : i32 to vector<16xi32>
      %add3A_575 = arith.addi %add3A_574, %broadcast_in_dim3A_571 : vector<16xi32>
      %gather3A_576 = tpu.vector_load_idx %arg4[%add3A_575] : memref<1040xf32, #tpu.memory_space<vmem>>[vector<16xi32>], vector<16xf32>,
      %swap3A_577 = arith.constant 5 : i32
      %swap3A_578 = arith.index_cast %scan3A_119 : i32 to index
      %swap3A_579 = arith.index_cast %swap3A_577 : i32 to index
      %swap3A_580 = arith.constant 0 : index
      %swap3A_581 = tpu.vector_load %arg5[%swap3A_578, %swap3A_579, %swap3A_580] {strides = array<i32>} : memref<32x8x128xf32, #tpu.memory_space<vmem>>, vector<16xf32>,
      tpu.vector_store %arg5[%swap3A_578, %swap3A_579, %swap3A_580], %gather3A_572 {strides = array<i32>} : memref<32x8x128xf32, #tpu.memory_space<vmem>>, vector<16xf32>,
      %swap3A_582 = arith.constant 5 : i32
      %swap3A_583 = arith.index_cast %scan3A_119 : i32 to index
      %swap3A_584 = arith.index_cast %swap3A_582 : i32 to index
      %swap3A_585 = arith.constant 0 : index
      %swap3A_586 = tpu.vector_load %arg6[%swap3A_583, %swap3A_584, %swap3A_585] {strides = array<i32>} : memref<32x8x128xf32, #tpu.memory_space<vmem>>, vector<16xf32>,
      tpu.vector_store %arg6[%swap3A_583, %swap3A_584, %swap3A_585], %gather3A_576 {strides = array<i32>} : memref<32x8x128xf32, #tpu.memory_space<vmem>>, vector<16xf32>,
      %swap3A_587 = arith.constant 5 : i32
      %swap3A_588 = arith.index_cast %scan3A_119 : i32 to index
      %swap3A_589 = arith.index_cast %swap3A_587 : i32 to index
      %swap3A_590 = arith.constant 16 : index
      %swap3A_591 = tpu.vector_load %arg5[%swap3A_588, %swap3A_589, %swap3A_590] {strides = array<i32>} : memref<32x8x128xf32, #tpu.memory_space<vmem>>, vector<16xf32>,
      tpu.vector_store %arg5[%swap3A_588, %swap3A_589, %swap3A_590], %gather3A_572 {strides = array<i32>} : memref<32x8x128xf32, #tpu.memory_space<vmem>>, vector<16xf32>,
      %swap3A_592 = arith.constant 5 : i32
      %swap3A_593 = arith.index_cast %scan3A_119 : i32 to index
      %swap3A_594 = arith.index_cast %swap3A_592 : i32 to index
      %swap3A_595 = arith.constant 16 : index
      %swap3A_596 = tpu.vector_load %arg6[%swap3A_593, %swap3A_594, %swap3A_595] {strides = array<i32>} : memref<32x8x128xf32, #tpu.memory_space<vmem>>, vector<16xf32>,
      tpu.vector_store %arg6[%swap3A_593, %swap3A_594, %swap3A_595], %gather3A_576 {strides = array<i32>} : memref<32x8x128xf32, #tpu.memory_space<vmem>>, vector<16xf32>,
      %swap3A_597 = arith.constant 5 : i32
      %swap3A_598 = arith.index_cast %scan3A_119 : i32 to index
      %swap3A_599 = arith.index_cast %swap3A_597 : i32 to index
      %swap3A_600 = arith.constant 32 : index
      %swap3A_601 = tpu.vector_load %arg5[%swap3A_598, %swap3A_599, %swap3A_600] {strides = array<i32>} : memref<32x8x128xf32, #tpu.memory_space<vmem>>, vector<16xf32>,
      tpu.vector_store %arg5[%swap3A_598, %swap3A_599, %swap3A_600], %gather3A_572 {strides = array<i32>} : memref<32x8x128xf32, #tpu.memory_space<vmem>>, vector<16xf32>,
      %swap3A_602 = arith.constant 5 : i32
      %swap3A_603 = arith.index_cast %scan3A_119 : i32 to index
      %swap3A_604 = arith.index_cast %swap3A_602 : i32 to index
      %swap3A_605 = arith.constant 32 : index
      %swap3A_606 = tpu.vector_load %arg6[%swap3A_603, %swap3A_604, %swap3A_605] {strides = array<i32>} : memref<32x8x128xf32, #tpu.memory_space<vmem>>, vector<16xf32>,
      tpu.vector_store %arg6[%swap3A_603, %swap3A_604, %swap3A_605], %gather3A_576 {strides = array<i32>} : memref<32x8x128xf32, #tpu.memory_space<vmem>>, vector<16xf32>,
      %swap3A_607 = arith.constant 5 : i32
      %swap3A_608 = arith.index_cast %scan3A_119 : i32 to index
      %swap3A_609 = arith.index_cast %swap3A_607 : i32 to index
      %swap3A_610 = arith.constant 48 : index
      %swap3A_611 = tpu.vector_load %arg5[%swap3A_608, %swap3A_609, %swap3A_610] {strides = array<i32>} : memref<32x8x128xf32, #tpu.memory_space<vmem>>, vector<16xf32>,
      tpu.vector_store %arg5[%swap3A_608, %swap3A_609, %swap3A_610], %gather3A_572 {strides = array<i32>} : memref<32x8x128xf32, #tpu.memory_space<vmem>>, vector<16xf32>,
      %swap3A_612 = arith.constant 5 : i32
      %swap3A_613 = arith.index_cast %scan3A_119 : i32 to index
      %swap3A_614 = arith.index_cast %swap3A_612 : i32 to index
      %swap3A_615 = arith.constant 48 : index
      %swap3A_616 = tpu.vector_load %arg6[%swap3A_613, %swap3A_614, %swap3A_615] {strides = array<i32>} : memref<32x8x128xf32, #tpu.memory_space<vmem>>, vector<16xf32>,
      tpu.vector_store %arg6[%swap3A_613, %swap3A_614, %swap3A_615], %gather3A_576 {strides = array<i32>} : memref<32x8x128xf32, #tpu.memory_space<vmem>>, vector<16xf32>,
      %swap3A_617 = arith.constant 5 : i32
      %swap3A_618 = arith.index_cast %scan3A_119 : i32 to index
      %swap3A_619 = arith.index_cast %swap3A_617 : i32 to index
      %swap3A_620 = arith.constant 64 : index
      %swap3A_621 = tpu.vector_load %arg5[%swap3A_618, %swap3A_619, %swap3A_620] {strides = array<i32>} : memref<32x8x128xf32, #tpu.memory_space<vmem>>, vector<16xf32>,
      tpu.vector_store %arg5[%swap3A_618, %swap3A_619, %swap3A_620], %gather3A_572 {strides = array<i32>} : memref<32x8x128xf32, #tpu.memory_space<vmem>>, vector<16xf32>,
      %swap3A_622 = arith.constant 5 : i32
      %swap3A_623 = arith.index_cast %scan3A_119 : i32 to index
      %swap3A_624 = arith.index_cast %swap3A_622 : i32 to index
      %swap3A_625 = arith.constant 64 : index
      %swap3A_626 = tpu.vector_load %arg6[%swap3A_623, %swap3A_624, %swap3A_625] {strides = array<i32>} : memref<32x8x128xf32, #tpu.memory_space<vmem>>, vector<16xf32>,
      tpu.vector_store %arg6[%swap3A_623, %swap3A_624, %swap3A_625], %gather3A_576 {strides = array<i32>} : memref<32x8x128xf32, #tpu.memory_space<vmem>>, vector<16xf32>,
      %swap3A_627 = arith.constant 5 : i32
      %swap3A_628 = arith.index_cast %scan3A_119 : i32 to index
      %swap3A_629 = arith.index_cast %swap3A_627 : i32 to index
      %swap3A_630 = arith.constant 80 : index
      %swap3A_631 = tpu.vector_load %arg5[%swap3A_628, %swap3A_629, %swap3A_630] {strides = array<i32>} : memref<32x8x128xf32, #tpu.memory_space<vmem>>, vector<16xf32>,
      tpu.vector_store %arg5[%swap3A_628, %swap3A_629, %swap3A_630], %gather3A_572 {strides = array<i32>} : memref<32x8x128xf32, #tpu.memory_space<vmem>>, vector<16xf32>,
      %swap3A_632 = arith.constant 5 : i32
      %swap3A_633 = arith.index_cast %scan3A_119 : i32 to index
      %swap3A_634 = arith.index_cast %swap3A_632 : i32 to index
      %swap3A_635 = arith.constant 80 : index
      %swap3A_636 = tpu.vector_load %arg6[%swap3A_633, %swap3A_634, %swap3A_635] {strides = array<i32>} : memref<32x8x128xf32, #tpu.memory_space<vmem>>, vector<16xf32>,
      tpu.vector_store %arg6[%swap3A_633, %swap3A_634, %swap3A_635], %gather3A_576 {strides = array<i32>} : memref<32x8x128xf32, #tpu.memory_space<vmem>>, vector<16xf32>,
      %swap3A_637 = arith.constant 5 : i32
      %swap3A_638 = arith.index_cast %scan3A_119 : i32 to index
      %swap3A_639 = arith.index_cast %swap3A_637 : i32 to index
      %swap3A_640 = arith.constant 96 : index
      %swap3A_641 = tpu.vector_load %arg5[%swap3A_638, %swap3A_639, %swap3A_640] {strides = array<i32>} : memref<32x8x128xf32, #tpu.memory_space<vmem>>, vector<16xf32>,
      tpu.vector_store %arg5[%swap3A_638, %swap3A_639, %swap3A_640], %gather3A_572 {strides = array<i32>} : memref<32x8x128xf32, #tpu.memory_space<vmem>>, vector<16xf32>,
      %swap3A_642 = arith.constant 5 : i32
      %swap3A_643 = arith.index_cast %scan3A_119 : i32 to index
      %swap3A_644 = arith.index_cast %swap3A_642 : i32 to index
      %swap3A_645 = arith.constant 96 : index
      %swap3A_646 = tpu.vector_load %arg6[%swap3A_643, %swap3A_644, %swap3A_645] {strides = array<i32>} : memref<32x8x128xf32, #tpu.memory_space<vmem>>, vector<16xf32>,
      tpu.vector_store %arg6[%swap3A_643, %swap3A_644, %swap3A_645], %gather3A_576 {strides = array<i32>} : memref<32x8x128xf32, #tpu.memory_space<vmem>>, vector<16xf32>,
      %swap3A_647 = arith.constant 5 : i32
      %swap3A_648 = arith.index_cast %scan3A_119 : i32 to index
      %swap3A_649 = arith.index_cast %swap3A_647 : i32 to index
      %swap3A_650 = arith.constant 112 : index
      %swap3A_651 = tpu.vector_load %arg5[%swap3A_648, %swap3A_649, %swap3A_650] {strides = array<i32>} : memref<32x8x128xf32, #tpu.memory_space<vmem>>, vector<16xf32>,
      tpu.vector_store %arg5[%swap3A_648, %swap3A_649, %swap3A_650], %gather3A_572 {strides = array<i32>} : memref<32x8x128xf32, #tpu.memory_space<vmem>>, vector<16xf32>,
      %swap3A_652 = arith.constant 5 : i32
      %swap3A_653 = arith.index_cast %scan3A_119 : i32 to index
      %swap3A_654 = arith.index_cast %swap3A_652 : i32 to index
      %swap3A_655 = arith.constant 112 : index
      %swap3A_656 = tpu.vector_load %arg6[%swap3A_653, %swap3A_654, %swap3A_655] {strides = array<i32>} : memref<32x8x128xf32, #tpu.memory_space<vmem>>, vector<16xf32>,
      tpu.vector_store %arg6[%swap3A_653, %swap3A_654, %swap3A_655], %gather3A_576 {strides = array<i32>} : memref<32x8x128xf32, #tpu.memory_space<vmem>>, vector<16xf32>,
      %mul3A_657 = arith.constant 8 : i32
      %mul3A_658 = arith.muli %mul3A_657, %arg0 : i32
      %add3A_659 = arith.constant 6 : i32
      %add3A_660 = arith.addi %mul3A_658, %add3A_659 : i32
      %broadcast_in_dim3A_661 = vector.broadcast %add3A_660 : i32 to vector<16xi32>
      %gather3A_662 = tpu.vector_load_idx %arg4[%broadcast_in_dim3A_661] : memref<1040xf32, #tpu.memory_space<vmem>>[vector<16xi32>], vector<16xf32>,
      %add3A_663 = arith.constant 1024 : i32
      %add3A_664 = vector.broadcast %add3A_663 : i32 to vector<16xi32>
      %add3A_665 = arith.addi %add3A_664, %broadcast_in_dim3A_661 : vector<16xi32>
      %gather3A_666 = tpu.vector_load_idx %arg4[%add3A_665] : memref<1040xf32, #tpu.memory_space<vmem>>[vector<16xi32>], vector<16xf32>,
      %swap3A_667 = arith.constant 6 : i32
      %swap3A_668 = arith.index_cast %scan3A_119 : i32 to index
      %swap3A_669 = arith.index_cast %swap3A_667 : i32 to index
      %swap3A_670 = arith.constant 0 : index
      %swap3A_671 = tpu.vector_load %arg5[%swap3A_668, %swap3A_669, %swap3A_670] {strides = array<i32>} : memref<32x8x128xf32, #tpu.memory_space<vmem>>, vector<16xf32>,
      tpu.vector_store %arg5[%swap3A_668, %swap3A_669, %swap3A_670], %gather3A_662 {strides = array<i32>} : memref<32x8x128xf32, #tpu.memory_space<vmem>>, vector<16xf32>,
      %swap3A_672 = arith.constant 6 : i32
      %swap3A_673 = arith.index_cast %scan3A_119 : i32 to index
      %swap3A_674 = arith.index_cast %swap3A_672 : i32 to index
      %swap3A_675 = arith.constant 0 : index
      %swap3A_676 = tpu.vector_load %arg6[%swap3A_673, %swap3A_674, %swap3A_675] {strides = array<i32>} : memref<32x8x128xf32, #tpu.memory_space<vmem>>, vector<16xf32>,
      tpu.vector_store %arg6[%swap3A_673, %swap3A_674, %swap3A_675], %gather3A_666 {strides = array<i32>} : memref<32x8x128xf32, #tpu.memory_space<vmem>>, vector<16xf32>,
      %swap3A_677 = arith.constant 6 : i32
      %swap3A_678 = arith.index_cast %scan3A_119 : i32 to index
      %swap3A_679 = arith.index_cast %swap3A_677 : i32 to index
      %swap3A_680 = arith.constant 16 : index
      %swap3A_681 = tpu.vector_load %arg5[%swap3A_678, %swap3A_679, %swap3A_680] {strides = array<i32>} : memref<32x8x128xf32, #tpu.memory_space<vmem>>, vector<16xf32>,
      tpu.vector_store %arg5[%swap3A_678, %swap3A_679, %swap3A_680], %gather3A_662 {strides = array<i32>} : memref<32x8x128xf32, #tpu.memory_space<vmem>>, vector<16xf32>,
      %swap3A_682 = arith.constant 6 : i32
      %swap3A_683 = arith.index_cast %scan3A_119 : i32 to index
      %swap3A_684 = arith.index_cast %swap3A_682 : i32 to index
      %swap3A_685 = arith.constant 16 : index
      %swap3A_686 = tpu.vector_load %arg6[%swap3A_683, %swap3A_684, %swap3A_685] {strides = array<i32>} : memref<32x8x128xf32, #tpu.memory_space<vmem>>, vector<16xf32>,
      tpu.vector_store %arg6[%swap3A_683, %swap3A_684, %swap3A_685], %gather3A_666 {strides = array<i32>} : memref<32x8x128xf32, #tpu.memory_space<vmem>>, vector<16xf32>,
      %swap3A_687 = arith.constant 6 : i32
      %swap3A_688 = arith.index_cast %scan3A_119 : i32 to index
      %swap3A_689 = arith.index_cast %swap3A_687 : i32 to index
      %swap3A_690 = arith.constant 32 : index
      %swap3A_691 = tpu.vector_load %arg5[%swap3A_688, %swap3A_689, %swap3A_690] {strides = array<i32>} : memref<32x8x128xf32, #tpu.memory_space<vmem>>, vector<16xf32>,
      tpu.vector_store %arg5[%swap3A_688, %swap3A_689, %swap3A_690], %gather3A_662 {strides = array<i32>} : memref<32x8x128xf32, #tpu.memory_space<vmem>>, vector<16xf32>,
      %swap3A_692 = arith.constant 6 : i32
      %swap3A_693 = arith.index_cast %scan3A_119 : i32 to index
      %swap3A_694 = arith.index_cast %swap3A_692 : i32 to index
      %swap3A_695 = arith.constant 32 : index
      %swap3A_696 = tpu.vector_load %arg6[%swap3A_693, %swap3A_694, %swap3A_695] {strides = array<i32>} : memref<32x8x128xf32, #tpu.memory_space<vmem>>, vector<16xf32>,
      tpu.vector_store %arg6[%swap3A_693, %swap3A_694, %swap3A_695], %gather3A_666 {strides = array<i32>} : memref<32x8x128xf32, #tpu.memory_space<vmem>>, vector<16xf32>,
      %swap3A_697 = arith.constant 6 : i32
      %swap3A_698 = arith.index_cast %scan3A_119 : i32 to index
      %swap3A_699 = arith.index_cast %swap3A_697 : i32 to index
      %swap3A_700 = arith.constant 48 : index
      %swap3A_701 = tpu.vector_load %arg5[%swap3A_698, %swap3A_699, %swap3A_700] {strides = array<i32>} : memref<32x8x128xf32, #tpu.memory_space<vmem>>, vector<16xf32>,
      tpu.vector_store %arg5[%swap3A_698, %swap3A_699, %swap3A_700], %gather3A_662 {strides = array<i32>} : memref<32x8x128xf32, #tpu.memory_space<vmem>>, vector<16xf32>,
      %swap3A_702 = arith.constant 6 : i32
      %swap3A_703 = arith.index_cast %scan3A_119 : i32 to index
      %swap3A_704 = arith.index_cast %swap3A_702 : i32 to index
      %swap3A_705 = arith.constant 48 : index
      %swap3A_706 = tpu.vector_load %arg6[%swap3A_703, %swap3A_704, %swap3A_705] {strides = array<i32>} : memref<32x8x128xf32, #tpu.memory_space<vmem>>, vector<16xf32>,
      tpu.vector_store %arg6[%swap3A_703, %swap3A_704, %swap3A_705], %gather3A_666 {strides = array<i32>} : memref<32x8x128xf32, #tpu.memory_space<vmem>>, vector<16xf32>,
      %swap3A_707 = arith.constant 6 : i32
      %swap3A_708 = arith.index_cast %scan3A_119 : i32 to index
      %swap3A_709 = arith.index_cast %swap3A_707 : i32 to index
      %swap3A_710 = arith.constant 64 : index
      %swap3A_711 = tpu.vector_load %arg5[%swap3A_708, %swap3A_709, %swap3A_710] {strides = array<i32>} : memref<32x8x128xf32, #tpu.memory_space<vmem>>, vector<16xf32>,
      tpu.vector_store %arg5[%swap3A_708, %swap3A_709, %swap3A_710], %gather3A_662 {strides = array<i32>} : memref<32x8x128xf32, #tpu.memory_space<vmem>>, vector<16xf32>,
      %swap3A_712 = arith.constant 6 : i32
      %swap3A_713 = arith.index_cast %scan3A_119 : i32 to index
      %swap3A_714 = arith.index_cast %swap3A_712 : i32 to index
      %swap3A_715 = arith.constant 64 : index
      %swap3A_716 = tpu.vector_load %arg6[%swap3A_713, %swap3A_714, %swap3A_715] {strides = array<i32>} : memref<32x8x128xf32, #tpu.memory_space<vmem>>, vector<16xf32>,
      tpu.vector_store %arg6[%swap3A_713, %swap3A_714, %swap3A_715], %gather3A_666 {strides = array<i32>} : memref<32x8x128xf32, #tpu.memory_space<vmem>>, vector<16xf32>,
      %swap3A_717 = arith.constant 6 : i32
      %swap3A_718 = arith.index_cast %scan3A_119 : i32 to index
      %swap3A_719 = arith.index_cast %swap3A_717 : i32 to index
      %swap3A_720 = arith.constant 80 : index
      %swap3A_721 = tpu.vector_load %arg5[%swap3A_718, %swap3A_719, %swap3A_720] {strides = array<i32>} : memref<32x8x128xf32, #tpu.memory_space<vmem>>, vector<16xf32>,
      tpu.vector_store %arg5[%swap3A_718, %swap3A_719, %swap3A_720], %gather3A_662 {strides = array<i32>} : memref<32x8x128xf32, #tpu.memory_space<vmem>>, vector<16xf32>,
      %swap3A_722 = arith.constant 6 : i32
      %swap3A_723 = arith.index_cast %scan3A_119 : i32 to index
      %swap3A_724 = arith.index_cast %swap3A_722 : i32 to index
      %swap3A_725 = arith.constant 80 : index
      %swap3A_726 = tpu.vector_load %arg6[%swap3A_723, %swap3A_724, %swap3A_725] {strides = array<i32>} : memref<32x8x128xf32, #tpu.memory_space<vmem>>, vector<16xf32>,
      tpu.vector_store %arg6[%swap3A_723, %swap3A_724, %swap3A_725], %gather3A_666 {strides = array<i32>} : memref<32x8x128xf32, #tpu.memory_space<vmem>>, vector<16xf32>,
      %swap3A_727 = arith.constant 6 : i32
      %swap3A_728 = arith.index_cast %scan3A_119 : i32 to index
      %swap3A_729 = arith.index_cast %swap3A_727 : i32 to index
      %swap3A_730 = arith.constant 96 : index
      %swap3A_731 = tpu.vector_load %arg5[%swap3A_728, %swap3A_729, %swap3A_730] {strides = array<i32>} : memref<32x8x128xf32, #tpu.memory_space<vmem>>, vector<16xf32>,
      tpu.vector_store %arg5[%swap3A_728, %swap3A_729, %swap3A_730], %gather3A_662 {strides = array<i32>} : memref<32x8x128xf32, #tpu.memory_space<vmem>>, vector<16xf32>,
      %swap3A_732 = arith.constant 6 : i32
      %swap3A_733 = arith.index_cast %scan3A_119 : i32 to index
      %swap3A_734 = arith.index_cast %swap3A_732 : i32 to index
      %swap3A_735 = arith.constant 96 : index
      %swap3A_736 = tpu.vector_load %arg6[%swap3A_733, %swap3A_734, %swap3A_735] {strides = array<i32>} : memref<32x8x128xf32, #tpu.memory_space<vmem>>, vector<16xf32>,
      tpu.vector_store %arg6[%swap3A_733, %swap3A_734, %swap3A_735], %gather3A_666 {strides = array<i32>} : memref<32x8x128xf32, #tpu.memory_space<vmem>>, vector<16xf32>,
      %swap3A_737 = arith.constant 6 : i32
      %swap3A_738 = arith.index_cast %scan3A_119 : i32 to index
      %swap3A_739 = arith.index_cast %swap3A_737 : i32 to index
      %swap3A_740 = arith.constant 112 : index
      %swap3A_741 = tpu.vector_load %arg5[%swap3A_738, %swap3A_739, %swap3A_740] {strides = array<i32>} : memref<32x8x128xf32, #tpu.memory_space<vmem>>, vector<16xf32>,
      tpu.vector_store %arg5[%swap3A_738, %swap3A_739, %swap3A_740], %gather3A_662 {strides = array<i32>} : memref<32x8x128xf32, #tpu.memory_space<vmem>>, vector<16xf32>,
      %swap3A_742 = arith.constant 6 : i32
      %swap3A_743 = arith.index_cast %scan3A_119 : i32 to index
      %swap3A_744 = arith.index_cast %swap3A_742 : i32 to index
      %swap3A_745 = arith.constant 112 : index
      %swap3A_746 = tpu.vector_load %arg6[%swap3A_743, %swap3A_744, %swap3A_745] {strides = array<i32>} : memref<32x8x128xf32, #tpu.memory_space<vmem>>, vector<16xf32>,
      tpu.vector_store %arg6[%swap3A_743, %swap3A_744, %swap3A_745], %gather3A_666 {strides = array<i32>} : memref<32x8x128xf32, #tpu.memory_space<vmem>>, vector<16xf32>,
      %mul3A_747 = arith.constant 8 : i32
      %mul3A_748 = arith.muli %mul3A_747, %arg0 : i32
      %add3A_749 = arith.constant 7 : i32
      %add3A_750 = arith.addi %mul3A_748, %add3A_749 : i32
      %broadcast_in_dim3A_751 = vector.broadcast %add3A_750 : i32 to vector<16xi32>
      %gather3A_752 = tpu.vector_load_idx %arg4[%broadcast_in_dim3A_751] : memref<1040xf32, #tpu.memory_space<vmem>>[vector<16xi32>], vector<16xf32>,
      %add3A_753 = arith.constant 1024 : i32
      %add3A_754 = vector.broadcast %add3A_753 : i32 to vector<16xi32>
      %add3A_755 = arith.addi %add3A_754, %broadcast_in_dim3A_751 : vector<16xi32>
      %gather3A_756 = tpu.vector_load_idx %arg4[%add3A_755] : memref<1040xf32, #tpu.memory_space<vmem>>[vector<16xi32>], vector<16xf32>,
      %swap3A_757 = arith.constant 7 : i32
      %swap3A_758 = arith.index_cast %scan3A_119 : i32 to index
      %swap3A_759 = arith.index_cast %swap3A_757 : i32 to index
      %swap3A_760 = arith.constant 0 : index
      %swap3A_761 = tpu.vector_load %arg5[%swap3A_758, %swap3A_759, %swap3A_760] {strides = array<i32>} : memref<32x8x128xf32, #tpu.memory_space<vmem>>, vector<16xf32>,
      tpu.vector_store %arg5[%swap3A_758, %swap3A_759, %swap3A_760], %gather3A_752 {strides = array<i32>} : memref<32x8x128xf32, #tpu.memory_space<vmem>>, vector<16xf32>,
      %swap3A_762 = arith.constant 7 : i32
      %swap3A_763 = arith.index_cast %scan3A_119 : i32 to index
      %swap3A_764 = arith.index_cast %swap3A_762 : i32 to index
      %swap3A_765 = arith.constant 0 : index
      %swap3A_766 = tpu.vector_load %arg6[%swap3A_763, %swap3A_764, %swap3A_765] {strides = array<i32>} : memref<32x8x128xf32, #tpu.memory_space<vmem>>, vector<16xf32>,
      tpu.vector_store %arg6[%swap3A_763, %swap3A_764, %swap3A_765], %gather3A_756 {strides = array<i32>} : memref<32x8x128xf32, #tpu.memory_space<vmem>>, vector<16xf32>,
      %swap3A_767 = arith.constant 7 : i32
      %swap3A_768 = arith.index_cast %scan3A_119 : i32 to index
      %swap3A_769 = arith.index_cast %swap3A_767 : i32 to index
      %swap3A_770 = arith.constant 16 : index
      %swap3A_771 = tpu.vector_load %arg5[%swap3A_768, %swap3A_769, %swap3A_770] {strides = array<i32>} : memref<32x8x128xf32, #tpu.memory_space<vmem>>, vector<16xf32>,
      tpu.vector_store %arg5[%swap3A_768, %swap3A_769, %swap3A_770], %gather3A_752 {strides = array<i32>} : memref<32x8x128xf32, #tpu.memory_space<vmem>>, vector<16xf32>,
      %swap3A_772 = arith.constant 7 : i32
      %swap3A_773 = arith.index_cast %scan3A_119 : i32 to index
      %swap3A_774 = arith.index_cast %swap3A_772 : i32 to index
      %swap3A_775 = arith.constant 16 : index
      %swap3A_776 = tpu.vector_load %arg6[%swap3A_773, %swap3A_774, %swap3A_775] {strides = array<i32>} : memref<32x8x128xf32, #tpu.memory_space<vmem>>, vector<16xf32>,
      tpu.vector_store %arg6[%swap3A_773, %swap3A_774, %swap3A_775], %gather3A_756 {strides = array<i32>} : memref<32x8x128xf32, #tpu.memory_space<vmem>>, vector<16xf32>,
      %swap3A_777 = arith.constant 7 : i32
      %swap3A_778 = arith.index_cast %scan3A_119 : i32 to index
      %swap3A_779 = arith.index_cast %swap3A_777 : i32 to index
      %swap3A_780 = arith.constant 32 : index
      %swap3A_781 = tpu.vector_load %arg5[%swap3A_778, %swap3A_779, %swap3A_780] {strides = array<i32>} : memref<32x8x128xf32, #tpu.memory_space<vmem>>, vector<16xf32>,
      tpu.vector_store %arg5[%swap3A_778, %swap3A_779, %swap3A_780], %gather3A_752 {strides = array<i32>} : memref<32x8x128xf32, #tpu.memory_space<vmem>>, vector<16xf32>,
      %swap3A_782 = arith.constant 7 : i32
      %swap3A_783 = arith.index_cast %scan3A_119 : i32 to index
      %swap3A_784 = arith.index_cast %swap3A_782 : i32 to index
      %swap3A_785 = arith.constant 32 : index
      %swap3A_786 = tpu.vector_load %arg6[%swap3A_783, %swap3A_784, %swap3A_785] {strides = array<i32>} : memref<32x8x128xf32, #tpu.memory_space<vmem>>, vector<16xf32>,
      tpu.vector_store %arg6[%swap3A_783, %swap3A_784, %swap3A_785], %gather3A_756 {strides = array<i32>} : memref<32x8x128xf32, #tpu.memory_space<vmem>>, vector<16xf32>,
      %swap3A_787 = arith.constant 7 : i32
      %swap3A_788 = arith.index_cast %scan3A_119 : i32 to index
      %swap3A_789 = arith.index_cast %swap3A_787 : i32 to index
      %swap3A_790 = arith.constant 48 : index
      %swap3A_791 = tpu.vector_load %arg5[%swap3A_788, %swap3A_789, %swap3A_790] {strides = array<i32>} : memref<32x8x128xf32, #tpu.memory_space<vmem>>, vector<16xf32>,
      tpu.vector_store %arg5[%swap3A_788, %swap3A_789, %swap3A_790], %gather3A_752 {strides = array<i32>} : memref<32x8x128xf32, #tpu.memory_space<vmem>>, vector<16xf32>,
      %swap3A_792 = arith.constant 7 : i32
      %swap3A_793 = arith.index_cast %scan3A_119 : i32 to index
      %swap3A_794 = arith.index_cast %swap3A_792 : i32 to index
      %swap3A_795 = arith.constant 48 : index
      %swap3A_796 = tpu.vector_load %arg6[%swap3A_793, %swap3A_794, %swap3A_795] {strides = array<i32>} : memref<32x8x128xf32, #tpu.memory_space<vmem>>, vector<16xf32>,
      tpu.vector_store %arg6[%swap3A_793, %swap3A_794, %swap3A_795], %gather3A_756 {strides = array<i32>} : memref<32x8x128xf32, #tpu.memory_space<vmem>>, vector<16xf32>,
      %swap3A_797 = arith.constant 7 : i32
      %swap3A_798 = arith.index_cast %scan3A_119 : i32 to index
      %swap3A_799 = arith.index_cast %swap3A_797 : i32 to index
      %swap3A_800 = arith.constant 64 : index
      %swap3A_801 = tpu.vector_load %arg5[%swap3A_798, %swap3A_799, %swap3A_800] {strides = array<i32>} : memref<32x8x128xf32, #tpu.memory_space<vmem>>, vector<16xf32>,
      tpu.vector_store %arg5[%swap3A_798, %swap3A_799, %swap3A_800], %gather3A_752 {strides = array<i32>} : memref<32x8x128xf32, #tpu.memory_space<vmem>>, vector<16xf32>,
      %swap3A_802 = arith.constant 7 : i32
      %swap3A_803 = arith.index_cast %scan3A_119 : i32 to index
      %swap3A_804 = arith.index_cast %swap3A_802 : i32 to index
      %swap3A_805 = arith.constant 64 : index
      %swap3A_806 = tpu.vector_load %arg6[%swap3A_803, %swap3A_804, %swap3A_805] {strides = array<i32>} : memref<32x8x128xf32, #tpu.memory_space<vmem>>, vector<16xf32>,
      tpu.vector_store %arg6[%swap3A_803, %swap3A_804, %swap3A_805], %gather3A_756 {strides = array<i32>} : memref<32x8x128xf32, #tpu.memory_space<vmem>>, vector<16xf32>,
      %swap3A_807 = arith.constant 7 : i32
      %swap3A_808 = arith.index_cast %scan3A_119 : i32 to index
      %swap3A_809 = arith.index_cast %swap3A_807 : i32 to index
      %swap3A_810 = arith.constant 80 : index
      %swap3A_811 = tpu.vector_load %arg5[%swap3A_808, %swap3A_809, %swap3A_810] {strides = array<i32>} : memref<32x8x128xf32, #tpu.memory_space<vmem>>, vector<16xf32>,
      tpu.vector_store %arg5[%swap3A_808, %swap3A_809, %swap3A_810], %gather3A_752 {strides = array<i32>} : memref<32x8x128xf32, #tpu.memory_space<vmem>>, vector<16xf32>,
      %swap3A_812 = arith.constant 7 : i32
      %swap3A_813 = arith.index_cast %scan3A_119 : i32 to index
      %swap3A_814 = arith.index_cast %swap3A_812 : i32 to index
      %swap3A_815 = arith.constant 80 : index
      %swap3A_816 = tpu.vector_load %arg6[%swap3A_813, %swap3A_814, %swap3A_815] {strides = array<i32>} : memref<32x8x128xf32, #tpu.memory_space<vmem>>, vector<16xf32>,
      tpu.vector_store %arg6[%swap3A_813, %swap3A_814, %swap3A_815], %gather3A_756 {strides = array<i32>} : memref<32x8x128xf32, #tpu.memory_space<vmem>>, vector<16xf32>,
      %swap3A_817 = arith.constant 7 : i32
      %swap3A_818 = arith.index_cast %scan3A_119 : i32 to index
      %swap3A_819 = arith.index_cast %swap3A_817 : i32 to index
      %swap3A_820 = arith.constant 96 : index
      %swap3A_821 = tpu.vector_load %arg5[%swap3A_818, %swap3A_819, %swap3A_820] {strides = array<i32>} : memref<32x8x128xf32, #tpu.memory_space<vmem>>, vector<16xf32>,
      tpu.vector_store %arg5[%swap3A_818, %swap3A_819, %swap3A_820], %gather3A_752 {strides = array<i32>} : memref<32x8x128xf32, #tpu.memory_space<vmem>>, vector<16xf32>,
      %swap3A_822 = arith.constant 7 : i32
      %swap3A_823 = arith.index_cast %scan3A_119 : i32 to index
      %swap3A_824 = arith.index_cast %swap3A_822 : i32 to index
      %swap3A_825 = arith.constant 96 : index
      %swap3A_826 = tpu.vector_load %arg6[%swap3A_823, %swap3A_824, %swap3A_825] {strides = array<i32>} : memref<32x8x128xf32, #tpu.memory_space<vmem>>, vector<16xf32>,
      tpu.vector_store %arg6[%swap3A_823, %swap3A_824, %swap3A_825], %gather3A_756 {strides = array<i32>} : memref<32x8x128xf32, #tpu.memory_space<vmem>>, vector<16xf32>,
      %swap3A_827 = arith.constant 7 : i32
      %swap3A_828 = arith.index_cast %scan3A_119 : i32 to index
      %swap3A_829 = arith.index_cast %swap3A_827 : i32 to index
      %swap3A_830 = arith.constant 112 : index
      %swap3A_831 = tpu.vector_load %arg5[%swap3A_828, %swap3A_829, %swap3A_830] {strides = array<i32>} : memref<32x8x128xf32, #tpu.memory_space<vmem>>, vector<16xf32>,
      tpu.vector_store %arg5[%swap3A_828, %swap3A_829, %swap3A_830], %gather3A_752 {strides = array<i32>} : memref<32x8x128xf32, #tpu.memory_space<vmem>>, vector<16xf32>,
      %swap3A_832 = arith.constant 7 : i32
      %swap3A_833 = arith.index_cast %scan3A_119 : i32 to index
      %swap3A_834 = arith.index_cast %swap3A_832 : i32 to index
      %swap3A_835 = arith.constant 112 : index
      %swap3A_836 = tpu.vector_load %arg6[%swap3A_833, %swap3A_834, %swap3A_835] {strides = array<i32>} : memref<32x8x128xf32, #tpu.memory_space<vmem>>, vector<16xf32>,
      tpu.vector_store %arg6[%swap3A_833, %swap3A_834, %swap3A_835], %gather3A_756 {strides = array<i32>} : memref<32x8x128xf32, #tpu.memory_space<vmem>>, vector<16xf32>,
    }
    %scan3A_86 = arith.constant 32 : i32
    %add3A_87 = arith.addi %select_n3A, %select_n3A_56 : i32
    %while3A = arith.constant 0 : i32
    %while3A_88 = arith.constant 0 : i32
    %while3A_89 = arith.subi %add3A_87, %while3A_88 : i32
    %while3A_90 = arith.addi %while3A_88, %while3A_89 : i32
    %while3A_91 = arith.constant 1 : i32
    %while3A_92 = arith.divsi %while3A_89, %while3A_91 : i32
    %while3A_93 = arith.muli %while3A_92, %while3A_91 : i32
    %while3A_94 = arith.addi %while3A_88, %while3A_93 : i32
    %while3A_95 = arith.constant 1 : i32
    scf.for %while3A_119 = %while3A_88 to %while3A_94 step %while3A_95  : i32 {
      %lt3A = arith.cmpi slt, %while3A_119, %select_n3A : i32
      %convert_element_type3A = arith.extui %lt3A : i1 to i32
      %cond3A = arith.constant 0 : i32
      %cond3A_120 = arith.cmpi ne, %convert_element_type3A, %cond3A : i32
      scf.if %cond3A_120 {
        %mul3A_129 = arith.constant 32 : i32
        %mul3A_130 = arith.muli %mul3A_129, %while3A_119 : i32
        %dma_start3A = tpu.memref_slice %arg3[%mul3A_130, %multiple_of3A, %multiple_of3A_3] : memref<2048x16x2048xf32, #tpu.memory_space<hbm>> -> memref<32x8x128xf32, #tpu.memory_space<hbm>>
        %dma_start3A_131 = tpu.memref_slice %arg3[%mul3A_130, %multiple_of3A, %multiple_of3A_3] : memref<2048x16x2048xf32, #tpu.memory_space<hbm>> -> memref<32x8x128xf32, #tpu.memory_space<hbm>>
        tpu.enqueue_dma source(%arg6 : memref<32x8x128xf32, #tpu.memory_space<vmem>>) target(%dma_start3A_131 : memref<32x8x128xf32, #tpu.memory_space<hbm>>) target_semaphore(%arg8 : memref<!tpu.dma_semaphore, #tpu.memory_space<semaphore_mem>>)
      } else {
      }
      %ge3A = arith.cmpi sge, %while3A_119, %select_n3A : i32
      %convert_element_type3A_121 = arith.extui %ge3A : i1 to i32
      %cond3A_122 = arith.constant 0 : i32
      %cond3A_123 = arith.cmpi ne, %convert_element_type3A_121, %cond3A_122 : i32
      scf.if %cond3A_123 {
        %sub3A_129 = arith.subi %while3A_119, %select_n3A : i32
        %mul3A_130 = arith.constant 32 : i32
        %mul3A_131 = arith.muli %mul3A_130, %sub3A_129 : i32
        %add3A_132 = arith.addi %min3A_13, %mul3A_131 : i32
        %dma_start3A = tpu.memref_slice %arg3[%add3A_132, %multiple_of3A, %multiple_of3A_3] : memref<2048x16x2048xf32, #tpu.memory_space<hbm>> -> memref<32x8x128xf32, #tpu.memory_space<hbm>>
        %dma_start3A_133 = tpu.memref_slice %arg3[%add3A_132, %multiple_of3A, %multiple_of3A_3] : memref<2048x16x2048xf32, #tpu.memory_space<hbm>> -> memref<32x8x128xf32, #tpu.memory_space<hbm>>
        tpu.enqueue_dma source(%arg5 : memref<32x8x128xf32, #tpu.memory_space<vmem>>) target(%dma_start3A_133 : memref<32x8x128xf32, #tpu.memory_space<hbm>>) target_semaphore(%arg8 : memref<!tpu.dma_semaphore, #tpu.memory_space<semaphore_mem>>)
      } else {
      }
      %ge3A_124 = arith.constant 16 : i32
      %ge3A_125 = arith.cmpi sge, %while3A_119, %ge3A_124 : i32
      %convert_element_type3A_126 = arith.extui %ge3A_125 : i1 to i32
      %cond3A_127 = arith.constant 0 : i32
      %cond3A_128 = arith.cmpi ne, %convert_element_type3A_126, %cond3A_127 : i32
      scf.if %cond3A_128 {
        %dma_wait3A = arith.constant 0 : i32
        %dma_wait3A_129 = tpu.memref_slice %arg3[%dma_wait3A, %multiple_of3A, %multiple_of3A_3] : memref<2048x16x2048xf32, #tpu.memory_space<hbm>> -> memref<32x8x128xf32, #tpu.memory_space<hbm>>
        %dma_wait3A_130 = arith.constant 0 : i32
        %dma_wait3A_131 = tpu.memref_slice %arg3[%dma_wait3A_130, %multiple_of3A, %multiple_of3A_3] : memref<2048x16x2048xf32, #tpu.memory_space<hbm>> -> memref<32x8x128xf32, #tpu.memory_space<hbm>>
        tpu.wait_dma2 semaphore(%arg8 : memref<!tpu.dma_semaphore, #tpu.memory_space<semaphore_mem>>) src(%dma_wait3A_131 : memref<32x8x128xf32, #tpu.memory_space<hbm>>) dst(%arg5 : memref<32x8x128xf32, #tpu.memory_space<vmem>>)
      } else {
      }
    }
    %while3A_96 = arith.constant 1 : i32
    scf.for %while3A_119 = %while3A_94 to %while3A_90 step %while3A_96  : i32 {
      %lt3A = arith.cmpi slt, %while3A_119, %select_n3A : i32
      %convert_element_type3A = arith.extui %lt3A : i1 to i32
      %cond3A = arith.constant 0 : i32
      %cond3A_120 = arith.cmpi ne, %convert_element_type3A, %cond3A : i32
      scf.if %cond3A_120 {
        %mul3A_129 = arith.constant 32 : i32
        %mul3A_130 = arith.muli %mul3A_129, %while3A_119 : i32
        %dma_start3A = tpu.memref_slice %arg3[%mul3A_130, %multiple_of3A, %multiple_of3A_3] : memref<2048x16x2048xf32, #tpu.memory_space<hbm>> -> memref<32x8x128xf32, #tpu.memory_space<hbm>>
        %dma_start3A_131 = tpu.memref_slice %arg3[%mul3A_130, %multiple_of3A, %multiple_of3A_3] : memref<2048x16x2048xf32, #tpu.memory_space<hbm>> -> memref<32x8x128xf32, #tpu.memory_space<hbm>>
        tpu.enqueue_dma source(%arg6 : memref<32x8x128xf32, #tpu.memory_space<vmem>>) target(%dma_start3A_131 : memref<32x8x128xf32, #tpu.memory_space<hbm>>) target_semaphore(%arg8 : memref<!tpu.dma_semaphore, #tpu.memory_space<semaphore_mem>>)
      } else {
      }
      %ge3A = arith.cmpi sge, %while3A_119, %select_n3A : i32
      %convert_element_type3A_121 = arith.extui %ge3A : i1 to i32
      %cond3A_122 = arith.constant 0 : i32
      %cond3A_123 = arith.cmpi ne, %convert_element_type3A_121, %cond3A_122 : i32
      scf.if %cond3A_123 {
        %sub3A_129 = arith.subi %while3A_119, %select_n3A : i32
        %mul3A_130 = arith.constant 32 : i32
        %mul3A_131 = arith.muli %mul3A_130, %sub3A_129 : i32
        %add3A_132 = arith.addi %min3A_13, %mul3A_131 : i32
        %dma_start3A = tpu.memref_slice %arg3[%add3A_132, %multiple_of3A, %multiple_of3A_3] : memref<2048x16x2048xf32, #tpu.memory_space<hbm>> -> memref<32x8x128xf32, #tpu.memory_space<hbm>>
        %dma_start3A_133 = tpu.memref_slice %arg3[%add3A_132, %multiple_of3A, %multiple_of3A_3] : memref<2048x16x2048xf32, #tpu.memory_space<hbm>> -> memref<32x8x128xf32, #tpu.memory_space<hbm>>
        tpu.enqueue_dma source(%arg5 : memref<32x8x128xf32, #tpu.memory_space<vmem>>) target(%dma_start3A_133 : memref<32x8x128xf32, #tpu.memory_space<hbm>>) target_semaphore(%arg8 : memref<!tpu.dma_semaphore, #tpu.memory_space<semaphore_mem>>)
      } else {
      }
      %ge3A_124 = arith.constant 16 : i32
      %ge3A_125 = arith.cmpi sge, %while3A_119, %ge3A_124 : i32
      %convert_element_type3A_126 = arith.extui %ge3A_125 : i1 to i32
      %cond3A_127 = arith.constant 0 : i32
      %cond3A_128 = arith.cmpi ne, %convert_element_type3A_126, %cond3A_127 : i32
      scf.if %cond3A_128 {
        %dma_wait3A = arith.constant 0 : i32
        %dma_wait3A_129 = tpu.memref_slice %arg3[%dma_wait3A, %multiple_of3A, %multiple_of3A_3] : memref<2048x16x2048xf32, #tpu.memory_space<hbm>> -> memref<32x8x128xf32, #tpu.memory_space<hbm>>
        %dma_wait3A_130 = arith.constant 0 : i32
        %dma_wait3A_131 = tpu.memref_slice %arg3[%dma_wait3A_130, %multiple_of3A, %multiple_of3A_3] : memref<2048x16x2048xf32, #tpu.memory_space<hbm>> -> memref<32x8x128xf32, #tpu.memory_space<hbm>>
        tpu.wait_dma2 semaphore(%arg8 : memref<!tpu.dma_semaphore, #tpu.memory_space<semaphore_mem>>) src(%dma_wait3A_131 : memref<32x8x128xf32, #tpu.memory_space<hbm>>) dst(%arg5 : memref<32x8x128xf32, #tpu.memory_space<vmem>>)
      } else {
      }
    }
    %while3A_97 = arith.constant 0 : i32
    %while3A_98 = arith.constant 0 : i32
    %while3A_99 = arith.subi %select_n3A_81, %while3A_98 : i32
    %while3A_100 = arith.addi %while3A_98, %while3A_99 : i32
    %while3A_101 = arith.constant 1 : i32
    %while3A_102 = arith.divsi %while3A_99, %while3A_101 : i32
    %while3A_103 = arith.muli %while3A_102, %while3A_101 : i32
    %while3A_104 = arith.addi %while3A_98, %while3A_103 : i32
    %while3A_105 = arith.constant 1 : i32
    scf.for %while3A_119 = %while3A_98 to %while3A_104 step %while3A_105  : i32 {
      %mul3A_120 = arith.constant 32 : i32
      %mul3A_121 = arith.muli %mul3A_120, %while3A_119 : i32
      %add3A_122 = arith.addi %max3A_7, %mul3A_121 : i32
      %scan3A_123 = arith.constant 0 : i32
      %scan3A_124 = arith.constant 0 : i32
      %scan3A_125 = arith.constant 32 : i32
      %scan3A_126 = arith.addi %scan3A_124, %scan3A_125 : i32
      %scan3A_127 = arith.constant 1 : i32
      scf.for %scan3A_131 = %scan3A_124 to %scan3A_126 step %scan3A_127  : i32 {
        %add3A_132 = arith.addi %add3A_122, %scan3A_131 : i32
        %mul3A_133 = arith.constant 8 : i32
        %mul3A_134 = arith.muli %mul3A_133, %arg0 : i32
        %add3A_135 = arith.constant 0 : i32
        %add3A_136 = arith.addi %mul3A_134, %add3A_135 : i32
        %add3A_137 = arith.constant 0 : i32
        %add3A_138 = arith.addi %multiple_of3A_3, %add3A_137 : i32
        %iota3A = tpu.iota {dimensions = array<i32: 0>} : vector<16xi32>
        %add3A_139 = vector.broadcast %add3A_138 : i32 to vector<16xi32>
        %add3A_140 = arith.addi %add3A_139, %iota3A : vector<16xi32>
        %sub3A_141 = vector.broadcast %add3A_132 : i32 to vector<16xi32>
        %sub3A_142 = arith.subi %add3A_140, %sub3A_141 : vector<16xi32>
        %jit3A_143 = arith.constant -32 : i32
        %jit3A_144 = arith.constant 32 : i32
        %max3A_145 = vector.broadcast %jit3A_143 : i32 to vector<16xi32>
        %max3A_146 = arith.maxsi %max3A_145, %sub3A_142 : vector<16xi32>
        %min3A_147 = vector.broadcast %jit3A_144 : i32 to vector<16xi32>
        %min3A_148 = arith.minsi %min3A_147, %max3A_146 : vector<16xi32>
        %add3A_149 = arith.constant 32 : i32
        %add3A_150 = vector.broadcast %add3A_149 : i32 to vector<16xi32>
        %add3A_151 = arith.addi %min3A_148, %add3A_150 : vector<16xi32>
        %mul3A_152 = arith.constant 16 : i32
        %mul3A_153 = vector.broadcast %mul3A_152 : i32 to vector<16xi32>
        %mul3A_154 = arith.muli %add3A_151, %mul3A_153 : vector<16xi32>
        %add3A_155 = vector.broadcast %add3A_136 : i32 to vector<16xi32>
        %add3A_156 = arith.addi %mul3A_154, %add3A_155 : vector<16xi32>
        %gather3A = tpu.vector_load_idx %arg4[%add3A_156] : memref<1040xf32, #tpu.memory_space<vmem>>[vector<16xi32>], vector<16xf32>,
        %swap3A = arith.constant 0 : i32
        %swap3A_157 = arith.index_cast %scan3A_131 : i32 to index
        %swap3A_158 = arith.index_cast %swap3A : i32 to index
        %swap3A_159 = arith.constant 0 : index
        %swap3A_160 = tpu.vector_load %arg7[%swap3A_157, %swap3A_158, %swap3A_159] {strides = array<i32>} : memref<32x8x128xf32, #tpu.memory_space<vmem>>, vector<16xf32>,
        tpu.vector_store %arg7[%swap3A_157, %swap3A_158, %swap3A_159], %gather3A {strides = array<i32>} : memref<32x8x128xf32, #tpu.memory_space<vmem>>, vector<16xf32>,
        %add3A_161 = arith.constant 16 : i32
        %add3A_162 = arith.addi %multiple_of3A_3, %add3A_161 : i32
        %iota3A_163 = tpu.iota {dimensions = array<i32: 0>} : vector<16xi32>
        %add3A_164 = vector.broadcast %add3A_162 : i32 to vector<16xi32>
        %add3A_165 = arith.addi %add3A_164, %iota3A_163 : vector<16xi32>
        %sub3A_166 = vector.broadcast %add3A_132 : i32 to vector<16xi32>
        %sub3A_167 = arith.subi %add3A_165, %sub3A_166 : vector<16xi32>
        %jit3A_168 = arith.constant -32 : i32
        %jit3A_169 = arith.constant 32 : i32
        %max3A_170 = vector.broadcast %jit3A_168 : i32 to vector<16xi32>
        %max3A_171 = arith.maxsi %max3A_170, %sub3A_167 : vector<16xi32>
        %min3A_172 = vector.broadcast %jit3A_169 : i32 to vector<16xi32>
        %min3A_173 = arith.minsi %min3A_172, %max3A_171 : vector<16xi32>
        %add3A_174 = arith.constant 32 : i32
        %add3A_175 = vector.broadcast %add3A_174 : i32 to vector<16xi32>
        %add3A_176 = arith.addi %min3A_173, %add3A_175 : vector<16xi32>
        %mul3A_177 = arith.constant 16 : i32
        %mul3A_178 = vector.broadcast %mul3A_177 : i32 to vector<16xi32>
        %mul3A_179 = arith.muli %add3A_176, %mul3A_178 : vector<16xi32>
        %add3A_180 = vector.broadcast %add3A_136 : i32 to vector<16xi32>
        %add3A_181 = arith.addi %mul3A_179, %add3A_180 : vector<16xi32>
        %gather3A_182 = tpu.vector_load_idx %arg4[%add3A_181] : memref<1040xf32, #tpu.memory_space<vmem>>[vector<16xi32>], vector<16xf32>,
        %swap3A_183 = arith.constant 0 : i32
        %swap3A_184 = arith.index_cast %scan3A_131 : i32 to index
        %swap3A_185 = arith.index_cast %swap3A_183 : i32 to index
        %swap3A_186 = arith.constant 16 : index
        %swap3A_187 = tpu.vector_load %arg7[%swap3A_184, %swap3A_185, %swap3A_186] {strides = array<i32>} : memref<32x8x128xf32, #tpu.memory_space<vmem>>, vector<16xf32>,
        tpu.vector_store %arg7[%swap3A_184, %swap3A_185, %swap3A_186], %gather3A_182 {strides = array<i32>} : memref<32x8x128xf32, #tpu.memory_space<vmem>>, vector<16xf32>,
        %add3A_188 = arith.constant 32 : i32
        %add3A_189 = arith.addi %multiple_of3A_3, %add3A_188 : i32
        %iota3A_190 = tpu.iota {dimensions = array<i32: 0>} : vector<16xi32>
        %add3A_191 = vector.broadcast %add3A_189 : i32 to vector<16xi32>
        %add3A_192 = arith.addi %add3A_191, %iota3A_190 : vector<16xi32>
        %sub3A_193 = vector.broadcast %add3A_132 : i32 to vector<16xi32>
        %sub3A_194 = arith.subi %add3A_192, %sub3A_193 : vector<16xi32>
        %jit3A_195 = arith.constant -32 : i32
        %jit3A_196 = arith.constant 32 : i32
        %max3A_197 = vector.broadcast %jit3A_195 : i32 to vector<16xi32>
        %max3A_198 = arith.maxsi %max3A_197, %sub3A_194 : vector<16xi32>
        %min3A_199 = vector.broadcast %jit3A_196 : i32 to vector<16xi32>
        %min3A_200 = arith.minsi %min3A_199, %max3A_198 : vector<16xi32>
        %add3A_201 = arith.constant 32 : i32
        %add3A_202 = vector.broadcast %add3A_201 : i32 to vector<16xi32>
        %add3A_203 = arith.addi %min3A_200, %add3A_202 : vector<16xi32>
        %mul3A_204 = arith.constant 16 : i32
        %mul3A_205 = vector.broadcast %mul3A_204 : i32 to vector<16xi32>
        %mul3A_206 = arith.muli %add3A_203, %mul3A_205 : vector<16xi32>
        %add3A_207 = vector.broadcast %add3A_136 : i32 to vector<16xi32>
        %add3A_208 = arith.addi %mul3A_206, %add3A_207 : vector<16xi32>
        %gather3A_209 = tpu.vector_load_idx %arg4[%add3A_208] : memref<1040xf32, #tpu.memory_space<vmem>>[vector<16xi32>], vector<16xf32>,
        %swap3A_210 = arith.constant 0 : i32
        %swap3A_211 = arith.index_cast %scan3A_131 : i32 to index
        %swap3A_212 = arith.index_cast %swap3A_210 : i32 to index
        %swap3A_213 = arith.constant 32 : index
        %swap3A_214 = tpu.vector_load %arg7[%swap3A_211, %swap3A_212, %swap3A_213] {strides = array<i32>} : memref<32x8x128xf32, #tpu.memory_space<vmem>>, vector<16xf32>,
        tpu.vector_store %arg7[%swap3A_211, %swap3A_212, %swap3A_213], %gather3A_209 {strides = array<i32>} : memref<32x8x128xf32, #tpu.memory_space<vmem>>, vector<16xf32>,
        %add3A_215 = arith.constant 48 : i32
        %add3A_216 = arith.addi %multiple_of3A_3, %add3A_215 : i32
        %iota3A_217 = tpu.iota {dimensions = array<i32: 0>} : vector<16xi32>
        %add3A_218 = vector.broadcast %add3A_216 : i32 to vector<16xi32>
        %add3A_219 = arith.addi %add3A_218, %iota3A_217 : vector<16xi32>
        %sub3A_220 = vector.broadcast %add3A_132 : i32 to vector<16xi32>
        %sub3A_221 = arith.subi %add3A_219, %sub3A_220 : vector<16xi32>
        %jit3A_222 = arith.constant -32 : i32
        %jit3A_223 = arith.constant 32 : i32
        %max3A_224 = vector.broadcast %jit3A_222 : i32 to vector<16xi32>
        %max3A_225 = arith.maxsi %max3A_224, %sub3A_221 : vector<16xi32>
        %min3A_226 = vector.broadcast %jit3A_223 : i32 to vector<16xi32>
        %min3A_227 = arith.minsi %min3A_226, %max3A_225 : vector<16xi32>
        %add3A_228 = arith.constant 32 : i32
        %add3A_229 = vector.broadcast %add3A_228 : i32 to vector<16xi32>
        %add3A_230 = arith.addi %min3A_227, %add3A_229 : vector<16xi32>
        %mul3A_231 = arith.constant 16 : i32
        %mul3A_232 = vector.broadcast %mul3A_231 : i32 to vector<16xi32>
        %mul3A_233 = arith.muli %add3A_230, %mul3A_232 : vector<16xi32>
        %add3A_234 = vector.broadcast %add3A_136 : i32 to vector<16xi32>
        %add3A_235 = arith.addi %mul3A_233, %add3A_234 : vector<16xi32>
        %gather3A_236 = tpu.vector_load_idx %arg4[%add3A_235] : memref<1040xf32, #tpu.memory_space<vmem>>[vector<16xi32>], vector<16xf32>,
        %swap3A_237 = arith.constant 0 : i32
        %swap3A_238 = arith.index_cast %scan3A_131 : i32 to index
        %swap3A_239 = arith.index_cast %swap3A_237 : i32 to index
        %swap3A_240 = arith.constant 48 : index
        %swap3A_241 = tpu.vector_load %arg7[%swap3A_238, %swap3A_239, %swap3A_240] {strides = array<i32>} : memref<32x8x128xf32, #tpu.memory_space<vmem>>, vector<16xf32>,
        tpu.vector_store %arg7[%swap3A_238, %swap3A_239, %swap3A_240], %gather3A_236 {strides = array<i32>} : memref<32x8x128xf32, #tpu.memory_space<vmem>>, vector<16xf32>,
        %add3A_242 = arith.constant 64 : i32
        %add3A_243 = arith.addi %multiple_of3A_3, %add3A_242 : i32
        %iota3A_244 = tpu.iota {dimensions = array<i32: 0>} : vector<16xi32>
        %add3A_245 = vector.broadcast %add3A_243 : i32 to vector<16xi32>
        %add3A_246 = arith.addi %add3A_245, %iota3A_244 : vector<16xi32>
        %sub3A_247 = vector.broadcast %add3A_132 : i32 to vector<16xi32>
        %sub3A_248 = arith.subi %add3A_246, %sub3A_247 : vector<16xi32>
        %jit3A_249 = arith.constant -32 : i32
        %jit3A_250 = arith.constant 32 : i32
        %max3A_251 = vector.broadcast %jit3A_249 : i32 to vector<16xi32>
        %max3A_252 = arith.maxsi %max3A_251, %sub3A_248 : vector<16xi32>
        %min3A_253 = vector.broadcast %jit3A_250 : i32 to vector<16xi32>
        %min3A_254 = arith.minsi %min3A_253, %max3A_252 : vector<16xi32>
        %add3A_255 = arith.constant 32 : i32
        %add3A_256 = vector.broadcast %add3A_255 : i32 to vector<16xi32>
        %add3A_257 = arith.addi %min3A_254, %add3A_256 : vector<16xi32>
        %mul3A_258 = arith.constant 16 : i32
        %mul3A_259 = vector.broadcast %mul3A_258 : i32 to vector<16xi32>
        %mul3A_260 = arith.muli %add3A_257, %mul3A_259 : vector<16xi32>
        %add3A_261 = vector.broadcast %add3A_136 : i32 to vector<16xi32>
        %add3A_262 = arith.addi %mul3A_260, %add3A_261 : vector<16xi32>
        %gather3A_263 = tpu.vector_load_idx %arg4[%add3A_262] : memref<1040xf32, #tpu.memory_space<vmem>>[vector<16xi32>], vector<16xf32>,
        %swap3A_264 = arith.constant 0 : i32
        %swap3A_265 = arith.index_cast %scan3A_131 : i32 to index
        %swap3A_266 = arith.index_cast %swap3A_264 : i32 to index
        %swap3A_267 = arith.constant 64 : index
        %swap3A_268 = tpu.vector_load %arg7[%swap3A_265, %swap3A_266, %swap3A_267] {strides = array<i32>} : memref<32x8x128xf32, #tpu.memory_space<vmem>>, vector<16xf32>,
        tpu.vector_store %arg7[%swap3A_265, %swap3A_266, %swap3A_267], %gather3A_263 {strides = array<i32>} : memref<32x8x128xf32, #tpu.memory_space<vmem>>, vector<16xf32>,
        %add3A_269 = arith.constant 80 : i32
        %add3A_270 = arith.addi %multiple_of3A_3, %add3A_269 : i32
        %iota3A_271 = tpu.iota {dimensions = array<i32: 0>} : vector<16xi32>
        %add3A_272 = vector.broadcast %add3A_270 : i32 to vector<16xi32>
        %add3A_273 = arith.addi %add3A_272, %iota3A_271 : vector<16xi32>
        %sub3A_274 = vector.broadcast %add3A_132 : i32 to vector<16xi32>
        %sub3A_275 = arith.subi %add3A_273, %sub3A_274 : vector<16xi32>
        %jit3A_276 = arith.constant -32 : i32
        %jit3A_277 = arith.constant 32 : i32
        %max3A_278 = vector.broadcast %jit3A_276 : i32 to vector<16xi32>
        %max3A_279 = arith.maxsi %max3A_278, %sub3A_275 : vector<16xi32>
        %min3A_280 = vector.broadcast %jit3A_277 : i32 to vector<16xi32>
        %min3A_281 = arith.minsi %min3A_280, %max3A_279 : vector<16xi32>
        %add3A_282 = arith.constant 32 : i32
        %add3A_283 = vector.broadcast %add3A_282 : i32 to vector<16xi32>
        %add3A_284 = arith.addi %min3A_281, %add3A_283 : vector<16xi32>
        %mul3A_285 = arith.constant 16 : i32
        %mul3A_286 = vector.broadcast %mul3A_285 : i32 to vector<16xi32>
        %mul3A_287 = arith.muli %add3A_284, %mul3A_286 : vector<16xi32>
        %add3A_288 = vector.broadcast %add3A_136 : i32 to vector<16xi32>
        %add3A_289 = arith.addi %mul3A_287, %add3A_288 : vector<16xi32>
        %gather3A_290 = tpu.vector_load_idx %arg4[%add3A_289] : memref<1040xf32, #tpu.memory_space<vmem>>[vector<16xi32>], vector<16xf32>,
        %swap3A_291 = arith.constant 0 : i32
        %swap3A_292 = arith.index_cast %scan3A_131 : i32 to index
        %swap3A_293 = arith.index_cast %swap3A_291 : i32 to index
        %swap3A_294 = arith.constant 80 : index
        %swap3A_295 = tpu.vector_load %arg7[%swap3A_292, %swap3A_293, %swap3A_294] {strides = array<i32>} : memref<32x8x128xf32, #tpu.memory_space<vmem>>, vector<16xf32>,
        tpu.vector_store %arg7[%swap3A_292, %swap3A_293, %swap3A_294], %gather3A_290 {strides = array<i32>} : memref<32x8x128xf32, #tpu.memory_space<vmem>>, vector<16xf32>,
        %add3A_296 = arith.constant 96 : i32
        %add3A_297 = arith.addi %multiple_of3A_3, %add3A_296 : i32
        %iota3A_298 = tpu.iota {dimensions = array<i32: 0>} : vector<16xi32>
        %add3A_299 = vector.broadcast %add3A_297 : i32 to vector<16xi32>
        %add3A_300 = arith.addi %add3A_299, %iota3A_298 : vector<16xi32>
        %sub3A_301 = vector.broadcast %add3A_132 : i32 to vector<16xi32>
        %sub3A_302 = arith.subi %add3A_300, %sub3A_301 : vector<16xi32>
        %jit3A_303 = arith.constant -32 : i32
        %jit3A_304 = arith.constant 32 : i32
        %max3A_305 = vector.broadcast %jit3A_303 : i32 to vector<16xi32>
        %max3A_306 = arith.maxsi %max3A_305, %sub3A_302 : vector<16xi32>
        %min3A_307 = vector.broadcast %jit3A_304 : i32 to vector<16xi32>
        %min3A_308 = arith.minsi %min3A_307, %max3A_306 : vector<16xi32>
        %add3A_309 = arith.constant 32 : i32
        %add3A_310 = vector.broadcast %add3A_309 : i32 to vector<16xi32>
        %add3A_311 = arith.addi %min3A_308, %add3A_310 : vector<16xi32>
        %mul3A_312 = arith.constant 16 : i32
        %mul3A_313 = vector.broadcast %mul3A_312 : i32 to vector<16xi32>
        %mul3A_314 = arith.muli %add3A_311, %mul3A_313 : vector<16xi32>
        %add3A_315 = vector.broadcast %add3A_136 : i32 to vector<16xi32>
        %add3A_316 = arith.addi %mul3A_314, %add3A_315 : vector<16xi32>
        %gather3A_317 = tpu.vector_load_idx %arg4[%add3A_316] : memref<1040xf32, #tpu.memory_space<vmem>>[vector<16xi32>], vector<16xf32>,
        %swap3A_318 = arith.constant 0 : i32
        %swap3A_319 = arith.index_cast %scan3A_131 : i32 to index
        %swap3A_320 = arith.index_cast %swap3A_318 : i32 to index
        %swap3A_321 = arith.constant 96 : index
        %swap3A_322 = tpu.vector_load %arg7[%swap3A_319, %swap3A_320, %swap3A_321] {strides = array<i32>} : memref<32x8x128xf32, #tpu.memory_space<vmem>>, vector<16xf32>,
        tpu.vector_store %arg7[%swap3A_319, %swap3A_320, %swap3A_321], %gather3A_317 {strides = array<i32>} : memref<32x8x128xf32, #tpu.memory_space<vmem>>, vector<16xf32>,
        %add3A_323 = arith.constant 112 : i32
        %add3A_324 = arith.addi %multiple_of3A_3, %add3A_323 : i32
        %iota3A_325 = tpu.iota {dimensions = array<i32: 0>} : vector<16xi32>
        %add3A_326 = vector.broadcast %add3A_324 : i32 to vector<16xi32>
        %add3A_327 = arith.addi %add3A_326, %iota3A_325 : vector<16xi32>
        %sub3A_328 = vector.broadcast %add3A_132 : i32 to vector<16xi32>
        %sub3A_329 = arith.subi %add3A_327, %sub3A_328 : vector<16xi32>
        %jit3A_330 = arith.constant -32 : i32
        %jit3A_331 = arith.constant 32 : i32
        %max3A_332 = vector.broadcast %jit3A_330 : i32 to vector<16xi32>
        %max3A_333 = arith.maxsi %max3A_332, %sub3A_329 : vector<16xi32>
        %min3A_334 = vector.broadcast %jit3A_331 : i32 to vector<16xi32>
        %min3A_335 = arith.minsi %min3A_334, %max3A_333 : vector<16xi32>
        %add3A_336 = arith.constant 32 : i32
        %add3A_337 = vector.broadcast %add3A_336 : i32 to vector<16xi32>
        %add3A_338 = arith.addi %min3A_335, %add3A_337 : vector<16xi32>
        %mul3A_339 = arith.constant 16 : i32
        %mul3A_340 = vector.broadcast %mul3A_339 : i32 to vector<16xi32>
        %mul3A_341 = arith.muli %add3A_338, %mul3A_340 : vector<16xi32>
        %add3A_342 = vector.broadcast %add3A_136 : i32 to vector<16xi32>
        %add3A_343 = arith.addi %mul3A_341, %add3A_342 : vector<16xi32>
        %gather3A_344 = tpu.vector_load_idx %arg4[%add3A_343] : memref<1040xf32, #tpu.memory_space<vmem>>[vector<16xi32>], vector<16xf32>,
        %swap3A_345 = arith.constant 0 : i32
        %swap3A_346 = arith.index_cast %scan3A_131 : i32 to index
        %swap3A_347 = arith.index_cast %swap3A_345 : i32 to index
        %swap3A_348 = arith.constant 112 : index
        %swap3A_349 = tpu.vector_load %arg7[%swap3A_346, %swap3A_347, %swap3A_348] {strides = array<i32>} : memref<32x8x128xf32, #tpu.memory_space<vmem>>, vector<16xf32>,
        tpu.vector_store %arg7[%swap3A_346, %swap3A_347, %swap3A_348], %gather3A_344 {strides = array<i32>} : memref<32x8x128xf32, #tpu.memory_space<vmem>>, vector<16xf32>,
        %mul3A_350 = arith.constant 8 : i32
        %mul3A_351 = arith.muli %mul3A_350, %arg0 : i32
        %add3A_352 = arith.constant 1 : i32
        %add3A_353 = arith.addi %mul3A_351, %add3A_352 : i32
        %add3A_354 = arith.constant 0 : i32
        %add3A_355 = arith.addi %multiple_of3A_3, %add3A_354 : i32
        %iota3A_356 = tpu.iota {dimensions = array<i32: 0>} : vector<16xi32>
        %add3A_357 = vector.broadcast %add3A_355 : i32 to vector<16xi32>
        %add3A_358 = arith.addi %add3A_357, %iota3A_356 : vector<16xi32>
        %sub3A_359 = vector.broadcast %add3A_132 : i32 to vector<16xi32>
        %sub3A_360 = arith.subi %add3A_358, %sub3A_359 : vector<16xi32>
        %jit3A_361 = arith.constant -32 : i32
        %jit3A_362 = arith.constant 32 : i32
        %max3A_363 = vector.broadcast %jit3A_361 : i32 to vector<16xi32>
        %max3A_364 = arith.maxsi %max3A_363, %sub3A_360 : vector<16xi32>
        %min3A_365 = vector.broadcast %jit3A_362 : i32 to vector<16xi32>
        %min3A_366 = arith.minsi %min3A_365, %max3A_364 : vector<16xi32>
        %add3A_367 = arith.constant 32 : i32
        %add3A_368 = vector.broadcast %add3A_367 : i32 to vector<16xi32>
        %add3A_369 = arith.addi %min3A_366, %add3A_368 : vector<16xi32>
        %mul3A_370 = arith.constant 16 : i32
        %mul3A_371 = vector.broadcast %mul3A_370 : i32 to vector<16xi32>
        %mul3A_372 = arith.muli %add3A_369, %mul3A_371 : vector<16xi32>
        %add3A_373 = vector.broadcast %add3A_353 : i32 to vector<16xi32>
        %add3A_374 = arith.addi %mul3A_372, %add3A_373 : vector<16xi32>
        %gather3A_375 = tpu.vector_load_idx %arg4[%add3A_374] : memref<1040xf32, #tpu.memory_space<vmem>>[vector<16xi32>], vector<16xf32>,
        %swap3A_376 = arith.constant 1 : i32
        %swap3A_377 = arith.index_cast %scan3A_131 : i32 to index
        %swap3A_378 = arith.index_cast %swap3A_376 : i32 to index
        %swap3A_379 = arith.constant 0 : index
        %swap3A_380 = tpu.vector_load %arg7[%swap3A_377, %swap3A_378, %swap3A_379] {strides = array<i32>} : memref<32x8x128xf32, #tpu.memory_space<vmem>>, vector<16xf32>,
        tpu.vector_store %arg7[%swap3A_377, %swap3A_378, %swap3A_379], %gather3A_375 {strides = array<i32>} : memref<32x8x128xf32, #tpu.memory_space<vmem>>, vector<16xf32>,
        %add3A_381 = arith.constant 16 : i32
        %add3A_382 = arith.addi %multiple_of3A_3, %add3A_381 : i32
        %iota3A_383 = tpu.iota {dimensions = array<i32: 0>} : vector<16xi32>
        %add3A_384 = vector.broadcast %add3A_382 : i32 to vector<16xi32>
        %add3A_385 = arith.addi %add3A_384, %iota3A_383 : vector<16xi32>
        %sub3A_386 = vector.broadcast %add3A_132 : i32 to vector<16xi32>
        %sub3A_387 = arith.subi %add3A_385, %sub3A_386 : vector<16xi32>
        %jit3A_388 = arith.constant -32 : i32
        %jit3A_389 = arith.constant 32 : i32
        %max3A_390 = vector.broadcast %jit3A_388 : i32 to vector<16xi32>
        %max3A_391 = arith.maxsi %max3A_390, %sub3A_387 : vector<16xi32>
        %min3A_392 = vector.broadcast %jit3A_389 : i32 to vector<16xi32>
        %min3A_393 = arith.minsi %min3A_392, %max3A_391 : vector<16xi32>
        %add3A_394 = arith.constant 32 : i32
        %add3A_395 = vector.broadcast %add3A_394 : i32 to vector<16xi32>
        %add3A_396 = arith.addi %min3A_393, %add3A_395 : vector<16xi32>
        %mul3A_397 = arith.constant 16 : i32
        %mul3A_398 = vector.broadcast %mul3A_397 : i32 to vector<16xi32>
        %mul3A_399 = arith.muli %add3A_396, %mul3A_398 : vector<16xi32>
        %add3A_400 = vector.broadcast %add3A_353 : i32 to vector<16xi32>
        %add3A_401 = arith.addi %mul3A_399, %add3A_400 : vector<16xi32>
        %gather3A_402 = tpu.vector_load_idx %arg4[%add3A_401] : memref<1040xf32, #tpu.memory_space<vmem>>[vector<16xi32>], vector<16xf32>,
        %swap3A_403 = arith.constant 1 : i32
        %swap3A_404 = arith.index_cast %scan3A_131 : i32 to index
        %swap3A_405 = arith.index_cast %swap3A_403 : i32 to index
        %swap3A_406 = arith.constant 16 : index
        %swap3A_407 = tpu.vector_load %arg7[%swap3A_404, %swap3A_405, %swap3A_406] {strides = array<i32>} : memref<32x8x128xf32, #tpu.memory_space<vmem>>, vector<16xf32>,
        tpu.vector_store %arg7[%swap3A_404, %swap3A_405, %swap3A_406], %gather3A_402 {strides = array<i32>} : memref<32x8x128xf32, #tpu.memory_space<vmem>>, vector<16xf32>,
        %add3A_408 = arith.constant 32 : i32
        %add3A_409 = arith.addi %multiple_of3A_3, %add3A_408 : i32
        %iota3A_410 = tpu.iota {dimensions = array<i32: 0>} : vector<16xi32>
        %add3A_411 = vector.broadcast %add3A_409 : i32 to vector<16xi32>
        %add3A_412 = arith.addi %add3A_411, %iota3A_410 : vector<16xi32>
        %sub3A_413 = vector.broadcast %add3A_132 : i32 to vector<16xi32>
        %sub3A_414 = arith.subi %add3A_412, %sub3A_413 : vector<16xi32>
        %jit3A_415 = arith.constant -32 : i32
        %jit3A_416 = arith.constant 32 : i32
        %max3A_417 = vector.broadcast %jit3A_415 : i32 to vector<16xi32>
        %max3A_418 = arith.maxsi %max3A_417, %sub3A_414 : vector<16xi32>
        %min3A_419 = vector.broadcast %jit3A_416 : i32 to vector<16xi32>
        %min3A_420 = arith.minsi %min3A_419, %max3A_418 : vector<16xi32>
        %add3A_421 = arith.constant 32 : i32
        %add3A_422 = vector.broadcast %add3A_421 : i32 to vector<16xi32>
        %add3A_423 = arith.addi %min3A_420, %add3A_422 : vector<16xi32>
        %mul3A_424 = arith.constant 16 : i32
        %mul3A_425 = vector.broadcast %mul3A_424 : i32 to vector<16xi32>
        %mul3A_426 = arith.muli %add3A_423, %mul3A_425 : vector<16xi32>
        %add3A_427 = vector.broadcast %add3A_353 : i32 to vector<16xi32>
        %add3A_428 = arith.addi %mul3A_426, %add3A_427 : vector<16xi32>
        %gather3A_429 = tpu.vector_load_idx %arg4[%add3A_428] : memref<1040xf32, #tpu.memory_space<vmem>>[vector<16xi32>], vector<16xf32>,
        %swap3A_430 = arith.constant 1 : i32
        %swap3A_431 = arith.index_cast %scan3A_131 : i32 to index
        %swap3A_432 = arith.index_cast %swap3A_430 : i32 to index
        %swap3A_433 = arith.constant 32 : index
        %swap3A_434 = tpu.vector_load %arg7[%swap3A_431, %swap3A_432, %swap3A_433] {strides = array<i32>} : memref<32x8x128xf32, #tpu.memory_space<vmem>>, vector<16xf32>,
        tpu.vector_store %arg7[%swap3A_431, %swap3A_432, %swap3A_433], %gather3A_429 {strides = array<i32>} : memref<32x8x128xf32, #tpu.memory_space<vmem>>, vector<16xf32>,
        %add3A_435 = arith.constant 48 : i32
        %add3A_436 = arith.addi %multiple_of3A_3, %add3A_435 : i32
        %iota3A_437 = tpu.iota {dimensions = array<i32: 0>} : vector<16xi32>
        %add3A_438 = vector.broadcast %add3A_436 : i32 to vector<16xi32>
        %add3A_439 = arith.addi %add3A_438, %iota3A_437 : vector<16xi32>
        %sub3A_440 = vector.broadcast %add3A_132 : i32 to vector<16xi32>
        %sub3A_441 = arith.subi %add3A_439, %sub3A_440 : vector<16xi32>
        %jit3A_442 = arith.constant -32 : i32
        %jit3A_443 = arith.constant 32 : i32
        %max3A_444 = vector.broadcast %jit3A_442 : i32 to vector<16xi32>
        %max3A_445 = arith.maxsi %max3A_444, %sub3A_441 : vector<16xi32>
        %min3A_446 = vector.broadcast %jit3A_443 : i32 to vector<16xi32>
        %min3A_447 = arith.minsi %min3A_446, %max3A_445 : vector<16xi32>
        %add3A_448 = arith.constant 32 : i32
        %add3A_449 = vector.broadcast %add3A_448 : i32 to vector<16xi32>
        %add3A_450 = arith.addi %min3A_447, %add3A_449 : vector<16xi32>
        %mul3A_451 = arith.constant 16 : i32
        %mul3A_452 = vector.broadcast %mul3A_451 : i32 to vector<16xi32>
        %mul3A_453 = arith.muli %add3A_450, %mul3A_452 : vector<16xi32>
        %add3A_454 = vector.broadcast %add3A_353 : i32 to vector<16xi32>
        %add3A_455 = arith.addi %mul3A_453, %add3A_454 : vector<16xi32>
        %gather3A_456 = tpu.vector_load_idx %arg4[%add3A_455] : memref<1040xf32, #tpu.memory_space<vmem>>[vector<16xi32>], vector<16xf32>,
        %swap3A_457 = arith.constant 1 : i32
        %swap3A_458 = arith.index_cast %scan3A_131 : i32 to index
        %swap3A_459 = arith.index_cast %swap3A_457 : i32 to index
        %swap3A_460 = arith.constant 48 : index
        %swap3A_461 = tpu.vector_load %arg7[%swap3A_458, %swap3A_459, %swap3A_460] {strides = array<i32>} : memref<32x8x128xf32, #tpu.memory_space<vmem>>, vector<16xf32>,
        tpu.vector_store %arg7[%swap3A_458, %swap3A_459, %swap3A_460], %gather3A_456 {strides = array<i32>} : memref<32x8x128xf32, #tpu.memory_space<vmem>>, vector<16xf32>,
        %add3A_462 = arith.constant 64 : i32
        %add3A_463 = arith.addi %multiple_of3A_3, %add3A_462 : i32
        %iota3A_464 = tpu.iota {dimensions = array<i32: 0>} : vector<16xi32>
        %add3A_465 = vector.broadcast %add3A_463 : i32 to vector<16xi32>
        %add3A_466 = arith.addi %add3A_465, %iota3A_464 : vector<16xi32>
        %sub3A_467 = vector.broadcast %add3A_132 : i32 to vector<16xi32>
        %sub3A_468 = arith.subi %add3A_466, %sub3A_467 : vector<16xi32>
        %jit3A_469 = arith.constant -32 : i32
        %jit3A_470 = arith.constant 32 : i32
        %max3A_471 = vector.broadcast %jit3A_469 : i32 to vector<16xi32>
        %max3A_472 = arith.maxsi %max3A_471, %sub3A_468 : vector<16xi32>
        %min3A_473 = vector.broadcast %jit3A_470 : i32 to vector<16xi32>
        %min3A_474 = arith.minsi %min3A_473, %max3A_472 : vector<16xi32>
        %add3A_475 = arith.constant 32 : i32
        %add3A_476 = vector.broadcast %add3A_475 : i32 to vector<16xi32>
        %add3A_477 = arith.addi %min3A_474, %add3A_476 : vector<16xi32>
        %mul3A_478 = arith.constant 16 : i32
        %mul3A_479 = vector.broadcast %mul3A_478 : i32 to vector<16xi32>
        %mul3A_480 = arith.muli %add3A_477, %mul3A_479 : vector<16xi32>
        %add3A_481 = vector.broadcast %add3A_353 : i32 to vector<16xi32>
        %add3A_482 = arith.addi %mul3A_480, %add3A_481 : vector<16xi32>
        %gather3A_483 = tpu.vector_load_idx %arg4[%add3A_482] : memref<1040xf32, #tpu.memory_space<vmem>>[vector<16xi32>], vector<16xf32>,
        %swap3A_484 = arith.constant 1 : i32
        %swap3A_485 = arith.index_cast %scan3A_131 : i32 to index
        %swap3A_486 = arith.index_cast %swap3A_484 : i32 to index
        %swap3A_487 = arith.constant 64 : index
        %swap3A_488 = tpu.vector_load %arg7[%swap3A_485, %swap3A_486, %swap3A_487] {strides = array<i32>} : memref<32x8x128xf32, #tpu.memory_space<vmem>>, vector<16xf32>,
        tpu.vector_store %arg7[%swap3A_485, %swap3A_486, %swap3A_487], %gather3A_483 {strides = array<i32>} : memref<32x8x128xf32, #tpu.memory_space<vmem>>, vector<16xf32>,
        %add3A_489 = arith.constant 80 : i32
        %add3A_490 = arith.addi %multiple_of3A_3, %add3A_489 : i32
        %iota3A_491 = tpu.iota {dimensions = array<i32: 0>} : vector<16xi32>
        %add3A_492 = vector.broadcast %add3A_490 : i32 to vector<16xi32>
        %add3A_493 = arith.addi %add3A_492, %iota3A_491 : vector<16xi32>
        %sub3A_494 = vector.broadcast %add3A_132 : i32 to vector<16xi32>
        %sub3A_495 = arith.subi %add3A_493, %sub3A_494 : vector<16xi32>
        %jit3A_496 = arith.constant -32 : i32
        %jit3A_497 = arith.constant 32 : i32
        %max3A_498 = vector.broadcast %jit3A_496 : i32 to vector<16xi32>
        %max3A_499 = arith.maxsi %max3A_498, %sub3A_495 : vector<16xi32>
        %min3A_500 = vector.broadcast %jit3A_497 : i32 to vector<16xi32>
        %min3A_501 = arith.minsi %min3A_500, %max3A_499 : vector<16xi32>
        %add3A_502 = arith.constant 32 : i32
        %add3A_503 = vector.broadcast %add3A_502 : i32 to vector<16xi32>
        %add3A_504 = arith.addi %min3A_501, %add3A_503 : vector<16xi32>
        %mul3A_505 = arith.constant 16 : i32
        %mul3A_506 = vector.broadcast %mul3A_505 : i32 to vector<16xi32>
        %mul3A_507 = arith.muli %add3A_504, %mul3A_506 : vector<16xi32>
        %add3A_508 = vector.broadcast %add3A_353 : i32 to vector<16xi32>
        %add3A_509 = arith.addi %mul3A_507, %add3A_508 : vector<16xi32>
        %gather3A_510 = tpu.vector_load_idx %arg4[%add3A_509] : memref<1040xf32, #tpu.memory_space<vmem>>[vector<16xi32>], vector<16xf32>,
        %swap3A_511 = arith.constant 1 : i32
        %swap3A_512 = arith.index_cast %scan3A_131 : i32 to index
        %swap3A_513 = arith.index_cast %swap3A_511 : i32 to index
        %swap3A_514 = arith.constant 80 : index
        %swap3A_515 = tpu.vector_load %arg7[%swap3A_512, %swap3A_513, %swap3A_514] {strides = array<i32>} : memref<32x8x128xf32, #tpu.memory_space<vmem>>, vector<16xf32>,
        tpu.vector_store %arg7[%swap3A_512, %swap3A_513, %swap3A_514], %gather3A_510 {strides = array<i32>} : memref<32x8x128xf32, #tpu.memory_space<vmem>>, vector<16xf32>,
        %add3A_516 = arith.constant 96 : i32
        %add3A_517 = arith.addi %multiple_of3A_3, %add3A_516 : i32
        %iota3A_518 = tpu.iota {dimensions = array<i32: 0>} : vector<16xi32>
        %add3A_519 = vector.broadcast %add3A_517 : i32 to vector<16xi32>
        %add3A_520 = arith.addi %add3A_519, %iota3A_518 : vector<16xi32>
        %sub3A_521 = vector.broadcast %add3A_132 : i32 to vector<16xi32>
        %sub3A_522 = arith.subi %add3A_520, %sub3A_521 : vector<16xi32>
        %jit3A_523 = arith.constant -32 : i32
        %jit3A_524 = arith.constant 32 : i32
        %max3A_525 = vector.broadcast %jit3A_523 : i32 to vector<16xi32>
        %max3A_526 = arith.maxsi %max3A_525, %sub3A_522 : vector<16xi32>
        %min3A_527 = vector.broadcast %jit3A_524 : i32 to vector<16xi32>
        %min3A_528 = arith.minsi %min3A_527, %max3A_526 : vector<16xi32>
        %add3A_529 = arith.constant 32 : i32
        %add3A_530 = vector.broadcast %add3A_529 : i32 to vector<16xi32>
        %add3A_531 = arith.addi %min3A_528, %add3A_530 : vector<16xi32>
        %mul3A_532 = arith.constant 16 : i32
        %mul3A_533 = vector.broadcast %mul3A_532 : i32 to vector<16xi32>
        %mul3A_534 = arith.muli %add3A_531, %mul3A_533 : vector<16xi32>
        %add3A_535 = vector.broadcast %add3A_353 : i32 to vector<16xi32>
        %add3A_536 = arith.addi %mul3A_534, %add3A_535 : vector<16xi32>
        %gather3A_537 = tpu.vector_load_idx %arg4[%add3A_536] : memref<1040xf32, #tpu.memory_space<vmem>>[vector<16xi32>], vector<16xf32>,
        %swap3A_538 = arith.constant 1 : i32
        %swap3A_539 = arith.index_cast %scan3A_131 : i32 to index
        %swap3A_540 = arith.index_cast %swap3A_538 : i32 to index
        %swap3A_541 = arith.constant 96 : index
        %swap3A_542 = tpu.vector_load %arg7[%swap3A_539, %swap3A_540, %swap3A_541] {strides = array<i32>} : memref<32x8x128xf32, #tpu.memory_space<vmem>>, vector<16xf32>,
        tpu.vector_store %arg7[%swap3A_539, %swap3A_540, %swap3A_541], %gather3A_537 {strides = array<i32>} : memref<32x8x128xf32, #tpu.memory_space<vmem>>, vector<16xf32>,
        %add3A_543 = arith.constant 112 : i32
        %add3A_544 = arith.addi %multiple_of3A_3, %add3A_543 : i32
        %iota3A_545 = tpu.iota {dimensions = array<i32: 0>} : vector<16xi32>
        %add3A_546 = vector.broadcast %add3A_544 : i32 to vector<16xi32>
        %add3A_547 = arith.addi %add3A_546, %iota3A_545 : vector<16xi32>
        %sub3A_548 = vector.broadcast %add3A_132 : i32 to vector<16xi32>
        %sub3A_549 = arith.subi %add3A_547, %sub3A_548 : vector<16xi32>
        %jit3A_550 = arith.constant -32 : i32
        %jit3A_551 = arith.constant 32 : i32
        %max3A_552 = vector.broadcast %jit3A_550 : i32 to vector<16xi32>
        %max3A_553 = arith.maxsi %max3A_552, %sub3A_549 : vector<16xi32>
        %min3A_554 = vector.broadcast %jit3A_551 : i32 to vector<16xi32>
        %min3A_555 = arith.minsi %min3A_554, %max3A_553 : vector<16xi32>
        %add3A_556 = arith.constant 32 : i32
        %add3A_557 = vector.broadcast %add3A_556 : i32 to vector<16xi32>
        %add3A_558 = arith.addi %min3A_555, %add3A_557 : vector<16xi32>
        %mul3A_559 = arith.constant 16 : i32
        %mul3A_560 = vector.broadcast %mul3A_559 : i32 to vector<16xi32>
        %mul3A_561 = arith.muli %add3A_558, %mul3A_560 : vector<16xi32>
        %add3A_562 = vector.broadcast %add3A_353 : i32 to vector<16xi32>
        %add3A_563 = arith.addi %mul3A_561, %add3A_562 : vector<16xi32>
        %gather3A_564 = tpu.vector_load_idx %arg4[%add3A_563] : memref<1040xf32, #tpu.memory_space<vmem>>[vector<16xi32>], vector<16xf32>,
        %swap3A_565 = arith.constant 1 : i32
        %swap3A_566 = arith.index_cast %scan3A_131 : i32 to index
        %swap3A_567 = arith.index_cast %swap3A_565 : i32 to index
        %swap3A_568 = arith.constant 112 : index
        %swap3A_569 = tpu.vector_load %arg7[%swap3A_566, %swap3A_567, %swap3A_568] {strides = array<i32>} : memref<32x8x128xf32, #tpu.memory_space<vmem>>, vector<16xf32>,
        tpu.vector_store %arg7[%swap3A_566, %swap3A_567, %swap3A_568], %gather3A_564 {strides = array<i32>} : memref<32x8x128xf32, #tpu.memory_space<vmem>>, vector<16xf32>,
        %mul3A_570 = arith.constant 8 : i32
        %mul3A_571 = arith.muli %mul3A_570, %arg0 : i32
        %add3A_572 = arith.constant 2 : i32
        %add3A_573 = arith.addi %mul3A_571, %add3A_572 : i32
        %add3A_574 = arith.constant 0 : i32
        %add3A_575 = arith.addi %multiple_of3A_3, %add3A_574 : i32
        %iota3A_576 = tpu.iota {dimensions = array<i32: 0>} : vector<16xi32>
        %add3A_577 = vector.broadcast %add3A_575 : i32 to vector<16xi32>
        %add3A_578 = arith.addi %add3A_577, %iota3A_576 : vector<16xi32>
        %sub3A_579 = vector.broadcast %add3A_132 : i32 to vector<16xi32>
        %sub3A_580 = arith.subi %add3A_578, %sub3A_579 : vector<16xi32>
        %jit3A_581 = arith.constant -32 : i32
        %jit3A_582 = arith.constant 32 : i32
        %max3A_583 = vector.broadcast %jit3A_581 : i32 to vector<16xi32>
        %max3A_584 = arith.maxsi %max3A_583, %sub3A_580 : vector<16xi32>
        %min3A_585 = vector.broadcast %jit3A_582 : i32 to vector<16xi32>
        %min3A_586 = arith.minsi %min3A_585, %max3A_584 : vector<16xi32>
        %add3A_587 = arith.constant 32 : i32
        %add3A_588 = vector.broadcast %add3A_587 : i32 to vector<16xi32>
        %add3A_589 = arith.addi %min3A_586, %add3A_588 : vector<16xi32>
        %mul3A_590 = arith.constant 16 : i32
        %mul3A_591 = vector.broadcast %mul3A_590 : i32 to vector<16xi32>
        %mul3A_592 = arith.muli %add3A_589, %mul3A_591 : vector<16xi32>
        %add3A_593 = vector.broadcast %add3A_573 : i32 to vector<16xi32>
        %add3A_594 = arith.addi %mul3A_592, %add3A_593 : vector<16xi32>
        %gather3A_595 = tpu.vector_load_idx %arg4[%add3A_594] : memref<1040xf32, #tpu.memory_space<vmem>>[vector<16xi32>], vector<16xf32>,
        %swap3A_596 = arith.constant 2 : i32
        %swap3A_597 = arith.index_cast %scan3A_131 : i32 to index
        %swap3A_598 = arith.index_cast %swap3A_596 : i32 to index
        %swap3A_599 = arith.constant 0 : index
        %swap3A_600 = tpu.vector_load %arg7[%swap3A_597, %swap3A_598, %swap3A_599] {strides = array<i32>} : memref<32x8x128xf32, #tpu.memory_space<vmem>>, vector<16xf32>,
        tpu.vector_store %arg7[%swap3A_597, %swap3A_598, %swap3A_599], %gather3A_595 {strides = array<i32>} : memref<32x8x128xf32, #tpu.memory_space<vmem>>, vector<16xf32>,
        %add3A_601 = arith.constant 16 : i32
        %add3A_602 = arith.addi %multiple_of3A_3, %add3A_601 : i32
        %iota3A_603 = tpu.iota {dimensions = array<i32: 0>} : vector<16xi32>
        %add3A_604 = vector.broadcast %add3A_602 : i32 to vector<16xi32>
        %add3A_605 = arith.addi %add3A_604, %iota3A_603 : vector<16xi32>
        %sub3A_606 = vector.broadcast %add3A_132 : i32 to vector<16xi32>
        %sub3A_607 = arith.subi %add3A_605, %sub3A_606 : vector<16xi32>
        %jit3A_608 = arith.constant -32 : i32
        %jit3A_609 = arith.constant 32 : i32
        %max3A_610 = vector.broadcast %jit3A_608 : i32 to vector<16xi32>
        %max3A_611 = arith.maxsi %max3A_610, %sub3A_607 : vector<16xi32>
        %min3A_612 = vector.broadcast %jit3A_609 : i32 to vector<16xi32>
        %min3A_613 = arith.minsi %min3A_612, %max3A_611 : vector<16xi32>
        %add3A_614 = arith.constant 32 : i32
        %add3A_615 = vector.broadcast %add3A_614 : i32 to vector<16xi32>
        %add3A_616 = arith.addi %min3A_613, %add3A_615 : vector<16xi32>
        %mul3A_617 = arith.constant 16 : i32
        %mul3A_618 = vector.broadcast %mul3A_617 : i32 to vector<16xi32>
        %mul3A_619 = arith.muli %add3A_616, %mul3A_618 : vector<16xi32>
        %add3A_620 = vector.broadcast %add3A_573 : i32 to vector<16xi32>
        %add3A_621 = arith.addi %mul3A_619, %add3A_620 : vector<16xi32>
        %gather3A_622 = tpu.vector_load_idx %arg4[%add3A_621] : memref<1040xf32, #tpu.memory_space<vmem>>[vector<16xi32>], vector<16xf32>,
        %swap3A_623 = arith.constant 2 : i32
        %swap3A_624 = arith.index_cast %scan3A_131 : i32 to index
        %swap3A_625 = arith.index_cast %swap3A_623 : i32 to index
        %swap3A_626 = arith.constant 16 : index
        %swap3A_627 = tpu.vector_load %arg7[%swap3A_624, %swap3A_625, %swap3A_626] {strides = array<i32>} : memref<32x8x128xf32, #tpu.memory_space<vmem>>, vector<16xf32>,
        tpu.vector_store %arg7[%swap3A_624, %swap3A_625, %swap3A_626], %gather3A_622 {strides = array<i32>} : memref<32x8x128xf32, #tpu.memory_space<vmem>>, vector<16xf32>,
        %add3A_628 = arith.constant 32 : i32
        %add3A_629 = arith.addi %multiple_of3A_3, %add3A_628 : i32
        %iota3A_630 = tpu.iota {dimensions = array<i32: 0>} : vector<16xi32>
        %add3A_631 = vector.broadcast %add3A_629 : i32 to vector<16xi32>
        %add3A_632 = arith.addi %add3A_631, %iota3A_630 : vector<16xi32>
        %sub3A_633 = vector.broadcast %add3A_132 : i32 to vector<16xi32>
        %sub3A_634 = arith.subi %add3A_632, %sub3A_633 : vector<16xi32>
        %jit3A_635 = arith.constant -32 : i32
        %jit3A_636 = arith.constant 32 : i32
        %max3A_637 = vector.broadcast %jit3A_635 : i32 to vector<16xi32>
        %max3A_638 = arith.maxsi %max3A_637, %sub3A_634 : vector<16xi32>
        %min3A_639 = vector.broadcast %jit3A_636 : i32 to vector<16xi32>
        %min3A_640 = arith.minsi %min3A_639, %max3A_638 : vector<16xi32>
        %add3A_641 = arith.constant 32 : i32
        %add3A_642 = vector.broadcast %add3A_641 : i32 to vector<16xi32>
        %add3A_643 = arith.addi %min3A_640, %add3A_642 : vector<16xi32>
        %mul3A_644 = arith.constant 16 : i32
        %mul3A_645 = vector.broadcast %mul3A_644 : i32 to vector<16xi32>
        %mul3A_646 = arith.muli %add3A_643, %mul3A_645 : vector<16xi32>
        %add3A_647 = vector.broadcast %add3A_573 : i32 to vector<16xi32>
        %add3A_648 = arith.addi %mul3A_646, %add3A_647 : vector<16xi32>
        %gather3A_649 = tpu.vector_load_idx %arg4[%add3A_648] : memref<1040xf32, #tpu.memory_space<vmem>>[vector<16xi32>], vector<16xf32>,
        %swap3A_650 = arith.constant 2 : i32
        %swap3A_651 = arith.index_cast %scan3A_131 : i32 to index
        %swap3A_652 = arith.index_cast %swap3A_650 : i32 to index
        %swap3A_653 = arith.constant 32 : index
        %swap3A_654 = tpu.vector_load %arg7[%swap3A_651, %swap3A_652, %swap3A_653] {strides = array<i32>} : memref<32x8x128xf32, #tpu.memory_space<vmem>>, vector<16xf32>,
        tpu.vector_store %arg7[%swap3A_651, %swap3A_652, %swap3A_653], %gather3A_649 {strides = array<i32>} : memref<32x8x128xf32, #tpu.memory_space<vmem>>, vector<16xf32>,
        %add3A_655 = arith.constant 48 : i32
        %add3A_656 = arith.addi %multiple_of3A_3, %add3A_655 : i32
        %iota3A_657 = tpu.iota {dimensions = array<i32: 0>} : vector<16xi32>
        %add3A_658 = vector.broadcast %add3A_656 : i32 to vector<16xi32>
        %add3A_659 = arith.addi %add3A_658, %iota3A_657 : vector<16xi32>
        %sub3A_660 = vector.broadcast %add3A_132 : i32 to vector<16xi32>
        %sub3A_661 = arith.subi %add3A_659, %sub3A_660 : vector<16xi32>
        %jit3A_662 = arith.constant -32 : i32
        %jit3A_663 = arith.constant 32 : i32
        %max3A_664 = vector.broadcast %jit3A_662 : i32 to vector<16xi32>
        %max3A_665 = arith.maxsi %max3A_664, %sub3A_661 : vector<16xi32>
        %min3A_666 = vector.broadcast %jit3A_663 : i32 to vector<16xi32>
        %min3A_667 = arith.minsi %min3A_666, %max3A_665 : vector<16xi32>
        %add3A_668 = arith.constant 32 : i32
        %add3A_669 = vector.broadcast %add3A_668 : i32 to vector<16xi32>
        %add3A_670 = arith.addi %min3A_667, %add3A_669 : vector<16xi32>
        %mul3A_671 = arith.constant 16 : i32
        %mul3A_672 = vector.broadcast %mul3A_671 : i32 to vector<16xi32>
        %mul3A_673 = arith.muli %add3A_670, %mul3A_672 : vector<16xi32>
        %add3A_674 = vector.broadcast %add3A_573 : i32 to vector<16xi32>
        %add3A_675 = arith.addi %mul3A_673, %add3A_674 : vector<16xi32>
        %gather3A_676 = tpu.vector_load_idx %arg4[%add3A_675] : memref<1040xf32, #tpu.memory_space<vmem>>[vector<16xi32>], vector<16xf32>,
        %swap3A_677 = arith.constant 2 : i32
        %swap3A_678 = arith.index_cast %scan3A_131 : i32 to index
        %swap3A_679 = arith.index_cast %swap3A_677 : i32 to index
        %swap3A_680 = arith.constant 48 : index
        %swap3A_681 = tpu.vector_load %arg7[%swap3A_678, %swap3A_679, %swap3A_680] {strides = array<i32>} : memref<32x8x128xf32, #tpu.memory_space<vmem>>, vector<16xf32>,
        tpu.vector_store %arg7[%swap3A_678, %swap3A_679, %swap3A_680], %gather3A_676 {strides = array<i32>} : memref<32x8x128xf32, #tpu.memory_space<vmem>>, vector<16xf32>,
        %add3A_682 = arith.constant 64 : i32
        %add3A_683 = arith.addi %multiple_of3A_3, %add3A_682 : i32
        %iota3A_684 = tpu.iota {dimensions = array<i32: 0>} : vector<16xi32>
        %add3A_685 = vector.broadcast %add3A_683 : i32 to vector<16xi32>
        %add3A_686 = arith.addi %add3A_685, %iota3A_684 : vector<16xi32>
        %sub3A_687 = vector.broadcast %add3A_132 : i32 to vector<16xi32>
        %sub3A_688 = arith.subi %add3A_686, %sub3A_687 : vector<16xi32>
        %jit3A_689 = arith.constant -32 : i32
        %jit3A_690 = arith.constant 32 : i32
        %max3A_691 = vector.broadcast %jit3A_689 : i32 to vector<16xi32>
        %max3A_692 = arith.maxsi %max3A_691, %sub3A_688 : vector<16xi32>
        %min3A_693 = vector.broadcast %jit3A_690 : i32 to vector<16xi32>
        %min3A_694 = arith.minsi %min3A_693, %max3A_692 : vector<16xi32>
        %add3A_695 = arith.constant 32 : i32
        %add3A_696 = vector.broadcast %add3A_695 : i32 to vector<16xi32>
        %add3A_697 = arith.addi %min3A_694, %add3A_696 : vector<16xi32>
        %mul3A_698 = arith.constant 16 : i32
        %mul3A_699 = vector.broadcast %mul3A_698 : i32 to vector<16xi32>
        %mul3A_700 = arith.muli %add3A_697, %mul3A_699 : vector<16xi32>
        %add3A_701 = vector.broadcast %add3A_573 : i32 to vector<16xi32>
        %add3A_702 = arith.addi %mul3A_700, %add3A_701 : vector<16xi32>
        %gather3A_703 = tpu.vector_load_idx %arg4[%add3A_702] : memref<1040xf32, #tpu.memory_space<vmem>>[vector<16xi32>], vector<16xf32>,
        %swap3A_704 = arith.constant 2 : i32
        %swap3A_705 = arith.index_cast %scan3A_131 : i32 to index
        %swap3A_706 = arith.index_cast %swap3A_704 : i32 to index
        %swap3A_707 = arith.constant 64 : index
        %swap3A_708 = tpu.vector_load %arg7[%swap3A_705, %swap3A_706, %swap3A_707] {strides = array<i32>} : memref<32x8x128xf32, #tpu.memory_space<vmem>>, vector<16xf32>,
        tpu.vector_store %arg7[%swap3A_705, %swap3A_706, %swap3A_707], %gather3A_703 {strides = array<i32>} : memref<32x8x128xf32, #tpu.memory_space<vmem>>, vector<16xf32>,
        %add3A_709 = arith.constant 80 : i32
        %add3A_710 = arith.addi %multiple_of3A_3, %add3A_709 : i32
        %iota3A_711 = tpu.iota {dimensions = array<i32: 0>} : vector<16xi32>
        %add3A_712 = vector.broadcast %add3A_710 : i32 to vector<16xi32>
        %add3A_713 = arith.addi %add3A_712, %iota3A_711 : vector<16xi32>
        %sub3A_714 = vector.broadcast %add3A_132 : i32 to vector<16xi32>
        %sub3A_715 = arith.subi %add3A_713, %sub3A_714 : vector<16xi32>
        %jit3A_716 = arith.constant -32 : i32
        %jit3A_717 = arith.constant 32 : i32
        %max3A_718 = vector.broadcast %jit3A_716 : i32 to vector<16xi32>
        %max3A_719 = arith.maxsi %max3A_718, %sub3A_715 : vector<16xi32>
        %min3A_720 = vector.broadcast %jit3A_717 : i32 to vector<16xi32>
        %min3A_721 = arith.minsi %min3A_720, %max3A_719 : vector<16xi32>
        %add3A_722 = arith.constant 32 : i32
        %add3A_723 = vector.broadcast %add3A_722 : i32 to vector<16xi32>
        %add3A_724 = arith.addi %min3A_721, %add3A_723 : vector<16xi32>
        %mul3A_725 = arith.constant 16 : i32
        %mul3A_726 = vector.broadcast %mul3A_725 : i32 to vector<16xi32>
        %mul3A_727 = arith.muli %add3A_724, %mul3A_726 : vector<16xi32>
        %add3A_728 = vector.broadcast %add3A_573 : i32 to vector<16xi32>
        %add3A_729 = arith.addi %mul3A_727, %add3A_728 : vector<16xi32>
        %gather3A_730 = tpu.vector_load_idx %arg4[%add3A_729] : memref<1040xf32, #tpu.memory_space<vmem>>[vector<16xi32>], vector<16xf32>,
        %swap3A_731 = arith.constant 2 : i32
        %swap3A_732 = arith.index_cast %scan3A_131 : i32 to index
        %swap3A_733 = arith.index_cast %swap3A_731 : i32 to index
        %swap3A_734 = arith.constant 80 : index
        %swap3A_735 = tpu.vector_load %arg7[%swap3A_732, %swap3A_733, %swap3A_734] {strides = array<i32>} : memref<32x8x128xf32, #tpu.memory_space<vmem>>, vector<16xf32>,
        tpu.vector_store %arg7[%swap3A_732, %swap3A_733, %swap3A_734], %gather3A_730 {strides = array<i32>} : memref<32x8x128xf32, #tpu.memory_space<vmem>>, vector<16xf32>,
        %add3A_736 = arith.constant 96 : i32
        %add3A_737 = arith.addi %multiple_of3A_3, %add3A_736 : i32
        %iota3A_738 = tpu.iota {dimensions = array<i32: 0>} : vector<16xi32>
        %add3A_739 = vector.broadcast %add3A_737 : i32 to vector<16xi32>
        %add3A_740 = arith.addi %add3A_739, %iota3A_738 : vector<16xi32>
        %sub3A_741 = vector.broadcast %add3A_132 : i32 to vector<16xi32>
        %sub3A_742 = arith.subi %add3A_740, %sub3A_741 : vector<16xi32>
        %jit3A_743 = arith.constant -32 : i32
        %jit3A_744 = arith.constant 32 : i32
        %max3A_745 = vector.broadcast %jit3A_743 : i32 to vector<16xi32>
        %max3A_746 = arith.maxsi %max3A_745, %sub3A_742 : vector<16xi32>
        %min3A_747 = vector.broadcast %jit3A_744 : i32 to vector<16xi32>
        %min3A_748 = arith.minsi %min3A_747, %max3A_746 : vector<16xi32>
        %add3A_749 = arith.constant 32 : i32
        %add3A_750 = vector.broadcast %add3A_749 : i32 to vector<16xi32>
        %add3A_751 = arith.addi %min3A_748, %add3A_750 : vector<16xi32>
        %mul3A_752 = arith.constant 16 : i32
        %mul3A_753 = vector.broadcast %mul3A_752 : i32 to vector<16xi32>
        %mul3A_754 = arith.muli %add3A_751, %mul3A_753 : vector<16xi32>
        %add3A_755 = vector.broadcast %add3A_573 : i32 to vector<16xi32>
        %add3A_756 = arith.addi %mul3A_754, %add3A_755 : vector<16xi32>
        %gather3A_757 = tpu.vector_load_idx %arg4[%add3A_756] : memref<1040xf32, #tpu.memory_space<vmem>>[vector<16xi32>], vector<16xf32>,
        %swap3A_758 = arith.constant 2 : i32
        %swap3A_759 = arith.index_cast %scan3A_131 : i32 to index
        %swap3A_760 = arith.index_cast %swap3A_758 : i32 to index
        %swap3A_761 = arith.constant 96 : index
        %swap3A_762 = tpu.vector_load %arg7[%swap3A_759, %swap3A_760, %swap3A_761] {strides = array<i32>} : memref<32x8x128xf32, #tpu.memory_space<vmem>>, vector<16xf32>,
        tpu.vector_store %arg7[%swap3A_759, %swap3A_760, %swap3A_761], %gather3A_757 {strides = array<i32>} : memref<32x8x128xf32, #tpu.memory_space<vmem>>, vector<16xf32>,
        %add3A_763 = arith.constant 112 : i32
        %add3A_764 = arith.addi %multiple_of3A_3, %add3A_763 : i32
        %iota3A_765 = tpu.iota {dimensions = array<i32: 0>} : vector<16xi32>
        %add3A_766 = vector.broadcast %add3A_764 : i32 to vector<16xi32>
        %add3A_767 = arith.addi %add3A_766, %iota3A_765 : vector<16xi32>
        %sub3A_768 = vector.broadcast %add3A_132 : i32 to vector<16xi32>
        %sub3A_769 = arith.subi %add3A_767, %sub3A_768 : vector<16xi32>
        %jit3A_770 = arith.constant -32 : i32
        %jit3A_771 = arith.constant 32 : i32
        %max3A_772 = vector.broadcast %jit3A_770 : i32 to vector<16xi32>
        %max3A_773 = arith.maxsi %max3A_772, %sub3A_769 : vector<16xi32>
        %min3A_774 = vector.broadcast %jit3A_771 : i32 to vector<16xi32>
        %min3A_775 = arith.minsi %min3A_774, %max3A_773 : vector<16xi32>
        %add3A_776 = arith.constant 32 : i32
        %add3A_777 = vector.broadcast %add3A_776 : i32 to vector<16xi32>
        %add3A_778 = arith.addi %min3A_775, %add3A_777 : vector<16xi32>
        %mul3A_779 = arith.constant 16 : i32
        %mul3A_780 = vector.broadcast %mul3A_779 : i32 to vector<16xi32>
        %mul3A_781 = arith.muli %add3A_778, %mul3A_780 : vector<16xi32>
        %add3A_782 = vector.broadcast %add3A_573 : i32 to vector<16xi32>
        %add3A_783 = arith.addi %mul3A_781, %add3A_782 : vector<16xi32>
        %gather3A_784 = tpu.vector_load_idx %arg4[%add3A_783] : memref<1040xf32, #tpu.memory_space<vmem>>[vector<16xi32>], vector<16xf32>,
        %swap3A_785 = arith.constant 2 : i32
        %swap3A_786 = arith.index_cast %scan3A_131 : i32 to index
        %swap3A_787 = arith.index_cast %swap3A_785 : i32 to index
        %swap3A_788 = arith.constant 112 : index
        %swap3A_789 = tpu.vector_load %arg7[%swap3A_786, %swap3A_787, %swap3A_788] {strides = array<i32>} : memref<32x8x128xf32, #tpu.memory_space<vmem>>, vector<16xf32>,
        tpu.vector_store %arg7[%swap3A_786, %swap3A_787, %swap3A_788], %gather3A_784 {strides = array<i32>} : memref<32x8x128xf32, #tpu.memory_space<vmem>>, vector<16xf32>,
        %mul3A_790 = arith.constant 8 : i32
        %mul3A_791 = arith.muli %mul3A_790, %arg0 : i32
        %add3A_792 = arith.constant 3 : i32
        %add3A_793 = arith.addi %mul3A_791, %add3A_792 : i32
        %add3A_794 = arith.constant 0 : i32
        %add3A_795 = arith.addi %multiple_of3A_3, %add3A_794 : i32
        %iota3A_796 = tpu.iota {dimensions = array<i32: 0>} : vector<16xi32>
        %add3A_797 = vector.broadcast %add3A_795 : i32 to vector<16xi32>
        %add3A_798 = arith.addi %add3A_797, %iota3A_796 : vector<16xi32>
        %sub3A_799 = vector.broadcast %add3A_132 : i32 to vector<16xi32>
        %sub3A_800 = arith.subi %add3A_798, %sub3A_799 : vector<16xi32>
        %jit3A_801 = arith.constant -32 : i32
        %jit3A_802 = arith.constant 32 : i32
        %max3A_803 = vector.broadcast %jit3A_801 : i32 to vector<16xi32>
        %max3A_804 = arith.maxsi %max3A_803, %sub3A_800 : vector<16xi32>
        %min3A_805 = vector.broadcast %jit3A_802 : i32 to vector<16xi32>
        %min3A_806 = arith.minsi %min3A_805, %max3A_804 : vector<16xi32>
        %add3A_807 = arith.constant 32 : i32
        %add3A_808 = vector.broadcast %add3A_807 : i32 to vector<16xi32>
        %add3A_809 = arith.addi %min3A_806, %add3A_808 : vector<16xi32>
        %mul3A_810 = arith.constant 16 : i32
        %mul3A_811 = vector.broadcast %mul3A_810 : i32 to vector<16xi32>
        %mul3A_812 = arith.muli %add3A_809, %mul3A_811 : vector<16xi32>
        %add3A_813 = vector.broadcast %add3A_793 : i32 to vector<16xi32>
        %add3A_814 = arith.addi %mul3A_812, %add3A_813 : vector<16xi32>
        %gather3A_815 = tpu.vector_load_idx %arg4[%add3A_814] : memref<1040xf32, #tpu.memory_space<vmem>>[vector<16xi32>], vector<16xf32>,
        %swap3A_816 = arith.constant 3 : i32
        %swap3A_817 = arith.index_cast %scan3A_131 : i32 to index
        %swap3A_818 = arith.index_cast %swap3A_816 : i32 to index
        %swap3A_819 = arith.constant 0 : index
        %swap3A_820 = tpu.vector_load %arg7[%swap3A_817, %swap3A_818, %swap3A_819] {strides = array<i32>} : memref<32x8x128xf32, #tpu.memory_space<vmem>>, vector<16xf32>,
        tpu.vector_store %arg7[%swap3A_817, %swap3A_818, %swap3A_819], %gather3A_815 {strides = array<i32>} : memref<32x8x128xf32, #tpu.memory_space<vmem>>, vector<16xf32>,
        %add3A_821 = arith.constant 16 : i32
        %add3A_822 = arith.addi %multiple_of3A_3, %add3A_821 : i32
        %iota3A_823 = tpu.iota {dimensions = array<i32: 0>} : vector<16xi32>
        %add3A_824 = vector.broadcast %add3A_822 : i32 to vector<16xi32>
        %add3A_825 = arith.addi %add3A_824, %iota3A_823 : vector<16xi32>
        %sub3A_826 = vector.broadcast %add3A_132 : i32 to vector<16xi32>
        %sub3A_827 = arith.subi %add3A_825, %sub3A_826 : vector<16xi32>
        %jit3A_828 = arith.constant -32 : i32
        %jit3A_829 = arith.constant 32 : i32
        %max3A_830 = vector.broadcast %jit3A_828 : i32 to vector<16xi32>
        %max3A_831 = arith.maxsi %max3A_830, %sub3A_827 : vector<16xi32>
        %min3A_832 = vector.broadcast %jit3A_829 : i32 to vector<16xi32>
        %min3A_833 = arith.minsi %min3A_832, %max3A_831 : vector<16xi32>
        %add3A_834 = arith.constant 32 : i32
        %add3A_835 = vector.broadcast %add3A_834 : i32 to vector<16xi32>
        %add3A_836 = arith.addi %min3A_833, %add3A_835 : vector<16xi32>
        %mul3A_837 = arith.constant 16 : i32
        %mul3A_838 = vector.broadcast %mul3A_837 : i32 to vector<16xi32>
        %mul3A_839 = arith.muli %add3A_836, %mul3A_838 : vector<16xi32>
        %add3A_840 = vector.broadcast %add3A_793 : i32 to vector<16xi32>
        %add3A_841 = arith.addi %mul3A_839, %add3A_840 : vector<16xi32>
        %gather3A_842 = tpu.vector_load_idx %arg4[%add3A_841] : memref<1040xf32, #tpu.memory_space<vmem>>[vector<16xi32>], vector<16xf32>,
        %swap3A_843 = arith.constant 3 : i32
        %swap3A_844 = arith.index_cast %scan3A_131 : i32 to index
        %swap3A_845 = arith.index_cast %swap3A_843 : i32 to index
        %swap3A_846 = arith.constant 16 : index
        %swap3A_847 = tpu.vector_load %arg7[%swap3A_844, %swap3A_845, %swap3A_846] {strides = array<i32>} : memref<32x8x128xf32, #tpu.memory_space<vmem>>, vector<16xf32>,
        tpu.vector_store %arg7[%swap3A_844, %swap3A_845, %swap3A_846], %gather3A_842 {strides = array<i32>} : memref<32x8x128xf32, #tpu.memory_space<vmem>>, vector<16xf32>,
        %add3A_848 = arith.constant 32 : i32
        %add3A_849 = arith.addi %multiple_of3A_3, %add3A_848 : i32
        %iota3A_850 = tpu.iota {dimensions = array<i32: 0>} : vector<16xi32>
        %add3A_851 = vector.broadcast %add3A_849 : i32 to vector<16xi32>
        %add3A_852 = arith.addi %add3A_851, %iota3A_850 : vector<16xi32>
        %sub3A_853 = vector.broadcast %add3A_132 : i32 to vector<16xi32>
        %sub3A_854 = arith.subi %add3A_852, %sub3A_853 : vector<16xi32>
        %jit3A_855 = arith.constant -32 : i32
        %jit3A_856 = arith.constant 32 : i32
        %max3A_857 = vector.broadcast %jit3A_855 : i32 to vector<16xi32>
        %max3A_858 = arith.maxsi %max3A_857, %sub3A_854 : vector<16xi32>
        %min3A_859 = vector.broadcast %jit3A_856 : i32 to vector<16xi32>
        %min3A_860 = arith.minsi %min3A_859, %max3A_858 : vector<16xi32>
        %add3A_861 = arith.constant 32 : i32
        %add3A_862 = vector.broadcast %add3A_861 : i32 to vector<16xi32>
        %add3A_863 = arith.addi %min3A_860, %add3A_862 : vector<16xi32>
        %mul3A_864 = arith.constant 16 : i32
        %mul3A_865 = vector.broadcast %mul3A_864 : i32 to vector<16xi32>
        %mul3A_866 = arith.muli %add3A_863, %mul3A_865 : vector<16xi32>
        %add3A_867 = vector.broadcast %add3A_793 : i32 to vector<16xi32>
        %add3A_868 = arith.addi %mul3A_866, %add3A_867 : vector<16xi32>
        %gather3A_869 = tpu.vector_load_idx %arg4[%add3A_868] : memref<1040xf32, #tpu.memory_space<vmem>>[vector<16xi32>], vector<16xf32>,
        %swap3A_870 = arith.constant 3 : i32
        %swap3A_871 = arith.index_cast %scan3A_131 : i32 to index
        %swap3A_872 = arith.index_cast %swap3A_870 : i32 to index
        %swap3A_873 = arith.constant 32 : index
        %swap3A_874 = tpu.vector_load %arg7[%swap3A_871, %swap3A_872, %swap3A_873] {strides = array<i32>} : memref<32x8x128xf32, #tpu.memory_space<vmem>>, vector<16xf32>,
        tpu.vector_store %arg7[%swap3A_871, %swap3A_872, %swap3A_873], %gather3A_869 {strides = array<i32>} : memref<32x8x128xf32, #tpu.memory_space<vmem>>, vector<16xf32>,
        %add3A_875 = arith.constant 48 : i32
        %add3A_876 = arith.addi %multiple_of3A_3, %add3A_875 : i32
        %iota3A_877 = tpu.iota {dimensions = array<i32: 0>} : vector<16xi32>
        %add3A_878 = vector.broadcast %add3A_876 : i32 to vector<16xi32>
        %add3A_879 = arith.addi %add3A_878, %iota3A_877 : vector<16xi32>
        %sub3A_880 = vector.broadcast %add3A_132 : i32 to vector<16xi32>
        %sub3A_881 = arith.subi %add3A_879, %sub3A_880 : vector<16xi32>
        %jit3A_882 = arith.constant -32 : i32
        %jit3A_883 = arith.constant 32 : i32
        %max3A_884 = vector.broadcast %jit3A_882 : i32 to vector<16xi32>
        %max3A_885 = arith.maxsi %max3A_884, %sub3A_881 : vector<16xi32>
        %min3A_886 = vector.broadcast %jit3A_883 : i32 to vector<16xi32>
        %min3A_887 = arith.minsi %min3A_886, %max3A_885 : vector<16xi32>
        %add3A_888 = arith.constant 32 : i32
        %add3A_889 = vector.broadcast %add3A_888 : i32 to vector<16xi32>
        %add3A_890 = arith.addi %min3A_887, %add3A_889 : vector<16xi32>
        %mul3A_891 = arith.constant 16 : i32
        %mul3A_892 = vector.broadcast %mul3A_891 : i32 to vector<16xi32>
        %mul3A_893 = arith.muli %add3A_890, %mul3A_892 : vector<16xi32>
        %add3A_894 = vector.broadcast %add3A_793 : i32 to vector<16xi32>
        %add3A_895 = arith.addi %mul3A_893, %add3A_894 : vector<16xi32>
        %gather3A_896 = tpu.vector_load_idx %arg4[%add3A_895] : memref<1040xf32, #tpu.memory_space<vmem>>[vector<16xi32>], vector<16xf32>,
        %swap3A_897 = arith.constant 3 : i32
        %swap3A_898 = arith.index_cast %scan3A_131 : i32 to index
        %swap3A_899 = arith.index_cast %swap3A_897 : i32 to index
        %swap3A_900 = arith.constant 48 : index
        %swap3A_901 = tpu.vector_load %arg7[%swap3A_898, %swap3A_899, %swap3A_900] {strides = array<i32>} : memref<32x8x128xf32, #tpu.memory_space<vmem>>, vector<16xf32>,
        tpu.vector_store %arg7[%swap3A_898, %swap3A_899, %swap3A_900], %gather3A_896 {strides = array<i32>} : memref<32x8x128xf32, #tpu.memory_space<vmem>>, vector<16xf32>,
        %add3A_902 = arith.constant 64 : i32
        %add3A_903 = arith.addi %multiple_of3A_3, %add3A_902 : i32
        %iota3A_904 = tpu.iota {dimensions = array<i32: 0>} : vector<16xi32>
        %add3A_905 = vector.broadcast %add3A_903 : i32 to vector<16xi32>
        %add3A_906 = arith.addi %add3A_905, %iota3A_904 : vector<16xi32>
        %sub3A_907 = vector.broadcast %add3A_132 : i32 to vector<16xi32>
        %sub3A_908 = arith.subi %add3A_906, %sub3A_907 : vector<16xi32>
        %jit3A_909 = arith.constant -32 : i32
        %jit3A_910 = arith.constant 32 : i32
        %max3A_911 = vector.broadcast %jit3A_909 : i32 to vector<16xi32>
        %max3A_912 = arith.maxsi %max3A_911, %sub3A_908 : vector<16xi32>
        %min3A_913 = vector.broadcast %jit3A_910 : i32 to vector<16xi32>
        %min3A_914 = arith.minsi %min3A_913, %max3A_912 : vector<16xi32>
        %add3A_915 = arith.constant 32 : i32
        %add3A_916 = vector.broadcast %add3A_915 : i32 to vector<16xi32>
        %add3A_917 = arith.addi %min3A_914, %add3A_916 : vector<16xi32>
        %mul3A_918 = arith.constant 16 : i32
        %mul3A_919 = vector.broadcast %mul3A_918 : i32 to vector<16xi32>
        %mul3A_920 = arith.muli %add3A_917, %mul3A_919 : vector<16xi32>
        %add3A_921 = vector.broadcast %add3A_793 : i32 to vector<16xi32>
        %add3A_922 = arith.addi %mul3A_920, %add3A_921 : vector<16xi32>
        %gather3A_923 = tpu.vector_load_idx %arg4[%add3A_922] : memref<1040xf32, #tpu.memory_space<vmem>>[vector<16xi32>], vector<16xf32>,
        %swap3A_924 = arith.constant 3 : i32
        %swap3A_925 = arith.index_cast %scan3A_131 : i32 to index
        %swap3A_926 = arith.index_cast %swap3A_924 : i32 to index
        %swap3A_927 = arith.constant 64 : index
        %swap3A_928 = tpu.vector_load %arg7[%swap3A_925, %swap3A_926, %swap3A_927] {strides = array<i32>} : memref<32x8x128xf32, #tpu.memory_space<vmem>>, vector<16xf32>,
        tpu.vector_store %arg7[%swap3A_925, %swap3A_926, %swap3A_927], %gather3A_923 {strides = array<i32>} : memref<32x8x128xf32, #tpu.memory_space<vmem>>, vector<16xf32>,
        %add3A_929 = arith.constant 80 : i32
        %add3A_930 = arith.addi %multiple_of3A_3, %add3A_929 : i32
        %iota3A_931 = tpu.iota {dimensions = array<i32: 0>} : vector<16xi32>
        %add3A_932 = vector.broadcast %add3A_930 : i32 to vector<16xi32>
        %add3A_933 = arith.addi %add3A_932, %iota3A_931 : vector<16xi32>
        %sub3A_934 = vector.broadcast %add3A_132 : i32 to vector<16xi32>
        %sub3A_935 = arith.subi %add3A_933, %sub3A_934 : vector<16xi32>
        %jit3A_936 = arith.constant -32 : i32
        %jit3A_937 = arith.constant 32 : i32
        %max3A_938 = vector.broadcast %jit3A_936 : i32 to vector<16xi32>
        %max3A_939 = arith.maxsi %max3A_938, %sub3A_935 : vector<16xi32>
        %min3A_940 = vector.broadcast %jit3A_937 : i32 to vector<16xi32>
        %min3A_941 = arith.minsi %min3A_940, %max3A_939 : vector<16xi32>
        %add3A_942 = arith.constant 32 : i32
        %add3A_943 = vector.broadcast %add3A_942 : i32 to vector<16xi32>
        %add3A_944 = arith.addi %min3A_941, %add3A_943 : vector<16xi32>
        %mul3A_945 = arith.constant 16 : i32
        %mul3A_946 = vector.broadcast %mul3A_945 : i32 to vector<16xi32>
        %mul3A_947 = arith.muli %add3A_944, %mul3A_946 : vector<16xi32>
        %add3A_948 = vector.broadcast %add3A_793 : i32 to vector<16xi32>
        %add3A_949 = arith.addi %mul3A_947, %add3A_948 : vector<16xi32>
        %gather3A_950 = tpu.vector_load_idx %arg4[%add3A_949] : memref<1040xf32, #tpu.memory_space<vmem>>[vector<16xi32>], vector<16xf32>,
        %swap3A_951 = arith.constant 3 : i32
        %swap3A_952 = arith.index_cast %scan3A_131 : i32 to index
        %swap3A_953 = arith.index_cast %swap3A_951 : i32 to index
        %swap3A_954 = arith.constant 80 : index
        %swap3A_955 = tpu.vector_load %arg7[%swap3A_952, %swap3A_953, %swap3A_954] {strides = array<i32>} : memref<32x8x128xf32, #tpu.memory_space<vmem>>, vector<16xf32>,
        tpu.vector_store %arg7[%swap3A_952, %swap3A_953, %swap3A_954], %gather3A_950 {strides = array<i32>} : memref<32x8x128xf32, #tpu.memory_space<vmem>>, vector<16xf32>,
        %add3A_956 = arith.constant 96 : i32
        %add3A_957 = arith.addi %multiple_of3A_3, %add3A_956 : i32
        %iota3A_958 = tpu.iota {dimensions = array<i32: 0>} : vector<16xi32>
        %add3A_959 = vector.broadcast %add3A_957 : i32 to vector<16xi32>
        %add3A_960 = arith.addi %add3A_959, %iota3A_958 : vector<16xi32>
        %sub3A_961 = vector.broadcast %add3A_132 : i32 to vector<16xi32>
        %sub3A_962 = arith.subi %add3A_960, %sub3A_961 : vector<16xi32>
        %jit3A_963 = arith.constant -32 : i32
        %jit3A_964 = arith.constant 32 : i32
        %max3A_965 = vector.broadcast %jit3A_963 : i32 to vector<16xi32>
        %max3A_966 = arith.maxsi %max3A_965, %sub3A_962 : vector<16xi32>
        %min3A_967 = vector.broadcast %jit3A_964 : i32 to vector<16xi32>
        %min3A_968 = arith.minsi %min3A_967, %max3A_966 : vector<16xi32>
        %add3A_969 = arith.constant 32 : i32
        %add3A_970 = vector.broadcast %add3A_969 : i32 to vector<16xi32>
        %add3A_971 = arith.addi %min3A_968, %add3A_970 : vector<16xi32>
        %mul3A_972 = arith.constant 16 : i32
        %mul3A_973 = vector.broadcast %mul3A_972 : i32 to vector<16xi32>
        %mul3A_974 = arith.muli %add3A_971, %mul3A_973 : vector<16xi32>
        %add3A_975 = vector.broadcast %add3A_793 : i32 to vector<16xi32>
        %add3A_976 = arith.addi %mul3A_974, %add3A_975 : vector<16xi32>
        %gather3A_977 = tpu.vector_load_idx %arg4[%add3A_976] : memref<1040xf32, #tpu.memory_space<vmem>>[vector<16xi32>], vector<16xf32>,
        %swap3A_978 = arith.constant 3 : i32
        %swap3A_979 = arith.index_cast %scan3A_131 : i32 to index
        %swap3A_980 = arith.index_cast %swap3A_978 : i32 to index
        %swap3A_981 = arith.constant 96 : index
        %swap3A_982 = tpu.vector_load %arg7[%swap3A_979, %swap3A_980, %swap3A_981] {strides = array<i32>} : memref<32x8x128xf32, #tpu.memory_space<vmem>>, vector<16xf32>,
        tpu.vector_store %arg7[%swap3A_979, %swap3A_980, %swap3A_981], %gather3A_977 {strides = array<i32>} : memref<32x8x128xf32, #tpu.memory_space<vmem>>, vector<16xf32>,
        %add3A_983 = arith.constant 112 : i32
        %add3A_984 = arith.addi %multiple_of3A_3, %add3A_983 : i32
        %iota3A_985 = tpu.iota {dimensions = array<i32: 0>} : vector<16xi32>
        %add3A_986 = vector.broadcast %add3A_984 : i32 to vector<16xi32>
        %add3A_987 = arith.addi %add3A_986, %iota3A_985 : vector<16xi32>
        %sub3A_988 = vector.broadcast %add3A_132 : i32 to vector<16xi32>
        %sub3A_989 = arith.subi %add3A_987, %sub3A_988 : vector<16xi32>
        %jit3A_990 = arith.constant -32 : i32
        %jit3A_991 = arith.constant 32 : i32
        %max3A_992 = vector.broadcast %jit3A_990 : i32 to vector<16xi32>
        %max3A_993 = arith.maxsi %max3A_992, %sub3A_989 : vector<16xi32>
        %min3A_994 = vector.broadcast %jit3A_991 : i32 to vector<16xi32>
        %min3A_995 = arith.minsi %min3A_994, %max3A_993 : vector<16xi32>
        %add3A_996 = arith.constant 32 : i32
        %add3A_997 = vector.broadcast %add3A_996 : i32 to vector<16xi32>
        %add3A_998 = arith.addi %min3A_995, %add3A_997 : vector<16xi32>
        %mul3A_999 = arith.constant 16 : i32
        %mul3A_1000 = vector.broadcast %mul3A_999 : i32 to vector<16xi32>
        %mul3A_1001 = arith.muli %add3A_998, %mul3A_1000 : vector<16xi32>
        %add3A_1002 = vector.broadcast %add3A_793 : i32 to vector<16xi32>
        %add3A_1003 = arith.addi %mul3A_1001, %add3A_1002 : vector<16xi32>
        %gather3A_1004 = tpu.vector_load_idx %arg4[%add3A_1003] : memref<1040xf32, #tpu.memory_space<vmem>>[vector<16xi32>], vector<16xf32>,
        %swap3A_1005 = arith.constant 3 : i32
        %swap3A_1006 = arith.index_cast %scan3A_131 : i32 to index
        %swap3A_1007 = arith.index_cast %swap3A_1005 : i32 to index
        %swap3A_1008 = arith.constant 112 : index
        %swap3A_1009 = tpu.vector_load %arg7[%swap3A_1006, %swap3A_1007, %swap3A_1008] {strides = array<i32>} : memref<32x8x128xf32, #tpu.memory_space<vmem>>, vector<16xf32>,
        tpu.vector_store %arg7[%swap3A_1006, %swap3A_1007, %swap3A_1008], %gather3A_1004 {strides = array<i32>} : memref<32x8x128xf32, #tpu.memory_space<vmem>>, vector<16xf32>,
        %mul3A_1010 = arith.constant 8 : i32
        %mul3A_1011 = arith.muli %mul3A_1010, %arg0 : i32
        %add3A_1012 = arith.constant 4 : i32
        %add3A_1013 = arith.addi %mul3A_1011, %add3A_1012 : i32
        %add3A_1014 = arith.constant 0 : i32
        %add3A_1015 = arith.addi %multiple_of3A_3, %add3A_1014 : i32
        %iota3A_1016 = tpu.iota {dimensions = array<i32: 0>} : vector<16xi32>
        %add3A_1017 = vector.broadcast %add3A_1015 : i32 to vector<16xi32>
        %add3A_1018 = arith.addi %add3A_1017, %iota3A_1016 : vector<16xi32>
        %sub3A_1019 = vector.broadcast %add3A_132 : i32 to vector<16xi32>
        %sub3A_1020 = arith.subi %add3A_1018, %sub3A_1019 : vector<16xi32>
        %jit3A_1021 = arith.constant -32 : i32
        %jit3A_1022 = arith.constant 32 : i32
        %max3A_1023 = vector.broadcast %jit3A_1021 : i32 to vector<16xi32>
        %max3A_1024 = arith.maxsi %max3A_1023, %sub3A_1020 : vector<16xi32>
        %min3A_1025 = vector.broadcast %jit3A_1022 : i32 to vector<16xi32>
        %min3A_1026 = arith.minsi %min3A_1025, %max3A_1024 : vector<16xi32>
        %add3A_1027 = arith.constant 32 : i32
        %add3A_1028 = vector.broadcast %add3A_1027 : i32 to vector<16xi32>
        %add3A_1029 = arith.addi %min3A_1026, %add3A_1028 : vector<16xi32>
        %mul3A_1030 = arith.constant 16 : i32
        %mul3A_1031 = vector.broadcast %mul3A_1030 : i32 to vector<16xi32>
        %mul3A_1032 = arith.muli %add3A_1029, %mul3A_1031 : vector<16xi32>
        %add3A_1033 = vector.broadcast %add3A_1013 : i32 to vector<16xi32>
        %add3A_1034 = arith.addi %mul3A_1032, %add3A_1033 : vector<16xi32>
        %gather3A_1035 = tpu.vector_load_idx %arg4[%add3A_1034] : memref<1040xf32, #tpu.memory_space<vmem>>[vector<16xi32>], vector<16xf32>,
        %swap3A_1036 = arith.constant 4 : i32
        %swap3A_1037 = arith.index_cast %scan3A_131 : i32 to index
        %swap3A_1038 = arith.index_cast %swap3A_1036 : i32 to index
        %swap3A_1039 = arith.constant 0 : index
        %swap3A_1040 = tpu.vector_load %arg7[%swap3A_1037, %swap3A_1038, %swap3A_1039] {strides = array<i32>} : memref<32x8x128xf32, #tpu.memory_space<vmem>>, vector<16xf32>,
        tpu.vector_store %arg7[%swap3A_1037, %swap3A_1038, %swap3A_1039], %gather3A_1035 {strides = array<i32>} : memref<32x8x128xf32, #tpu.memory_space<vmem>>, vector<16xf32>,
        %add3A_1041 = arith.constant 16 : i32
        %add3A_1042 = arith.addi %multiple_of3A_3, %add3A_1041 : i32
        %iota3A_1043 = tpu.iota {dimensions = array<i32: 0>} : vector<16xi32>
        %add3A_1044 = vector.broadcast %add3A_1042 : i32 to vector<16xi32>
        %add3A_1045 = arith.addi %add3A_1044, %iota3A_1043 : vector<16xi32>
        %sub3A_1046 = vector.broadcast %add3A_132 : i32 to vector<16xi32>
        %sub3A_1047 = arith.subi %add3A_1045, %sub3A_1046 : vector<16xi32>
        %jit3A_1048 = arith.constant -32 : i32
        %jit3A_1049 = arith.constant 32 : i32
        %max3A_1050 = vector.broadcast %jit3A_1048 : i32 to vector<16xi32>
        %max3A_1051 = arith.maxsi %max3A_1050, %sub3A_1047 : vector<16xi32>
        %min3A_1052 = vector.broadcast %jit3A_1049 : i32 to vector<16xi32>
        %min3A_1053 = arith.minsi %min3A_1052, %max3A_1051 : vector<16xi32>
        %add3A_1054 = arith.constant 32 : i32
        %add3A_1055 = vector.broadcast %add3A_1054 : i32 to vector<16xi32>
        %add3A_1056 = arith.addi %min3A_1053, %add3A_1055 : vector<16xi32>
        %mul3A_1057 = arith.constant 16 : i32
        %mul3A_1058 = vector.broadcast %mul3A_1057 : i32 to vector<16xi32>
        %mul3A_1059 = arith.muli %add3A_1056, %mul3A_1058 : vector<16xi32>
        %add3A_1060 = vector.broadcast %add3A_1013 : i32 to vector<16xi32>
        %add3A_1061 = arith.addi %mul3A_1059, %add3A_1060 : vector<16xi32>
        %gather3A_1062 = tpu.vector_load_idx %arg4[%add3A_1061] : memref<1040xf32, #tpu.memory_space<vmem>>[vector<16xi32>], vector<16xf32>,
        %swap3A_1063 = arith.constant 4 : i32
        %swap3A_1064 = arith.index_cast %scan3A_131 : i32 to index
        %swap3A_1065 = arith.index_cast %swap3A_1063 : i32 to index
        %swap3A_1066 = arith.constant 16 : index
        %swap3A_1067 = tpu.vector_load %arg7[%swap3A_1064, %swap3A_1065, %swap3A_1066] {strides = array<i32>} : memref<32x8x128xf32, #tpu.memory_space<vmem>>, vector<16xf32>,
        tpu.vector_store %arg7[%swap3A_1064, %swap3A_1065, %swap3A_1066], %gather3A_1062 {strides = array<i32>} : memref<32x8x128xf32, #tpu.memory_space<vmem>>, vector<16xf32>,
        %add3A_1068 = arith.constant 32 : i32
        %add3A_1069 = arith.addi %multiple_of3A_3, %add3A_1068 : i32
        %iota3A_1070 = tpu.iota {dimensions = array<i32: 0>} : vector<16xi32>
        %add3A_1071 = vector.broadcast %add3A_1069 : i32 to vector<16xi32>
        %add3A_1072 = arith.addi %add3A_1071, %iota3A_1070 : vector<16xi32>
        %sub3A_1073 = vector.broadcast %add3A_132 : i32 to vector<16xi32>
        %sub3A_1074 = arith.subi %add3A_1072, %sub3A_1073 : vector<16xi32>
        %jit3A_1075 = arith.constant -32 : i32
        %jit3A_1076 = arith.constant 32 : i32
        %max3A_1077 = vector.broadcast %jit3A_1075 : i32 to vector<16xi32>
        %max3A_1078 = arith.maxsi %max3A_1077, %sub3A_1074 : vector<16xi32>
        %min3A_1079 = vector.broadcast %jit3A_1076 : i32 to vector<16xi32>
        %min3A_1080 = arith.minsi %min3A_1079, %max3A_1078 : vector<16xi32>
        %add3A_1081 = arith.constant 32 : i32
        %add3A_1082 = vector.broadcast %add3A_1081 : i32 to vector<16xi32>
        %add3A_1083 = arith.addi %min3A_1080, %add3A_1082 : vector<16xi32>
        %mul3A_1084 = arith.constant 16 : i32
        %mul3A_1085 = vector.broadcast %mul3A_1084 : i32 to vector<16xi32>
        %mul3A_1086 = arith.muli %add3A_1083, %mul3A_1085 : vector<16xi32>
        %add3A_1087 = vector.broadcast %add3A_1013 : i32 to vector<16xi32>
        %add3A_1088 = arith.addi %mul3A_1086, %add3A_1087 : vector<16xi32>
        %gather3A_1089 = tpu.vector_load_idx %arg4[%add3A_1088] : memref<1040xf32, #tpu.memory_space<vmem>>[vector<16xi32>], vector<16xf32>,
        %swap3A_1090 = arith.constant 4 : i32
        %swap3A_1091 = arith.index_cast %scan3A_131 : i32 to index
        %swap3A_1092 = arith.index_cast %swap3A_1090 : i32 to index
        %swap3A_1093 = arith.constant 32 : index
        %swap3A_1094 = tpu.vector_load %arg7[%swap3A_1091, %swap3A_1092, %swap3A_1093] {strides = array<i32>} : memref<32x8x128xf32, #tpu.memory_space<vmem>>, vector<16xf32>,
        tpu.vector_store %arg7[%swap3A_1091, %swap3A_1092, %swap3A_1093], %gather3A_1089 {strides = array<i32>} : memref<32x8x128xf32, #tpu.memory_space<vmem>>, vector<16xf32>,
        %add3A_1095 = arith.constant 48 : i32
        %add3A_1096 = arith.addi %multiple_of3A_3, %add3A_1095 : i32
        %iota3A_1097 = tpu.iota {dimensions = array<i32: 0>} : vector<16xi32>
        %add3A_1098 = vector.broadcast %add3A_1096 : i32 to vector<16xi32>
        %add3A_1099 = arith.addi %add3A_1098, %iota3A_1097 : vector<16xi32>
        %sub3A_1100 = vector.broadcast %add3A_132 : i32 to vector<16xi32>
        %sub3A_1101 = arith.subi %add3A_1099, %sub3A_1100 : vector<16xi32>
        %jit3A_1102 = arith.constant -32 : i32
        %jit3A_1103 = arith.constant 32 : i32
        %max3A_1104 = vector.broadcast %jit3A_1102 : i32 to vector<16xi32>
        %max3A_1105 = arith.maxsi %max3A_1104, %sub3A_1101 : vector<16xi32>
        %min3A_1106 = vector.broadcast %jit3A_1103 : i32 to vector<16xi32>
        %min3A_1107 = arith.minsi %min3A_1106, %max3A_1105 : vector<16xi32>
        %add3A_1108 = arith.constant 32 : i32
        %add3A_1109 = vector.broadcast %add3A_1108 : i32 to vector<16xi32>
        %add3A_1110 = arith.addi %min3A_1107, %add3A_1109 : vector<16xi32>
        %mul3A_1111 = arith.constant 16 : i32
        %mul3A_1112 = vector.broadcast %mul3A_1111 : i32 to vector<16xi32>
        %mul3A_1113 = arith.muli %add3A_1110, %mul3A_1112 : vector<16xi32>
        %add3A_1114 = vector.broadcast %add3A_1013 : i32 to vector<16xi32>
        %add3A_1115 = arith.addi %mul3A_1113, %add3A_1114 : vector<16xi32>
        %gather3A_1116 = tpu.vector_load_idx %arg4[%add3A_1115] : memref<1040xf32, #tpu.memory_space<vmem>>[vector<16xi32>], vector<16xf32>,
        %swap3A_1117 = arith.constant 4 : i32
        %swap3A_1118 = arith.index_cast %scan3A_131 : i32 to index
        %swap3A_1119 = arith.index_cast %swap3A_1117 : i32 to index
        %swap3A_1120 = arith.constant 48 : index
        %swap3A_1121 = tpu.vector_load %arg7[%swap3A_1118, %swap3A_1119, %swap3A_1120] {strides = array<i32>} : memref<32x8x128xf32, #tpu.memory_space<vmem>>, vector<16xf32>,
        tpu.vector_store %arg7[%swap3A_1118, %swap3A_1119, %swap3A_1120], %gather3A_1116 {strides = array<i32>} : memref<32x8x128xf32, #tpu.memory_space<vmem>>, vector<16xf32>,
        %add3A_1122 = arith.constant 64 : i32
        %add3A_1123 = arith.addi %multiple_of3A_3, %add3A_1122 : i32
        %iota3A_1124 = tpu.iota {dimensions = array<i32: 0>} : vector<16xi32>
        %add3A_1125 = vector.broadcast %add3A_1123 : i32 to vector<16xi32>
        %add3A_1126 = arith.addi %add3A_1125, %iota3A_1124 : vector<16xi32>
        %sub3A_1127 = vector.broadcast %add3A_132 : i32 to vector<16xi32>
        %sub3A_1128 = arith.subi %add3A_1126, %sub3A_1127 : vector<16xi32>
        %jit3A_1129 = arith.constant -32 : i32
        %jit3A_1130 = arith.constant 32 : i32
        %max3A_1131 = vector.broadcast %jit3A_1129 : i32 to vector<16xi32>
        %max3A_1132 = arith.maxsi %max3A_1131, %sub3A_1128 : vector<16xi32>
        %min3A_1133 = vector.broadcast %jit3A_1130 : i32 to vector<16xi32>
        %min3A_1134 = arith.minsi %min3A_1133, %max3A_1132 : vector<16xi32>
        %add3A_1135 = arith.constant 32 : i32
        %add3A_1136 = vector.broadcast %add3A_1135 : i32 to vector<16xi32>
        %add3A_1137 = arith.addi %min3A_1134, %add3A_1136 : vector<16xi32>
        %mul3A_1138 = arith.constant 16 : i32
        %mul3A_1139 = vector.broadcast %mul3A_1138 : i32 to vector<16xi32>
        %mul3A_1140 = arith.muli %add3A_1137, %mul3A_1139 : vector<16xi32>
        %add3A_1141 = vector.broadcast %add3A_1013 : i32 to vector<16xi32>
        %add3A_1142 = arith.addi %mul3A_1140, %add3A_1141 : vector<16xi32>
        %gather3A_1143 = tpu.vector_load_idx %arg4[%add3A_1142] : memref<1040xf32, #tpu.memory_space<vmem>>[vector<16xi32>], vector<16xf32>,
        %swap3A_1144 = arith.constant 4 : i32
        %swap3A_1145 = arith.index_cast %scan3A_131 : i32 to index
        %swap3A_1146 = arith.index_cast %swap3A_1144 : i32 to index
        %swap3A_1147 = arith.constant 64 : index
        %swap3A_1148 = tpu.vector_load %arg7[%swap3A_1145, %swap3A_1146, %swap3A_1147] {strides = array<i32>} : memref<32x8x128xf32, #tpu.memory_space<vmem>>, vector<16xf32>,
        tpu.vector_store %arg7[%swap3A_1145, %swap3A_1146, %swap3A_1147], %gather3A_1143 {strides = array<i32>} : memref<32x8x128xf32, #tpu.memory_space<vmem>>, vector<16xf32>,
        %add3A_1149 = arith.constant 80 : i32
        %add3A_1150 = arith.addi %multiple_of3A_3, %add3A_1149 : i32
        %iota3A_1151 = tpu.iota {dimensions = array<i32: 0>} : vector<16xi32>
        %add3A_1152 = vector.broadcast %add3A_1150 : i32 to vector<16xi32>
        %add3A_1153 = arith.addi %add3A_1152, %iota3A_1151 : vector<16xi32>
        %sub3A_1154 = vector.broadcast %add3A_132 : i32 to vector<16xi32>
        %sub3A_1155 = arith.subi %add3A_1153, %sub3A_1154 : vector<16xi32>
        %jit3A_1156 = arith.constant -32 : i32
        %jit3A_1157 = arith.constant 32 : i32
        %max3A_1158 = vector.broadcast %jit3A_1156 : i32 to vector<16xi32>
        %max3A_1159 = arith.maxsi %max3A_1158, %sub3A_1155 : vector<16xi32>
        %min3A_1160 = vector.broadcast %jit3A_1157 : i32 to vector<16xi32>
        %min3A_1161 = arith.minsi %min3A_1160, %max3A_1159 : vector<16xi32>
        %add3A_1162 = arith.constant 32 : i32
        %add3A_1163 = vector.broadcast %add3A_1162 : i32 to vector<16xi32>
        %add3A_1164 = arith.addi %min3A_1161, %add3A_1163 : vector<16xi32>
        %mul3A_1165 = arith.constant 16 : i32
        %mul3A_1166 = vector.broadcast %mul3A_1165 : i32 to vector<16xi32>
        %mul3A_1167 = arith.muli %add3A_1164, %mul3A_1166 : vector<16xi32>
        %add3A_1168 = vector.broadcast %add3A_1013 : i32 to vector<16xi32>
        %add3A_1169 = arith.addi %mul3A_1167, %add3A_1168 : vector<16xi32>
        %gather3A_1170 = tpu.vector_load_idx %arg4[%add3A_1169] : memref<1040xf32, #tpu.memory_space<vmem>>[vector<16xi32>], vector<16xf32>,
        %swap3A_1171 = arith.constant 4 : i32
        %swap3A_1172 = arith.index_cast %scan3A_131 : i32 to index
        %swap3A_1173 = arith.index_cast %swap3A_1171 : i32 to index
        %swap3A_1174 = arith.constant 80 : index
        %swap3A_1175 = tpu.vector_load %arg7[%swap3A_1172, %swap3A_1173, %swap3A_1174] {strides = array<i32>} : memref<32x8x128xf32, #tpu.memory_space<vmem>>, vector<16xf32>,
        tpu.vector_store %arg7[%swap3A_1172, %swap3A_1173, %swap3A_1174], %gather3A_1170 {strides = array<i32>} : memref<32x8x128xf32, #tpu.memory_space<vmem>>, vector<16xf32>,
        %add3A_1176 = arith.constant 96 : i32
        %add3A_1177 = arith.addi %multiple_of3A_3, %add3A_1176 : i32
        %iota3A_1178 = tpu.iota {dimensions = array<i32: 0>} : vector<16xi32>
        %add3A_1179 = vector.broadcast %add3A_1177 : i32 to vector<16xi32>
        %add3A_1180 = arith.addi %add3A_1179, %iota3A_1178 : vector<16xi32>
        %sub3A_1181 = vector.broadcast %add3A_132 : i32 to vector<16xi32>
        %sub3A_1182 = arith.subi %add3A_1180, %sub3A_1181 : vector<16xi32>
        %jit3A_1183 = arith.constant -32 : i32
        %jit3A_1184 = arith.constant 32 : i32
        %max3A_1185 = vector.broadcast %jit3A_1183 : i32 to vector<16xi32>
        %max3A_1186 = arith.maxsi %max3A_1185, %sub3A_1182 : vector<16xi32>
        %min3A_1187 = vector.broadcast %jit3A_1184 : i32 to vector<16xi32>
        %min3A_1188 = arith.minsi %min3A_1187, %max3A_1186 : vector<16xi32>
        %add3A_1189 = arith.constant 32 : i32
        %add3A_1190 = vector.broadcast %add3A_1189 : i32 to vector<16xi32>
        %add3A_1191 = arith.addi %min3A_1188, %add3A_1190 : vector<16xi32>
        %mul3A_1192 = arith.constant 16 : i32
        %mul3A_1193 = vector.broadcast %mul3A_1192 : i32 to vector<16xi32>
        %mul3A_1194 = arith.muli %add3A_1191, %mul3A_1193 : vector<16xi32>
        %add3A_1195 = vector.broadcast %add3A_1013 : i32 to vector<16xi32>
        %add3A_1196 = arith.addi %mul3A_1194, %add3A_1195 : vector<16xi32>
        %gather3A_1197 = tpu.vector_load_idx %arg4[%add3A_1196] : memref<1040xf32, #tpu.memory_space<vmem>>[vector<16xi32>], vector<16xf32>,
        %swap3A_1198 = arith.constant 4 : i32
        %swap3A_1199 = arith.index_cast %scan3A_131 : i32 to index
        %swap3A_1200 = arith.index_cast %swap3A_1198 : i32 to index
        %swap3A_1201 = arith.constant 96 : index
        %swap3A_1202 = tpu.vector_load %arg7[%swap3A_1199, %swap3A_1200, %swap3A_1201] {strides = array<i32>} : memref<32x8x128xf32, #tpu.memory_space<vmem>>, vector<16xf32>,
        tpu.vector_store %arg7[%swap3A_1199, %swap3A_1200, %swap3A_1201], %gather3A_1197 {strides = array<i32>} : memref<32x8x128xf32, #tpu.memory_space<vmem>>, vector<16xf32>,
        %add3A_1203 = arith.constant 112 : i32
        %add3A_1204 = arith.addi %multiple_of3A_3, %add3A_1203 : i32
        %iota3A_1205 = tpu.iota {dimensions = array<i32: 0>} : vector<16xi32>
        %add3A_1206 = vector.broadcast %add3A_1204 : i32 to vector<16xi32>
        %add3A_1207 = arith.addi %add3A_1206, %iota3A_1205 : vector<16xi32>
        %sub3A_1208 = vector.broadcast %add3A_132 : i32 to vector<16xi32>
        %sub3A_1209 = arith.subi %add3A_1207, %sub3A_1208 : vector<16xi32>
        %jit3A_1210 = arith.constant -32 : i32
        %jit3A_1211 = arith.constant 32 : i32
        %max3A_1212 = vector.broadcast %jit3A_1210 : i32 to vector<16xi32>
        %max3A_1213 = arith.maxsi %max3A_1212, %sub3A_1209 : vector<16xi32>
        %min3A_1214 = vector.broadcast %jit3A_1211 : i32 to vector<16xi32>
        %min3A_1215 = arith.minsi %min3A_1214, %max3A_1213 : vector<16xi32>
        %add3A_1216 = arith.constant 32 : i32
        %add3A_1217 = vector.broadcast %add3A_1216 : i32 to vector<16xi32>
        %add3A_1218 = arith.addi %min3A_1215, %add3A_1217 : vector<16xi32>
        %mul3A_1219 = arith.constant 16 : i32
        %mul3A_1220 = vector.broadcast %mul3A_1219 : i32 to vector<16xi32>
        %mul3A_1221 = arith.muli %add3A_1218, %mul3A_1220 : vector<16xi32>
        %add3A_1222 = vector.broadcast %add3A_1013 : i32 to vector<16xi32>
        %add3A_1223 = arith.addi %mul3A_1221, %add3A_1222 : vector<16xi32>
        %gather3A_1224 = tpu.vector_load_idx %arg4[%add3A_1223] : memref<1040xf32, #tpu.memory_space<vmem>>[vector<16xi32>], vector<16xf32>,
        %swap3A_1225 = arith.constant 4 : i32
        %swap3A_1226 = arith.index_cast %scan3A_131 : i32 to index
        %swap3A_1227 = arith.index_cast %swap3A_1225 : i32 to index
        %swap3A_1228 = arith.constant 112 : index
        %swap3A_1229 = tpu.vector_load %arg7[%swap3A_1226, %swap3A_1227, %swap3A_1228] {strides = array<i32>} : memref<32x8x128xf32, #tpu.memory_space<vmem>>, vector<16xf32>,
        tpu.vector_store %arg7[%swap3A_1226, %swap3A_1227, %swap3A_1228], %gather3A_1224 {strides = array<i32>} : memref<32x8x128xf32, #tpu.memory_space<vmem>>, vector<16xf32>,
        %mul3A_1230 = arith.constant 8 : i32
        %mul3A_1231 = arith.muli %mul3A_1230, %arg0 : i32
        %add3A_1232 = arith.constant 5 : i32
        %add3A_1233 = arith.addi %mul3A_1231, %add3A_1232 : i32
        %add3A_1234 = arith.constant 0 : i32
        %add3A_1235 = arith.addi %multiple_of3A_3, %add3A_1234 : i32
        %iota3A_1236 = tpu.iota {dimensions = array<i32: 0>} : vector<16xi32>
        %add3A_1237 = vector.broadcast %add3A_1235 : i32 to vector<16xi32>
        %add3A_1238 = arith.addi %add3A_1237, %iota3A_1236 : vector<16xi32>
        %sub3A_1239 = vector.broadcast %add3A_132 : i32 to vector<16xi32>
        %sub3A_1240 = arith.subi %add3A_1238, %sub3A_1239 : vector<16xi32>
        %jit3A_1241 = arith.constant -32 : i32
        %jit3A_1242 = arith.constant 32 : i32
        %max3A_1243 = vector.broadcast %jit3A_1241 : i32 to vector<16xi32>
        %max3A_1244 = arith.maxsi %max3A_1243, %sub3A_1240 : vector<16xi32>
        %min3A_1245 = vector.broadcast %jit3A_1242 : i32 to vector<16xi32>
        %min3A_1246 = arith.minsi %min3A_1245, %max3A_1244 : vector<16xi32>
        %add3A_1247 = arith.constant 32 : i32
        %add3A_1248 = vector.broadcast %add3A_1247 : i32 to vector<16xi32>
        %add3A_1249 = arith.addi %min3A_1246, %add3A_1248 : vector<16xi32>
        %mul3A_1250 = arith.constant 16 : i32
        %mul3A_1251 = vector.broadcast %mul3A_1250 : i32 to vector<16xi32>
        %mul3A_1252 = arith.muli %add3A_1249, %mul3A_1251 : vector<16xi32>
        %add3A_1253 = vector.broadcast %add3A_1233 : i32 to vector<16xi32>
        %add3A_1254 = arith.addi %mul3A_1252, %add3A_1253 : vector<16xi32>
        %gather3A_1255 = tpu.vector_load_idx %arg4[%add3A_1254] : memref<1040xf32, #tpu.memory_space<vmem>>[vector<16xi32>], vector<16xf32>,
        %swap3A_1256 = arith.constant 5 : i32
        %swap3A_1257 = arith.index_cast %scan3A_131 : i32 to index
        %swap3A_1258 = arith.index_cast %swap3A_1256 : i32 to index
        %swap3A_1259 = arith.constant 0 : index
        %swap3A_1260 = tpu.vector_load %arg7[%swap3A_1257, %swap3A_1258, %swap3A_1259] {strides = array<i32>} : memref<32x8x128xf32, #tpu.memory_space<vmem>>, vector<16xf32>,
        tpu.vector_store %arg7[%swap3A_1257, %swap3A_1258, %swap3A_1259], %gather3A_1255 {strides = array<i32>} : memref<32x8x128xf32, #tpu.memory_space<vmem>>, vector<16xf32>,
        %add3A_1261 = arith.constant 16 : i32
        %add3A_1262 = arith.addi %multiple_of3A_3, %add3A_1261 : i32
        %iota3A_1263 = tpu.iota {dimensions = array<i32: 0>} : vector<16xi32>
        %add3A_1264 = vector.broadcast %add3A_1262 : i32 to vector<16xi32>
        %add3A_1265 = arith.addi %add3A_1264, %iota3A_1263 : vector<16xi32>
        %sub3A_1266 = vector.broadcast %add3A_132 : i32 to vector<16xi32>
        %sub3A_1267 = arith.subi %add3A_1265, %sub3A_1266 : vector<16xi32>
        %jit3A_1268 = arith.constant -32 : i32
        %jit3A_1269 = arith.constant 32 : i32
        %max3A_1270 = vector.broadcast %jit3A_1268 : i32 to vector<16xi32>
        %max3A_1271 = arith.maxsi %max3A_1270, %sub3A_1267 : vector<16xi32>
        %min3A_1272 = vector.broadcast %jit3A_1269 : i32 to vector<16xi32>
        %min3A_1273 = arith.minsi %min3A_1272, %max3A_1271 : vector<16xi32>
        %add3A_1274 = arith.constant 32 : i32
        %add3A_1275 = vector.broadcast %add3A_1274 : i32 to vector<16xi32>
        %add3A_1276 = arith.addi %min3A_1273, %add3A_1275 : vector<16xi32>
        %mul3A_1277 = arith.constant 16 : i32
        %mul3A_1278 = vector.broadcast %mul3A_1277 : i32 to vector<16xi32>
        %mul3A_1279 = arith.muli %add3A_1276, %mul3A_1278 : vector<16xi32>
        %add3A_1280 = vector.broadcast %add3A_1233 : i32 to vector<16xi32>
        %add3A_1281 = arith.addi %mul3A_1279, %add3A_1280 : vector<16xi32>
        %gather3A_1282 = tpu.vector_load_idx %arg4[%add3A_1281] : memref<1040xf32, #tpu.memory_space<vmem>>[vector<16xi32>], vector<16xf32>,
        %swap3A_1283 = arith.constant 5 : i32
        %swap3A_1284 = arith.index_cast %scan3A_131 : i32 to index
        %swap3A_1285 = arith.index_cast %swap3A_1283 : i32 to index
        %swap3A_1286 = arith.constant 16 : index
        %swap3A_1287 = tpu.vector_load %arg7[%swap3A_1284, %swap3A_1285, %swap3A_1286] {strides = array<i32>} : memref<32x8x128xf32, #tpu.memory_space<vmem>>, vector<16xf32>,
        tpu.vector_store %arg7[%swap3A_1284, %swap3A_1285, %swap3A_1286], %gather3A_1282 {strides = array<i32>} : memref<32x8x128xf32, #tpu.memory_space<vmem>>, vector<16xf32>,
        %add3A_1288 = arith.constant 32 : i32
        %add3A_1289 = arith.addi %multiple_of3A_3, %add3A_1288 : i32
        %iota3A_1290 = tpu.iota {dimensions = array<i32: 0>} : vector<16xi32>
        %add3A_1291 = vector.broadcast %add3A_1289 : i32 to vector<16xi32>
        %add3A_1292 = arith.addi %add3A_1291, %iota3A_1290 : vector<16xi32>
        %sub3A_1293 = vector.broadcast %add3A_132 : i32 to vector<16xi32>
        %sub3A_1294 = arith.subi %add3A_1292, %sub3A_1293 : vector<16xi32>
        %jit3A_1295 = arith.constant -32 : i32
        %jit3A_1296 = arith.constant 32 : i32
        %max3A_1297 = vector.broadcast %jit3A_1295 : i32 to vector<16xi32>
        %max3A_1298 = arith.maxsi %max3A_1297, %sub3A_1294 : vector<16xi32>
        %min3A_1299 = vector.broadcast %jit3A_1296 : i32 to vector<16xi32>
        %min3A_1300 = arith.minsi %min3A_1299, %max3A_1298 : vector<16xi32>
        %add3A_1301 = arith.constant 32 : i32
        %add3A_1302 = vector.broadcast %add3A_1301 : i32 to vector<16xi32>
        %add3A_1303 = arith.addi %min3A_1300, %add3A_1302 : vector<16xi32>
        %mul3A_1304 = arith.constant 16 : i32
        %mul3A_1305 = vector.broadcast %mul3A_1304 : i32 to vector<16xi32>
        %mul3A_1306 = arith.muli %add3A_1303, %mul3A_1305 : vector<16xi32>
        %add3A_1307 = vector.broadcast %add3A_1233 : i32 to vector<16xi32>
        %add3A_1308 = arith.addi %mul3A_1306, %add3A_1307 : vector<16xi32>
        %gather3A_1309 = tpu.vector_load_idx %arg4[%add3A_1308] : memref<1040xf32, #tpu.memory_space<vmem>>[vector<16xi32>], vector<16xf32>,
        %swap3A_1310 = arith.constant 5 : i32
        %swap3A_1311 = arith.index_cast %scan3A_131 : i32 to index
        %swap3A_1312 = arith.index_cast %swap3A_1310 : i32 to index
        %swap3A_1313 = arith.constant 32 : index
        %swap3A_1314 = tpu.vector_load %arg7[%swap3A_1311, %swap3A_1312, %swap3A_1313] {strides = array<i32>} : memref<32x8x128xf32, #tpu.memory_space<vmem>>, vector<16xf32>,
        tpu.vector_store %arg7[%swap3A_1311, %swap3A_1312, %swap3A_1313], %gather3A_1309 {strides = array<i32>} : memref<32x8x128xf32, #tpu.memory_space<vmem>>, vector<16xf32>,
        %add3A_1315 = arith.constant 48 : i32
        %add3A_1316 = arith.addi %multiple_of3A_3, %add3A_1315 : i32
        %iota3A_1317 = tpu.iota {dimensions = array<i32: 0>} : vector<16xi32>
        %add3A_1318 = vector.broadcast %add3A_1316 : i32 to vector<16xi32>
        %add3A_1319 = arith.addi %add3A_1318, %iota3A_1317 : vector<16xi32>
        %sub3A_1320 = vector.broadcast %add3A_132 : i32 to vector<16xi32>
        %sub3A_1321 = arith.subi %add3A_1319, %sub3A_1320 : vector<16xi32>
        %jit3A_1322 = arith.constant -32 : i32
        %jit3A_1323 = arith.constant 32 : i32
        %max3A_1324 = vector.broadcast %jit3A_1322 : i32 to vector<16xi32>
        %max3A_1325 = arith.maxsi %max3A_1324, %sub3A_1321 : vector<16xi32>
        %min3A_1326 = vector.broadcast %jit3A_1323 : i32 to vector<16xi32>
        %min3A_1327 = arith.minsi %min3A_1326, %max3A_1325 : vector<16xi32>
        %add3A_1328 = arith.constant 32 : i32
        %add3A_1329 = vector.broadcast %add3A_1328 : i32 to vector<16xi32>
        %add3A_1330 = arith.addi %min3A_1327, %add3A_1329 : vector<16xi32>
        %mul3A_1331 = arith.constant 16 : i32
        %mul3A_1332 = vector.broadcast %mul3A_1331 : i32 to vector<16xi32>
        %mul3A_1333 = arith.muli %add3A_1330, %mul3A_1332 : vector<16xi32>
        %add3A_1334 = vector.broadcast %add3A_1233 : i32 to vector<16xi32>
        %add3A_1335 = arith.addi %mul3A_1333, %add3A_1334 : vector<16xi32>
        %gather3A_1336 = tpu.vector_load_idx %arg4[%add3A_1335] : memref<1040xf32, #tpu.memory_space<vmem>>[vector<16xi32>], vector<16xf32>,
        %swap3A_1337 = arith.constant 5 : i32
        %swap3A_1338 = arith.index_cast %scan3A_131 : i32 to index
        %swap3A_1339 = arith.index_cast %swap3A_1337 : i32 to index
        %swap3A_1340 = arith.constant 48 : index
        %swap3A_1341 = tpu.vector_load %arg7[%swap3A_1338, %swap3A_1339, %swap3A_1340] {strides = array<i32>} : memref<32x8x128xf32, #tpu.memory_space<vmem>>, vector<16xf32>,
        tpu.vector_store %arg7[%swap3A_1338, %swap3A_1339, %swap3A_1340], %gather3A_1336 {strides = array<i32>} : memref<32x8x128xf32, #tpu.memory_space<vmem>>, vector<16xf32>,
        %add3A_1342 = arith.constant 64 : i32
        %add3A_1343 = arith.addi %multiple_of3A_3, %add3A_1342 : i32
        %iota3A_1344 = tpu.iota {dimensions = array<i32: 0>} : vector<16xi32>
        %add3A_1345 = vector.broadcast %add3A_1343 : i32 to vector<16xi32>
        %add3A_1346 = arith.addi %add3A_1345, %iota3A_1344 : vector<16xi32>
        %sub3A_1347 = vector.broadcast %add3A_132 : i32 to vector<16xi32>
        %sub3A_1348 = arith.subi %add3A_1346, %sub3A_1347 : vector<16xi32>
        %jit3A_1349 = arith.constant -32 : i32
        %jit3A_1350 = arith.constant 32 : i32
        %max3A_1351 = vector.broadcast %jit3A_1349 : i32 to vector<16xi32>
        %max3A_1352 = arith.maxsi %max3A_1351, %sub3A_1348 : vector<16xi32>
        %min3A_1353 = vector.broadcast %jit3A_1350 : i32 to vector<16xi32>
        %min3A_1354 = arith.minsi %min3A_1353, %max3A_1352 : vector<16xi32>
        %add3A_1355 = arith.constant 32 : i32
        %add3A_1356 = vector.broadcast %add3A_1355 : i32 to vector<16xi32>
        %add3A_1357 = arith.addi %min3A_1354, %add3A_1356 : vector<16xi32>
        %mul3A_1358 = arith.constant 16 : i32
        %mul3A_1359 = vector.broadcast %mul3A_1358 : i32 to vector<16xi32>
        %mul3A_1360 = arith.muli %add3A_1357, %mul3A_1359 : vector<16xi32>
        %add3A_1361 = vector.broadcast %add3A_1233 : i32 to vector<16xi32>
        %add3A_1362 = arith.addi %mul3A_1360, %add3A_1361 : vector<16xi32>
        %gather3A_1363 = tpu.vector_load_idx %arg4[%add3A_1362] : memref<1040xf32, #tpu.memory_space<vmem>>[vector<16xi32>], vector<16xf32>,
        %swap3A_1364 = arith.constant 5 : i32
        %swap3A_1365 = arith.index_cast %scan3A_131 : i32 to index
        %swap3A_1366 = arith.index_cast %swap3A_1364 : i32 to index
        %swap3A_1367 = arith.constant 64 : index
        %swap3A_1368 = tpu.vector_load %arg7[%swap3A_1365, %swap3A_1366, %swap3A_1367] {strides = array<i32>} : memref<32x8x128xf32, #tpu.memory_space<vmem>>, vector<16xf32>,
        tpu.vector_store %arg7[%swap3A_1365, %swap3A_1366, %swap3A_1367], %gather3A_1363 {strides = array<i32>} : memref<32x8x128xf32, #tpu.memory_space<vmem>>, vector<16xf32>,
        %add3A_1369 = arith.constant 80 : i32
        %add3A_1370 = arith.addi %multiple_of3A_3, %add3A_1369 : i32
        %iota3A_1371 = tpu.iota {dimensions = array<i32: 0>} : vector<16xi32>
        %add3A_1372 = vector.broadcast %add3A_1370 : i32 to vector<16xi32>
        %add3A_1373 = arith.addi %add3A_1372, %iota3A_1371 : vector<16xi32>
        %sub3A_1374 = vector.broadcast %add3A_132 : i32 to vector<16xi32>
        %sub3A_1375 = arith.subi %add3A_1373, %sub3A_1374 : vector<16xi32>
        %jit3A_1376 = arith.constant -32 : i32
        %jit3A_1377 = arith.constant 32 : i32
        %max3A_1378 = vector.broadcast %jit3A_1376 : i32 to vector<16xi32>
        %max3A_1379 = arith.maxsi %max3A_1378, %sub3A_1375 : vector<16xi32>
        %min3A_1380 = vector.broadcast %jit3A_1377 : i32 to vector<16xi32>
        %min3A_1381 = arith.minsi %min3A_1380, %max3A_1379 : vector<16xi32>
        %add3A_1382 = arith.constant 32 : i32
        %add3A_1383 = vector.broadcast %add3A_1382 : i32 to vector<16xi32>
        %add3A_1384 = arith.addi %min3A_1381, %add3A_1383 : vector<16xi32>
        %mul3A_1385 = arith.constant 16 : i32
        %mul3A_1386 = vector.broadcast %mul3A_1385 : i32 to vector<16xi32>
        %mul3A_1387 = arith.muli %add3A_1384, %mul3A_1386 : vector<16xi32>
        %add3A_1388 = vector.broadcast %add3A_1233 : i32 to vector<16xi32>
        %add3A_1389 = arith.addi %mul3A_1387, %add3A_1388 : vector<16xi32>
        %gather3A_1390 = tpu.vector_load_idx %arg4[%add3A_1389] : memref<1040xf32, #tpu.memory_space<vmem>>[vector<16xi32>], vector<16xf32>,
        %swap3A_1391 = arith.constant 5 : i32
        %swap3A_1392 = arith.index_cast %scan3A_131 : i32 to index
        %swap3A_1393 = arith.index_cast %swap3A_1391 : i32 to index
        %swap3A_1394 = arith.constant 80 : index
        %swap3A_1395 = tpu.vector_load %arg7[%swap3A_1392, %swap3A_1393, %swap3A_1394] {strides = array<i32>} : memref<32x8x128xf32, #tpu.memory_space<vmem>>, vector<16xf32>,
        tpu.vector_store %arg7[%swap3A_1392, %swap3A_1393, %swap3A_1394], %gather3A_1390 {strides = array<i32>} : memref<32x8x128xf32, #tpu.memory_space<vmem>>, vector<16xf32>,
        %add3A_1396 = arith.constant 96 : i32
        %add3A_1397 = arith.addi %multiple_of3A_3, %add3A_1396 : i32
        %iota3A_1398 = tpu.iota {dimensions = array<i32: 0>} : vector<16xi32>
        %add3A_1399 = vector.broadcast %add3A_1397 : i32 to vector<16xi32>
        %add3A_1400 = arith.addi %add3A_1399, %iota3A_1398 : vector<16xi32>
        %sub3A_1401 = vector.broadcast %add3A_132 : i32 to vector<16xi32>
        %sub3A_1402 = arith.subi %add3A_1400, %sub3A_1401 : vector<16xi32>
        %jit3A_1403 = arith.constant -32 : i32
        %jit3A_1404 = arith.constant 32 : i32
        %max3A_1405 = vector.broadcast %jit3A_1403 : i32 to vector<16xi32>
        %max3A_1406 = arith.maxsi %max3A_1405, %sub3A_1402 : vector<16xi32>
        %min3A_1407 = vector.broadcast %jit3A_1404 : i32 to vector<16xi32>
        %min3A_1408 = arith.minsi %min3A_1407, %max3A_1406 : vector<16xi32>
        %add3A_1409 = arith.constant 32 : i32
        %add3A_1410 = vector.broadcast %add3A_1409 : i32 to vector<16xi32>
        %add3A_1411 = arith.addi %min3A_1408, %add3A_1410 : vector<16xi32>
        %mul3A_1412 = arith.constant 16 : i32
        %mul3A_1413 = vector.broadcast %mul3A_1412 : i32 to vector<16xi32>
        %mul3A_1414 = arith.muli %add3A_1411, %mul3A_1413 : vector<16xi32>
        %add3A_1415 = vector.broadcast %add3A_1233 : i32 to vector<16xi32>
        %add3A_1416 = arith.addi %mul3A_1414, %add3A_1415 : vector<16xi32>
        %gather3A_1417 = tpu.vector_load_idx %arg4[%add3A_1416] : memref<1040xf32, #tpu.memory_space<vmem>>[vector<16xi32>], vector<16xf32>,
        %swap3A_1418 = arith.constant 5 : i32
        %swap3A_1419 = arith.index_cast %scan3A_131 : i32 to index
        %swap3A_1420 = arith.index_cast %swap3A_1418 : i32 to index
        %swap3A_1421 = arith.constant 96 : index
        %swap3A_1422 = tpu.vector_load %arg7[%swap3A_1419, %swap3A_1420, %swap3A_1421] {strides = array<i32>} : memref<32x8x128xf32, #tpu.memory_space<vmem>>, vector<16xf32>,
        tpu.vector_store %arg7[%swap3A_1419, %swap3A_1420, %swap3A_1421], %gather3A_1417 {strides = array<i32>} : memref<32x8x128xf32, #tpu.memory_space<vmem>>, vector<16xf32>,
        %add3A_1423 = arith.constant 112 : i32
        %add3A_1424 = arith.addi %multiple_of3A_3, %add3A_1423 : i32
        %iota3A_1425 = tpu.iota {dimensions = array<i32: 0>} : vector<16xi32>
        %add3A_1426 = vector.broadcast %add3A_1424 : i32 to vector<16xi32>
        %add3A_1427 = arith.addi %add3A_1426, %iota3A_1425 : vector<16xi32>
        %sub3A_1428 = vector.broadcast %add3A_132 : i32 to vector<16xi32>
        %sub3A_1429 = arith.subi %add3A_1427, %sub3A_1428 : vector<16xi32>
        %jit3A_1430 = arith.constant -32 : i32
        %jit3A_1431 = arith.constant 32 : i32
        %max3A_1432 = vector.broadcast %jit3A_1430 : i32 to vector<16xi32>
        %max3A_1433 = arith.maxsi %max3A_1432, %sub3A_1429 : vector<16xi32>
        %min3A_1434 = vector.broadcast %jit3A_1431 : i32 to vector<16xi32>
        %min3A_1435 = arith.minsi %min3A_1434, %max3A_1433 : vector<16xi32>
        %add3A_1436 = arith.constant 32 : i32
        %add3A_1437 = vector.broadcast %add3A_1436 : i32 to vector<16xi32>
        %add3A_1438 = arith.addi %min3A_1435, %add3A_1437 : vector<16xi32>
        %mul3A_1439 = arith.constant 16 : i32
        %mul3A_1440 = vector.broadcast %mul3A_1439 : i32 to vector<16xi32>
        %mul3A_1441 = arith.muli %add3A_1438, %mul3A_1440 : vector<16xi32>
        %add3A_1442 = vector.broadcast %add3A_1233 : i32 to vector<16xi32>
        %add3A_1443 = arith.addi %mul3A_1441, %add3A_1442 : vector<16xi32>
        %gather3A_1444 = tpu.vector_load_idx %arg4[%add3A_1443] : memref<1040xf32, #tpu.memory_space<vmem>>[vector<16xi32>], vector<16xf32>,
        %swap3A_1445 = arith.constant 5 : i32
        %swap3A_1446 = arith.index_cast %scan3A_131 : i32 to index
        %swap3A_1447 = arith.index_cast %swap3A_1445 : i32 to index
        %swap3A_1448 = arith.constant 112 : index
        %swap3A_1449 = tpu.vector_load %arg7[%swap3A_1446, %swap3A_1447, %swap3A_1448] {strides = array<i32>} : memref<32x8x128xf32, #tpu.memory_space<vmem>>, vector<16xf32>,
        tpu.vector_store %arg7[%swap3A_1446, %swap3A_1447, %swap3A_1448], %gather3A_1444 {strides = array<i32>} : memref<32x8x128xf32, #tpu.memory_space<vmem>>, vector<16xf32>,
        %mul3A_1450 = arith.constant 8 : i32
        %mul3A_1451 = arith.muli %mul3A_1450, %arg0 : i32
        %add3A_1452 = arith.constant 6 : i32
        %add3A_1453 = arith.addi %mul3A_1451, %add3A_1452 : i32
        %add3A_1454 = arith.constant 0 : i32
        %add3A_1455 = arith.addi %multiple_of3A_3, %add3A_1454 : i32
        %iota3A_1456 = tpu.iota {dimensions = array<i32: 0>} : vector<16xi32>
        %add3A_1457 = vector.broadcast %add3A_1455 : i32 to vector<16xi32>
        %add3A_1458 = arith.addi %add3A_1457, %iota3A_1456 : vector<16xi32>
        %sub3A_1459 = vector.broadcast %add3A_132 : i32 to vector<16xi32>
        %sub3A_1460 = arith.subi %add3A_1458, %sub3A_1459 : vector<16xi32>
        %jit3A_1461 = arith.constant -32 : i32
        %jit3A_1462 = arith.constant 32 : i32
        %max3A_1463 = vector.broadcast %jit3A_1461 : i32 to vector<16xi32>
        %max3A_1464 = arith.maxsi %max3A_1463, %sub3A_1460 : vector<16xi32>
        %min3A_1465 = vector.broadcast %jit3A_1462 : i32 to vector<16xi32>
        %min3A_1466 = arith.minsi %min3A_1465, %max3A_1464 : vector<16xi32>
        %add3A_1467 = arith.constant 32 : i32
        %add3A_1468 = vector.broadcast %add3A_1467 : i32 to vector<16xi32>
        %add3A_1469 = arith.addi %min3A_1466, %add3A_1468 : vector<16xi32>
        %mul3A_1470 = arith.constant 16 : i32
        %mul3A_1471 = vector.broadcast %mul3A_1470 : i32 to vector<16xi32>
        %mul3A_1472 = arith.muli %add3A_1469, %mul3A_1471 : vector<16xi32>
        %add3A_1473 = vector.broadcast %add3A_1453 : i32 to vector<16xi32>
        %add3A_1474 = arith.addi %mul3A_1472, %add3A_1473 : vector<16xi32>
        %gather3A_1475 = tpu.vector_load_idx %arg4[%add3A_1474] : memref<1040xf32, #tpu.memory_space<vmem>>[vector<16xi32>], vector<16xf32>,
        %swap3A_1476 = arith.constant 6 : i32
        %swap3A_1477 = arith.index_cast %scan3A_131 : i32 to index
        %swap3A_1478 = arith.index_cast %swap3A_1476 : i32 to index
        %swap3A_1479 = arith.constant 0 : index
        %swap3A_1480 = tpu.vector_load %arg7[%swap3A_1477, %swap3A_1478, %swap3A_1479] {strides = array<i32>} : memref<32x8x128xf32, #tpu.memory_space<vmem>>, vector<16xf32>,
        tpu.vector_store %arg7[%swap3A_1477, %swap3A_1478, %swap3A_1479], %gather3A_1475 {strides = array<i32>} : memref<32x8x128xf32, #tpu.memory_space<vmem>>, vector<16xf32>,
        %add3A_1481 = arith.constant 16 : i32
        %add3A_1482 = arith.addi %multiple_of3A_3, %add3A_1481 : i32
        %iota3A_1483 = tpu.iota {dimensions = array<i32: 0>} : vector<16xi32>
        %add3A_1484 = vector.broadcast %add3A_1482 : i32 to vector<16xi32>
        %add3A_1485 = arith.addi %add3A_1484, %iota3A_1483 : vector<16xi32>
        %sub3A_1486 = vector.broadcast %add3A_132 : i32 to vector<16xi32>
        %sub3A_1487 = arith.subi %add3A_1485, %sub3A_1486 : vector<16xi32>
        %jit3A_1488 = arith.constant -32 : i32
        %jit3A_1489 = arith.constant 32 : i32
        %max3A_1490 = vector.broadcast %jit3A_1488 : i32 to vector<16xi32>
        %max3A_1491 = arith.maxsi %max3A_1490, %sub3A_1487 : vector<16xi32>
        %min3A_1492 = vector.broadcast %jit3A_1489 : i32 to vector<16xi32>
        %min3A_1493 = arith.minsi %min3A_1492, %max3A_1491 : vector<16xi32>
        %add3A_1494 = arith.constant 32 : i32
        %add3A_1495 = vector.broadcast %add3A_1494 : i32 to vector<16xi32>
        %add3A_1496 = arith.addi %min3A_1493, %add3A_1495 : vector<16xi32>
        %mul3A_1497 = arith.constant 16 : i32
        %mul3A_1498 = vector.broadcast %mul3A_1497 : i32 to vector<16xi32>
        %mul3A_1499 = arith.muli %add3A_1496, %mul3A_1498 : vector<16xi32>
        %add3A_1500 = vector.broadcast %add3A_1453 : i32 to vector<16xi32>
        %add3A_1501 = arith.addi %mul3A_1499, %add3A_1500 : vector<16xi32>
        %gather3A_1502 = tpu.vector_load_idx %arg4[%add3A_1501] : memref<1040xf32, #tpu.memory_space<vmem>>[vector<16xi32>], vector<16xf32>,
        %swap3A_1503 = arith.constant 6 : i32
        %swap3A_1504 = arith.index_cast %scan3A_131 : i32 to index
        %swap3A_1505 = arith.index_cast %swap3A_1503 : i32 to index
        %swap3A_1506 = arith.constant 16 : index
        %swap3A_1507 = tpu.vector_load %arg7[%swap3A_1504, %swap3A_1505, %swap3A_1506] {strides = array<i32>} : memref<32x8x128xf32, #tpu.memory_space<vmem>>, vector<16xf32>,
        tpu.vector_store %arg7[%swap3A_1504, %swap3A_1505, %swap3A_1506], %gather3A_1502 {strides = array<i32>} : memref<32x8x128xf32, #tpu.memory_space<vmem>>, vector<16xf32>,
        %add3A_1508 = arith.constant 32 : i32
        %add3A_1509 = arith.addi %multiple_of3A_3, %add3A_1508 : i32
        %iota3A_1510 = tpu.iota {dimensions = array<i32: 0>} : vector<16xi32>
        %add3A_1511 = vector.broadcast %add3A_1509 : i32 to vector<16xi32>
        %add3A_1512 = arith.addi %add3A_1511, %iota3A_1510 : vector<16xi32>
        %sub3A_1513 = vector.broadcast %add3A_132 : i32 to vector<16xi32>
        %sub3A_1514 = arith.subi %add3A_1512, %sub3A_1513 : vector<16xi32>
        %jit3A_1515 = arith.constant -32 : i32
        %jit3A_1516 = arith.constant 32 : i32
        %max3A_1517 = vector.broadcast %jit3A_1515 : i32 to vector<16xi32>
        %max3A_1518 = arith.maxsi %max3A_1517, %sub3A_1514 : vector<16xi32>
        %min3A_1519 = vector.broadcast %jit3A_1516 : i32 to vector<16xi32>
        %min3A_1520 = arith.minsi %min3A_1519, %max3A_1518 : vector<16xi32>
        %add3A_1521 = arith.constant 32 : i32
        %add3A_1522 = vector.broadcast %add3A_1521 : i32 to vector<16xi32>
        %add3A_1523 = arith.addi %min3A_1520, %add3A_1522 : vector<16xi32>
        %mul3A_1524 = arith.constant 16 : i32
        %mul3A_1525 = vector.broadcast %mul3A_1524 : i32 to vector<16xi32>
        %mul3A_1526 = arith.muli %add3A_1523, %mul3A_1525 : vector<16xi32>
        %add3A_1527 = vector.broadcast %add3A_1453 : i32 to vector<16xi32>
        %add3A_1528 = arith.addi %mul3A_1526, %add3A_1527 : vector<16xi32>
        %gather3A_1529 = tpu.vector_load_idx %arg4[%add3A_1528] : memref<1040xf32, #tpu.memory_space<vmem>>[vector<16xi32>], vector<16xf32>,
        %swap3A_1530 = arith.constant 6 : i32
        %swap3A_1531 = arith.index_cast %scan3A_131 : i32 to index
        %swap3A_1532 = arith.index_cast %swap3A_1530 : i32 to index
        %swap3A_1533 = arith.constant 32 : index
        %swap3A_1534 = tpu.vector_load %arg7[%swap3A_1531, %swap3A_1532, %swap3A_1533] {strides = array<i32>} : memref<32x8x128xf32, #tpu.memory_space<vmem>>, vector<16xf32>,
        tpu.vector_store %arg7[%swap3A_1531, %swap3A_1532, %swap3A_1533], %gather3A_1529 {strides = array<i32>} : memref<32x8x128xf32, #tpu.memory_space<vmem>>, vector<16xf32>,
        %add3A_1535 = arith.constant 48 : i32
        %add3A_1536 = arith.addi %multiple_of3A_3, %add3A_1535 : i32
        %iota3A_1537 = tpu.iota {dimensions = array<i32: 0>} : vector<16xi32>
        %add3A_1538 = vector.broadcast %add3A_1536 : i32 to vector<16xi32>
        %add3A_1539 = arith.addi %add3A_1538, %iota3A_1537 : vector<16xi32>
        %sub3A_1540 = vector.broadcast %add3A_132 : i32 to vector<16xi32>
        %sub3A_1541 = arith.subi %add3A_1539, %sub3A_1540 : vector<16xi32>
        %jit3A_1542 = arith.constant -32 : i32
        %jit3A_1543 = arith.constant 32 : i32
        %max3A_1544 = vector.broadcast %jit3A_1542 : i32 to vector<16xi32>
        %max3A_1545 = arith.maxsi %max3A_1544, %sub3A_1541 : vector<16xi32>
        %min3A_1546 = vector.broadcast %jit3A_1543 : i32 to vector<16xi32>
        %min3A_1547 = arith.minsi %min3A_1546, %max3A_1545 : vector<16xi32>
        %add3A_1548 = arith.constant 32 : i32
        %add3A_1549 = vector.broadcast %add3A_1548 : i32 to vector<16xi32>
        %add3A_1550 = arith.addi %min3A_1547, %add3A_1549 : vector<16xi32>
        %mul3A_1551 = arith.constant 16 : i32
        %mul3A_1552 = vector.broadcast %mul3A_1551 : i32 to vector<16xi32>
        %mul3A_1553 = arith.muli %add3A_1550, %mul3A_1552 : vector<16xi32>
        %add3A_1554 = vector.broadcast %add3A_1453 : i32 to vector<16xi32>
        %add3A_1555 = arith.addi %mul3A_1553, %add3A_1554 : vector<16xi32>
        %gather3A_1556 = tpu.vector_load_idx %arg4[%add3A_1555] : memref<1040xf32, #tpu.memory_space<vmem>>[vector<16xi32>], vector<16xf32>,
        %swap3A_1557 = arith.constant 6 : i32
        %swap3A_1558 = arith.index_cast %scan3A_131 : i32 to index
        %swap3A_1559 = arith.index_cast %swap3A_1557 : i32 to index
        %swap3A_1560 = arith.constant 48 : index
        %swap3A_1561 = tpu.vector_load %arg7[%swap3A_1558, %swap3A_1559, %swap3A_1560] {strides = array<i32>} : memref<32x8x128xf32, #tpu.memory_space<vmem>>, vector<16xf32>,
        tpu.vector_store %arg7[%swap3A_1558, %swap3A_1559, %swap3A_1560], %gather3A_1556 {strides = array<i32>} : memref<32x8x128xf32, #tpu.memory_space<vmem>>, vector<16xf32>,
        %add3A_1562 = arith.constant 64 : i32
        %add3A_1563 = arith.addi %multiple_of3A_3, %add3A_1562 : i32
        %iota3A_1564 = tpu.iota {dimensions = array<i32: 0>} : vector<16xi32>
        %add3A_1565 = vector.broadcast %add3A_1563 : i32 to vector<16xi32>
        %add3A_1566 = arith.addi %add3A_1565, %iota3A_1564 : vector<16xi32>
        %sub3A_1567 = vector.broadcast %add3A_132 : i32 to vector<16xi32>
        %sub3A_1568 = arith.subi %add3A_1566, %sub3A_1567 : vector<16xi32>
        %jit3A_1569 = arith.constant -32 : i32
        %jit3A_1570 = arith.constant 32 : i32
        %max3A_1571 = vector.broadcast %jit3A_1569 : i32 to vector<16xi32>
        %max3A_1572 = arith.maxsi %max3A_1571, %sub3A_1568 : vector<16xi32>
        %min3A_1573 = vector.broadcast %jit3A_1570 : i32 to vector<16xi32>
        %min3A_1574 = arith.minsi %min3A_1573, %max3A_1572 : vector<16xi32>
        %add3A_1575 = arith.constant 32 : i32
        %add3A_1576 = vector.broadcast %add3A_1575 : i32 to vector<16xi32>
        %add3A_1577 = arith.addi %min3A_1574, %add3A_1576 : vector<16xi32>
        %mul3A_1578 = arith.constant 16 : i32
        %mul3A_1579 = vector.broadcast %mul3A_1578 : i32 to vector<16xi32>
        %mul3A_1580 = arith.muli %add3A_1577, %mul3A_1579 : vector<16xi32>
        %add3A_1581 = vector.broadcast %add3A_1453 : i32 to vector<16xi32>
        %add3A_1582 = arith.addi %mul3A_1580, %add3A_1581 : vector<16xi32>
        %gather3A_1583 = tpu.vector_load_idx %arg4[%add3A_1582] : memref<1040xf32, #tpu.memory_space<vmem>>[vector<16xi32>], vector<16xf32>,
        %swap3A_1584 = arith.constant 6 : i32
        %swap3A_1585 = arith.index_cast %scan3A_131 : i32 to index
        %swap3A_1586 = arith.index_cast %swap3A_1584 : i32 to index
        %swap3A_1587 = arith.constant 64 : index
        %swap3A_1588 = tpu.vector_load %arg7[%swap3A_1585, %swap3A_1586, %swap3A_1587] {strides = array<i32>} : memref<32x8x128xf32, #tpu.memory_space<vmem>>, vector<16xf32>,
        tpu.vector_store %arg7[%swap3A_1585, %swap3A_1586, %swap3A_1587], %gather3A_1583 {strides = array<i32>} : memref<32x8x128xf32, #tpu.memory_space<vmem>>, vector<16xf32>,
        %add3A_1589 = arith.constant 80 : i32
        %add3A_1590 = arith.addi %multiple_of3A_3, %add3A_1589 : i32
        %iota3A_1591 = tpu.iota {dimensions = array<i32: 0>} : vector<16xi32>
        %add3A_1592 = vector.broadcast %add3A_1590 : i32 to vector<16xi32>
        %add3A_1593 = arith.addi %add3A_1592, %iota3A_1591 : vector<16xi32>
        %sub3A_1594 = vector.broadcast %add3A_132 : i32 to vector<16xi32>
        %sub3A_1595 = arith.subi %add3A_1593, %sub3A_1594 : vector<16xi32>
        %jit3A_1596 = arith.constant -32 : i32
        %jit3A_1597 = arith.constant 32 : i32
        %max3A_1598 = vector.broadcast %jit3A_1596 : i32 to vector<16xi32>
        %max3A_1599 = arith.maxsi %max3A_1598, %sub3A_1595 : vector<16xi32>
        %min3A_1600 = vector.broadcast %jit3A_1597 : i32 to vector<16xi32>
        %min3A_1601 = arith.minsi %min3A_1600, %max3A_1599 : vector<16xi32>
        %add3A_1602 = arith.constant 32 : i32
        %add3A_1603 = vector.broadcast %add3A_1602 : i32 to vector<16xi32>
        %add3A_1604 = arith.addi %min3A_1601, %add3A_1603 : vector<16xi32>
        %mul3A_1605 = arith.constant 16 : i32
        %mul3A_1606 = vector.broadcast %mul3A_1605 : i32 to vector<16xi32>
        %mul3A_1607 = arith.muli %add3A_1604, %mul3A_1606 : vector<16xi32>
        %add3A_1608 = vector.broadcast %add3A_1453 : i32 to vector<16xi32>
        %add3A_1609 = arith.addi %mul3A_1607, %add3A_1608 : vector<16xi32>
        %gather3A_1610 = tpu.vector_load_idx %arg4[%add3A_1609] : memref<1040xf32, #tpu.memory_space<vmem>>[vector<16xi32>], vector<16xf32>,
        %swap3A_1611 = arith.constant 6 : i32
        %swap3A_1612 = arith.index_cast %scan3A_131 : i32 to index
        %swap3A_1613 = arith.index_cast %swap3A_1611 : i32 to index
        %swap3A_1614 = arith.constant 80 : index
        %swap3A_1615 = tpu.vector_load %arg7[%swap3A_1612, %swap3A_1613, %swap3A_1614] {strides = array<i32>} : memref<32x8x128xf32, #tpu.memory_space<vmem>>, vector<16xf32>,
        tpu.vector_store %arg7[%swap3A_1612, %swap3A_1613, %swap3A_1614], %gather3A_1610 {strides = array<i32>} : memref<32x8x128xf32, #tpu.memory_space<vmem>>, vector<16xf32>,
        %add3A_1616 = arith.constant 96 : i32
        %add3A_1617 = arith.addi %multiple_of3A_3, %add3A_1616 : i32
        %iota3A_1618 = tpu.iota {dimensions = array<i32: 0>} : vector<16xi32>
        %add3A_1619 = vector.broadcast %add3A_1617 : i32 to vector<16xi32>
        %add3A_1620 = arith.addi %add3A_1619, %iota3A_1618 : vector<16xi32>
        %sub3A_1621 = vector.broadcast %add3A_132 : i32 to vector<16xi32>
        %sub3A_1622 = arith.subi %add3A_1620, %sub3A_1621 : vector<16xi32>
        %jit3A_1623 = arith.constant -32 : i32
        %jit3A_1624 = arith.constant 32 : i32
        %max3A_1625 = vector.broadcast %jit3A_1623 : i32 to vector<16xi32>
        %max3A_1626 = arith.maxsi %max3A_1625, %sub3A_1622 : vector<16xi32>
        %min3A_1627 = vector.broadcast %jit3A_1624 : i32 to vector<16xi32>
        %min3A_1628 = arith.minsi %min3A_1627, %max3A_1626 : vector<16xi32>
        %add3A_1629 = arith.constant 32 : i32
        %add3A_1630 = vector.broadcast %add3A_1629 : i32 to vector<16xi32>
        %add3A_1631 = arith.addi %min3A_1628, %add3A_1630 : vector<16xi32>
        %mul3A_1632 = arith.constant 16 : i32
        %mul3A_1633 = vector.broadcast %mul3A_1632 : i32 to vector<16xi32>
        %mul3A_1634 = arith.muli %add3A_1631, %mul3A_1633 : vector<16xi32>
        %add3A_1635 = vector.broadcast %add3A_1453 : i32 to vector<16xi32>
        %add3A_1636 = arith.addi %mul3A_1634, %add3A_1635 : vector<16xi32>
        %gather3A_1637 = tpu.vector_load_idx %arg4[%add3A_1636] : memref<1040xf32, #tpu.memory_space<vmem>>[vector<16xi32>], vector<16xf32>,
        %swap3A_1638 = arith.constant 6 : i32
        %swap3A_1639 = arith.index_cast %scan3A_131 : i32 to index
        %swap3A_1640 = arith.index_cast %swap3A_1638 : i32 to index
        %swap3A_1641 = arith.constant 96 : index
        %swap3A_1642 = tpu.vector_load %arg7[%swap3A_1639, %swap3A_1640, %swap3A_1641] {strides = array<i32>} : memref<32x8x128xf32, #tpu.memory_space<vmem>>, vector<16xf32>,
        tpu.vector_store %arg7[%swap3A_1639, %swap3A_1640, %swap3A_1641], %gather3A_1637 {strides = array<i32>} : memref<32x8x128xf32, #tpu.memory_space<vmem>>, vector<16xf32>,
        %add3A_1643 = arith.constant 112 : i32
        %add3A_1644 = arith.addi %multiple_of3A_3, %add3A_1643 : i32
        %iota3A_1645 = tpu.iota {dimensions = array<i32: 0>} : vector<16xi32>
        %add3A_1646 = vector.broadcast %add3A_1644 : i32 to vector<16xi32>
        %add3A_1647 = arith.addi %add3A_1646, %iota3A_1645 : vector<16xi32>
        %sub3A_1648 = vector.broadcast %add3A_132 : i32 to vector<16xi32>
        %sub3A_1649 = arith.subi %add3A_1647, %sub3A_1648 : vector<16xi32>
        %jit3A_1650 = arith.constant -32 : i32
        %jit3A_1651 = arith.constant 32 : i32
        %max3A_1652 = vector.broadcast %jit3A_1650 : i32 to vector<16xi32>
        %max3A_1653 = arith.maxsi %max3A_1652, %sub3A_1649 : vector<16xi32>
        %min3A_1654 = vector.broadcast %jit3A_1651 : i32 to vector<16xi32>
        %min3A_1655 = arith.minsi %min3A_1654, %max3A_1653 : vector<16xi32>
        %add3A_1656 = arith.constant 32 : i32
        %add3A_1657 = vector.broadcast %add3A_1656 : i32 to vector<16xi32>
        %add3A_1658 = arith.addi %min3A_1655, %add3A_1657 : vector<16xi32>
        %mul3A_1659 = arith.constant 16 : i32
        %mul3A_1660 = vector.broadcast %mul3A_1659 : i32 to vector<16xi32>
        %mul3A_1661 = arith.muli %add3A_1658, %mul3A_1660 : vector<16xi32>
        %add3A_1662 = vector.broadcast %add3A_1453 : i32 to vector<16xi32>
        %add3A_1663 = arith.addi %mul3A_1661, %add3A_1662 : vector<16xi32>
        %gather3A_1664 = tpu.vector_load_idx %arg4[%add3A_1663] : memref<1040xf32, #tpu.memory_space<vmem>>[vector<16xi32>], vector<16xf32>,
        %swap3A_1665 = arith.constant 6 : i32
        %swap3A_1666 = arith.index_cast %scan3A_131 : i32 to index
        %swap3A_1667 = arith.index_cast %swap3A_1665 : i32 to index
        %swap3A_1668 = arith.constant 112 : index
        %swap3A_1669 = tpu.vector_load %arg7[%swap3A_1666, %swap3A_1667, %swap3A_1668] {strides = array<i32>} : memref<32x8x128xf32, #tpu.memory_space<vmem>>, vector<16xf32>,
        tpu.vector_store %arg7[%swap3A_1666, %swap3A_1667, %swap3A_1668], %gather3A_1664 {strides = array<i32>} : memref<32x8x128xf32, #tpu.memory_space<vmem>>, vector<16xf32>,
        %mul3A_1670 = arith.constant 8 : i32
        %mul3A_1671 = arith.muli %mul3A_1670, %arg0 : i32
        %add3A_1672 = arith.constant 7 : i32
        %add3A_1673 = arith.addi %mul3A_1671, %add3A_1672 : i32
        %add3A_1674 = arith.constant 0 : i32
        %add3A_1675 = arith.addi %multiple_of3A_3, %add3A_1674 : i32
        %iota3A_1676 = tpu.iota {dimensions = array<i32: 0>} : vector<16xi32>
        %add3A_1677 = vector.broadcast %add3A_1675 : i32 to vector<16xi32>
        %add3A_1678 = arith.addi %add3A_1677, %iota3A_1676 : vector<16xi32>
        %sub3A_1679 = vector.broadcast %add3A_132 : i32 to vector<16xi32>
        %sub3A_1680 = arith.subi %add3A_1678, %sub3A_1679 : vector<16xi32>
        %jit3A_1681 = arith.constant -32 : i32
        %jit3A_1682 = arith.constant 32 : i32
        %max3A_1683 = vector.broadcast %jit3A_1681 : i32 to vector<16xi32>
        %max3A_1684 = arith.maxsi %max3A_1683, %sub3A_1680 : vector<16xi32>
        %min3A_1685 = vector.broadcast %jit3A_1682 : i32 to vector<16xi32>
        %min3A_1686 = arith.minsi %min3A_1685, %max3A_1684 : vector<16xi32>
        %add3A_1687 = arith.constant 32 : i32
        %add3A_1688 = vector.broadcast %add3A_1687 : i32 to vector<16xi32>
        %add3A_1689 = arith.addi %min3A_1686, %add3A_1688 : vector<16xi32>
        %mul3A_1690 = arith.constant 16 : i32
        %mul3A_1691 = vector.broadcast %mul3A_1690 : i32 to vector<16xi32>
        %mul3A_1692 = arith.muli %add3A_1689, %mul3A_1691 : vector<16xi32>
        %add3A_1693 = vector.broadcast %add3A_1673 : i32 to vector<16xi32>
        %add3A_1694 = arith.addi %mul3A_1692, %add3A_1693 : vector<16xi32>
        %gather3A_1695 = tpu.vector_load_idx %arg4[%add3A_1694] : memref<1040xf32, #tpu.memory_space<vmem>>[vector<16xi32>], vector<16xf32>,
        %swap3A_1696 = arith.constant 7 : i32
        %swap3A_1697 = arith.index_cast %scan3A_131 : i32 to index
        %swap3A_1698 = arith.index_cast %swap3A_1696 : i32 to index
        %swap3A_1699 = arith.constant 0 : index
        %swap3A_1700 = tpu.vector_load %arg7[%swap3A_1697, %swap3A_1698, %swap3A_1699] {strides = array<i32>} : memref<32x8x128xf32, #tpu.memory_space<vmem>>, vector<16xf32>,
        tpu.vector_store %arg7[%swap3A_1697, %swap3A_1698, %swap3A_1699], %gather3A_1695 {strides = array<i32>} : memref<32x8x128xf32, #tpu.memory_space<vmem>>, vector<16xf32>,
        %add3A_1701 = arith.constant 16 : i32
        %add3A_1702 = arith.addi %multiple_of3A_3, %add3A_1701 : i32
        %iota3A_1703 = tpu.iota {dimensions = array<i32: 0>} : vector<16xi32>
        %add3A_1704 = vector.broadcast %add3A_1702 : i32 to vector<16xi32>
        %add3A_1705 = arith.addi %add3A_1704, %iota3A_1703 : vector<16xi32>
        %sub3A_1706 = vector.broadcast %add3A_132 : i32 to vector<16xi32>
        %sub3A_1707 = arith.subi %add3A_1705, %sub3A_1706 : vector<16xi32>
        %jit3A_1708 = arith.constant -32 : i32
        %jit3A_1709 = arith.constant 32 : i32
        %max3A_1710 = vector.broadcast %jit3A_1708 : i32 to vector<16xi32>
        %max3A_1711 = arith.maxsi %max3A_1710, %sub3A_1707 : vector<16xi32>
        %min3A_1712 = vector.broadcast %jit3A_1709 : i32 to vector<16xi32>
        %min3A_1713 = arith.minsi %min3A_1712, %max3A_1711 : vector<16xi32>
        %add3A_1714 = arith.constant 32 : i32
        %add3A_1715 = vector.broadcast %add3A_1714 : i32 to vector<16xi32>
        %add3A_1716 = arith.addi %min3A_1713, %add3A_1715 : vector<16xi32>
        %mul3A_1717 = arith.constant 16 : i32
        %mul3A_1718 = vector.broadcast %mul3A_1717 : i32 to vector<16xi32>
        %mul3A_1719 = arith.muli %add3A_1716, %mul3A_1718 : vector<16xi32>
        %add3A_1720 = vector.broadcast %add3A_1673 : i32 to vector<16xi32>
        %add3A_1721 = arith.addi %mul3A_1719, %add3A_1720 : vector<16xi32>
        %gather3A_1722 = tpu.vector_load_idx %arg4[%add3A_1721] : memref<1040xf32, #tpu.memory_space<vmem>>[vector<16xi32>], vector<16xf32>,
        %swap3A_1723 = arith.constant 7 : i32
        %swap3A_1724 = arith.index_cast %scan3A_131 : i32 to index
        %swap3A_1725 = arith.index_cast %swap3A_1723 : i32 to index
        %swap3A_1726 = arith.constant 16 : index
        %swap3A_1727 = tpu.vector_load %arg7[%swap3A_1724, %swap3A_1725, %swap3A_1726] {strides = array<i32>} : memref<32x8x128xf32, #tpu.memory_space<vmem>>, vector<16xf32>,
        tpu.vector_store %arg7[%swap3A_1724, %swap3A_1725, %swap3A_1726], %gather3A_1722 {strides = array<i32>} : memref<32x8x128xf32, #tpu.memory_space<vmem>>, vector<16xf32>,
        %add3A_1728 = arith.constant 32 : i32
        %add3A_1729 = arith.addi %multiple_of3A_3, %add3A_1728 : i32
        %iota3A_1730 = tpu.iota {dimensions = array<i32: 0>} : vector<16xi32>
        %add3A_1731 = vector.broadcast %add3A_1729 : i32 to vector<16xi32>
        %add3A_1732 = arith.addi %add3A_1731, %iota3A_1730 : vector<16xi32>
        %sub3A_1733 = vector.broadcast %add3A_132 : i32 to vector<16xi32>
        %sub3A_1734 = arith.subi %add3A_1732, %sub3A_1733 : vector<16xi32>
        %jit3A_1735 = arith.constant -32 : i32
        %jit3A_1736 = arith.constant 32 : i32
        %max3A_1737 = vector.broadcast %jit3A_1735 : i32 to vector<16xi32>
        %max3A_1738 = arith.maxsi %max3A_1737, %sub3A_1734 : vector<16xi32>
        %min3A_1739 = vector.broadcast %jit3A_1736 : i32 to vector<16xi32>
        %min3A_1740 = arith.minsi %min3A_1739, %max3A_1738 : vector<16xi32>
        %add3A_1741 = arith.constant 32 : i32
        %add3A_1742 = vector.broadcast %add3A_1741 : i32 to vector<16xi32>
        %add3A_1743 = arith.addi %min3A_1740, %add3A_1742 : vector<16xi32>
        %mul3A_1744 = arith.constant 16 : i32
        %mul3A_1745 = vector.broadcast %mul3A_1744 : i32 to vector<16xi32>
        %mul3A_1746 = arith.muli %add3A_1743, %mul3A_1745 : vector<16xi32>
        %add3A_1747 = vector.broadcast %add3A_1673 : i32 to vector<16xi32>
        %add3A_1748 = arith.addi %mul3A_1746, %add3A_1747 : vector<16xi32>
        %gather3A_1749 = tpu.vector_load_idx %arg4[%add3A_1748] : memref<1040xf32, #tpu.memory_space<vmem>>[vector<16xi32>], vector<16xf32>,
        %swap3A_1750 = arith.constant 7 : i32
        %swap3A_1751 = arith.index_cast %scan3A_131 : i32 to index
        %swap3A_1752 = arith.index_cast %swap3A_1750 : i32 to index
        %swap3A_1753 = arith.constant 32 : index
        %swap3A_1754 = tpu.vector_load %arg7[%swap3A_1751, %swap3A_1752, %swap3A_1753] {strides = array<i32>} : memref<32x8x128xf32, #tpu.memory_space<vmem>>, vector<16xf32>,
        tpu.vector_store %arg7[%swap3A_1751, %swap3A_1752, %swap3A_1753], %gather3A_1749 {strides = array<i32>} : memref<32x8x128xf32, #tpu.memory_space<vmem>>, vector<16xf32>,
        %add3A_1755 = arith.constant 48 : i32
        %add3A_1756 = arith.addi %multiple_of3A_3, %add3A_1755 : i32
        %iota3A_1757 = tpu.iota {dimensions = array<i32: 0>} : vector<16xi32>
        %add3A_1758 = vector.broadcast %add3A_1756 : i32 to vector<16xi32>
        %add3A_1759 = arith.addi %add3A_1758, %iota3A_1757 : vector<16xi32>
        %sub3A_1760 = vector.broadcast %add3A_132 : i32 to vector<16xi32>
        %sub3A_1761 = arith.subi %add3A_1759, %sub3A_1760 : vector<16xi32>
        %jit3A_1762 = arith.constant -32 : i32
        %jit3A_1763 = arith.constant 32 : i32
        %max3A_1764 = vector.broadcast %jit3A_1762 : i32 to vector<16xi32>
        %max3A_1765 = arith.maxsi %max3A_1764, %sub3A_1761 : vector<16xi32>
        %min3A_1766 = vector.broadcast %jit3A_1763 : i32 to vector<16xi32>
        %min3A_1767 = arith.minsi %min3A_1766, %max3A_1765 : vector<16xi32>
        %add3A_1768 = arith.constant 32 : i32
        %add3A_1769 = vector.broadcast %add3A_1768 : i32 to vector<16xi32>
        %add3A_1770 = arith.addi %min3A_1767, %add3A_1769 : vector<16xi32>
        %mul3A_1771 = arith.constant 16 : i32
        %mul3A_1772 = vector.broadcast %mul3A_1771 : i32 to vector<16xi32>
        %mul3A_1773 = arith.muli %add3A_1770, %mul3A_1772 : vector<16xi32>
        %add3A_1774 = vector.broadcast %add3A_1673 : i32 to vector<16xi32>
        %add3A_1775 = arith.addi %mul3A_1773, %add3A_1774 : vector<16xi32>
        %gather3A_1776 = tpu.vector_load_idx %arg4[%add3A_1775] : memref<1040xf32, #tpu.memory_space<vmem>>[vector<16xi32>], vector<16xf32>,
        %swap3A_1777 = arith.constant 7 : i32
        %swap3A_1778 = arith.index_cast %scan3A_131 : i32 to index
        %swap3A_1779 = arith.index_cast %swap3A_1777 : i32 to index
        %swap3A_1780 = arith.constant 48 : index
        %swap3A_1781 = tpu.vector_load %arg7[%swap3A_1778, %swap3A_1779, %swap3A_1780] {strides = array<i32>} : memref<32x8x128xf32, #tpu.memory_space<vmem>>, vector<16xf32>,
        tpu.vector_store %arg7[%swap3A_1778, %swap3A_1779, %swap3A_1780], %gather3A_1776 {strides = array<i32>} : memref<32x8x128xf32, #tpu.memory_space<vmem>>, vector<16xf32>,
        %add3A_1782 = arith.constant 64 : i32
        %add3A_1783 = arith.addi %multiple_of3A_3, %add3A_1782 : i32
        %iota3A_1784 = tpu.iota {dimensions = array<i32: 0>} : vector<16xi32>
        %add3A_1785 = vector.broadcast %add3A_1783 : i32 to vector<16xi32>
        %add3A_1786 = arith.addi %add3A_1785, %iota3A_1784 : vector<16xi32>
        %sub3A_1787 = vector.broadcast %add3A_132 : i32 to vector<16xi32>
        %sub3A_1788 = arith.subi %add3A_1786, %sub3A_1787 : vector<16xi32>
        %jit3A_1789 = arith.constant -32 : i32
        %jit3A_1790 = arith.constant 32 : i32
        %max3A_1791 = vector.broadcast %jit3A_1789 : i32 to vector<16xi32>
        %max3A_1792 = arith.maxsi %max3A_1791, %sub3A_1788 : vector<16xi32>
        %min3A_1793 = vector.broadcast %jit3A_1790 : i32 to vector<16xi32>
        %min3A_1794 = arith.minsi %min3A_1793, %max3A_1792 : vector<16xi32>
        %add3A_1795 = arith.constant 32 : i32
        %add3A_1796 = vector.broadcast %add3A_1795 : i32 to vector<16xi32>
        %add3A_1797 = arith.addi %min3A_1794, %add3A_1796 : vector<16xi32>
        %mul3A_1798 = arith.constant 16 : i32
        %mul3A_1799 = vector.broadcast %mul3A_1798 : i32 to vector<16xi32>
        %mul3A_1800 = arith.muli %add3A_1797, %mul3A_1799 : vector<16xi32>
        %add3A_1801 = vector.broadcast %add3A_1673 : i32 to vector<16xi32>
        %add3A_1802 = arith.addi %mul3A_1800, %add3A_1801 : vector<16xi32>
        %gather3A_1803 = tpu.vector_load_idx %arg4[%add3A_1802] : memref<1040xf32, #tpu.memory_space<vmem>>[vector<16xi32>], vector<16xf32>,
        %swap3A_1804 = arith.constant 7 : i32
        %swap3A_1805 = arith.index_cast %scan3A_131 : i32 to index
        %swap3A_1806 = arith.index_cast %swap3A_1804 : i32 to index
        %swap3A_1807 = arith.constant 64 : index
        %swap3A_1808 = tpu.vector_load %arg7[%swap3A_1805, %swap3A_1806, %swap3A_1807] {strides = array<i32>} : memref<32x8x128xf32, #tpu.memory_space<vmem>>, vector<16xf32>,
        tpu.vector_store %arg7[%swap3A_1805, %swap3A_1806, %swap3A_1807], %gather3A_1803 {strides = array<i32>} : memref<32x8x128xf32, #tpu.memory_space<vmem>>, vector<16xf32>,
        %add3A_1809 = arith.constant 80 : i32
        %add3A_1810 = arith.addi %multiple_of3A_3, %add3A_1809 : i32
        %iota3A_1811 = tpu.iota {dimensions = array<i32: 0>} : vector<16xi32>
        %add3A_1812 = vector.broadcast %add3A_1810 : i32 to vector<16xi32>
        %add3A_1813 = arith.addi %add3A_1812, %iota3A_1811 : vector<16xi32>
        %sub3A_1814 = vector.broadcast %add3A_132 : i32 to vector<16xi32>
        %sub3A_1815 = arith.subi %add3A_1813, %sub3A_1814 : vector<16xi32>
        %jit3A_1816 = arith.constant -32 : i32
        %jit3A_1817 = arith.constant 32 : i32
        %max3A_1818 = vector.broadcast %jit3A_1816 : i32 to vector<16xi32>
        %max3A_1819 = arith.maxsi %max3A_1818, %sub3A_1815 : vector<16xi32>
        %min3A_1820 = vector.broadcast %jit3A_1817 : i32 to vector<16xi32>
        %min3A_1821 = arith.minsi %min3A_1820, %max3A_1819 : vector<16xi32>
        %add3A_1822 = arith.constant 32 : i32
        %add3A_1823 = vector.broadcast %add3A_1822 : i32 to vector<16xi32>
        %add3A_1824 = arith.addi %min3A_1821, %add3A_1823 : vector<16xi32>
        %mul3A_1825 = arith.constant 16 : i32
        %mul3A_1826 = vector.broadcast %mul3A_1825 : i32 to vector<16xi32>
        %mul3A_1827 = arith.muli %add3A_1824, %mul3A_1826 : vector<16xi32>
        %add3A_1828 = vector.broadcast %add3A_1673 : i32 to vector<16xi32>
        %add3A_1829 = arith.addi %mul3A_1827, %add3A_1828 : vector<16xi32>
        %gather3A_1830 = tpu.vector_load_idx %arg4[%add3A_1829] : memref<1040xf32, #tpu.memory_space<vmem>>[vector<16xi32>], vector<16xf32>,
        %swap3A_1831 = arith.constant 7 : i32
        %swap3A_1832 = arith.index_cast %scan3A_131 : i32 to index
        %swap3A_1833 = arith.index_cast %swap3A_1831 : i32 to index
        %swap3A_1834 = arith.constant 80 : index
        %swap3A_1835 = tpu.vector_load %arg7[%swap3A_1832, %swap3A_1833, %swap3A_1834] {strides = array<i32>} : memref<32x8x128xf32, #tpu.memory_space<vmem>>, vector<16xf32>,
        tpu.vector_store %arg7[%swap3A_1832, %swap3A_1833, %swap3A_1834], %gather3A_1830 {strides = array<i32>} : memref<32x8x128xf32, #tpu.memory_space<vmem>>, vector<16xf32>,
        %add3A_1836 = arith.constant 96 : i32
        %add3A_1837 = arith.addi %multiple_of3A_3, %add3A_1836 : i32
        %iota3A_1838 = tpu.iota {dimensions = array<i32: 0>} : vector<16xi32>
        %add3A_1839 = vector.broadcast %add3A_1837 : i32 to vector<16xi32>
        %add3A_1840 = arith.addi %add3A_1839, %iota3A_1838 : vector<16xi32>
        %sub3A_1841 = vector.broadcast %add3A_132 : i32 to vector<16xi32>
        %sub3A_1842 = arith.subi %add3A_1840, %sub3A_1841 : vector<16xi32>
        %jit3A_1843 = arith.constant -32 : i32
        %jit3A_1844 = arith.constant 32 : i32
        %max3A_1845 = vector.broadcast %jit3A_1843 : i32 to vector<16xi32>
        %max3A_1846 = arith.maxsi %max3A_1845, %sub3A_1842 : vector<16xi32>
        %min3A_1847 = vector.broadcast %jit3A_1844 : i32 to vector<16xi32>
        %min3A_1848 = arith.minsi %min3A_1847, %max3A_1846 : vector<16xi32>
        %add3A_1849 = arith.constant 32 : i32
        %add3A_1850 = vector.broadcast %add3A_1849 : i32 to vector<16xi32>
        %add3A_1851 = arith.addi %min3A_1848, %add3A_1850 : vector<16xi32>
        %mul3A_1852 = arith.constant 16 : i32
        %mul3A_1853 = vector.broadcast %mul3A_1852 : i32 to vector<16xi32>
        %mul3A_1854 = arith.muli %add3A_1851, %mul3A_1853 : vector<16xi32>
        %add3A_1855 = vector.broadcast %add3A_1673 : i32 to vector<16xi32>
        %add3A_1856 = arith.addi %mul3A_1854, %add3A_1855 : vector<16xi32>
        %gather3A_1857 = tpu.vector_load_idx %arg4[%add3A_1856] : memref<1040xf32, #tpu.memory_space<vmem>>[vector<16xi32>], vector<16xf32>,
        %swap3A_1858 = arith.constant 7 : i32
        %swap3A_1859 = arith.index_cast %scan3A_131 : i32 to index
        %swap3A_1860 = arith.index_cast %swap3A_1858 : i32 to index
        %swap3A_1861 = arith.constant 96 : index
        %swap3A_1862 = tpu.vector_load %arg7[%swap3A_1859, %swap3A_1860, %swap3A_1861] {strides = array<i32>} : memref<32x8x128xf32, #tpu.memory_space<vmem>>, vector<16xf32>,
        tpu.vector_store %arg7[%swap3A_1859, %swap3A_1860, %swap3A_1861], %gather3A_1857 {strides = array<i32>} : memref<32x8x128xf32, #tpu.memory_space<vmem>>, vector<16xf32>,
        %add3A_1863 = arith.constant 112 : i32
        %add3A_1864 = arith.addi %multiple_of3A_3, %add3A_1863 : i32
        %iota3A_1865 = tpu.iota {dimensions = array<i32: 0>} : vector<16xi32>
        %add3A_1866 = vector.broadcast %add3A_1864 : i32 to vector<16xi32>
        %add3A_1867 = arith.addi %add3A_1866, %iota3A_1865 : vector<16xi32>
        %sub3A_1868 = vector.broadcast %add3A_132 : i32 to vector<16xi32>
        %sub3A_1869 = arith.subi %add3A_1867, %sub3A_1868 : vector<16xi32>
        %jit3A_1870 = arith.constant -32 : i32
        %jit3A_1871 = arith.constant 32 : i32
        %max3A_1872 = vector.broadcast %jit3A_1870 : i32 to vector<16xi32>
        %max3A_1873 = arith.maxsi %max3A_1872, %sub3A_1869 : vector<16xi32>
        %min3A_1874 = vector.broadcast %jit3A_1871 : i32 to vector<16xi32>
        %min3A_1875 = arith.minsi %min3A_1874, %max3A_1873 : vector<16xi32>
        %add3A_1876 = arith.constant 32 : i32
        %add3A_1877 = vector.broadcast %add3A_1876 : i32 to vector<16xi32>
        %add3A_1878 = arith.addi %min3A_1875, %add3A_1877 : vector<16xi32>
        %mul3A_1879 = arith.constant 16 : i32
        %mul3A_1880 = vector.broadcast %mul3A_1879 : i32 to vector<16xi32>
        %mul3A_1881 = arith.muli %add3A_1878, %mul3A_1880 : vector<16xi32>
        %add3A_1882 = vector.broadcast %add3A_1673 : i32 to vector<16xi32>
        %add3A_1883 = arith.addi %mul3A_1881, %add3A_1882 : vector<16xi32>
        %gather3A_1884 = tpu.vector_load_idx %arg4[%add3A_1883] : memref<1040xf32, #tpu.memory_space<vmem>>[vector<16xi32>], vector<16xf32>,
        %swap3A_1885 = arith.constant 7 : i32
        %swap3A_1886 = arith.index_cast %scan3A_131 : i32 to index
        %swap3A_1887 = arith.index_cast %swap3A_1885 : i32 to index
        %swap3A_1888 = arith.constant 112 : index
        %swap3A_1889 = tpu.vector_load %arg7[%swap3A_1886, %swap3A_1887, %swap3A_1888] {strides = array<i32>} : memref<32x8x128xf32, #tpu.memory_space<vmem>>, vector<16xf32>,
        tpu.vector_store %arg7[%swap3A_1886, %swap3A_1887, %swap3A_1888], %gather3A_1884 {strides = array<i32>} : memref<32x8x128xf32, #tpu.memory_space<vmem>>, vector<16xf32>,
      }
      %scan3A_128 = arith.constant 32 : i32
      %dma_start3A = tpu.memref_slice %arg3[%add3A_122, %multiple_of3A, %multiple_of3A_3] : memref<2048x16x2048xf32, #tpu.memory_space<hbm>> -> memref<32x8x128xf32, #tpu.memory_space<hbm>>
      %dma_start3A_129 = tpu.memref_slice %arg3[%add3A_122, %multiple_of3A, %multiple_of3A_3] : memref<2048x16x2048xf32, #tpu.memory_space<hbm>> -> memref<32x8x128xf32, #tpu.memory_space<hbm>>
      tpu.enqueue_dma source(%arg7 : memref<32x8x128xf32, #tpu.memory_space<vmem>>) target(%dma_start3A_129 : memref<32x8x128xf32, #tpu.memory_space<hbm>>) target_semaphore(%arg9 : memref<!tpu.dma_semaphore, #tpu.memory_space<semaphore_mem>>)
      %dma_wait3A = tpu.memref_slice %arg3[%add3A_122, %multiple_of3A, %multiple_of3A_3] : memref<2048x16x2048xf32, #tpu.memory_space<hbm>> -> memref<32x8x128xf32, #tpu.memory_space<hbm>>
      %dma_wait3A_130 = tpu.memref_slice %arg3[%add3A_122, %multiple_of3A, %multiple_of3A_3] : memref<2048x16x2048xf32, #tpu.memory_space<hbm>> -> memref<32x8x128xf32, #tpu.memory_space<hbm>>
      tpu.wait_dma2 semaphore(%arg9 : memref<!tpu.dma_semaphore, #tpu.memory_space<semaphore_mem>>) src(%arg7 : memref<32x8x128xf32, #tpu.memory_space<vmem>>) dst(%dma_wait3A_130 : memref<32x8x128xf32, #tpu.memory_space<hbm>>)
    }
    %while3A_106 = arith.constant 1 : i32
    scf.for %while3A_119 = %while3A_104 to %while3A_100 step %while3A_106  : i32 {
      %mul3A_120 = arith.constant 32 : i32
      %mul3A_121 = arith.muli %mul3A_120, %while3A_119 : i32
      %add3A_122 = arith.addi %max3A_7, %mul3A_121 : i32
      %scan3A_123 = arith.constant 0 : i32
      %scan3A_124 = arith.constant 0 : i32
      %scan3A_125 = arith.constant 32 : i32
      %scan3A_126 = arith.addi %scan3A_124, %scan3A_125 : i32
      %scan3A_127 = arith.constant 1 : i32
      scf.for %scan3A_131 = %scan3A_124 to %scan3A_126 step %scan3A_127  : i32 {
        %add3A_132 = arith.addi %add3A_122, %scan3A_131 : i32
        %mul3A_133 = arith.constant 8 : i32
        %mul3A_134 = arith.muli %mul3A_133, %arg0 : i32
        %add3A_135 = arith.constant 0 : i32
        %add3A_136 = arith.addi %mul3A_134, %add3A_135 : i32
        %add3A_137 = arith.constant 0 : i32
        %add3A_138 = arith.addi %multiple_of3A_3, %add3A_137 : i32
        %iota3A = tpu.iota {dimensions = array<i32: 0>} : vector<16xi32>
        %add3A_139 = vector.broadcast %add3A_138 : i32 to vector<16xi32>
        %add3A_140 = arith.addi %add3A_139, %iota3A : vector<16xi32>
        %sub3A_141 = vector.broadcast %add3A_132 : i32 to vector<16xi32>
        %sub3A_142 = arith.subi %add3A_140, %sub3A_141 : vector<16xi32>
        %jit3A_143 = arith.constant -32 : i32
        %jit3A_144 = arith.constant 32 : i32
        %max3A_145 = vector.broadcast %jit3A_143 : i32 to vector<16xi32>
        %max3A_146 = arith.maxsi %max3A_145, %sub3A_142 : vector<16xi32>
        %min3A_147 = vector.broadcast %jit3A_144 : i32 to vector<16xi32>
        %min3A_148 = arith.minsi %min3A_147, %max3A_146 : vector<16xi32>
        %add3A_149 = arith.constant 32 : i32
        %add3A_150 = vector.broadcast %add3A_149 : i32 to vector<16xi32>
        %add3A_151 = arith.addi %min3A_148, %add3A_150 : vector<16xi32>
        %mul3A_152 = arith.constant 16 : i32
        %mul3A_153 = vector.broadcast %mul3A_152 : i32 to vector<16xi32>
        %mul3A_154 = arith.muli %add3A_151, %mul3A_153 : vector<16xi32>
        %add3A_155 = vector.broadcast %add3A_136 : i32 to vector<16xi32>
        %add3A_156 = arith.addi %mul3A_154, %add3A_155 : vector<16xi32>
        %gather3A = tpu.vector_load_idx %arg4[%add3A_156] : memref<1040xf32, #tpu.memory_space<vmem>>[vector<16xi32>], vector<16xf32>,
        %swap3A = arith.constant 0 : i32
        %swap3A_157 = arith.index_cast %scan3A_131 : i32 to index
        %swap3A_158 = arith.index_cast %swap3A : i32 to index
        %swap3A_159 = arith.constant 0 : index
        %swap3A_160 = tpu.vector_load %arg7[%swap3A_157, %swap3A_158, %swap3A_159] {strides = array<i32>} : memref<32x8x128xf32, #tpu.memory_space<vmem>>, vector<16xf32>,
        tpu.vector_store %arg7[%swap3A_157, %swap3A_158, %swap3A_159], %gather3A {strides = array<i32>} : memref<32x8x128xf32, #tpu.memory_space<vmem>>, vector<16xf32>,
        %add3A_161 = arith.constant 16 : i32
        %add3A_162 = arith.addi %multiple_of3A_3, %add3A_161 : i32
        %iota3A_163 = tpu.iota {dimensions = array<i32: 0>} : vector<16xi32>
        %add3A_164 = vector.broadcast %add3A_162 : i32 to vector<16xi32>
        %add3A_165 = arith.addi %add3A_164, %iota3A_163 : vector<16xi32>
        %sub3A_166 = vector.broadcast %add3A_132 : i32 to vector<16xi32>
        %sub3A_167 = arith.subi %add3A_165, %sub3A_166 : vector<16xi32>
        %jit3A_168 = arith.constant -32 : i32
        %jit3A_169 = arith.constant 32 : i32
        %max3A_170 = vector.broadcast %jit3A_168 : i32 to vector<16xi32>
        %max3A_171 = arith.maxsi %max3A_170, %sub3A_167 : vector<16xi32>
        %min3A_172 = vector.broadcast %jit3A_169 : i32 to vector<16xi32>
        %min3A_173 = arith.minsi %min3A_172, %max3A_171 : vector<16xi32>
        %add3A_174 = arith.constant 32 : i32
        %add3A_175 = vector.broadcast %add3A_174 : i32 to vector<16xi32>
        %add3A_176 = arith.addi %min3A_173, %add3A_175 : vector<16xi32>
        %mul3A_177 = arith.constant 16 : i32
        %mul3A_178 = vector.broadcast %mul3A_177 : i32 to vector<16xi32>
        %mul3A_179 = arith.muli %add3A_176, %mul3A_178 : vector<16xi32>
        %add3A_180 = vector.broadcast %add3A_136 : i32 to vector<16xi32>
        %add3A_181 = arith.addi %mul3A_179, %add3A_180 : vector<16xi32>
        %gather3A_182 = tpu.vector_load_idx %arg4[%add3A_181] : memref<1040xf32, #tpu.memory_space<vmem>>[vector<16xi32>], vector<16xf32>,
        %swap3A_183 = arith.constant 0 : i32
        %swap3A_184 = arith.index_cast %scan3A_131 : i32 to index
        %swap3A_185 = arith.index_cast %swap3A_183 : i32 to index
        %swap3A_186 = arith.constant 16 : index
        %swap3A_187 = tpu.vector_load %arg7[%swap3A_184, %swap3A_185, %swap3A_186] {strides = array<i32>} : memref<32x8x128xf32, #tpu.memory_space<vmem>>, vector<16xf32>,
        tpu.vector_store %arg7[%swap3A_184, %swap3A_185, %swap3A_186], %gather3A_182 {strides = array<i32>} : memref<32x8x128xf32, #tpu.memory_space<vmem>>, vector<16xf32>,
        %add3A_188 = arith.constant 32 : i32
        %add3A_189 = arith.addi %multiple_of3A_3, %add3A_188 : i32
        %iota3A_190 = tpu.iota {dimensions = array<i32: 0>} : vector<16xi32>
        %add3A_191 = vector.broadcast %add3A_189 : i32 to vector<16xi32>
        %add3A_192 = arith.addi %add3A_191, %iota3A_190 : vector<16xi32>
        %sub3A_193 = vector.broadcast %add3A_132 : i32 to vector<16xi32>
        %sub3A_194 = arith.subi %add3A_192, %sub3A_193 : vector<16xi32>
        %jit3A_195 = arith.constant -32 : i32
        %jit3A_196 = arith.constant 32 : i32
        %max3A_197 = vector.broadcast %jit3A_195 : i32 to vector<16xi32>
        %max3A_198 = arith.maxsi %max3A_197, %sub3A_194 : vector<16xi32>
        %min3A_199 = vector.broadcast %jit3A_196 : i32 to vector<16xi32>
        %min3A_200 = arith.minsi %min3A_199, %max3A_198 : vector<16xi32>
        %add3A_201 = arith.constant 32 : i32
        %add3A_202 = vector.broadcast %add3A_201 : i32 to vector<16xi32>
        %add3A_203 = arith.addi %min3A_200, %add3A_202 : vector<16xi32>
        %mul3A_204 = arith.constant 16 : i32
        %mul3A_205 = vector.broadcast %mul3A_204 : i32 to vector<16xi32>
        %mul3A_206 = arith.muli %add3A_203, %mul3A_205 : vector<16xi32>
        %add3A_207 = vector.broadcast %add3A_136 : i32 to vector<16xi32>
        %add3A_208 = arith.addi %mul3A_206, %add3A_207 : vector<16xi32>
        %gather3A_209 = tpu.vector_load_idx %arg4[%add3A_208] : memref<1040xf32, #tpu.memory_space<vmem>>[vector<16xi32>], vector<16xf32>,
        %swap3A_210 = arith.constant 0 : i32
        %swap3A_211 = arith.index_cast %scan3A_131 : i32 to index
        %swap3A_212 = arith.index_cast %swap3A_210 : i32 to index
        %swap3A_213 = arith.constant 32 : index
        %swap3A_214 = tpu.vector_load %arg7[%swap3A_211, %swap3A_212, %swap3A_213] {strides = array<i32>} : memref<32x8x128xf32, #tpu.memory_space<vmem>>, vector<16xf32>,
        tpu.vector_store %arg7[%swap3A_211, %swap3A_212, %swap3A_213], %gather3A_209 {strides = array<i32>} : memref<32x8x128xf32, #tpu.memory_space<vmem>>, vector<16xf32>,
        %add3A_215 = arith.constant 48 : i32
        %add3A_216 = arith.addi %multiple_of3A_3, %add3A_215 : i32
        %iota3A_217 = tpu.iota {dimensions = array<i32: 0>} : vector<16xi32>
        %add3A_218 = vector.broadcast %add3A_216 : i32 to vector<16xi32>
        %add3A_219 = arith.addi %add3A_218, %iota3A_217 : vector<16xi32>
        %sub3A_220 = vector.broadcast %add3A_132 : i32 to vector<16xi32>
        %sub3A_221 = arith.subi %add3A_219, %sub3A_220 : vector<16xi32>
        %jit3A_222 = arith.constant -32 : i32
        %jit3A_223 = arith.constant 32 : i32
        %max3A_224 = vector.broadcast %jit3A_222 : i32 to vector<16xi32>
        %max3A_225 = arith.maxsi %max3A_224, %sub3A_221 : vector<16xi32>
        %min3A_226 = vector.broadcast %jit3A_223 : i32 to vector<16xi32>
        %min3A_227 = arith.minsi %min3A_226, %max3A_225 : vector<16xi32>
        %add3A_228 = arith.constant 32 : i32
        %add3A_229 = vector.broadcast %add3A_228 : i32 to vector<16xi32>
        %add3A_230 = arith.addi %min3A_227, %add3A_229 : vector<16xi32>
        %mul3A_231 = arith.constant 16 : i32
        %mul3A_232 = vector.broadcast %mul3A_231 : i32 to vector<16xi32>
        %mul3A_233 = arith.muli %add3A_230, %mul3A_232 : vector<16xi32>
        %add3A_234 = vector.broadcast %add3A_136 : i32 to vector<16xi32>
        %add3A_235 = arith.addi %mul3A_233, %add3A_234 : vector<16xi32>
        %gather3A_236 = tpu.vector_load_idx %arg4[%add3A_235] : memref<1040xf32, #tpu.memory_space<vmem>>[vector<16xi32>], vector<16xf32>,
        %swap3A_237 = arith.constant 0 : i32
        %swap3A_238 = arith.index_cast %scan3A_131 : i32 to index
        %swap3A_239 = arith.index_cast %swap3A_237 : i32 to index
        %swap3A_240 = arith.constant 48 : index
        %swap3A_241 = tpu.vector_load %arg7[%swap3A_238, %swap3A_239, %swap3A_240] {strides = array<i32>} : memref<32x8x128xf32, #tpu.memory_space<vmem>>, vector<16xf32>,
        tpu.vector_store %arg7[%swap3A_238, %swap3A_239, %swap3A_240], %gather3A_236 {strides = array<i32>} : memref<32x8x128xf32, #tpu.memory_space<vmem>>, vector<16xf32>,
        %add3A_242 = arith.constant 64 : i32
        %add3A_243 = arith.addi %multiple_of3A_3, %add3A_242 : i32
        %iota3A_244 = tpu.iota {dimensions = array<i32: 0>} : vector<16xi32>
        %add3A_245 = vector.broadcast %add3A_243 : i32 to vector<16xi32>
        %add3A_246 = arith.addi %add3A_245, %iota3A_244 : vector<16xi32>
        %sub3A_247 = vector.broadcast %add3A_132 : i32 to vector<16xi32>
        %sub3A_248 = arith.subi %add3A_246, %sub3A_247 : vector<16xi32>
        %jit3A_249 = arith.constant -32 : i32
        %jit3A_250 = arith.constant 32 : i32
        %max3A_251 = vector.broadcast %jit3A_249 : i32 to vector<16xi32>
        %max3A_252 = arith.maxsi %max3A_251, %sub3A_248 : vector<16xi32>
        %min3A_253 = vector.broadcast %jit3A_250 : i32 to vector<16xi32>
        %min3A_254 = arith.minsi %min3A_253, %max3A_252 : vector<16xi32>
        %add3A_255 = arith.constant 32 : i32
        %add3A_256 = vector.broadcast %add3A_255 : i32 to vector<16xi32>
        %add3A_257 = arith.addi %min3A_254, %add3A_256 : vector<16xi32>
        %mul3A_258 = arith.constant 16 : i32
        %mul3A_259 = vector.broadcast %mul3A_258 : i32 to vector<16xi32>
        %mul3A_260 = arith.muli %add3A_257, %mul3A_259 : vector<16xi32>
        %add3A_261 = vector.broadcast %add3A_136 : i32 to vector<16xi32>
        %add3A_262 = arith.addi %mul3A_260, %add3A_261 : vector<16xi32>
        %gather3A_263 = tpu.vector_load_idx %arg4[%add3A_262] : memref<1040xf32, #tpu.memory_space<vmem>>[vector<16xi32>], vector<16xf32>,
        %swap3A_264 = arith.constant 0 : i32
        %swap3A_265 = arith.index_cast %scan3A_131 : i32 to index
        %swap3A_266 = arith.index_cast %swap3A_264 : i32 to index
        %swap3A_267 = arith.constant 64 : index
        %swap3A_268 = tpu.vector_load %arg7[%swap3A_265, %swap3A_266, %swap3A_267] {strides = array<i32>} : memref<32x8x128xf32, #tpu.memory_space<vmem>>, vector<16xf32>,
        tpu.vector_store %arg7[%swap3A_265, %swap3A_266, %swap3A_267], %gather3A_263 {strides = array<i32>} : memref<32x8x128xf32, #tpu.memory_space<vmem>>, vector<16xf32>,
        %add3A_269 = arith.constant 80 : i32
        %add3A_270 = arith.addi %multiple_of3A_3, %add3A_269 : i32
        %iota3A_271 = tpu.iota {dimensions = array<i32: 0>} : vector<16xi32>
        %add3A_272 = vector.broadcast %add3A_270 : i32 to vector<16xi32>
        %add3A_273 = arith.addi %add3A_272, %iota3A_271 : vector<16xi32>
        %sub3A_274 = vector.broadcast %add3A_132 : i32 to vector<16xi32>
        %sub3A_275 = arith.subi %add3A_273, %sub3A_274 : vector<16xi32>
        %jit3A_276 = arith.constant -32 : i32
        %jit3A_277 = arith.constant 32 : i32
        %max3A_278 = vector.broadcast %jit3A_276 : i32 to vector<16xi32>
        %max3A_279 = arith.maxsi %max3A_278, %sub3A_275 : vector<16xi32>
        %min3A_280 = vector.broadcast %jit3A_277 : i32 to vector<16xi32>
        %min3A_281 = arith.minsi %min3A_280, %max3A_279 : vector<16xi32>
        %add3A_282 = arith.constant 32 : i32
        %add3A_283 = vector.broadcast %add3A_282 : i32 to vector<16xi32>
        %add3A_284 = arith.addi %min3A_281, %add3A_283 : vector<16xi32>
        %mul3A_285 = arith.constant 16 : i32
        %mul3A_286 = vector.broadcast %mul3A_285 : i32 to vector<16xi32>
        %mul3A_287 = arith.muli %add3A_284, %mul3A_286 : vector<16xi32>
        %add3A_288 = vector.broadcast %add3A_136 : i32 to vector<16xi32>
        %add3A_289 = arith.addi %mul3A_287, %add3A_288 : vector<16xi32>
        %gather3A_290 = tpu.vector_load_idx %arg4[%add3A_289] : memref<1040xf32, #tpu.memory_space<vmem>>[vector<16xi32>], vector<16xf32>,
        %swap3A_291 = arith.constant 0 : i32
        %swap3A_292 = arith.index_cast %scan3A_131 : i32 to index
        %swap3A_293 = arith.index_cast %swap3A_291 : i32 to index
        %swap3A_294 = arith.constant 80 : index
        %swap3A_295 = tpu.vector_load %arg7[%swap3A_292, %swap3A_293, %swap3A_294] {strides = array<i32>} : memref<32x8x128xf32, #tpu.memory_space<vmem>>, vector<16xf32>,
        tpu.vector_store %arg7[%swap3A_292, %swap3A_293, %swap3A_294], %gather3A_290 {strides = array<i32>} : memref<32x8x128xf32, #tpu.memory_space<vmem>>, vector<16xf32>,
        %add3A_296 = arith.constant 96 : i32
        %add3A_297 = arith.addi %multiple_of3A_3, %add3A_296 : i32
        %iota3A_298 = tpu.iota {dimensions = array<i32: 0>} : vector<16xi32>
        %add3A_299 = vector.broadcast %add3A_297 : i32 to vector<16xi32>
        %add3A_300 = arith.addi %add3A_299, %iota3A_298 : vector<16xi32>
        %sub3A_301 = vector.broadcast %add3A_132 : i32 to vector<16xi32>
        %sub3A_302 = arith.subi %add3A_300, %sub3A_301 : vector<16xi32>
        %jit3A_303 = arith.constant -32 : i32
        %jit3A_304 = arith.constant 32 : i32
        %max3A_305 = vector.broadcast %jit3A_303 : i32 to vector<16xi32>
        %max3A_306 = arith.maxsi %max3A_305, %sub3A_302 : vector<16xi32>
        %min3A_307 = vector.broadcast %jit3A_304 : i32 to vector<16xi32>
        %min3A_308 = arith.minsi %min3A_307, %max3A_306 : vector<16xi32>
        %add3A_309 = arith.constant 32 : i32
        %add3A_310 = vector.broadcast %add3A_309 : i32 to vector<16xi32>
        %add3A_311 = arith.addi %min3A_308, %add3A_310 : vector<16xi32>
        %mul3A_312 = arith.constant 16 : i32
        %mul3A_313 = vector.broadcast %mul3A_312 : i32 to vector<16xi32>
        %mul3A_314 = arith.muli %add3A_311, %mul3A_313 : vector<16xi32>
        %add3A_315 = vector.broadcast %add3A_136 : i32 to vector<16xi32>
        %add3A_316 = arith.addi %mul3A_314, %add3A_315 : vector<16xi32>
        %gather3A_317 = tpu.vector_load_idx %arg4[%add3A_316] : memref<1040xf32, #tpu.memory_space<vmem>>[vector<16xi32>], vector<16xf32>,
        %swap3A_318 = arith.constant 0 : i32
        %swap3A_319 = arith.index_cast %scan3A_131 : i32 to index
        %swap3A_320 = arith.index_cast %swap3A_318 : i32 to index
        %swap3A_321 = arith.constant 96 : index
        %swap3A_322 = tpu.vector_load %arg7[%swap3A_319, %swap3A_320, %swap3A_321] {strides = array<i32>} : memref<32x8x128xf32, #tpu.memory_space<vmem>>, vector<16xf32>,
        tpu.vector_store %arg7[%swap3A_319, %swap3A_320, %swap3A_321], %gather3A_317 {strides = array<i32>} : memref<32x8x128xf32, #tpu.memory_space<vmem>>, vector<16xf32>,
        %add3A_323 = arith.constant 112 : i32
        %add3A_324 = arith.addi %multiple_of3A_3, %add3A_323 : i32
        %iota3A_325 = tpu.iota {dimensions = array<i32: 0>} : vector<16xi32>
        %add3A_326 = vector.broadcast %add3A_324 : i32 to vector<16xi32>
        %add3A_327 = arith.addi %add3A_326, %iota3A_325 : vector<16xi32>
        %sub3A_328 = vector.broadcast %add3A_132 : i32 to vector<16xi32>
        %sub3A_329 = arith.subi %add3A_327, %sub3A_328 : vector<16xi32>
        %jit3A_330 = arith.constant -32 : i32
        %jit3A_331 = arith.constant 32 : i32
        %max3A_332 = vector.broadcast %jit3A_330 : i32 to vector<16xi32>
        %max3A_333 = arith.maxsi %max3A_332, %sub3A_329 : vector<16xi32>
        %min3A_334 = vector.broadcast %jit3A_331 : i32 to vector<16xi32>
        %min3A_335 = arith.minsi %min3A_334, %max3A_333 : vector<16xi32>
        %add3A_336 = arith.constant 32 : i32
        %add3A_337 = vector.broadcast %add3A_336 : i32 to vector<16xi32>
        %add3A_338 = arith.addi %min3A_335, %add3A_337 : vector<16xi32>
        %mul3A_339 = arith.constant 16 : i32
        %mul3A_340 = vector.broadcast %mul3A_339 : i32 to vector<16xi32>
        %mul3A_341 = arith.muli %add3A_338, %mul3A_340 : vector<16xi32>
        %add3A_342 = vector.broadcast %add3A_136 : i32 to vector<16xi32>
        %add3A_343 = arith.addi %mul3A_341, %add3A_342 : vector<16xi32>
        %gather3A_344 = tpu.vector_load_idx %arg4[%add3A_343] : memref<1040xf32, #tpu.memory_space<vmem>>[vector<16xi32>], vector<16xf32>,
        %swap3A_345 = arith.constant 0 : i32
        %swap3A_346 = arith.index_cast %scan3A_131 : i32 to index
        %swap3A_347 = arith.index_cast %swap3A_345 : i32 to index
        %swap3A_348 = arith.constant 112 : index
        %swap3A_349 = tpu.vector_load %arg7[%swap3A_346, %swap3A_347, %swap3A_348] {strides = array<i32>} : memref<32x8x128xf32, #tpu.memory_space<vmem>>, vector<16xf32>,
        tpu.vector_store %arg7[%swap3A_346, %swap3A_347, %swap3A_348], %gather3A_344 {strides = array<i32>} : memref<32x8x128xf32, #tpu.memory_space<vmem>>, vector<16xf32>,
        %mul3A_350 = arith.constant 8 : i32
        %mul3A_351 = arith.muli %mul3A_350, %arg0 : i32
        %add3A_352 = arith.constant 1 : i32
        %add3A_353 = arith.addi %mul3A_351, %add3A_352 : i32
        %add3A_354 = arith.constant 0 : i32
        %add3A_355 = arith.addi %multiple_of3A_3, %add3A_354 : i32
        %iota3A_356 = tpu.iota {dimensions = array<i32: 0>} : vector<16xi32>
        %add3A_357 = vector.broadcast %add3A_355 : i32 to vector<16xi32>
        %add3A_358 = arith.addi %add3A_357, %iota3A_356 : vector<16xi32>
        %sub3A_359 = vector.broadcast %add3A_132 : i32 to vector<16xi32>
        %sub3A_360 = arith.subi %add3A_358, %sub3A_359 : vector<16xi32>
        %jit3A_361 = arith.constant -32 : i32
        %jit3A_362 = arith.constant 32 : i32
        %max3A_363 = vector.broadcast %jit3A_361 : i32 to vector<16xi32>
        %max3A_364 = arith.maxsi %max3A_363, %sub3A_360 : vector<16xi32>
        %min3A_365 = vector.broadcast %jit3A_362 : i32 to vector<16xi32>
        %min3A_366 = arith.minsi %min3A_365, %max3A_364 : vector<16xi32>
        %add3A_367 = arith.constant 32 : i32
        %add3A_368 = vector.broadcast %add3A_367 : i32 to vector<16xi32>
        %add3A_369 = arith.addi %min3A_366, %add3A_368 : vector<16xi32>
        %mul3A_370 = arith.constant 16 : i32
        %mul3A_371 = vector.broadcast %mul3A_370 : i32 to vector<16xi32>
        %mul3A_372 = arith.muli %add3A_369, %mul3A_371 : vector<16xi32>
        %add3A_373 = vector.broadcast %add3A_353 : i32 to vector<16xi32>
        %add3A_374 = arith.addi %mul3A_372, %add3A_373 : vector<16xi32>
        %gather3A_375 = tpu.vector_load_idx %arg4[%add3A_374] : memref<1040xf32, #tpu.memory_space<vmem>>[vector<16xi32>], vector<16xf32>,
        %swap3A_376 = arith.constant 1 : i32
        %swap3A_377 = arith.index_cast %scan3A_131 : i32 to index
        %swap3A_378 = arith.index_cast %swap3A_376 : i32 to index
        %swap3A_379 = arith.constant 0 : index
        %swap3A_380 = tpu.vector_load %arg7[%swap3A_377, %swap3A_378, %swap3A_379] {strides = array<i32>} : memref<32x8x128xf32, #tpu.memory_space<vmem>>, vector<16xf32>,
        tpu.vector_store %arg7[%swap3A_377, %swap3A_378, %swap3A_379], %gather3A_375 {strides = array<i32>} : memref<32x8x128xf32, #tpu.memory_space<vmem>>, vector<16xf32>,
        %add3A_381 = arith.constant 16 : i32
        %add3A_382 = arith.addi %multiple_of3A_3, %add3A_381 : i32
        %iota3A_383 = tpu.iota {dimensions = array<i32: 0>} : vector<16xi32>
        %add3A_384 = vector.broadcast %add3A_382 : i32 to vector<16xi32>
        %add3A_385 = arith.addi %add3A_384, %iota3A_383 : vector<16xi32>
        %sub3A_386 = vector.broadcast %add3A_132 : i32 to vector<16xi32>
        %sub3A_387 = arith.subi %add3A_385, %sub3A_386 : vector<16xi32>
        %jit3A_388 = arith.constant -32 : i32
        %jit3A_389 = arith.constant 32 : i32
        %max3A_390 = vector.broadcast %jit3A_388 : i32 to vector<16xi32>
        %max3A_391 = arith.maxsi %max3A_390, %sub3A_387 : vector<16xi32>
        %min3A_392 = vector.broadcast %jit3A_389 : i32 to vector<16xi32>
        %min3A_393 = arith.minsi %min3A_392, %max3A_391 : vector<16xi32>
        %add3A_394 = arith.constant 32 : i32
        %add3A_395 = vector.broadcast %add3A_394 : i32 to vector<16xi32>
        %add3A_396 = arith.addi %min3A_393, %add3A_395 : vector<16xi32>
        %mul3A_397 = arith.constant 16 : i32
        %mul3A_398 = vector.broadcast %mul3A_397 : i32 to vector<16xi32>
        %mul3A_399 = arith.muli %add3A_396, %mul3A_398 : vector<16xi32>
        %add3A_400 = vector.broadcast %add3A_353 : i32 to vector<16xi32>
        %add3A_401 = arith.addi %mul3A_399, %add3A_400 : vector<16xi32>
        %gather3A_402 = tpu.vector_load_idx %arg4[%add3A_401] : memref<1040xf32, #tpu.memory_space<vmem>>[vector<16xi32>], vector<16xf32>,
        %swap3A_403 = arith.constant 1 : i32
        %swap3A_404 = arith.index_cast %scan3A_131 : i32 to index
        %swap3A_405 = arith.index_cast %swap3A_403 : i32 to index
        %swap3A_406 = arith.constant 16 : index
        %swap3A_407 = tpu.vector_load %arg7[%swap3A_404, %swap3A_405, %swap3A_406] {strides = array<i32>} : memref<32x8x128xf32, #tpu.memory_space<vmem>>, vector<16xf32>,
        tpu.vector_store %arg7[%swap3A_404, %swap3A_405, %swap3A_406], %gather3A_402 {strides = array<i32>} : memref<32x8x128xf32, #tpu.memory_space<vmem>>, vector<16xf32>,
        %add3A_408 = arith.constant 32 : i32
        %add3A_409 = arith.addi %multiple_of3A_3, %add3A_408 : i32
        %iota3A_410 = tpu.iota {dimensions = array<i32: 0>} : vector<16xi32>
        %add3A_411 = vector.broadcast %add3A_409 : i32 to vector<16xi32>
        %add3A_412 = arith.addi %add3A_411, %iota3A_410 : vector<16xi32>
        %sub3A_413 = vector.broadcast %add3A_132 : i32 to vector<16xi32>
        %sub3A_414 = arith.subi %add3A_412, %sub3A_413 : vector<16xi32>
        %jit3A_415 = arith.constant -32 : i32
        %jit3A_416 = arith.constant 32 : i32
        %max3A_417 = vector.broadcast %jit3A_415 : i32 to vector<16xi32>
        %max3A_418 = arith.maxsi %max3A_417, %sub3A_414 : vector<16xi32>
        %min3A_419 = vector.broadcast %jit3A_416 : i32 to vector<16xi32>
        %min3A_420 = arith.minsi %min3A_419, %max3A_418 : vector<16xi32>
        %add3A_421 = arith.constant 32 : i32
        %add3A_422 = vector.broadcast %add3A_421 : i32 to vector<16xi32>
        %add3A_423 = arith.addi %min3A_420, %add3A_422 : vector<16xi32>
        %mul3A_424 = arith.constant 16 : i32
        %mul3A_425 = vector.broadcast %mul3A_424 : i32 to vector<16xi32>
        %mul3A_426 = arith.muli %add3A_423, %mul3A_425 : vector<16xi32>
        %add3A_427 = vector.broadcast %add3A_353 : i32 to vector<16xi32>
        %add3A_428 = arith.addi %mul3A_426, %add3A_427 : vector<16xi32>
        %gather3A_429 = tpu.vector_load_idx %arg4[%add3A_428] : memref<1040xf32, #tpu.memory_space<vmem>>[vector<16xi32>], vector<16xf32>,
        %swap3A_430 = arith.constant 1 : i32
        %swap3A_431 = arith.index_cast %scan3A_131 : i32 to index
        %swap3A_432 = arith.index_cast %swap3A_430 : i32 to index
        %swap3A_433 = arith.constant 32 : index
        %swap3A_434 = tpu.vector_load %arg7[%swap3A_431, %swap3A_432, %swap3A_433] {strides = array<i32>} : memref<32x8x128xf32, #tpu.memory_space<vmem>>, vector<16xf32>,
        tpu.vector_store %arg7[%swap3A_431, %swap3A_432, %swap3A_433], %gather3A_429 {strides = array<i32>} : memref<32x8x128xf32, #tpu.memory_space<vmem>>, vector<16xf32>,
        %add3A_435 = arith.constant 48 : i32
        %add3A_436 = arith.addi %multiple_of3A_3, %add3A_435 : i32
        %iota3A_437 = tpu.iota {dimensions = array<i32: 0>} : vector<16xi32>
        %add3A_438 = vector.broadcast %add3A_436 : i32 to vector<16xi32>
        %add3A_439 = arith.addi %add3A_438, %iota3A_437 : vector<16xi32>
        %sub3A_440 = vector.broadcast %add3A_132 : i32 to vector<16xi32>
        %sub3A_441 = arith.subi %add3A_439, %sub3A_440 : vector<16xi32>
        %jit3A_442 = arith.constant -32 : i32
        %jit3A_443 = arith.constant 32 : i32
        %max3A_444 = vector.broadcast %jit3A_442 : i32 to vector<16xi32>
        %max3A_445 = arith.maxsi %max3A_444, %sub3A_441 : vector<16xi32>
        %min3A_446 = vector.broadcast %jit3A_443 : i32 to vector<16xi32>
        %min3A_447 = arith.minsi %min3A_446, %max3A_445 : vector<16xi32>
        %add3A_448 = arith.constant 32 : i32
        %add3A_449 = vector.broadcast %add3A_448 : i32 to vector<16xi32>
        %add3A_450 = arith.addi %min3A_447, %add3A_449 : vector<16xi32>
        %mul3A_451 = arith.constant 16 : i32
        %mul3A_452 = vector.broadcast %mul3A_451 : i32 to vector<16xi32>
        %mul3A_453 = arith.muli %add3A_450, %mul3A_452 : vector<16xi32>
        %add3A_454 = vector.broadcast %add3A_353 : i32 to vector<16xi32>
        %add3A_455 = arith.addi %mul3A_453, %add3A_454 : vector<16xi32>
        %gather3A_456 = tpu.vector_load_idx %arg4[%add3A_455] : memref<1040xf32, #tpu.memory_space<vmem>>[vector<16xi32>], vector<16xf32>,
        %swap3A_457 = arith.constant 1 : i32
        %swap3A_458 = arith.index_cast %scan3A_131 : i32 to index
        %swap3A_459 = arith.index_cast %swap3A_457 : i32 to index
        %swap3A_460 = arith.constant 48 : index
        %swap3A_461 = tpu.vector_load %arg7[%swap3A_458, %swap3A_459, %swap3A_460] {strides = array<i32>} : memref<32x8x128xf32, #tpu.memory_space<vmem>>, vector<16xf32>,
        tpu.vector_store %arg7[%swap3A_458, %swap3A_459, %swap3A_460], %gather3A_456 {strides = array<i32>} : memref<32x8x128xf32, #tpu.memory_space<vmem>>, vector<16xf32>,
        %add3A_462 = arith.constant 64 : i32
        %add3A_463 = arith.addi %multiple_of3A_3, %add3A_462 : i32
        %iota3A_464 = tpu.iota {dimensions = array<i32: 0>} : vector<16xi32>
        %add3A_465 = vector.broadcast %add3A_463 : i32 to vector<16xi32>
        %add3A_466 = arith.addi %add3A_465, %iota3A_464 : vector<16xi32>
        %sub3A_467 = vector.broadcast %add3A_132 : i32 to vector<16xi32>
        %sub3A_468 = arith.subi %add3A_466, %sub3A_467 : vector<16xi32>
        %jit3A_469 = arith.constant -32 : i32
        %jit3A_470 = arith.constant 32 : i32
        %max3A_471 = vector.broadcast %jit3A_469 : i32 to vector<16xi32>
        %max3A_472 = arith.maxsi %max3A_471, %sub3A_468 : vector<16xi32>
        %min3A_473 = vector.broadcast %jit3A_470 : i32 to vector<16xi32>
        %min3A_474 = arith.minsi %min3A_473, %max3A_472 : vector<16xi32>
        %add3A_475 = arith.constant 32 : i32
        %add3A_476 = vector.broadcast %add3A_475 : i32 to vector<16xi32>
        %add3A_477 = arith.addi %min3A_474, %add3A_476 : vector<16xi32>
        %mul3A_478 = arith.constant 16 : i32
        %mul3A_479 = vector.broadcast %mul3A_478 : i32 to vector<16xi32>
        %mul3A_480 = arith.muli %add3A_477, %mul3A_479 : vector<16xi32>
        %add3A_481 = vector.broadcast %add3A_353 : i32 to vector<16xi32>
        %add3A_482 = arith.addi %mul3A_480, %add3A_481 : vector<16xi32>
        %gather3A_483 = tpu.vector_load_idx %arg4[%add3A_482] : memref<1040xf32, #tpu.memory_space<vmem>>[vector<16xi32>], vector<16xf32>,
        %swap3A_484 = arith.constant 1 : i32
        %swap3A_485 = arith.index_cast %scan3A_131 : i32 to index
        %swap3A_486 = arith.index_cast %swap3A_484 : i32 to index
        %swap3A_487 = arith.constant 64 : index
        %swap3A_488 = tpu.vector_load %arg7[%swap3A_485, %swap3A_486, %swap3A_487] {strides = array<i32>} : memref<32x8x128xf32, #tpu.memory_space<vmem>>, vector<16xf32>,
        tpu.vector_store %arg7[%swap3A_485, %swap3A_486, %swap3A_487], %gather3A_483 {strides = array<i32>} : memref<32x8x128xf32, #tpu.memory_space<vmem>>, vector<16xf32>,
        %add3A_489 = arith.constant 80 : i32
        %add3A_490 = arith.addi %multiple_of3A_3, %add3A_489 : i32
        %iota3A_491 = tpu.iota {dimensions = array<i32: 0>} : vector<16xi32>
        %add3A_492 = vector.broadcast %add3A_490 : i32 to vector<16xi32>
        %add3A_493 = arith.addi %add3A_492, %iota3A_491 : vector<16xi32>
        %sub3A_494 = vector.broadcast %add3A_132 : i32 to vector<16xi32>
        %sub3A_495 = arith.subi %add3A_493, %sub3A_494 : vector<16xi32>
        %jit3A_496 = arith.constant -32 : i32
        %jit3A_497 = arith.constant 32 : i32
        %max3A_498 = vector.broadcast %jit3A_496 : i32 to vector<16xi32>
        %max3A_499 = arith.maxsi %max3A_498, %sub3A_495 : vector<16xi32>
        %min3A_500 = vector.broadcast %jit3A_497 : i32 to vector<16xi32>
        %min3A_501 = arith.minsi %min3A_500, %max3A_499 : vector<16xi32>
        %add3A_502 = arith.constant 32 : i32
        %add3A_503 = vector.broadcast %add3A_502 : i32 to vector<16xi32>
        %add3A_504 = arith.addi %min3A_501, %add3A_503 : vector<16xi32>
        %mul3A_505 = arith.constant 16 : i32
        %mul3A_506 = vector.broadcast %mul3A_505 : i32 to vector<16xi32>
        %mul3A_507 = arith.muli %add3A_504, %mul3A_506 : vector<16xi32>
        %add3A_508 = vector.broadcast %add3A_353 : i32 to vector<16xi32>
        %add3A_509 = arith.addi %mul3A_507, %add3A_508 : vector<16xi32>
        %gather3A_510 = tpu.vector_load_idx %arg4[%add3A_509] : memref<1040xf32, #tpu.memory_space<vmem>>[vector<16xi32>], vector<16xf32>,
        %swap3A_511 = arith.constant 1 : i32
        %swap3A_512 = arith.index_cast %scan3A_131 : i32 to index
        %swap3A_513 = arith.index_cast %swap3A_511 : i32 to index
        %swap3A_514 = arith.constant 80 : index
        %swap3A_515 = tpu.vector_load %arg7[%swap3A_512, %swap3A_513, %swap3A_514] {strides = array<i32>} : memref<32x8x128xf32, #tpu.memory_space<vmem>>, vector<16xf32>,
        tpu.vector_store %arg7[%swap3A_512, %swap3A_513, %swap3A_514], %gather3A_510 {strides = array<i32>} : memref<32x8x128xf32, #tpu.memory_space<vmem>>, vector<16xf32>,
        %add3A_516 = arith.constant 96 : i32
        %add3A_517 = arith.addi %multiple_of3A_3, %add3A_516 : i32
        %iota3A_518 = tpu.iota {dimensions = array<i32: 0>} : vector<16xi32>
        %add3A_519 = vector.broadcast %add3A_517 : i32 to vector<16xi32>
        %add3A_520 = arith.addi %add3A_519, %iota3A_518 : vector<16xi32>
        %sub3A_521 = vector.broadcast %add3A_132 : i32 to vector<16xi32>
        %sub3A_522 = arith.subi %add3A_520, %sub3A_521 : vector<16xi32>
        %jit3A_523 = arith.constant -32 : i32
        %jit3A_524 = arith.constant 32 : i32
        %max3A_525 = vector.broadcast %jit3A_523 : i32 to vector<16xi32>
        %max3A_526 = arith.maxsi %max3A_525, %sub3A_522 : vector<16xi32>
        %min3A_527 = vector.broadcast %jit3A_524 : i32 to vector<16xi32>
        %min3A_528 = arith.minsi %min3A_527, %max3A_526 : vector<16xi32>
        %add3A_529 = arith.constant 32 : i32
        %add3A_530 = vector.broadcast %add3A_529 : i32 to vector<16xi32>
        %add3A_531 = arith.addi %min3A_528, %add3A_530 : vector<16xi32>
        %mul3A_532 = arith.constant 16 : i32
        %mul3A_533 = vector.broadcast %mul3A_532 : i32 to vector<16xi32>
        %mul3A_534 = arith.muli %add3A_531, %mul3A_533 : vector<16xi32>
        %add3A_535 = vector.broadcast %add3A_353 : i32 to vector<16xi32>
        %add3A_536 = arith.addi %mul3A_534, %add3A_535 : vector<16xi32>
        %gather3A_537 = tpu.vector_load_idx %arg4[%add3A_536] : memref<1040xf32, #tpu.memory_space<vmem>>[vector<16xi32>], vector<16xf32>,
        %swap3A_538 = arith.constant 1 : i32
        %swap3A_539 = arith.index_cast %scan3A_131 : i32 to index
        %swap3A_540 = arith.index_cast %swap3A_538 : i32 to index
        %swap3A_541 = arith.constant 96 : index
        %swap3A_542 = tpu.vector_load %arg7[%swap3A_539, %swap3A_540, %swap3A_541] {strides = array<i32>} : memref<32x8x128xf32, #tpu.memory_space<vmem>>, vector<16xf32>,
        tpu.vector_store %arg7[%swap3A_539, %swap3A_540, %swap3A_541], %gather3A_537 {strides = array<i32>} : memref<32x8x128xf32, #tpu.memory_space<vmem>>, vector<16xf32>,
        %add3A_543 = arith.constant 112 : i32
        %add3A_544 = arith.addi %multiple_of3A_3, %add3A_543 : i32
        %iota3A_545 = tpu.iota {dimensions = array<i32: 0>} : vector<16xi32>
        %add3A_546 = vector.broadcast %add3A_544 : i32 to vector<16xi32>
        %add3A_547 = arith.addi %add3A_546, %iota3A_545 : vector<16xi32>
        %sub3A_548 = vector.broadcast %add3A_132 : i32 to vector<16xi32>
        %sub3A_549 = arith.subi %add3A_547, %sub3A_548 : vector<16xi32>
        %jit3A_550 = arith.constant -32 : i32
        %jit3A_551 = arith.constant 32 : i32
        %max3A_552 = vector.broadcast %jit3A_550 : i32 to vector<16xi32>
        %max3A_553 = arith.maxsi %max3A_552, %sub3A_549 : vector<16xi32>
        %min3A_554 = vector.broadcast %jit3A_551 : i32 to vector<16xi32>
        %min3A_555 = arith.minsi %min3A_554, %max3A_553 : vector<16xi32>
        %add3A_556 = arith.constant 32 : i32
        %add3A_557 = vector.broadcast %add3A_556 : i32 to vector<16xi32>
        %add3A_558 = arith.addi %min3A_555, %add3A_557 : vector<16xi32>
        %mul3A_559 = arith.constant 16 : i32
        %mul3A_560 = vector.broadcast %mul3A_559 : i32 to vector<16xi32>
        %mul3A_561 = arith.muli %add3A_558, %mul3A_560 : vector<16xi32>
        %add3A_562 = vector.broadcast %add3A_353 : i32 to vector<16xi32>
        %add3A_563 = arith.addi %mul3A_561, %add3A_562 : vector<16xi32>
        %gather3A_564 = tpu.vector_load_idx %arg4[%add3A_563] : memref<1040xf32, #tpu.memory_space<vmem>>[vector<16xi32>], vector<16xf32>,
        %swap3A_565 = arith.constant 1 : i32
        %swap3A_566 = arith.index_cast %scan3A_131 : i32 to index
        %swap3A_567 = arith.index_cast %swap3A_565 : i32 to index
        %swap3A_568 = arith.constant 112 : index
        %swap3A_569 = tpu.vector_load %arg7[%swap3A_566, %swap3A_567, %swap3A_568] {strides = array<i32>} : memref<32x8x128xf32, #tpu.memory_space<vmem>>, vector<16xf32>,
        tpu.vector_store %arg7[%swap3A_566, %swap3A_567, %swap3A_568], %gather3A_564 {strides = array<i32>} : memref<32x8x128xf32, #tpu.memory_space<vmem>>, vector<16xf32>,
        %mul3A_570 = arith.constant 8 : i32
        %mul3A_571 = arith.muli %mul3A_570, %arg0 : i32
        %add3A_572 = arith.constant 2 : i32
        %add3A_573 = arith.addi %mul3A_571, %add3A_572 : i32
        %add3A_574 = arith.constant 0 : i32
        %add3A_575 = arith.addi %multiple_of3A_3, %add3A_574 : i32
        %iota3A_576 = tpu.iota {dimensions = array<i32: 0>} : vector<16xi32>
        %add3A_577 = vector.broadcast %add3A_575 : i32 to vector<16xi32>
        %add3A_578 = arith.addi %add3A_577, %iota3A_576 : vector<16xi32>
        %sub3A_579 = vector.broadcast %add3A_132 : i32 to vector<16xi32>
        %sub3A_580 = arith.subi %add3A_578, %sub3A_579 : vector<16xi32>
        %jit3A_581 = arith.constant -32 : i32
        %jit3A_582 = arith.constant 32 : i32
        %max3A_583 = vector.broadcast %jit3A_581 : i32 to vector<16xi32>
        %max3A_584 = arith.maxsi %max3A_583, %sub3A_580 : vector<16xi32>
        %min3A_585 = vector.broadcast %jit3A_582 : i32 to vector<16xi32>
        %min3A_586 = arith.minsi %min3A_585, %max3A_584 : vector<16xi32>
        %add3A_587 = arith.constant 32 : i32
        %add3A_588 = vector.broadcast %add3A_587 : i32 to vector<16xi32>
        %add3A_589 = arith.addi %min3A_586, %add3A_588 : vector<16xi32>
        %mul3A_590 = arith.constant 16 : i32
        %mul3A_591 = vector.broadcast %mul3A_590 : i32 to vector<16xi32>
        %mul3A_592 = arith.muli %add3A_589, %mul3A_591 : vector<16xi32>
        %add3A_593 = vector.broadcast %add3A_573 : i32 to vector<16xi32>
        %add3A_594 = arith.addi %mul3A_592, %add3A_593 : vector<16xi32>
        %gather3A_595 = tpu.vector_load_idx %arg4[%add3A_594] : memref<1040xf32, #tpu.memory_space<vmem>>[vector<16xi32>], vector<16xf32>,
        %swap3A_596 = arith.constant 2 : i32
        %swap3A_597 = arith.index_cast %scan3A_131 : i32 to index
        %swap3A_598 = arith.index_cast %swap3A_596 : i32 to index
        %swap3A_599 = arith.constant 0 : index
        %swap3A_600 = tpu.vector_load %arg7[%swap3A_597, %swap3A_598, %swap3A_599] {strides = array<i32>} : memref<32x8x128xf32, #tpu.memory_space<vmem>>, vector<16xf32>,
        tpu.vector_store %arg7[%swap3A_597, %swap3A_598, %swap3A_599], %gather3A_595 {strides = array<i32>} : memref<32x8x128xf32, #tpu.memory_space<vmem>>, vector<16xf32>,
        %add3A_601 = arith.constant 16 : i32
        %add3A_602 = arith.addi %multiple_of3A_3, %add3A_601 : i32
        %iota3A_603 = tpu.iota {dimensions = array<i32: 0>} : vector<16xi32>
        %add3A_604 = vector.broadcast %add3A_602 : i32 to vector<16xi32>
        %add3A_605 = arith.addi %add3A_604, %iota3A_603 : vector<16xi32>
        %sub3A_606 = vector.broadcast %add3A_132 : i32 to vector<16xi32>
        %sub3A_607 = arith.subi %add3A_605, %sub3A_606 : vector<16xi32>
        %jit3A_608 = arith.constant -32 : i32
        %jit3A_609 = arith.constant 32 : i32
        %max3A_610 = vector.broadcast %jit3A_608 : i32 to vector<16xi32>
        %max3A_611 = arith.maxsi %max3A_610, %sub3A_607 : vector<16xi32>
        %min3A_612 = vector.broadcast %jit3A_609 : i32 to vector<16xi32>
        %min3A_613 = arith.minsi %min3A_612, %max3A_611 : vector<16xi32>
        %add3A_614 = arith.constant 32 : i32
        %add3A_615 = vector.broadcast %add3A_614 : i32 to vector<16xi32>
        %add3A_616 = arith.addi %min3A_613, %add3A_615 : vector<16xi32>
        %mul3A_617 = arith.constant 16 : i32
        %mul3A_618 = vector.broadcast %mul3A_617 : i32 to vector<16xi32>
        %mul3A_619 = arith.muli %add3A_616, %mul3A_618 : vector<16xi32>
        %add3A_620 = vector.broadcast %add3A_573 : i32 to vector<16xi32>
        %add3A_621 = arith.addi %mul3A_619, %add3A_620 : vector<16xi32>
        %gather3A_622 = tpu.vector_load_idx %arg4[%add3A_621] : memref<1040xf32, #tpu.memory_space<vmem>>[vector<16xi32>], vector<16xf32>,
        %swap3A_623 = arith.constant 2 : i32
        %swap3A_624 = arith.index_cast %scan3A_131 : i32 to index
        %swap3A_625 = arith.index_cast %swap3A_623 : i32 to index
        %swap3A_626 = arith.constant 16 : index
        %swap3A_627 = tpu.vector_load %arg7[%swap3A_624, %swap3A_625, %swap3A_626] {strides = array<i32>} : memref<32x8x128xf32, #tpu.memory_space<vmem>>, vector<16xf32>,
        tpu.vector_store %arg7[%swap3A_624, %swap3A_625, %swap3A_626], %gather3A_622 {strides = array<i32>} : memref<32x8x128xf32, #tpu.memory_space<vmem>>, vector<16xf32>,
        %add3A_628 = arith.constant 32 : i32
        %add3A_629 = arith.addi %multiple_of3A_3, %add3A_628 : i32
        %iota3A_630 = tpu.iota {dimensions = array<i32: 0>} : vector<16xi32>
        %add3A_631 = vector.broadcast %add3A_629 : i32 to vector<16xi32>
        %add3A_632 = arith.addi %add3A_631, %iota3A_630 : vector<16xi32>
        %sub3A_633 = vector.broadcast %add3A_132 : i32 to vector<16xi32>
        %sub3A_634 = arith.subi %add3A_632, %sub3A_633 : vector<16xi32>
        %jit3A_635 = arith.constant -32 : i32
        %jit3A_636 = arith.constant 32 : i32
        %max3A_637 = vector.broadcast %jit3A_635 : i32 to vector<16xi32>
        %max3A_638 = arith.maxsi %max3A_637, %sub3A_634 : vector<16xi32>
        %min3A_639 = vector.broadcast %jit3A_636 : i32 to vector<16xi32>
        %min3A_640 = arith.minsi %min3A_639, %max3A_638 : vector<16xi32>
        %add3A_641 = arith.constant 32 : i32
        %add3A_642 = vector.broadcast %add3A_641 : i32 to vector<16xi32>
        %add3A_643 = arith.addi %min3A_640, %add3A_642 : vector<16xi32>
        %mul3A_644 = arith.constant 16 : i32
        %mul3A_645 = vector.broadcast %mul3A_644 : i32 to vector<16xi32>
        %mul3A_646 = arith.muli %add3A_643, %mul3A_645 : vector<16xi32>
        %add3A_647 = vector.broadcast %add3A_573 : i32 to vector<16xi32>
        %add3A_648 = arith.addi %mul3A_646, %add3A_647 : vector<16xi32>
        %gather3A_649 = tpu.vector_load_idx %arg4[%add3A_648] : memref<1040xf32, #tpu.memory_space<vmem>>[vector<16xi32>], vector<16xf32>,
        %swap3A_650 = arith.constant 2 : i32
        %swap3A_651 = arith.index_cast %scan3A_131 : i32 to index
        %swap3A_652 = arith.index_cast %swap3A_650 : i32 to index
        %swap3A_653 = arith.constant 32 : index
        %swap3A_654 = tpu.vector_load %arg7[%swap3A_651, %swap3A_652, %swap3A_653] {strides = array<i32>} : memref<32x8x128xf32, #tpu.memory_space<vmem>>, vector<16xf32>,
        tpu.vector_store %arg7[%swap3A_651, %swap3A_652, %swap3A_653], %gather3A_649 {strides = array<i32>} : memref<32x8x128xf32, #tpu.memory_space<vmem>>, vector<16xf32>,
        %add3A_655 = arith.constant 48 : i32
        %add3A_656 = arith.addi %multiple_of3A_3, %add3A_655 : i32
        %iota3A_657 = tpu.iota {dimensions = array<i32: 0>} : vector<16xi32>
        %add3A_658 = vector.broadcast %add3A_656 : i32 to vector<16xi32>
        %add3A_659 = arith.addi %add3A_658, %iota3A_657 : vector<16xi32>
        %sub3A_660 = vector.broadcast %add3A_132 : i32 to vector<16xi32>
        %sub3A_661 = arith.subi %add3A_659, %sub3A_660 : vector<16xi32>
        %jit3A_662 = arith.constant -32 : i32
        %jit3A_663 = arith.constant 32 : i32
        %max3A_664 = vector.broadcast %jit3A_662 : i32 to vector<16xi32>
        %max3A_665 = arith.maxsi %max3A_664, %sub3A_661 : vector<16xi32>
        %min3A_666 = vector.broadcast %jit3A_663 : i32 to vector<16xi32>
        %min3A_667 = arith.minsi %min3A_666, %max3A_665 : vector<16xi32>
        %add3A_668 = arith.constant 32 : i32
        %add3A_669 = vector.broadcast %add3A_668 : i32 to vector<16xi32>
        %add3A_670 = arith.addi %min3A_667, %add3A_669 : vector<16xi32>
        %mul3A_671 = arith.constant 16 : i32
        %mul3A_672 = vector.broadcast %mul3A_671 : i32 to vector<16xi32>
        %mul3A_673 = arith.muli %add3A_670, %mul3A_672 : vector<16xi32>
        %add3A_674 = vector.broadcast %add3A_573 : i32 to vector<16xi32>
        %add3A_675 = arith.addi %mul3A_673, %add3A_674 : vector<16xi32>
        %gather3A_676 = tpu.vector_load_idx %arg4[%add3A_675] : memref<1040xf32, #tpu.memory_space<vmem>>[vector<16xi32>], vector<16xf32>,
        %swap3A_677 = arith.constant 2 : i32
        %swap3A_678 = arith.index_cast %scan3A_131 : i32 to index
        %swap3A_679 = arith.index_cast %swap3A_677 : i32 to index
        %swap3A_680 = arith.constant 48 : index
        %swap3A_681 = tpu.vector_load %arg7[%swap3A_678, %swap3A_679, %swap3A_680] {strides = array<i32>} : memref<32x8x128xf32, #tpu.memory_space<vmem>>, vector<16xf32>,
        tpu.vector_store %arg7[%swap3A_678, %swap3A_679, %swap3A_680], %gather3A_676 {strides = array<i32>} : memref<32x8x128xf32, #tpu.memory_space<vmem>>, vector<16xf32>,
        %add3A_682 = arith.constant 64 : i32
        %add3A_683 = arith.addi %multiple_of3A_3, %add3A_682 : i32
        %iota3A_684 = tpu.iota {dimensions = array<i32: 0>} : vector<16xi32>
        %add3A_685 = vector.broadcast %add3A_683 : i32 to vector<16xi32>
        %add3A_686 = arith.addi %add3A_685, %iota3A_684 : vector<16xi32>
        %sub3A_687 = vector.broadcast %add3A_132 : i32 to vector<16xi32>
        %sub3A_688 = arith.subi %add3A_686, %sub3A_687 : vector<16xi32>
        %jit3A_689 = arith.constant -32 : i32
        %jit3A_690 = arith.constant 32 : i32
        %max3A_691 = vector.broadcast %jit3A_689 : i32 to vector<16xi32>
        %max3A_692 = arith.maxsi %max3A_691, %sub3A_688 : vector<16xi32>
        %min3A_693 = vector.broadcast %jit3A_690 : i32 to vector<16xi32>
        %min3A_694 = arith.minsi %min3A_693, %max3A_692 : vector<16xi32>
        %add3A_695 = arith.constant 32 : i32
        %add3A_696 = vector.broadcast %add3A_695 : i32 to vector<16xi32>
        %add3A_697 = arith.addi %min3A_694, %add3A_696 : vector<16xi32>
        %mul3A_698 = arith.constant 16 : i32
        %mul3A_699 = vector.broadcast %mul3A_698 : i32 to vector<16xi32>
        %mul3A_700 = arith.muli %add3A_697, %mul3A_699 : vector<16xi32>
        %add3A_701 = vector.broadcast %add3A_573 : i32 to vector<16xi32>
        %add3A_702 = arith.addi %mul3A_700, %add3A_701 : vector<16xi32>
        %gather3A_703 = tpu.vector_load_idx %arg4[%add3A_702] : memref<1040xf32, #tpu.memory_space<vmem>>[vector<16xi32>], vector<16xf32>,
        %swap3A_704 = arith.constant 2 : i32
        %swap3A_705 = arith.index_cast %scan3A_131 : i32 to index
        %swap3A_706 = arith.index_cast %swap3A_704 : i32 to index
        %swap3A_707 = arith.constant 64 : index
        %swap3A_708 = tpu.vector_load %arg7[%swap3A_705, %swap3A_706, %swap3A_707] {strides = array<i32>} : memref<32x8x128xf32, #tpu.memory_space<vmem>>, vector<16xf32>,
        tpu.vector_store %arg7[%swap3A_705, %swap3A_706, %swap3A_707], %gather3A_703 {strides = array<i32>} : memref<32x8x128xf32, #tpu.memory_space<vmem>>, vector<16xf32>,
        %add3A_709 = arith.constant 80 : i32
        %add3A_710 = arith.addi %multiple_of3A_3, %add3A_709 : i32
        %iota3A_711 = tpu.iota {dimensions = array<i32: 0>} : vector<16xi32>
        %add3A_712 = vector.broadcast %add3A_710 : i32 to vector<16xi32>
        %add3A_713 = arith.addi %add3A_712, %iota3A_711 : vector<16xi32>
        %sub3A_714 = vector.broadcast %add3A_132 : i32 to vector<16xi32>
        %sub3A_715 = arith.subi %add3A_713, %sub3A_714 : vector<16xi32>
        %jit3A_716 = arith.constant -32 : i32
        %jit3A_717 = arith.constant 32 : i32
        %max3A_718 = vector.broadcast %jit3A_716 : i32 to vector<16xi32>
        %max3A_719 = arith.maxsi %max3A_718, %sub3A_715 : vector<16xi32>
        %min3A_720 = vector.broadcast %jit3A_717 : i32 to vector<16xi32>
        %min3A_721 = arith.minsi %min3A_720, %max3A_719 : vector<16xi32>
        %add3A_722 = arith.constant 32 : i32
        %add3A_723 = vector.broadcast %add3A_722 : i32 to vector<16xi32>
        %add3A_724 = arith.addi %min3A_721, %add3A_723 : vector<16xi32>
        %mul3A_725 = arith.constant 16 : i32
        %mul3A_726 = vector.broadcast %mul3A_725 : i32 to vector<16xi32>
        %mul3A_727 = arith.muli %add3A_724, %mul3A_726 : vector<16xi32>
        %add3A_728 = vector.broadcast %add3A_573 : i32 to vector<16xi32>
        %add3A_729 = arith.addi %mul3A_727, %add3A_728 : vector<16xi32>
        %gather3A_730 = tpu.vector_load_idx %arg4[%add3A_729] : memref<1040xf32, #tpu.memory_space<vmem>>[vector<16xi32>], vector<16xf32>,
        %swap3A_731 = arith.constant 2 : i32
        %swap3A_732 = arith.index_cast %scan3A_131 : i32 to index
        %swap3A_733 = arith.index_cast %swap3A_731 : i32 to index
        %swap3A_734 = arith.constant 80 : index
        %swap3A_735 = tpu.vector_load %arg7[%swap3A_732, %swap3A_733, %swap3A_734] {strides = array<i32>} : memref<32x8x128xf32, #tpu.memory_space<vmem>>, vector<16xf32>,
        tpu.vector_store %arg7[%swap3A_732, %swap3A_733, %swap3A_734], %gather3A_730 {strides = array<i32>} : memref<32x8x128xf32, #tpu.memory_space<vmem>>, vector<16xf32>,
        %add3A_736 = arith.constant 96 : i32
        %add3A_737 = arith.addi %multiple_of3A_3, %add3A_736 : i32
        %iota3A_738 = tpu.iota {dimensions = array<i32: 0>} : vector<16xi32>
        %add3A_739 = vector.broadcast %add3A_737 : i32 to vector<16xi32>
        %add3A_740 = arith.addi %add3A_739, %iota3A_738 : vector<16xi32>
        %sub3A_741 = vector.broadcast %add3A_132 : i32 to vector<16xi32>
        %sub3A_742 = arith.subi %add3A_740, %sub3A_741 : vector<16xi32>
        %jit3A_743 = arith.constant -32 : i32
        %jit3A_744 = arith.constant 32 : i32
        %max3A_745 = vector.broadcast %jit3A_743 : i32 to vector<16xi32>
        %max3A_746 = arith.maxsi %max3A_745, %sub3A_742 : vector<16xi32>
        %min3A_747 = vector.broadcast %jit3A_744 : i32 to vector<16xi32>
        %min3A_748 = arith.minsi %min3A_747, %max3A_746 : vector<16xi32>
        %add3A_749 = arith.constant 32 : i32
        %add3A_750 = vector.broadcast %add3A_749 : i32 to vector<16xi32>
        %add3A_751 = arith.addi %min3A_748, %add3A_750 : vector<16xi32>
        %mul3A_752 = arith.constant 16 : i32
        %mul3A_753 = vector.broadcast %mul3A_752 : i32 to vector<16xi32>
        %mul3A_754 = arith.muli %add3A_751, %mul3A_753 : vector<16xi32>
        %add3A_755 = vector.broadcast %add3A_573 : i32 to vector<16xi32>
        %add3A_756 = arith.addi %mul3A_754, %add3A_755 : vector<16xi32>
        %gather3A_757 = tpu.vector_load_idx %arg4[%add3A_756] : memref<1040xf32, #tpu.memory_space<vmem>>[vector<16xi32>], vector<16xf32>,
        %swap3A_758 = arith.constant 2 : i32
        %swap3A_759 = arith.index_cast %scan3A_131 : i32 to index
        %swap3A_760 = arith.index_cast %swap3A_758 : i32 to index
        %swap3A_761 = arith.constant 96 : index
        %swap3A_762 = tpu.vector_load %arg7[%swap3A_759, %swap3A_760, %swap3A_761] {strides = array<i32>} : memref<32x8x128xf32, #tpu.memory_space<vmem>>, vector<16xf32>,
        tpu.vector_store %arg7[%swap3A_759, %swap3A_760, %swap3A_761], %gather3A_757 {strides = array<i32>} : memref<32x8x128xf32, #tpu.memory_space<vmem>>, vector<16xf32>,
        %add3A_763 = arith.constant 112 : i32
        %add3A_764 = arith.addi %multiple_of3A_3, %add3A_763 : i32
        %iota3A_765 = tpu.iota {dimensions = array<i32: 0>} : vector<16xi32>
        %add3A_766 = vector.broadcast %add3A_764 : i32 to vector<16xi32>
        %add3A_767 = arith.addi %add3A_766, %iota3A_765 : vector<16xi32>
        %sub3A_768 = vector.broadcast %add3A_132 : i32 to vector<16xi32>
        %sub3A_769 = arith.subi %add3A_767, %sub3A_768 : vector<16xi32>
        %jit3A_770 = arith.constant -32 : i32
        %jit3A_771 = arith.constant 32 : i32
        %max3A_772 = vector.broadcast %jit3A_770 : i32 to vector<16xi32>
        %max3A_773 = arith.maxsi %max3A_772, %sub3A_769 : vector<16xi32>
        %min3A_774 = vector.broadcast %jit3A_771 : i32 to vector<16xi32>
        %min3A_775 = arith.minsi %min3A_774, %max3A_773 : vector<16xi32>
        %add3A_776 = arith.constant 32 : i32
        %add3A_777 = vector.broadcast %add3A_776 : i32 to vector<16xi32>
        %add3A_778 = arith.addi %min3A_775, %add3A_777 : vector<16xi32>
        %mul3A_779 = arith.constant 16 : i32
        %mul3A_780 = vector.broadcast %mul3A_779 : i32 to vector<16xi32>
        %mul3A_781 = arith.muli %add3A_778, %mul3A_780 : vector<16xi32>
        %add3A_782 = vector.broadcast %add3A_573 : i32 to vector<16xi32>
        %add3A_783 = arith.addi %mul3A_781, %add3A_782 : vector<16xi32>
        %gather3A_784 = tpu.vector_load_idx %arg4[%add3A_783] : memref<1040xf32, #tpu.memory_space<vmem>>[vector<16xi32>], vector<16xf32>,
        %swap3A_785 = arith.constant 2 : i32
        %swap3A_786 = arith.index_cast %scan3A_131 : i32 to index
        %swap3A_787 = arith.index_cast %swap3A_785 : i32 to index
        %swap3A_788 = arith.constant 112 : index
        %swap3A_789 = tpu.vector_load %arg7[%swap3A_786, %swap3A_787, %swap3A_788] {strides = array<i32>} : memref<32x8x128xf32, #tpu.memory_space<vmem>>, vector<16xf32>,
        tpu.vector_store %arg7[%swap3A_786, %swap3A_787, %swap3A_788], %gather3A_784 {strides = array<i32>} : memref<32x8x128xf32, #tpu.memory_space<vmem>>, vector<16xf32>,
        %mul3A_790 = arith.constant 8 : i32
        %mul3A_791 = arith.muli %mul3A_790, %arg0 : i32
        %add3A_792 = arith.constant 3 : i32
        %add3A_793 = arith.addi %mul3A_791, %add3A_792 : i32
        %add3A_794 = arith.constant 0 : i32
        %add3A_795 = arith.addi %multiple_of3A_3, %add3A_794 : i32
        %iota3A_796 = tpu.iota {dimensions = array<i32: 0>} : vector<16xi32>
        %add3A_797 = vector.broadcast %add3A_795 : i32 to vector<16xi32>
        %add3A_798 = arith.addi %add3A_797, %iota3A_796 : vector<16xi32>
        %sub3A_799 = vector.broadcast %add3A_132 : i32 to vector<16xi32>
        %sub3A_800 = arith.subi %add3A_798, %sub3A_799 : vector<16xi32>
        %jit3A_801 = arith.constant -32 : i32
        %jit3A_802 = arith.constant 32 : i32
        %max3A_803 = vector.broadcast %jit3A_801 : i32 to vector<16xi32>
        %max3A_804 = arith.maxsi %max3A_803, %sub3A_800 : vector<16xi32>
        %min3A_805 = vector.broadcast %jit3A_802 : i32 to vector<16xi32>
        %min3A_806 = arith.minsi %min3A_805, %max3A_804 : vector<16xi32>
        %add3A_807 = arith.constant 32 : i32
        %add3A_808 = vector.broadcast %add3A_807 : i32 to vector<16xi32>
        %add3A_809 = arith.addi %min3A_806, %add3A_808 : vector<16xi32>
        %mul3A_810 = arith.constant 16 : i32
        %mul3A_811 = vector.broadcast %mul3A_810 : i32 to vector<16xi32>
        %mul3A_812 = arith.muli %add3A_809, %mul3A_811 : vector<16xi32>
        %add3A_813 = vector.broadcast %add3A_793 : i32 to vector<16xi32>
        %add3A_814 = arith.addi %mul3A_812, %add3A_813 : vector<16xi32>
        %gather3A_815 = tpu.vector_load_idx %arg4[%add3A_814] : memref<1040xf32, #tpu.memory_space<vmem>>[vector<16xi32>], vector<16xf32>,
        %swap3A_816 = arith.constant 3 : i32
        %swap3A_817 = arith.index_cast %scan3A_131 : i32 to index
        %swap3A_818 = arith.index_cast %swap3A_816 : i32 to index
        %swap3A_819 = arith.constant 0 : index
        %swap3A_820 = tpu.vector_load %arg7[%swap3A_817, %swap3A_818, %swap3A_819] {strides = array<i32>} : memref<32x8x128xf32, #tpu.memory_space<vmem>>, vector<16xf32>,
        tpu.vector_store %arg7[%swap3A_817, %swap3A_818, %swap3A_819], %gather3A_815 {strides = array<i32>} : memref<32x8x128xf32, #tpu.memory_space<vmem>>, vector<16xf32>,
        %add3A_821 = arith.constant 16 : i32
        %add3A_822 = arith.addi %multiple_of3A_3, %add3A_821 : i32
        %iota3A_823 = tpu.iota {dimensions = array<i32: 0>} : vector<16xi32>
        %add3A_824 = vector.broadcast %add3A_822 : i32 to vector<16xi32>
        %add3A_825 = arith.addi %add3A_824, %iota3A_823 : vector<16xi32>
        %sub3A_826 = vector.broadcast %add3A_132 : i32 to vector<16xi32>
        %sub3A_827 = arith.subi %add3A_825, %sub3A_826 : vector<16xi32>
        %jit3A_828 = arith.constant -32 : i32
        %jit3A_829 = arith.constant 32 : i32
        %max3A_830 = vector.broadcast %jit3A_828 : i32 to vector<16xi32>
        %max3A_831 = arith.maxsi %max3A_830, %sub3A_827 : vector<16xi32>
        %min3A_832 = vector.broadcast %jit3A_829 : i32 to vector<16xi32>
        %min3A_833 = arith.minsi %min3A_832, %max3A_831 : vector<16xi32>
        %add3A_834 = arith.constant 32 : i32
        %add3A_835 = vector.broadcast %add3A_834 : i32 to vector<16xi32>
        %add3A_836 = arith.addi %min3A_833, %add3A_835 : vector<16xi32>
        %mul3A_837 = arith.constant 16 : i32
        %mul3A_838 = vector.broadcast %mul3A_837 : i32 to vector<16xi32>
        %mul3A_839 = arith.muli %add3A_836, %mul3A_838 : vector<16xi32>
        %add3A_840 = vector.broadcast %add3A_793 : i32 to vector<16xi32>
        %add3A_841 = arith.addi %mul3A_839, %add3A_840 : vector<16xi32>
        %gather3A_842 = tpu.vector_load_idx %arg4[%add3A_841] : memref<1040xf32, #tpu.memory_space<vmem>>[vector<16xi32>], vector<16xf32>,
        %swap3A_843 = arith.constant 3 : i32
        %swap3A_844 = arith.index_cast %scan3A_131 : i32 to index
        %swap3A_845 = arith.index_cast %swap3A_843 : i32 to index
        %swap3A_846 = arith.constant 16 : index
        %swap3A_847 = tpu.vector_load %arg7[%swap3A_844, %swap3A_845, %swap3A_846] {strides = array<i32>} : memref<32x8x128xf32, #tpu.memory_space<vmem>>, vector<16xf32>,
        tpu.vector_store %arg7[%swap3A_844, %swap3A_845, %swap3A_846], %gather3A_842 {strides = array<i32>} : memref<32x8x128xf32, #tpu.memory_space<vmem>>, vector<16xf32>,
        %add3A_848 = arith.constant 32 : i32
        %add3A_849 = arith.addi %multiple_of3A_3, %add3A_848 : i32
        %iota3A_850 = tpu.iota {dimensions = array<i32: 0>} : vector<16xi32>
        %add3A_851 = vector.broadcast %add3A_849 : i32 to vector<16xi32>
        %add3A_852 = arith.addi %add3A_851, %iota3A_850 : vector<16xi32>
        %sub3A_853 = vector.broadcast %add3A_132 : i32 to vector<16xi32>
        %sub3A_854 = arith.subi %add3A_852, %sub3A_853 : vector<16xi32>
        %jit3A_855 = arith.constant -32 : i32
        %jit3A_856 = arith.constant 32 : i32
        %max3A_857 = vector.broadcast %jit3A_855 : i32 to vector<16xi32>
        %max3A_858 = arith.maxsi %max3A_857, %sub3A_854 : vector<16xi32>
        %min3A_859 = vector.broadcast %jit3A_856 : i32 to vector<16xi32>
        %min3A_860 = arith.minsi %min3A_859, %max3A_858 : vector<16xi32>
        %add3A_861 = arith.constant 32 : i32
        %add3A_862 = vector.broadcast %add3A_861 : i32 to vector<16xi32>
        %add3A_863 = arith.addi %min3A_860, %add3A_862 : vector<16xi32>
        %mul3A_864 = arith.constant 16 : i32
        %mul3A_865 = vector.broadcast %mul3A_864 : i32 to vector<16xi32>
        %mul3A_866 = arith.muli %add3A_863, %mul3A_865 : vector<16xi32>
        %add3A_867 = vector.broadcast %add3A_793 : i32 to vector<16xi32>
        %add3A_868 = arith.addi %mul3A_866, %add3A_867 : vector<16xi32>
        %gather3A_869 = tpu.vector_load_idx %arg4[%add3A_868] : memref<1040xf32, #tpu.memory_space<vmem>>[vector<16xi32>], vector<16xf32>,
        %swap3A_870 = arith.constant 3 : i32
        %swap3A_871 = arith.index_cast %scan3A_131 : i32 to index
        %swap3A_872 = arith.index_cast %swap3A_870 : i32 to index
        %swap3A_873 = arith.constant 32 : index
        %swap3A_874 = tpu.vector_load %arg7[%swap3A_871, %swap3A_872, %swap3A_873] {strides = array<i32>} : memref<32x8x128xf32, #tpu.memory_space<vmem>>, vector<16xf32>,
        tpu.vector_store %arg7[%swap3A_871, %swap3A_872, %swap3A_873], %gather3A_869 {strides = array<i32>} : memref<32x8x128xf32, #tpu.memory_space<vmem>>, vector<16xf32>,
        %add3A_875 = arith.constant 48 : i32
        %add3A_876 = arith.addi %multiple_of3A_3, %add3A_875 : i32
        %iota3A_877 = tpu.iota {dimensions = array<i32: 0>} : vector<16xi32>
        %add3A_878 = vector.broadcast %add3A_876 : i32 to vector<16xi32>
        %add3A_879 = arith.addi %add3A_878, %iota3A_877 : vector<16xi32>
        %sub3A_880 = vector.broadcast %add3A_132 : i32 to vector<16xi32>
        %sub3A_881 = arith.subi %add3A_879, %sub3A_880 : vector<16xi32>
        %jit3A_882 = arith.constant -32 : i32
        %jit3A_883 = arith.constant 32 : i32
        %max3A_884 = vector.broadcast %jit3A_882 : i32 to vector<16xi32>
        %max3A_885 = arith.maxsi %max3A_884, %sub3A_881 : vector<16xi32>
        %min3A_886 = vector.broadcast %jit3A_883 : i32 to vector<16xi32>
        %min3A_887 = arith.minsi %min3A_886, %max3A_885 : vector<16xi32>
        %add3A_888 = arith.constant 32 : i32
        %add3A_889 = vector.broadcast %add3A_888 : i32 to vector<16xi32>
        %add3A_890 = arith.addi %min3A_887, %add3A_889 : vector<16xi32>
        %mul3A_891 = arith.constant 16 : i32
        %mul3A_892 = vector.broadcast %mul3A_891 : i32 to vector<16xi32>
        %mul3A_893 = arith.muli %add3A_890, %mul3A_892 : vector<16xi32>
        %add3A_894 = vector.broadcast %add3A_793 : i32 to vector<16xi32>
        %add3A_895 = arith.addi %mul3A_893, %add3A_894 : vector<16xi32>
        %gather3A_896 = tpu.vector_load_idx %arg4[%add3A_895] : memref<1040xf32, #tpu.memory_space<vmem>>[vector<16xi32>], vector<16xf32>,
        %swap3A_897 = arith.constant 3 : i32
        %swap3A_898 = arith.index_cast %scan3A_131 : i32 to index
        %swap3A_899 = arith.index_cast %swap3A_897 : i32 to index
        %swap3A_900 = arith.constant 48 : index
        %swap3A_901 = tpu.vector_load %arg7[%swap3A_898, %swap3A_899, %swap3A_900] {strides = array<i32>} : memref<32x8x128xf32, #tpu.memory_space<vmem>>, vector<16xf32>,
        tpu.vector_store %arg7[%swap3A_898, %swap3A_899, %swap3A_900], %gather3A_896 {strides = array<i32>} : memref<32x8x128xf32, #tpu.memory_space<vmem>>, vector<16xf32>,
        %add3A_902 = arith.constant 64 : i32
        %add3A_903 = arith.addi %multiple_of3A_3, %add3A_902 : i32
        %iota3A_904 = tpu.iota {dimensions = array<i32: 0>} : vector<16xi32>
        %add3A_905 = vector.broadcast %add3A_903 : i32 to vector<16xi32>
        %add3A_906 = arith.addi %add3A_905, %iota3A_904 : vector<16xi32>
        %sub3A_907 = vector.broadcast %add3A_132 : i32 to vector<16xi32>
        %sub3A_908 = arith.subi %add3A_906, %sub3A_907 : vector<16xi32>
        %jit3A_909 = arith.constant -32 : i32
        %jit3A_910 = arith.constant 32 : i32
        %max3A_911 = vector.broadcast %jit3A_909 : i32 to vector<16xi32>
        %max3A_912 = arith.maxsi %max3A_911, %sub3A_908 : vector<16xi32>
        %min3A_913 = vector.broadcast %jit3A_910 : i32 to vector<16xi32>
        %min3A_914 = arith.minsi %min3A_913, %max3A_912 : vector<16xi32>
        %add3A_915 = arith.constant 32 : i32
        %add3A_916 = vector.broadcast %add3A_915 : i32 to vector<16xi32>
        %add3A_917 = arith.addi %min3A_914, %add3A_916 : vector<16xi32>
        %mul3A_918 = arith.constant 16 : i32
        %mul3A_919 = vector.broadcast %mul3A_918 : i32 to vector<16xi32>
        %mul3A_920 = arith.muli %add3A_917, %mul3A_919 : vector<16xi32>
        %add3A_921 = vector.broadcast %add3A_793 : i32 to vector<16xi32>
        %add3A_922 = arith.addi %mul3A_920, %add3A_921 : vector<16xi32>
        %gather3A_923 = tpu.vector_load_idx %arg4[%add3A_922] : memref<1040xf32, #tpu.memory_space<vmem>>[vector<16xi32>], vector<16xf32>,
        %swap3A_924 = arith.constant 3 : i32
        %swap3A_925 = arith.index_cast %scan3A_131 : i32 to index
        %swap3A_926 = arith.index_cast %swap3A_924 : i32 to index
        %swap3A_927 = arith.constant 64 : index
        %swap3A_928 = tpu.vector_load %arg7[%swap3A_925, %swap3A_926, %swap3A_927] {strides = array<i32>} : memref<32x8x128xf32, #tpu.memory_space<vmem>>, vector<16xf32>,
        tpu.vector_store %arg7[%swap3A_925, %swap3A_926, %swap3A_927], %gather3A_923 {strides = array<i32>} : memref<32x8x128xf32, #tpu.memory_space<vmem>>, vector<16xf32>,
        %add3A_929 = arith.constant 80 : i32
        %add3A_930 = arith.addi %multiple_of3A_3, %add3A_929 : i32
        %iota3A_931 = tpu.iota {dimensions = array<i32: 0>} : vector<16xi32>
        %add3A_932 = vector.broadcast %add3A_930 : i32 to vector<16xi32>
        %add3A_933 = arith.addi %add3A_932, %iota3A_931 : vector<16xi32>
        %sub3A_934 = vector.broadcast %add3A_132 : i32 to vector<16xi32>
        %sub3A_935 = arith.subi %add3A_933, %sub3A_934 : vector<16xi32>
        %jit3A_936 = arith.constant -32 : i32
        %jit3A_937 = arith.constant 32 : i32
        %max3A_938 = vector.broadcast %jit3A_936 : i32 to vector<16xi32>
        %max3A_939 = arith.maxsi %max3A_938, %sub3A_935 : vector<16xi32>
        %min3A_940 = vector.broadcast %jit3A_937 : i32 to vector<16xi32>
        %min3A_941 = arith.minsi %min3A_940, %max3A_939 : vector<16xi32>
        %add3A_942 = arith.constant 32 : i32
        %add3A_943 = vector.broadcast %add3A_942 : i32 to vector<16xi32>
        %add3A_944 = arith.addi %min3A_941, %add3A_943 : vector<16xi32>
        %mul3A_945 = arith.constant 16 : i32
        %mul3A_946 = vector.broadcast %mul3A_945 : i32 to vector<16xi32>
        %mul3A_947 = arith.muli %add3A_944, %mul3A_946 : vector<16xi32>
        %add3A_948 = vector.broadcast %add3A_793 : i32 to vector<16xi32>
        %add3A_949 = arith.addi %mul3A_947, %add3A_948 : vector<16xi32>
        %gather3A_950 = tpu.vector_load_idx %arg4[%add3A_949] : memref<1040xf32, #tpu.memory_space<vmem>>[vector<16xi32>], vector<16xf32>,
        %swap3A_951 = arith.constant 3 : i32
        %swap3A_952 = arith.index_cast %scan3A_131 : i32 to index
        %swap3A_953 = arith.index_cast %swap3A_951 : i32 to index
        %swap3A_954 = arith.constant 80 : index
        %swap3A_955 = tpu.vector_load %arg7[%swap3A_952, %swap3A_953, %swap3A_954] {strides = array<i32>} : memref<32x8x128xf32, #tpu.memory_space<vmem>>, vector<16xf32>,
        tpu.vector_store %arg7[%swap3A_952, %swap3A_953, %swap3A_954], %gather3A_950 {strides = array<i32>} : memref<32x8x128xf32, #tpu.memory_space<vmem>>, vector<16xf32>,
        %add3A_956 = arith.constant 96 : i32
        %add3A_957 = arith.addi %multiple_of3A_3, %add3A_956 : i32
        %iota3A_958 = tpu.iota {dimensions = array<i32: 0>} : vector<16xi32>
        %add3A_959 = vector.broadcast %add3A_957 : i32 to vector<16xi32>
        %add3A_960 = arith.addi %add3A_959, %iota3A_958 : vector<16xi32>
        %sub3A_961 = vector.broadcast %add3A_132 : i32 to vector<16xi32>
        %sub3A_962 = arith.subi %add3A_960, %sub3A_961 : vector<16xi32>
        %jit3A_963 = arith.constant -32 : i32
        %jit3A_964 = arith.constant 32 : i32
        %max3A_965 = vector.broadcast %jit3A_963 : i32 to vector<16xi32>
        %max3A_966 = arith.maxsi %max3A_965, %sub3A_962 : vector<16xi32>
        %min3A_967 = vector.broadcast %jit3A_964 : i32 to vector<16xi32>
        %min3A_968 = arith.minsi %min3A_967, %max3A_966 : vector<16xi32>
        %add3A_969 = arith.constant 32 : i32
        %add3A_970 = vector.broadcast %add3A_969 : i32 to vector<16xi32>
        %add3A_971 = arith.addi %min3A_968, %add3A_970 : vector<16xi32>
        %mul3A_972 = arith.constant 16 : i32
        %mul3A_973 = vector.broadcast %mul3A_972 : i32 to vector<16xi32>
        %mul3A_974 = arith.muli %add3A_971, %mul3A_973 : vector<16xi32>
        %add3A_975 = vector.broadcast %add3A_793 : i32 to vector<16xi32>
        %add3A_976 = arith.addi %mul3A_974, %add3A_975 : vector<16xi32>
        %gather3A_977 = tpu.vector_load_idx %arg4[%add3A_976] : memref<1040xf32, #tpu.memory_space<vmem>>[vector<16xi32>], vector<16xf32>,
        %swap3A_978 = arith.constant 3 : i32
        %swap3A_979 = arith.index_cast %scan3A_131 : i32 to index
        %swap3A_980 = arith.index_cast %swap3A_978 : i32 to index
        %swap3A_981 = arith.constant 96 : index
        %swap3A_982 = tpu.vector_load %arg7[%swap3A_979, %swap3A_980, %swap3A_981] {strides = array<i32>} : memref<32x8x128xf32, #tpu.memory_space<vmem>>, vector<16xf32>,
        tpu.vector_store %arg7[%swap3A_979, %swap3A_980, %swap3A_981], %gather3A_977 {strides = array<i32>} : memref<32x8x128xf32, #tpu.memory_space<vmem>>, vector<16xf32>,
        %add3A_983 = arith.constant 112 : i32
        %add3A_984 = arith.addi %multiple_of3A_3, %add3A_983 : i32
        %iota3A_985 = tpu.iota {dimensions = array<i32: 0>} : vector<16xi32>
        %add3A_986 = vector.broadcast %add3A_984 : i32 to vector<16xi32>
        %add3A_987 = arith.addi %add3A_986, %iota3A_985 : vector<16xi32>
        %sub3A_988 = vector.broadcast %add3A_132 : i32 to vector<16xi32>
        %sub3A_989 = arith.subi %add3A_987, %sub3A_988 : vector<16xi32>
        %jit3A_990 = arith.constant -32 : i32
        %jit3A_991 = arith.constant 32 : i32
        %max3A_992 = vector.broadcast %jit3A_990 : i32 to vector<16xi32>
        %max3A_993 = arith.maxsi %max3A_992, %sub3A_989 : vector<16xi32>
        %min3A_994 = vector.broadcast %jit3A_991 : i32 to vector<16xi32>
        %min3A_995 = arith.minsi %min3A_994, %max3A_993 : vector<16xi32>
        %add3A_996 = arith.constant 32 : i32
        %add3A_997 = vector.broadcast %add3A_996 : i32 to vector<16xi32>
        %add3A_998 = arith.addi %min3A_995, %add3A_997 : vector<16xi32>
        %mul3A_999 = arith.constant 16 : i32
        %mul3A_1000 = vector.broadcast %mul3A_999 : i32 to vector<16xi32>
        %mul3A_1001 = arith.muli %add3A_998, %mul3A_1000 : vector<16xi32>
        %add3A_1002 = vector.broadcast %add3A_793 : i32 to vector<16xi32>
        %add3A_1003 = arith.addi %mul3A_1001, %add3A_1002 : vector<16xi32>
        %gather3A_1004 = tpu.vector_load_idx %arg4[%add3A_1003] : memref<1040xf32, #tpu.memory_space<vmem>>[vector<16xi32>], vector<16xf32>,
        %swap3A_1005 = arith.constant 3 : i32
        %swap3A_1006 = arith.index_cast %scan3A_131 : i32 to index
        %swap3A_1007 = arith.index_cast %swap3A_1005 : i32 to index
        %swap3A_1008 = arith.constant 112 : index
        %swap3A_1009 = tpu.vector_load %arg7[%swap3A_1006, %swap3A_1007, %swap3A_1008] {strides = array<i32>} : memref<32x8x128xf32, #tpu.memory_space<vmem>>, vector<16xf32>,
        tpu.vector_store %arg7[%swap3A_1006, %swap3A_1007, %swap3A_1008], %gather3A_1004 {strides = array<i32>} : memref<32x8x128xf32, #tpu.memory_space<vmem>>, vector<16xf32>,
        %mul3A_1010 = arith.constant 8 : i32
        %mul3A_1011 = arith.muli %mul3A_1010, %arg0 : i32
        %add3A_1012 = arith.constant 4 : i32
        %add3A_1013 = arith.addi %mul3A_1011, %add3A_1012 : i32
        %add3A_1014 = arith.constant 0 : i32
        %add3A_1015 = arith.addi %multiple_of3A_3, %add3A_1014 : i32
        %iota3A_1016 = tpu.iota {dimensions = array<i32: 0>} : vector<16xi32>
        %add3A_1017 = vector.broadcast %add3A_1015 : i32 to vector<16xi32>
        %add3A_1018 = arith.addi %add3A_1017, %iota3A_1016 : vector<16xi32>
        %sub3A_1019 = vector.broadcast %add3A_132 : i32 to vector<16xi32>
        %sub3A_1020 = arith.subi %add3A_1018, %sub3A_1019 : vector<16xi32>
        %jit3A_1021 = arith.constant -32 : i32
        %jit3A_1022 = arith.constant 32 : i32
        %max3A_1023 = vector.broadcast %jit3A_1021 : i32 to vector<16xi32>
        %max3A_1024 = arith.maxsi %max3A_1023, %sub3A_1020 : vector<16xi32>
        %min3A_1025 = vector.broadcast %jit3A_1022 : i32 to vector<16xi32>
        %min3A_1026 = arith.minsi %min3A_1025, %max3A_1024 : vector<16xi32>
        %add3A_1027 = arith.constant 32 : i32
        %add3A_1028 = vector.broadcast %add3A_1027 : i32 to vector<16xi32>
        %add3A_1029 = arith.addi %min3A_1026, %add3A_1028 : vector<16xi32>
        %mul3A_1030 = arith.constant 16 : i32
        %mul3A_1031 = vector.broadcast %mul3A_1030 : i32 to vector<16xi32>
        %mul3A_1032 = arith.muli %add3A_1029, %mul3A_1031 : vector<16xi32>
        %add3A_1033 = vector.broadcast %add3A_1013 : i32 to vector<16xi32>
        %add3A_1034 = arith.addi %mul3A_1032, %add3A_1033 : vector<16xi32>
        %gather3A_1035 = tpu.vector_load_idx %arg4[%add3A_1034] : memref<1040xf32, #tpu.memory_space<vmem>>[vector<16xi32>], vector<16xf32>,
        %swap3A_1036 = arith.constant 4 : i32
        %swap3A_1037 = arith.index_cast %scan3A_131 : i32 to index
        %swap3A_1038 = arith.index_cast %swap3A_1036 : i32 to index
        %swap3A_1039 = arith.constant 0 : index
        %swap3A_1040 = tpu.vector_load %arg7[%swap3A_1037, %swap3A_1038, %swap3A_1039] {strides = array<i32>} : memref<32x8x128xf32, #tpu.memory_space<vmem>>, vector<16xf32>,
        tpu.vector_store %arg7[%swap3A_1037, %swap3A_1038, %swap3A_1039], %gather3A_1035 {strides = array<i32>} : memref<32x8x128xf32, #tpu.memory_space<vmem>>, vector<16xf32>,
        %add3A_1041 = arith.constant 16 : i32
        %add3A_1042 = arith.addi %multiple_of3A_3, %add3A_1041 : i32
        %iota3A_1043 = tpu.iota {dimensions = array<i32: 0>} : vector<16xi32>
        %add3A_1044 = vector.broadcast %add3A_1042 : i32 to vector<16xi32>
        %add3A_1045 = arith.addi %add3A_1044, %iota3A_1043 : vector<16xi32>
        %sub3A_1046 = vector.broadcast %add3A_132 : i32 to vector<16xi32>
        %sub3A_1047 = arith.subi %add3A_1045, %sub3A_1046 : vector<16xi32>
        %jit3A_1048 = arith.constant -32 : i32
        %jit3A_1049 = arith.constant 32 : i32
        %max3A_1050 = vector.broadcast %jit3A_1048 : i32 to vector<16xi32>
        %max3A_1051 = arith.maxsi %max3A_1050, %sub3A_1047 : vector<16xi32>
        %min3A_1052 = vector.broadcast %jit3A_1049 : i32 to vector<16xi32>
        %min3A_1053 = arith.minsi %min3A_1052, %max3A_1051 : vector<16xi32>
        %add3A_1054 = arith.constant 32 : i32
        %add3A_1055 = vector.broadcast %add3A_1054 : i32 to vector<16xi32>
        %add3A_1056 = arith.addi %min3A_1053, %add3A_1055 : vector<16xi32>
        %mul3A_1057 = arith.constant 16 : i32
        %mul3A_1058 = vector.broadcast %mul3A_1057 : i32 to vector<16xi32>
        %mul3A_1059 = arith.muli %add3A_1056, %mul3A_1058 : vector<16xi32>
        %add3A_1060 = vector.broadcast %add3A_1013 : i32 to vector<16xi32>
        %add3A_1061 = arith.addi %mul3A_1059, %add3A_1060 : vector<16xi32>
        %gather3A_1062 = tpu.vector_load_idx %arg4[%add3A_1061] : memref<1040xf32, #tpu.memory_space<vmem>>[vector<16xi32>], vector<16xf32>,
        %swap3A_1063 = arith.constant 4 : i32
        %swap3A_1064 = arith.index_cast %scan3A_131 : i32 to index
        %swap3A_1065 = arith.index_cast %swap3A_1063 : i32 to index
        %swap3A_1066 = arith.constant 16 : index
        %swap3A_1067 = tpu.vector_load %arg7[%swap3A_1064, %swap3A_1065, %swap3A_1066] {strides = array<i32>} : memref<32x8x128xf32, #tpu.memory_space<vmem>>, vector<16xf32>,
        tpu.vector_store %arg7[%swap3A_1064, %swap3A_1065, %swap3A_1066], %gather3A_1062 {strides = array<i32>} : memref<32x8x128xf32, #tpu.memory_space<vmem>>, vector<16xf32>,
        %add3A_1068 = arith.constant 32 : i32
        %add3A_1069 = arith.addi %multiple_of3A_3, %add3A_1068 : i32
        %iota3A_1070 = tpu.iota {dimensions = array<i32: 0>} : vector<16xi32>
        %add3A_1071 = vector.broadcast %add3A_1069 : i32 to vector<16xi32>
        %add3A_1072 = arith.addi %add3A_1071, %iota3A_1070 : vector<16xi32>
        %sub3A_1073 = vector.broadcast %add3A_132 : i32 to vector<16xi32>
        %sub3A_1074 = arith.subi %add3A_1072, %sub3A_1073 : vector<16xi32>
        %jit3A_1075 = arith.constant -32 : i32
        %jit3A_1076 = arith.constant 32 : i32
        %max3A_1077 = vector.broadcast %jit3A_1075 : i32 to vector<16xi32>
        %max3A_1078 = arith.maxsi %max3A_1077, %sub3A_1074 : vector<16xi32>
        %min3A_1079 = vector.broadcast %jit3A_1076 : i32 to vector<16xi32>
        %min3A_1080 = arith.minsi %min3A_1079, %max3A_1078 : vector<16xi32>
        %add3A_1081 = arith.constant 32 : i32
        %add3A_1082 = vector.broadcast %add3A_1081 : i32 to vector<16xi32>
        %add3A_1083 = arith.addi %min3A_1080, %add3A_1082 : vector<16xi32>
        %mul3A_1084 = arith.constant 16 : i32
        %mul3A_1085 = vector.broadcast %mul3A_1084 : i32 to vector<16xi32>
        %mul3A_1086 = arith.muli %add3A_1083, %mul3A_1085 : vector<16xi32>
        %add3A_1087 = vector.broadcast %add3A_1013 : i32 to vector<16xi32>
        %add3A_1088 = arith.addi %mul3A_1086, %add3A_1087 : vector<16xi32>
        %gather3A_1089 = tpu.vector_load_idx %arg4[%add3A_1088] : memref<1040xf32, #tpu.memory_space<vmem>>[vector<16xi32>], vector<16xf32>,
        %swap3A_1090 = arith.constant 4 : i32
        %swap3A_1091 = arith.index_cast %scan3A_131 : i32 to index
        %swap3A_1092 = arith.index_cast %swap3A_1090 : i32 to index
        %swap3A_1093 = arith.constant 32 : index
        %swap3A_1094 = tpu.vector_load %arg7[%swap3A_1091, %swap3A_1092, %swap3A_1093] {strides = array<i32>} : memref<32x8x128xf32, #tpu.memory_space<vmem>>, vector<16xf32>,
        tpu.vector_store %arg7[%swap3A_1091, %swap3A_1092, %swap3A_1093], %gather3A_1089 {strides = array<i32>} : memref<32x8x128xf32, #tpu.memory_space<vmem>>, vector<16xf32>,
        %add3A_1095 = arith.constant 48 : i32
        %add3A_1096 = arith.addi %multiple_of3A_3, %add3A_1095 : i32
        %iota3A_1097 = tpu.iota {dimensions = array<i32: 0>} : vector<16xi32>
        %add3A_1098 = vector.broadcast %add3A_1096 : i32 to vector<16xi32>
        %add3A_1099 = arith.addi %add3A_1098, %iota3A_1097 : vector<16xi32>
        %sub3A_1100 = vector.broadcast %add3A_132 : i32 to vector<16xi32>
        %sub3A_1101 = arith.subi %add3A_1099, %sub3A_1100 : vector<16xi32>
        %jit3A_1102 = arith.constant -32 : i32
        %jit3A_1103 = arith.constant 32 : i32
        %max3A_1104 = vector.broadcast %jit3A_1102 : i32 to vector<16xi32>
        %max3A_1105 = arith.maxsi %max3A_1104, %sub3A_1101 : vector<16xi32>
        %min3A_1106 = vector.broadcast %jit3A_1103 : i32 to vector<16xi32>
        %min3A_1107 = arith.minsi %min3A_1106, %max3A_1105 : vector<16xi32>
        %add3A_1108 = arith.constant 32 : i32
        %add3A_1109 = vector.broadcast %add3A_1108 : i32 to vector<16xi32>
        %add3A_1110 = arith.addi %min3A_1107, %add3A_1109 : vector<16xi32>
        %mul3A_1111 = arith.constant 16 : i32
        %mul3A_1112 = vector.broadcast %mul3A_1111 : i32 to vector<16xi32>
        %mul3A_1113 = arith.muli %add3A_1110, %mul3A_1112 : vector<16xi32>
        %add3A_1114 = vector.broadcast %add3A_1013 : i32 to vector<16xi32>
        %add3A_1115 = arith.addi %mul3A_1113, %add3A_1114 : vector<16xi32>
        %gather3A_1116 = tpu.vector_load_idx %arg4[%add3A_1115] : memref<1040xf32, #tpu.memory_space<vmem>>[vector<16xi32>], vector<16xf32>,
        %swap3A_1117 = arith.constant 4 : i32
        %swap3A_1118 = arith.index_cast %scan3A_131 : i32 to index
        %swap3A_1119 = arith.index_cast %swap3A_1117 : i32 to index
        %swap3A_1120 = arith.constant 48 : index
        %swap3A_1121 = tpu.vector_load %arg7[%swap3A_1118, %swap3A_1119, %swap3A_1120] {strides = array<i32>} : memref<32x8x128xf32, #tpu.memory_space<vmem>>, vector<16xf32>,
        tpu.vector_store %arg7[%swap3A_1118, %swap3A_1119, %swap3A_1120], %gather3A_1116 {strides = array<i32>} : memref<32x8x128xf32, #tpu.memory_space<vmem>>, vector<16xf32>,
        %add3A_1122 = arith.constant 64 : i32
        %add3A_1123 = arith.addi %multiple_of3A_3, %add3A_1122 : i32
        %iota3A_1124 = tpu.iota {dimensions = array<i32: 0>} : vector<16xi32>
        %add3A_1125 = vector.broadcast %add3A_1123 : i32 to vector<16xi32>
        %add3A_1126 = arith.addi %add3A_1125, %iota3A_1124 : vector<16xi32>
        %sub3A_1127 = vector.broadcast %add3A_132 : i32 to vector<16xi32>
        %sub3A_1128 = arith.subi %add3A_1126, %sub3A_1127 : vector<16xi32>
        %jit3A_1129 = arith.constant -32 : i32
        %jit3A_1130 = arith.constant 32 : i32
        %max3A_1131 = vector.broadcast %jit3A_1129 : i32 to vector<16xi32>
        %max3A_1132 = arith.maxsi %max3A_1131, %sub3A_1128 : vector<16xi32>
        %min3A_1133 = vector.broadcast %jit3A_1130 : i32 to vector<16xi32>
        %min3A_1134 = arith.minsi %min3A_1133, %max3A_1132 : vector<16xi32>
        %add3A_1135 = arith.constant 32 : i32
        %add3A_1136 = vector.broadcast %add3A_1135 : i32 to vector<16xi32>
        %add3A_1137 = arith.addi %min3A_1134, %add3A_1136 : vector<16xi32>
        %mul3A_1138 = arith.constant 16 : i32
        %mul3A_1139 = vector.broadcast %mul3A_1138 : i32 to vector<16xi32>
        %mul3A_1140 = arith.muli %add3A_1137, %mul3A_1139 : vector<16xi32>
        %add3A_1141 = vector.broadcast %add3A_1013 : i32 to vector<16xi32>
        %add3A_1142 = arith.addi %mul3A_1140, %add3A_1141 : vector<16xi32>
        %gather3A_1143 = tpu.vector_load_idx %arg4[%add3A_1142] : memref<1040xf32, #tpu.memory_space<vmem>>[vector<16xi32>], vector<16xf32>,
        %swap3A_1144 = arith.constant 4 : i32
        %swap3A_1145 = arith.index_cast %scan3A_131 : i32 to index
        %swap3A_1146 = arith.index_cast %swap3A_1144 : i32 to index
        %swap3A_1147 = arith.constant 64 : index
        %swap3A_1148 = tpu.vector_load %arg7[%swap3A_1145, %swap3A_1146, %swap3A_1147] {strides = array<i32>} : memref<32x8x128xf32, #tpu.memory_space<vmem>>, vector<16xf32>,
        tpu.vector_store %arg7[%swap3A_1145, %swap3A_1146, %swap3A_1147], %gather3A_1143 {strides = array<i32>} : memref<32x8x128xf32, #tpu.memory_space<vmem>>, vector<16xf32>,
        %add3A_1149 = arith.constant 80 : i32
        %add3A_1150 = arith.addi %multiple_of3A_3, %add3A_1149 : i32
        %iota3A_1151 = tpu.iota {dimensions = array<i32: 0>} : vector<16xi32>
        %add3A_1152 = vector.broadcast %add3A_1150 : i32 to vector<16xi32>
        %add3A_1153 = arith.addi %add3A_1152, %iota3A_1151 : vector<16xi32>
        %sub3A_1154 = vector.broadcast %add3A_132 : i32 to vector<16xi32>
        %sub3A_1155 = arith.subi %add3A_1153, %sub3A_1154 : vector<16xi32>
        %jit3A_1156 = arith.constant -32 : i32
        %jit3A_1157 = arith.constant 32 : i32
        %max3A_1158 = vector.broadcast %jit3A_1156 : i32 to vector<16xi32>
        %max3A_1159 = arith.maxsi %max3A_1158, %sub3A_1155 : vector<16xi32>
        %min3A_1160 = vector.broadcast %jit3A_1157 : i32 to vector<16xi32>
        %min3A_1161 = arith.minsi %min3A_1160, %max3A_1159 : vector<16xi32>
        %add3A_1162 = arith.constant 32 : i32
        %add3A_1163 = vector.broadcast %add3A_1162 : i32 to vector<16xi32>
        %add3A_1164 = arith.addi %min3A_1161, %add3A_1163 : vector<16xi32>
        %mul3A_1165 = arith.constant 16 : i32
        %mul3A_1166 = vector.broadcast %mul3A_1165 : i32 to vector<16xi32>
        %mul3A_1167 = arith.muli %add3A_1164, %mul3A_1166 : vector<16xi32>
        %add3A_1168 = vector.broadcast %add3A_1013 : i32 to vector<16xi32>
        %add3A_1169 = arith.addi %mul3A_1167, %add3A_1168 : vector<16xi32>
        %gather3A_1170 = tpu.vector_load_idx %arg4[%add3A_1169] : memref<1040xf32, #tpu.memory_space<vmem>>[vector<16xi32>], vector<16xf32>,
        %swap3A_1171 = arith.constant 4 : i32
        %swap3A_1172 = arith.index_cast %scan3A_131 : i32 to index
        %swap3A_1173 = arith.index_cast %swap3A_1171 : i32 to index
        %swap3A_1174 = arith.constant 80 : index
        %swap3A_1175 = tpu.vector_load %arg7[%swap3A_1172, %swap3A_1173, %swap3A_1174] {strides = array<i32>} : memref<32x8x128xf32, #tpu.memory_space<vmem>>, vector<16xf32>,
        tpu.vector_store %arg7[%swap3A_1172, %swap3A_1173, %swap3A_1174], %gather3A_1170 {strides = array<i32>} : memref<32x8x128xf32, #tpu.memory_space<vmem>>, vector<16xf32>,
        %add3A_1176 = arith.constant 96 : i32
        %add3A_1177 = arith.addi %multiple_of3A_3, %add3A_1176 : i32
        %iota3A_1178 = tpu.iota {dimensions = array<i32: 0>} : vector<16xi32>
        %add3A_1179 = vector.broadcast %add3A_1177 : i32 to vector<16xi32>
        %add3A_1180 = arith.addi %add3A_1179, %iota3A_1178 : vector<16xi32>
        %sub3A_1181 = vector.broadcast %add3A_132 : i32 to vector<16xi32>
        %sub3A_1182 = arith.subi %add3A_1180, %sub3A_1181 : vector<16xi32>
        %jit3A_1183 = arith.constant -32 : i32
        %jit3A_1184 = arith.constant 32 : i32
        %max3A_1185 = vector.broadcast %jit3A_1183 : i32 to vector<16xi32>
        %max3A_1186 = arith.maxsi %max3A_1185, %sub3A_1182 : vector<16xi32>
        %min3A_1187 = vector.broadcast %jit3A_1184 : i32 to vector<16xi32>
        %min3A_1188 = arith.minsi %min3A_1187, %max3A_1186 : vector<16xi32>
        %add3A_1189 = arith.constant 32 : i32
        %add3A_1190 = vector.broadcast %add3A_1189 : i32 to vector<16xi32>
        %add3A_1191 = arith.addi %min3A_1188, %add3A_1190 : vector<16xi32>
        %mul3A_1192 = arith.constant 16 : i32
        %mul3A_1193 = vector.broadcast %mul3A_1192 : i32 to vector<16xi32>
        %mul3A_1194 = arith.muli %add3A_1191, %mul3A_1193 : vector<16xi32>
        %add3A_1195 = vector.broadcast %add3A_1013 : i32 to vector<16xi32>
        %add3A_1196 = arith.addi %mul3A_1194, %add3A_1195 : vector<16xi32>
        %gather3A_1197 = tpu.vector_load_idx %arg4[%add3A_1196] : memref<1040xf32, #tpu.memory_space<vmem>>[vector<16xi32>], vector<16xf32>,
        %swap3A_1198 = arith.constant 4 : i32
        %swap3A_1199 = arith.index_cast %scan3A_131 : i32 to index
        %swap3A_1200 = arith.index_cast %swap3A_1198 : i32 to index
        %swap3A_1201 = arith.constant 96 : index
        %swap3A_1202 = tpu.vector_load %arg7[%swap3A_1199, %swap3A_1200, %swap3A_1201] {strides = array<i32>} : memref<32x8x128xf32, #tpu.memory_space<vmem>>, vector<16xf32>,
        tpu.vector_store %arg7[%swap3A_1199, %swap3A_1200, %swap3A_1201], %gather3A_1197 {strides = array<i32>} : memref<32x8x128xf32, #tpu.memory_space<vmem>>, vector<16xf32>,
        %add3A_1203 = arith.constant 112 : i32
        %add3A_1204 = arith.addi %multiple_of3A_3, %add3A_1203 : i32
        %iota3A_1205 = tpu.iota {dimensions = array<i32: 0>} : vector<16xi32>
        %add3A_1206 = vector.broadcast %add3A_1204 : i32 to vector<16xi32>
        %add3A_1207 = arith.addi %add3A_1206, %iota3A_1205 : vector<16xi32>
        %sub3A_1208 = vector.broadcast %add3A_132 : i32 to vector<16xi32>
        %sub3A_1209 = arith.subi %add3A_1207, %sub3A_1208 : vector<16xi32>
        %jit3A_1210 = arith.constant -32 : i32
        %jit3A_1211 = arith.constant 32 : i32
        %max3A_1212 = vector.broadcast %jit3A_1210 : i32 to vector<16xi32>
        %max3A_1213 = arith.maxsi %max3A_1212, %sub3A_1209 : vector<16xi32>
        %min3A_1214 = vector.broadcast %jit3A_1211 : i32 to vector<16xi32>
        %min3A_1215 = arith.minsi %min3A_1214, %max3A_1213 : vector<16xi32>
        %add3A_1216 = arith.constant 32 : i32
        %add3A_1217 = vector.broadcast %add3A_1216 : i32 to vector<16xi32>
        %add3A_1218 = arith.addi %min3A_1215, %add3A_1217 : vector<16xi32>
        %mul3A_1219 = arith.constant 16 : i32
        %mul3A_1220 = vector.broadcast %mul3A_1219 : i32 to vector<16xi32>
        %mul3A_1221 = arith.muli %add3A_1218, %mul3A_1220 : vector<16xi32>
        %add3A_1222 = vector.broadcast %add3A_1013 : i32 to vector<16xi32>
        %add3A_1223 = arith.addi %mul3A_1221, %add3A_1222 : vector<16xi32>
        %gather3A_1224 = tpu.vector_load_idx %arg4[%add3A_1223] : memref<1040xf32, #tpu.memory_space<vmem>>[vector<16xi32>], vector<16xf32>,
        %swap3A_1225 = arith.constant 4 : i32
        %swap3A_1226 = arith.index_cast %scan3A_131 : i32 to index
        %swap3A_1227 = arith.index_cast %swap3A_1225 : i32 to index
        %swap3A_1228 = arith.constant 112 : index
        %swap3A_1229 = tpu.vector_load %arg7[%swap3A_1226, %swap3A_1227, %swap3A_1228] {strides = array<i32>} : memref<32x8x128xf32, #tpu.memory_space<vmem>>, vector<16xf32>,
        tpu.vector_store %arg7[%swap3A_1226, %swap3A_1227, %swap3A_1228], %gather3A_1224 {strides = array<i32>} : memref<32x8x128xf32, #tpu.memory_space<vmem>>, vector<16xf32>,
        %mul3A_1230 = arith.constant 8 : i32
        %mul3A_1231 = arith.muli %mul3A_1230, %arg0 : i32
        %add3A_1232 = arith.constant 5 : i32
        %add3A_1233 = arith.addi %mul3A_1231, %add3A_1232 : i32
        %add3A_1234 = arith.constant 0 : i32
        %add3A_1235 = arith.addi %multiple_of3A_3, %add3A_1234 : i32
        %iota3A_1236 = tpu.iota {dimensions = array<i32: 0>} : vector<16xi32>
        %add3A_1237 = vector.broadcast %add3A_1235 : i32 to vector<16xi32>
        %add3A_1238 = arith.addi %add3A_1237, %iota3A_1236 : vector<16xi32>
        %sub3A_1239 = vector.broadcast %add3A_132 : i32 to vector<16xi32>
        %sub3A_1240 = arith.subi %add3A_1238, %sub3A_1239 : vector<16xi32>
        %jit3A_1241 = arith.constant -32 : i32
        %jit3A_1242 = arith.constant 32 : i32
        %max3A_1243 = vector.broadcast %jit3A_1241 : i32 to vector<16xi32>
        %max3A_1244 = arith.maxsi %max3A_1243, %sub3A_1240 : vector<16xi32>
        %min3A_1245 = vector.broadcast %jit3A_1242 : i32 to vector<16xi32>
        %min3A_1246 = arith.minsi %min3A_1245, %max3A_1244 : vector<16xi32>
        %add3A_1247 = arith.constant 32 : i32
        %add3A_1248 = vector.broadcast %add3A_1247 : i32 to vector<16xi32>
        %add3A_1249 = arith.addi %min3A_1246, %add3A_1248 : vector<16xi32>
        %mul3A_1250 = arith.constant 16 : i32
        %mul3A_1251 = vector.broadcast %mul3A_1250 : i32 to vector<16xi32>
        %mul3A_1252 = arith.muli %add3A_1249, %mul3A_1251 : vector<16xi32>
        %add3A_1253 = vector.broadcast %add3A_1233 : i32 to vector<16xi32>
        %add3A_1254 = arith.addi %mul3A_1252, %add3A_1253 : vector<16xi32>
        %gather3A_1255 = tpu.vector_load_idx %arg4[%add3A_1254] : memref<1040xf32, #tpu.memory_space<vmem>>[vector<16xi32>], vector<16xf32>,
        %swap3A_1256 = arith.constant 5 : i32
        %swap3A_1257 = arith.index_cast %scan3A_131 : i32 to index
        %swap3A_1258 = arith.index_cast %swap3A_1256 : i32 to index
        %swap3A_1259 = arith.constant 0 : index
        %swap3A_1260 = tpu.vector_load %arg7[%swap3A_1257, %swap3A_1258, %swap3A_1259] {strides = array<i32>} : memref<32x8x128xf32, #tpu.memory_space<vmem>>, vector<16xf32>,
        tpu.vector_store %arg7[%swap3A_1257, %swap3A_1258, %swap3A_1259], %gather3A_1255 {strides = array<i32>} : memref<32x8x128xf32, #tpu.memory_space<vmem>>, vector<16xf32>,
        %add3A_1261 = arith.constant 16 : i32
        %add3A_1262 = arith.addi %multiple_of3A_3, %add3A_1261 : i32
        %iota3A_1263 = tpu.iota {dimensions = array<i32: 0>} : vector<16xi32>
        %add3A_1264 = vector.broadcast %add3A_1262 : i32 to vector<16xi32>
        %add3A_1265 = arith.addi %add3A_1264, %iota3A_1263 : vector<16xi32>
        %sub3A_1266 = vector.broadcast %add3A_132 : i32 to vector<16xi32>
        %sub3A_1267 = arith.subi %add3A_1265, %sub3A_1266 : vector<16xi32>
        %jit3A_1268 = arith.constant -32 : i32
        %jit3A_1269 = arith.constant 32 : i32
        %max3A_1270 = vector.broadcast %jit3A_1268 : i32 to vector<16xi32>
        %max3A_1271 = arith.maxsi %max3A_1270, %sub3A_1267 : vector<16xi32>
        %min3A_1272 = vector.broadcast %jit3A_1269 : i32 to vector<16xi32>
        %min3A_1273 = arith.minsi %min3A_1272, %max3A_1271 : vector<16xi32>
        %add3A_1274 = arith.constant 32 : i32
        %add3A_1275 = vector.broadcast %add3A_1274 : i32 to vector<16xi32>
        %add3A_1276 = arith.addi %min3A_1273, %add3A_1275 : vector<16xi32>
        %mul3A_1277 = arith.constant 16 : i32
        %mul3A_1278 = vector.broadcast %mul3A_1277 : i32 to vector<16xi32>
        %mul3A_1279 = arith.muli %add3A_1276, %mul3A_1278 : vector<16xi32>
        %add3A_1280 = vector.broadcast %add3A_1233 : i32 to vector<16xi32>
        %add3A_1281 = arith.addi %mul3A_1279, %add3A_1280 : vector<16xi32>
        %gather3A_1282 = tpu.vector_load_idx %arg4[%add3A_1281] : memref<1040xf32, #tpu.memory_space<vmem>>[vector<16xi32>], vector<16xf32>,
        %swap3A_1283 = arith.constant 5 : i32
        %swap3A_1284 = arith.index_cast %scan3A_131 : i32 to index
        %swap3A_1285 = arith.index_cast %swap3A_1283 : i32 to index
        %swap3A_1286 = arith.constant 16 : index
        %swap3A_1287 = tpu.vector_load %arg7[%swap3A_1284, %swap3A_1285, %swap3A_1286] {strides = array<i32>} : memref<32x8x128xf32, #tpu.memory_space<vmem>>, vector<16xf32>,
        tpu.vector_store %arg7[%swap3A_1284, %swap3A_1285, %swap3A_1286], %gather3A_1282 {strides = array<i32>} : memref<32x8x128xf32, #tpu.memory_space<vmem>>, vector<16xf32>,
        %add3A_1288 = arith.constant 32 : i32
        %add3A_1289 = arith.addi %multiple_of3A_3, %add3A_1288 : i32
        %iota3A_1290 = tpu.iota {dimensions = array<i32: 0>} : vector<16xi32>
        %add3A_1291 = vector.broadcast %add3A_1289 : i32 to vector<16xi32>
        %add3A_1292 = arith.addi %add3A_1291, %iota3A_1290 : vector<16xi32>
        %sub3A_1293 = vector.broadcast %add3A_132 : i32 to vector<16xi32>
        %sub3A_1294 = arith.subi %add3A_1292, %sub3A_1293 : vector<16xi32>
        %jit3A_1295 = arith.constant -32 : i32
        %jit3A_1296 = arith.constant 32 : i32
        %max3A_1297 = vector.broadcast %jit3A_1295 : i32 to vector<16xi32>
        %max3A_1298 = arith.maxsi %max3A_1297, %sub3A_1294 : vector<16xi32>
        %min3A_1299 = vector.broadcast %jit3A_1296 : i32 to vector<16xi32>
        %min3A_1300 = arith.minsi %min3A_1299, %max3A_1298 : vector<16xi32>
        %add3A_1301 = arith.constant 32 : i32
        %add3A_1302 = vector.broadcast %add3A_1301 : i32 to vector<16xi32>
        %add3A_1303 = arith.addi %min3A_1300, %add3A_1302 : vector<16xi32>
        %mul3A_1304 = arith.constant 16 : i32
        %mul3A_1305 = vector.broadcast %mul3A_1304 : i32 to vector<16xi32>
        %mul3A_1306 = arith.muli %add3A_1303, %mul3A_1305 : vector<16xi32>
        %add3A_1307 = vector.broadcast %add3A_1233 : i32 to vector<16xi32>
        %add3A_1308 = arith.addi %mul3A_1306, %add3A_1307 : vector<16xi32>
        %gather3A_1309 = tpu.vector_load_idx %arg4[%add3A_1308] : memref<1040xf32, #tpu.memory_space<vmem>>[vector<16xi32>], vector<16xf32>,
        %swap3A_1310 = arith.constant 5 : i32
        %swap3A_1311 = arith.index_cast %scan3A_131 : i32 to index
        %swap3A_1312 = arith.index_cast %swap3A_1310 : i32 to index
        %swap3A_1313 = arith.constant 32 : index
        %swap3A_1314 = tpu.vector_load %arg7[%swap3A_1311, %swap3A_1312, %swap3A_1313] {strides = array<i32>} : memref<32x8x128xf32, #tpu.memory_space<vmem>>, vector<16xf32>,
        tpu.vector_store %arg7[%swap3A_1311, %swap3A_1312, %swap3A_1313], %gather3A_1309 {strides = array<i32>} : memref<32x8x128xf32, #tpu.memory_space<vmem>>, vector<16xf32>,
        %add3A_1315 = arith.constant 48 : i32
        %add3A_1316 = arith.addi %multiple_of3A_3, %add3A_1315 : i32
        %iota3A_1317 = tpu.iota {dimensions = array<i32: 0>} : vector<16xi32>
        %add3A_1318 = vector.broadcast %add3A_1316 : i32 to vector<16xi32>
        %add3A_1319 = arith.addi %add3A_1318, %iota3A_1317 : vector<16xi32>
        %sub3A_1320 = vector.broadcast %add3A_132 : i32 to vector<16xi32>
        %sub3A_1321 = arith.subi %add3A_1319, %sub3A_1320 : vector<16xi32>
        %jit3A_1322 = arith.constant -32 : i32
        %jit3A_1323 = arith.constant 32 : i32
        %max3A_1324 = vector.broadcast %jit3A_1322 : i32 to vector<16xi32>
        %max3A_1325 = arith.maxsi %max3A_1324, %sub3A_1321 : vector<16xi32>
        %min3A_1326 = vector.broadcast %jit3A_1323 : i32 to vector<16xi32>
        %min3A_1327 = arith.minsi %min3A_1326, %max3A_1325 : vector<16xi32>
        %add3A_1328 = arith.constant 32 : i32
        %add3A_1329 = vector.broadcast %add3A_1328 : i32 to vector<16xi32>
        %add3A_1330 = arith.addi %min3A_1327, %add3A_1329 : vector<16xi32>
        %mul3A_1331 = arith.constant 16 : i32
        %mul3A_1332 = vector.broadcast %mul3A_1331 : i32 to vector<16xi32>
        %mul3A_1333 = arith.muli %add3A_1330, %mul3A_1332 : vector<16xi32>
        %add3A_1334 = vector.broadcast %add3A_1233 : i32 to vector<16xi32>
        %add3A_1335 = arith.addi %mul3A_1333, %add3A_1334 : vector<16xi32>
        %gather3A_1336 = tpu.vector_load_idx %arg4[%add3A_1335] : memref<1040xf32, #tpu.memory_space<vmem>>[vector<16xi32>], vector<16xf32>,
        %swap3A_1337 = arith.constant 5 : i32
        %swap3A_1338 = arith.index_cast %scan3A_131 : i32 to index
        %swap3A_1339 = arith.index_cast %swap3A_1337 : i32 to index
        %swap3A_1340 = arith.constant 48 : index
        %swap3A_1341 = tpu.vector_load %arg7[%swap3A_1338, %swap3A_1339, %swap3A_1340] {strides = array<i32>} : memref<32x8x128xf32, #tpu.memory_space<vmem>>, vector<16xf32>,
        tpu.vector_store %arg7[%swap3A_1338, %swap3A_1339, %swap3A_1340], %gather3A_1336 {strides = array<i32>} : memref<32x8x128xf32, #tpu.memory_space<vmem>>, vector<16xf32>,
        %add3A_1342 = arith.constant 64 : i32
        %add3A_1343 = arith.addi %multiple_of3A_3, %add3A_1342 : i32
        %iota3A_1344 = tpu.iota {dimensions = array<i32: 0>} : vector<16xi32>
        %add3A_1345 = vector.broadcast %add3A_1343 : i32 to vector<16xi32>
        %add3A_1346 = arith.addi %add3A_1345, %iota3A_1344 : vector<16xi32>
        %sub3A_1347 = vector.broadcast %add3A_132 : i32 to vector<16xi32>
        %sub3A_1348 = arith.subi %add3A_1346, %sub3A_1347 : vector<16xi32>
        %jit3A_1349 = arith.constant -32 : i32
        %jit3A_1350 = arith.constant 32 : i32
        %max3A_1351 = vector.broadcast %jit3A_1349 : i32 to vector<16xi32>
        %max3A_1352 = arith.maxsi %max3A_1351, %sub3A_1348 : vector<16xi32>
        %min3A_1353 = vector.broadcast %jit3A_1350 : i32 to vector<16xi32>
        %min3A_1354 = arith.minsi %min3A_1353, %max3A_1352 : vector<16xi32>
        %add3A_1355 = arith.constant 32 : i32
        %add3A_1356 = vector.broadcast %add3A_1355 : i32 to vector<16xi32>
        %add3A_1357 = arith.addi %min3A_1354, %add3A_1356 : vector<16xi32>
        %mul3A_1358 = arith.constant 16 : i32
        %mul3A_1359 = vector.broadcast %mul3A_1358 : i32 to vector<16xi32>
        %mul3A_1360 = arith.muli %add3A_1357, %mul3A_1359 : vector<16xi32>
        %add3A_1361 = vector.broadcast %add3A_1233 : i32 to vector<16xi32>
        %add3A_1362 = arith.addi %mul3A_1360, %add3A_1361 : vector<16xi32>
        %gather3A_1363 = tpu.vector_load_idx %arg4[%add3A_1362] : memref<1040xf32, #tpu.memory_space<vmem>>[vector<16xi32>], vector<16xf32>,
        %swap3A_1364 = arith.constant 5 : i32
        %swap3A_1365 = arith.index_cast %scan3A_131 : i32 to index
        %swap3A_1366 = arith.index_cast %swap3A_1364 : i32 to index
        %swap3A_1367 = arith.constant 64 : index
        %swap3A_1368 = tpu.vector_load %arg7[%swap3A_1365, %swap3A_1366, %swap3A_1367] {strides = array<i32>} : memref<32x8x128xf32, #tpu.memory_space<vmem>>, vector<16xf32>,
        tpu.vector_store %arg7[%swap3A_1365, %swap3A_1366, %swap3A_1367], %gather3A_1363 {strides = array<i32>} : memref<32x8x128xf32, #tpu.memory_space<vmem>>, vector<16xf32>,
        %add3A_1369 = arith.constant 80 : i32
        %add3A_1370 = arith.addi %multiple_of3A_3, %add3A_1369 : i32
        %iota3A_1371 = tpu.iota {dimensions = array<i32: 0>} : vector<16xi32>
        %add3A_1372 = vector.broadcast %add3A_1370 : i32 to vector<16xi32>
        %add3A_1373 = arith.addi %add3A_1372, %iota3A_1371 : vector<16xi32>
        %sub3A_1374 = vector.broadcast %add3A_132 : i32 to vector<16xi32>
        %sub3A_1375 = arith.subi %add3A_1373, %sub3A_1374 : vector<16xi32>
        %jit3A_1376 = arith.constant -32 : i32
        %jit3A_1377 = arith.constant 32 : i32
        %max3A_1378 = vector.broadcast %jit3A_1376 : i32 to vector<16xi32>
        %max3A_1379 = arith.maxsi %max3A_1378, %sub3A_1375 : vector<16xi32>
        %min3A_1380 = vector.broadcast %jit3A_1377 : i32 to vector<16xi32>
        %min3A_1381 = arith.minsi %min3A_1380, %max3A_1379 : vector<16xi32>
        %add3A_1382 = arith.constant 32 : i32
        %add3A_1383 = vector.broadcast %add3A_1382 : i32 to vector<16xi32>
        %add3A_1384 = arith.addi %min3A_1381, %add3A_1383 : vector<16xi32>
        %mul3A_1385 = arith.constant 16 : i32
        %mul3A_1386 = vector.broadcast %mul3A_1385 : i32 to vector<16xi32>
        %mul3A_1387 = arith.muli %add3A_1384, %mul3A_1386 : vector<16xi32>
        %add3A_1388 = vector.broadcast %add3A_1233 : i32 to vector<16xi32>
        %add3A_1389 = arith.addi %mul3A_1387, %add3A_1388 : vector<16xi32>
        %gather3A_1390 = tpu.vector_load_idx %arg4[%add3A_1389] : memref<1040xf32, #tpu.memory_space<vmem>>[vector<16xi32>], vector<16xf32>,
        %swap3A_1391 = arith.constant 5 : i32
        %swap3A_1392 = arith.index_cast %scan3A_131 : i32 to index
        %swap3A_1393 = arith.index_cast %swap3A_1391 : i32 to index
        %swap3A_1394 = arith.constant 80 : index
        %swap3A_1395 = tpu.vector_load %arg7[%swap3A_1392, %swap3A_1393, %swap3A_1394] {strides = array<i32>} : memref<32x8x128xf32, #tpu.memory_space<vmem>>, vector<16xf32>,
        tpu.vector_store %arg7[%swap3A_1392, %swap3A_1393, %swap3A_1394], %gather3A_1390 {strides = array<i32>} : memref<32x8x128xf32, #tpu.memory_space<vmem>>, vector<16xf32>,
        %add3A_1396 = arith.constant 96 : i32
        %add3A_1397 = arith.addi %multiple_of3A_3, %add3A_1396 : i32
        %iota3A_1398 = tpu.iota {dimensions = array<i32: 0>} : vector<16xi32>
        %add3A_1399 = vector.broadcast %add3A_1397 : i32 to vector<16xi32>
        %add3A_1400 = arith.addi %add3A_1399, %iota3A_1398 : vector<16xi32>
        %sub3A_1401 = vector.broadcast %add3A_132 : i32 to vector<16xi32>
        %sub3A_1402 = arith.subi %add3A_1400, %sub3A_1401 : vector<16xi32>
        %jit3A_1403 = arith.constant -32 : i32
        %jit3A_1404 = arith.constant 32 : i32
        %max3A_1405 = vector.broadcast %jit3A_1403 : i32 to vector<16xi32>
        %max3A_1406 = arith.maxsi %max3A_1405, %sub3A_1402 : vector<16xi32>
        %min3A_1407 = vector.broadcast %jit3A_1404 : i32 to vector<16xi32>
        %min3A_1408 = arith.minsi %min3A_1407, %max3A_1406 : vector<16xi32>
        %add3A_1409 = arith.constant 32 : i32
        %add3A_1410 = vector.broadcast %add3A_1409 : i32 to vector<16xi32>
        %add3A_1411 = arith.addi %min3A_1408, %add3A_1410 : vector<16xi32>
        %mul3A_1412 = arith.constant 16 : i32
        %mul3A_1413 = vector.broadcast %mul3A_1412 : i32 to vector<16xi32>
        %mul3A_1414 = arith.muli %add3A_1411, %mul3A_1413 : vector<16xi32>
        %add3A_1415 = vector.broadcast %add3A_1233 : i32 to vector<16xi32>
        %add3A_1416 = arith.addi %mul3A_1414, %add3A_1415 : vector<16xi32>
        %gather3A_1417 = tpu.vector_load_idx %arg4[%add3A_1416] : memref<1040xf32, #tpu.memory_space<vmem>>[vector<16xi32>], vector<16xf32>,
        %swap3A_1418 = arith.constant 5 : i32
        %swap3A_1419 = arith.index_cast %scan3A_131 : i32 to index
        %swap3A_1420 = arith.index_cast %swap3A_1418 : i32 to index
        %swap3A_1421 = arith.constant 96 : index
        %swap3A_1422 = tpu.vector_load %arg7[%swap3A_1419, %swap3A_1420, %swap3A_1421] {strides = array<i32>} : memref<32x8x128xf32, #tpu.memory_space<vmem>>, vector<16xf32>,
        tpu.vector_store %arg7[%swap3A_1419, %swap3A_1420, %swap3A_1421], %gather3A_1417 {strides = array<i32>} : memref<32x8x128xf32, #tpu.memory_space<vmem>>, vector<16xf32>,
        %add3A_1423 = arith.constant 112 : i32
        %add3A_1424 = arith.addi %multiple_of3A_3, %add3A_1423 : i32
        %iota3A_1425 = tpu.iota {dimensions = array<i32: 0>} : vector<16xi32>
        %add3A_1426 = vector.broadcast %add3A_1424 : i32 to vector<16xi32>
        %add3A_1427 = arith.addi %add3A_1426, %iota3A_1425 : vector<16xi32>
        %sub3A_1428 = vector.broadcast %add3A_132 : i32 to vector<16xi32>
        %sub3A_1429 = arith.subi %add3A_1427, %sub3A_1428 : vector<16xi32>
        %jit3A_1430 = arith.constant -32 : i32
        %jit3A_1431 = arith.constant 32 : i32
        %max3A_1432 = vector.broadcast %jit3A_1430 : i32 to vector<16xi32>
        %max3A_1433 = arith.maxsi %max3A_1432, %sub3A_1429 : vector<16xi32>
        %min3A_1434 = vector.broadcast %jit3A_1431 : i32 to vector<16xi32>
        %min3A_1435 = arith.minsi %min3A_1434, %max3A_1433 : vector<16xi32>
        %add3A_1436 = arith.constant 32 : i32
        %add3A_1437 = vector.broadcast %add3A_1436 : i32 to vector<16xi32>
        %add3A_1438 = arith.addi %min3A_1435, %add3A_1437 : vector<16xi32>
        %mul3A_1439 = arith.constant 16 : i32
        %mul3A_1440 = vector.broadcast %mul3A_1439 : i32 to vector<16xi32>
        %mul3A_1441 = arith.muli %add3A_1438, %mul3A_1440 : vector<16xi32>
        %add3A_1442 = vector.broadcast %add3A_1233 : i32 to vector<16xi32>
        %add3A_1443 = arith.addi %mul3A_1441, %add3A_1442 : vector<16xi32>
        %gather3A_1444 = tpu.vector_load_idx %arg4[%add3A_1443] : memref<1040xf32, #tpu.memory_space<vmem>>[vector<16xi32>], vector<16xf32>,
        %swap3A_1445 = arith.constant 5 : i32
        %swap3A_1446 = arith.index_cast %scan3A_131 : i32 to index
        %swap3A_1447 = arith.index_cast %swap3A_1445 : i32 to index
        %swap3A_1448 = arith.constant 112 : index
        %swap3A_1449 = tpu.vector_load %arg7[%swap3A_1446, %swap3A_1447, %swap3A_1448] {strides = array<i32>} : memref<32x8x128xf32, #tpu.memory_space<vmem>>, vector<16xf32>,
        tpu.vector_store %arg7[%swap3A_1446, %swap3A_1447, %swap3A_1448], %gather3A_1444 {strides = array<i32>} : memref<32x8x128xf32, #tpu.memory_space<vmem>>, vector<16xf32>,
        %mul3A_1450 = arith.constant 8 : i32
        %mul3A_1451 = arith.muli %mul3A_1450, %arg0 : i32
        %add3A_1452 = arith.constant 6 : i32
        %add3A_1453 = arith.addi %mul3A_1451, %add3A_1452 : i32
        %add3A_1454 = arith.constant 0 : i32
        %add3A_1455 = arith.addi %multiple_of3A_3, %add3A_1454 : i32
        %iota3A_1456 = tpu.iota {dimensions = array<i32: 0>} : vector<16xi32>
        %add3A_1457 = vector.broadcast %add3A_1455 : i32 to vector<16xi32>
        %add3A_1458 = arith.addi %add3A_1457, %iota3A_1456 : vector<16xi32>
        %sub3A_1459 = vector.broadcast %add3A_132 : i32 to vector<16xi32>
        %sub3A_1460 = arith.subi %add3A_1458, %sub3A_1459 : vector<16xi32>
        %jit3A_1461 = arith.constant -32 : i32
        %jit3A_1462 = arith.constant 32 : i32
        %max3A_1463 = vector.broadcast %jit3A_1461 : i32 to vector<16xi32>
        %max3A_1464 = arith.maxsi %max3A_1463, %sub3A_1460 : vector<16xi32>
        %min3A_1465 = vector.broadcast %jit3A_1462 : i32 to vector<16xi32>
        %min3A_1466 = arith.minsi %min3A_1465, %max3A_1464 : vector<16xi32>
        %add3A_1467 = arith.constant 32 : i32
        %add3A_1468 = vector.broadcast %add3A_1467 : i32 to vector<16xi32>
        %add3A_1469 = arith.addi %min3A_1466, %add3A_1468 : vector<16xi32>
        %mul3A_1470 = arith.constant 16 : i32
        %mul3A_1471 = vector.broadcast %mul3A_1470 : i32 to vector<16xi32>
        %mul3A_1472 = arith.muli %add3A_1469, %mul3A_1471 : vector<16xi32>
        %add3A_1473 = vector.broadcast %add3A_1453 : i32 to vector<16xi32>
        %add3A_1474 = arith.addi %mul3A_1472, %add3A_1473 : vector<16xi32>
        %gather3A_1475 = tpu.vector_load_idx %arg4[%add3A_1474] : memref<1040xf32, #tpu.memory_space<vmem>>[vector<16xi32>], vector<16xf32>,
        %swap3A_1476 = arith.constant 6 : i32
        %swap3A_1477 = arith.index_cast %scan3A_131 : i32 to index
        %swap3A_1478 = arith.index_cast %swap3A_1476 : i32 to index
        %swap3A_1479 = arith.constant 0 : index
        %swap3A_1480 = tpu.vector_load %arg7[%swap3A_1477, %swap3A_1478, %swap3A_1479] {strides = array<i32>} : memref<32x8x128xf32, #tpu.memory_space<vmem>>, vector<16xf32>,
        tpu.vector_store %arg7[%swap3A_1477, %swap3A_1478, %swap3A_1479], %gather3A_1475 {strides = array<i32>} : memref<32x8x128xf32, #tpu.memory_space<vmem>>, vector<16xf32>,
        %add3A_1481 = arith.constant 16 : i32
        %add3A_1482 = arith.addi %multiple_of3A_3, %add3A_1481 : i32
        %iota3A_1483 = tpu.iota {dimensions = array<i32: 0>} : vector<16xi32>
        %add3A_1484 = vector.broadcast %add3A_1482 : i32 to vector<16xi32>
        %add3A_1485 = arith.addi %add3A_1484, %iota3A_1483 : vector<16xi32>
        %sub3A_1486 = vector.broadcast %add3A_132 : i32 to vector<16xi32>
        %sub3A_1487 = arith.subi %add3A_1485, %sub3A_1486 : vector<16xi32>
        %jit3A_1488 = arith.constant -32 : i32
        %jit3A_1489 = arith.constant 32 : i32
        %max3A_1490 = vector.broadcast %jit3A_1488 : i32 to vector<16xi32>
        %max3A_1491 = arith.maxsi %max3A_1490, %sub3A_1487 : vector<16xi32>
        %min3A_1492 = vector.broadcast %jit3A_1489 : i32 to vector<16xi32>
        %min3A_1493 = arith.minsi %min3A_1492, %max3A_1491 : vector<16xi32>
        %add3A_1494 = arith.constant 32 : i32
        %add3A_1495 = vector.broadcast %add3A_1494 : i32 to vector<16xi32>
        %add3A_1496 = arith.addi %min3A_1493, %add3A_1495 : vector<16xi32>
        %mul3A_1497 = arith.constant 16 : i32
        %mul3A_1498 = vector.broadcast %mul3A_1497 : i32 to vector<16xi32>
        %mul3A_1499 = arith.muli %add3A_1496, %mul3A_1498 : vector<16xi32>
        %add3A_1500 = vector.broadcast %add3A_1453 : i32 to vector<16xi32>
        %add3A_1501 = arith.addi %mul3A_1499, %add3A_1500 : vector<16xi32>
        %gather3A_1502 = tpu.vector_load_idx %arg4[%add3A_1501] : memref<1040xf32, #tpu.memory_space<vmem>>[vector<16xi32>], vector<16xf32>,
        %swap3A_1503 = arith.constant 6 : i32
        %swap3A_1504 = arith.index_cast %scan3A_131 : i32 to index
        %swap3A_1505 = arith.index_cast %swap3A_1503 : i32 to index
        %swap3A_1506 = arith.constant 16 : index
        %swap3A_1507 = tpu.vector_load %arg7[%swap3A_1504, %swap3A_1505, %swap3A_1506] {strides = array<i32>} : memref<32x8x128xf32, #tpu.memory_space<vmem>>, vector<16xf32>,
        tpu.vector_store %arg7[%swap3A_1504, %swap3A_1505, %swap3A_1506], %gather3A_1502 {strides = array<i32>} : memref<32x8x128xf32, #tpu.memory_space<vmem>>, vector<16xf32>,
        %add3A_1508 = arith.constant 32 : i32
        %add3A_1509 = arith.addi %multiple_of3A_3, %add3A_1508 : i32
        %iota3A_1510 = tpu.iota {dimensions = array<i32: 0>} : vector<16xi32>
        %add3A_1511 = vector.broadcast %add3A_1509 : i32 to vector<16xi32>
        %add3A_1512 = arith.addi %add3A_1511, %iota3A_1510 : vector<16xi32>
        %sub3A_1513 = vector.broadcast %add3A_132 : i32 to vector<16xi32>
        %sub3A_1514 = arith.subi %add3A_1512, %sub3A_1513 : vector<16xi32>
        %jit3A_1515 = arith.constant -32 : i32
        %jit3A_1516 = arith.constant 32 : i32
        %max3A_1517 = vector.broadcast %jit3A_1515 : i32 to vector<16xi32>
        %max3A_1518 = arith.maxsi %max3A_1517, %sub3A_1514 : vector<16xi32>
        %min3A_1519 = vector.broadcast %jit3A_1516 : i32 to vector<16xi32>
        %min3A_1520 = arith.minsi %min3A_1519, %max3A_1518 : vector<16xi32>
        %add3A_1521 = arith.constant 32 : i32
        %add3A_1522 = vector.broadcast %add3A_1521 : i32 to vector<16xi32>
        %add3A_1523 = arith.addi %min3A_1520, %add3A_1522 : vector<16xi32>
        %mul3A_1524 = arith.constant 16 : i32
        %mul3A_1525 = vector.broadcast %mul3A_1524 : i32 to vector<16xi32>
        %mul3A_1526 = arith.muli %add3A_1523, %mul3A_1525 : vector<16xi32>
        %add3A_1527 = vector.broadcast %add3A_1453 : i32 to vector<16xi32>
        %add3A_1528 = arith.addi %mul3A_1526, %add3A_1527 : vector<16xi32>
        %gather3A_1529 = tpu.vector_load_idx %arg4[%add3A_1528] : memref<1040xf32, #tpu.memory_space<vmem>>[vector<16xi32>], vector<16xf32>,
        %swap3A_1530 = arith.constant 6 : i32
        %swap3A_1531 = arith.index_cast %scan3A_131 : i32 to index
        %swap3A_1532 = arith.index_cast %swap3A_1530 : i32 to index
        %swap3A_1533 = arith.constant 32 : index
        %swap3A_1534 = tpu.vector_load %arg7[%swap3A_1531, %swap3A_1532, %swap3A_1533] {strides = array<i32>} : memref<32x8x128xf32, #tpu.memory_space<vmem>>, vector<16xf32>,
        tpu.vector_store %arg7[%swap3A_1531, %swap3A_1532, %swap3A_1533], %gather3A_1529 {strides = array<i32>} : memref<32x8x128xf32, #tpu.memory_space<vmem>>, vector<16xf32>,
        %add3A_1535 = arith.constant 48 : i32
        %add3A_1536 = arith.addi %multiple_of3A_3, %add3A_1535 : i32
        %iota3A_1537 = tpu.iota {dimensions = array<i32: 0>} : vector<16xi32>
        %add3A_1538 = vector.broadcast %add3A_1536 : i32 to vector<16xi32>
        %add3A_1539 = arith.addi %add3A_1538, %iota3A_1537 : vector<16xi32>
        %sub3A_1540 = vector.broadcast %add3A_132 : i32 to vector<16xi32>
        %sub3A_1541 = arith.subi %add3A_1539, %sub3A_1540 : vector<16xi32>
        %jit3A_1542 = arith.constant -32 : i32
        %jit3A_1543 = arith.constant 32 : i32
        %max3A_1544 = vector.broadcast %jit3A_1542 : i32 to vector<16xi32>
        %max3A_1545 = arith.maxsi %max3A_1544, %sub3A_1541 : vector<16xi32>
        %min3A_1546 = vector.broadcast %jit3A_1543 : i32 to vector<16xi32>
        %min3A_1547 = arith.minsi %min3A_1546, %max3A_1545 : vector<16xi32>
        %add3A_1548 = arith.constant 32 : i32
        %add3A_1549 = vector.broadcast %add3A_1548 : i32 to vector<16xi32>
        %add3A_1550 = arith.addi %min3A_1547, %add3A_1549 : vector<16xi32>
        %mul3A_1551 = arith.constant 16 : i32
        %mul3A_1552 = vector.broadcast %mul3A_1551 : i32 to vector<16xi32>
        %mul3A_1553 = arith.muli %add3A_1550, %mul3A_1552 : vector<16xi32>
        %add3A_1554 = vector.broadcast %add3A_1453 : i32 to vector<16xi32>
        %add3A_1555 = arith.addi %mul3A_1553, %add3A_1554 : vector<16xi32>
        %gather3A_1556 = tpu.vector_load_idx %arg4[%add3A_1555] : memref<1040xf32, #tpu.memory_space<vmem>>[vector<16xi32>], vector<16xf32>,
        %swap3A_1557 = arith.constant 6 : i32
        %swap3A_1558 = arith.index_cast %scan3A_131 : i32 to index
        %swap3A_1559 = arith.index_cast %swap3A_1557 : i32 to index
        %swap3A_1560 = arith.constant 48 : index
        %swap3A_1561 = tpu.vector_load %arg7[%swap3A_1558, %swap3A_1559, %swap3A_1560] {strides = array<i32>} : memref<32x8x128xf32, #tpu.memory_space<vmem>>, vector<16xf32>,
        tpu.vector_store %arg7[%swap3A_1558, %swap3A_1559, %swap3A_1560], %gather3A_1556 {strides = array<i32>} : memref<32x8x128xf32, #tpu.memory_space<vmem>>, vector<16xf32>,
        %add3A_1562 = arith.constant 64 : i32
        %add3A_1563 = arith.addi %multiple_of3A_3, %add3A_1562 : i32
        %iota3A_1564 = tpu.iota {dimensions = array<i32: 0>} : vector<16xi32>
        %add3A_1565 = vector.broadcast %add3A_1563 : i32 to vector<16xi32>
        %add3A_1566 = arith.addi %add3A_1565, %iota3A_1564 : vector<16xi32>
        %sub3A_1567 = vector.broadcast %add3A_132 : i32 to vector<16xi32>
        %sub3A_1568 = arith.subi %add3A_1566, %sub3A_1567 : vector<16xi32>
        %jit3A_1569 = arith.constant -32 : i32
        %jit3A_1570 = arith.constant 32 : i32
        %max3A_1571 = vector.broadcast %jit3A_1569 : i32 to vector<16xi32>
        %max3A_1572 = arith.maxsi %max3A_1571, %sub3A_1568 : vector<16xi32>
        %min3A_1573 = vector.broadcast %jit3A_1570 : i32 to vector<16xi32>
        %min3A_1574 = arith.minsi %min3A_1573, %max3A_1572 : vector<16xi32>
        %add3A_1575 = arith.constant 32 : i32
        %add3A_1576 = vector.broadcast %add3A_1575 : i32 to vector<16xi32>
        %add3A_1577 = arith.addi %min3A_1574, %add3A_1576 : vector<16xi32>
        %mul3A_1578 = arith.constant 16 : i32
        %mul3A_1579 = vector.broadcast %mul3A_1578 : i32 to vector<16xi32>
        %mul3A_1580 = arith.muli %add3A_1577, %mul3A_1579 : vector<16xi32>
        %add3A_1581 = vector.broadcast %add3A_1453 : i32 to vector<16xi32>
        %add3A_1582 = arith.addi %mul3A_1580, %add3A_1581 : vector<16xi32>
        %gather3A_1583 = tpu.vector_load_idx %arg4[%add3A_1582] : memref<1040xf32, #tpu.memory_space<vmem>>[vector<16xi32>], vector<16xf32>,
        %swap3A_1584 = arith.constant 6 : i32
        %swap3A_1585 = arith.index_cast %scan3A_131 : i32 to index
        %swap3A_1586 = arith.index_cast %swap3A_1584 : i32 to index
        %swap3A_1587 = arith.constant 64 : index
        %swap3A_1588 = tpu.vector_load %arg7[%swap3A_1585, %swap3A_1586, %swap3A_1587] {strides = array<i32>} : memref<32x8x128xf32, #tpu.memory_space<vmem>>, vector<16xf32>,
        tpu.vector_store %arg7[%swap3A_1585, %swap3A_1586, %swap3A_1587], %gather3A_1583 {strides = array<i32>} : memref<32x8x128xf32, #tpu.memory_space<vmem>>, vector<16xf32>,
        %add3A_1589 = arith.constant 80 : i32
        %add3A_1590 = arith.addi %multiple_of3A_3, %add3A_1589 : i32
        %iota3A_1591 = tpu.iota {dimensions = array<i32: 0>} : vector<16xi32>
        %add3A_1592 = vector.broadcast %add3A_1590 : i32 to vector<16xi32>
        %add3A_1593 = arith.addi %add3A_1592, %iota3A_1591 : vector<16xi32>
        %sub3A_1594 = vector.broadcast %add3A_132 : i32 to vector<16xi32>
        %sub3A_1595 = arith.subi %add3A_1593, %sub3A_1594 : vector<16xi32>
        %jit3A_1596 = arith.constant -32 : i32
        %jit3A_1597 = arith.constant 32 : i32
        %max3A_1598 = vector.broadcast %jit3A_1596 : i32 to vector<16xi32>
        %max3A_1599 = arith.maxsi %max3A_1598, %sub3A_1595 : vector<16xi32>
        %min3A_1600 = vector.broadcast %jit3A_1597 : i32 to vector<16xi32>
        %min3A_1601 = arith.minsi %min3A_1600, %max3A_1599 : vector<16xi32>
        %add3A_1602 = arith.constant 32 : i32
        %add3A_1603 = vector.broadcast %add3A_1602 : i32 to vector<16xi32>
        %add3A_1604 = arith.addi %min3A_1601, %add3A_1603 : vector<16xi32>
        %mul3A_1605 = arith.constant 16 : i32
        %mul3A_1606 = vector.broadcast %mul3A_1605 : i32 to vector<16xi32>
        %mul3A_1607 = arith.muli %add3A_1604, %mul3A_1606 : vector<16xi32>
        %add3A_1608 = vector.broadcast %add3A_1453 : i32 to vector<16xi32>
        %add3A_1609 = arith.addi %mul3A_1607, %add3A_1608 : vector<16xi32>
        %gather3A_1610 = tpu.vector_load_idx %arg4[%add3A_1609] : memref<1040xf32, #tpu.memory_space<vmem>>[vector<16xi32>], vector<16xf32>,
        %swap3A_1611 = arith.constant 6 : i32
        %swap3A_1612 = arith.index_cast %scan3A_131 : i32 to index
        %swap3A_1613 = arith.index_cast %swap3A_1611 : i32 to index
        %swap3A_1614 = arith.constant 80 : index
        %swap3A_1615 = tpu.vector_load %arg7[%swap3A_1612, %swap3A_1613, %swap3A_1614] {strides = array<i32>} : memref<32x8x128xf32, #tpu.memory_space<vmem>>, vector<16xf32>,
        tpu.vector_store %arg7[%swap3A_1612, %swap3A_1613, %swap3A_1614], %gather3A_1610 {strides = array<i32>} : memref<32x8x128xf32, #tpu.memory_space<vmem>>, vector<16xf32>,
        %add3A_1616 = arith.constant 96 : i32
        %add3A_1617 = arith.addi %multiple_of3A_3, %add3A_1616 : i32
        %iota3A_1618 = tpu.iota {dimensions = array<i32: 0>} : vector<16xi32>
        %add3A_1619 = vector.broadcast %add3A_1617 : i32 to vector<16xi32>
        %add3A_1620 = arith.addi %add3A_1619, %iota3A_1618 : vector<16xi32>
        %sub3A_1621 = vector.broadcast %add3A_132 : i32 to vector<16xi32>
        %sub3A_1622 = arith.subi %add3A_1620, %sub3A_1621 : vector<16xi32>
        %jit3A_1623 = arith.constant -32 : i32
        %jit3A_1624 = arith.constant 32 : i32
        %max3A_1625 = vector.broadcast %jit3A_1623 : i32 to vector<16xi32>
        %max3A_1626 = arith.maxsi %max3A_1625, %sub3A_1622 : vector<16xi32>
        %min3A_1627 = vector.broadcast %jit3A_1624 : i32 to vector<16xi32>
        %min3A_1628 = arith.minsi %min3A_1627, %max3A_1626 : vector<16xi32>
        %add3A_1629 = arith.constant 32 : i32
        %add3A_1630 = vector.broadcast %add3A_1629 : i32 to vector<16xi32>
        %add3A_1631 = arith.addi %min3A_1628, %add3A_1630 : vector<16xi32>
        %mul3A_1632 = arith.constant 16 : i32
        %mul3A_1633 = vector.broadcast %mul3A_1632 : i32 to vector<16xi32>
        %mul3A_1634 = arith.muli %add3A_1631, %mul3A_1633 : vector<16xi32>
        %add3A_1635 = vector.broadcast %add3A_1453 : i32 to vector<16xi32>
        %add3A_1636 = arith.addi %mul3A_1634, %add3A_1635 : vector<16xi32>
        %gather3A_1637 = tpu.vector_load_idx %arg4[%add3A_1636] : memref<1040xf32, #tpu.memory_space<vmem>>[vector<16xi32>], vector<16xf32>,
        %swap3A_1638 = arith.constant 6 : i32
        %swap3A_1639 = arith.index_cast %scan3A_131 : i32 to index
        %swap3A_1640 = arith.index_cast %swap3A_1638 : i32 to index
        %swap3A_1641 = arith.constant 96 : index
        %swap3A_1642 = tpu.vector_load %arg7[%swap3A_1639, %swap3A_1640, %swap3A_1641] {strides = array<i32>} : memref<32x8x128xf32, #tpu.memory_space<vmem>>, vector<16xf32>,
        tpu.vector_store %arg7[%swap3A_1639, %swap3A_1640, %swap3A_1641], %gather3A_1637 {strides = array<i32>} : memref<32x8x128xf32, #tpu.memory_space<vmem>>, vector<16xf32>,
        %add3A_1643 = arith.constant 112 : i32
        %add3A_1644 = arith.addi %multiple_of3A_3, %add3A_1643 : i32
        %iota3A_1645 = tpu.iota {dimensions = array<i32: 0>} : vector<16xi32>
        %add3A_1646 = vector.broadcast %add3A_1644 : i32 to vector<16xi32>
        %add3A_1647 = arith.addi %add3A_1646, %iota3A_1645 : vector<16xi32>
        %sub3A_1648 = vector.broadcast %add3A_132 : i32 to vector<16xi32>
        %sub3A_1649 = arith.subi %add3A_1647, %sub3A_1648 : vector<16xi32>
        %jit3A_1650 = arith.constant -32 : i32
        %jit3A_1651 = arith.constant 32 : i32
        %max3A_1652 = vector.broadcast %jit3A_1650 : i32 to vector<16xi32>
        %max3A_1653 = arith.maxsi %max3A_1652, %sub3A_1649 : vector<16xi32>
        %min3A_1654 = vector.broadcast %jit3A_1651 : i32 to vector<16xi32>
        %min3A_1655 = arith.minsi %min3A_1654, %max3A_1653 : vector<16xi32>
        %add3A_1656 = arith.constant 32 : i32
        %add3A_1657 = vector.broadcast %add3A_1656 : i32 to vector<16xi32>
        %add3A_1658 = arith.addi %min3A_1655, %add3A_1657 : vector<16xi32>
        %mul3A_1659 = arith.constant 16 : i32
        %mul3A_1660 = vector.broadcast %mul3A_1659 : i32 to vector<16xi32>
        %mul3A_1661 = arith.muli %add3A_1658, %mul3A_1660 : vector<16xi32>
        %add3A_1662 = vector.broadcast %add3A_1453 : i32 to vector<16xi32>
        %add3A_1663 = arith.addi %mul3A_1661, %add3A_1662 : vector<16xi32>
        %gather3A_1664 = tpu.vector_load_idx %arg4[%add3A_1663] : memref<1040xf32, #tpu.memory_space<vmem>>[vector<16xi32>], vector<16xf32>,
        %swap3A_1665 = arith.constant 6 : i32
        %swap3A_1666 = arith.index_cast %scan3A_131 : i32 to index
        %swap3A_1667 = arith.index_cast %swap3A_1665 : i32 to index
        %swap3A_1668 = arith.constant 112 : index
        %swap3A_1669 = tpu.vector_load %arg7[%swap3A_1666, %swap3A_1667, %swap3A_1668] {strides = array<i32>} : memref<32x8x128xf32, #tpu.memory_space<vmem>>, vector<16xf32>,
        tpu.vector_store %arg7[%swap3A_1666, %swap3A_1667, %swap3A_1668], %gather3A_1664 {strides = array<i32>} : memref<32x8x128xf32, #tpu.memory_space<vmem>>, vector<16xf32>,
        %mul3A_1670 = arith.constant 8 : i32
        %mul3A_1671 = arith.muli %mul3A_1670, %arg0 : i32
        %add3A_1672 = arith.constant 7 : i32
        %add3A_1673 = arith.addi %mul3A_1671, %add3A_1672 : i32
        %add3A_1674 = arith.constant 0 : i32
        %add3A_1675 = arith.addi %multiple_of3A_3, %add3A_1674 : i32
        %iota3A_1676 = tpu.iota {dimensions = array<i32: 0>} : vector<16xi32>
        %add3A_1677 = vector.broadcast %add3A_1675 : i32 to vector<16xi32>
        %add3A_1678 = arith.addi %add3A_1677, %iota3A_1676 : vector<16xi32>
        %sub3A_1679 = vector.broadcast %add3A_132 : i32 to vector<16xi32>
        %sub3A_1680 = arith.subi %add3A_1678, %sub3A_1679 : vector<16xi32>
        %jit3A_1681 = arith.constant -32 : i32
        %jit3A_1682 = arith.constant 32 : i32
        %max3A_1683 = vector.broadcast %jit3A_1681 : i32 to vector<16xi32>
        %max3A_1684 = arith.maxsi %max3A_1683, %sub3A_1680 : vector<16xi32>
        %min3A_1685 = vector.broadcast %jit3A_1682 : i32 to vector<16xi32>
        %min3A_1686 = arith.minsi %min3A_1685, %max3A_1684 : vector<16xi32>
        %add3A_1687 = arith.constant 32 : i32
        %add3A_1688 = vector.broadcast %add3A_1687 : i32 to vector<16xi32>
        %add3A_1689 = arith.addi %min3A_1686, %add3A_1688 : vector<16xi32>
        %mul3A_1690 = arith.constant 16 : i32
        %mul3A_1691 = vector.broadcast %mul3A_1690 : i32 to vector<16xi32>
        %mul3A_1692 = arith.muli %add3A_1689, %mul3A_1691 : vector<16xi32>
        %add3A_1693 = vector.broadcast %add3A_1673 : i32 to vector<16xi32>
        %add3A_1694 = arith.addi %mul3A_1692, %add3A_1693 : vector<16xi32>
        %gather3A_1695 = tpu.vector_load_idx %arg4[%add3A_1694] : memref<1040xf32, #tpu.memory_space<vmem>>[vector<16xi32>], vector<16xf32>,
        %swap3A_1696 = arith.constant 7 : i32
        %swap3A_1697 = arith.index_cast %scan3A_131 : i32 to index
        %swap3A_1698 = arith.index_cast %swap3A_1696 : i32 to index
        %swap3A_1699 = arith.constant 0 : index
        %swap3A_1700 = tpu.vector_load %arg7[%swap3A_1697, %swap3A_1698, %swap3A_1699] {strides = array<i32>} : memref<32x8x128xf32, #tpu.memory_space<vmem>>, vector<16xf32>,
        tpu.vector_store %arg7[%swap3A_1697, %swap3A_1698, %swap3A_1699], %gather3A_1695 {strides = array<i32>} : memref<32x8x128xf32, #tpu.memory_space<vmem>>, vector<16xf32>,
        %add3A_1701 = arith.constant 16 : i32
        %add3A_1702 = arith.addi %multiple_of3A_3, %add3A_1701 : i32
        %iota3A_1703 = tpu.iota {dimensions = array<i32: 0>} : vector<16xi32>
        %add3A_1704 = vector.broadcast %add3A_1702 : i32 to vector<16xi32>
        %add3A_1705 = arith.addi %add3A_1704, %iota3A_1703 : vector<16xi32>
        %sub3A_1706 = vector.broadcast %add3A_132 : i32 to vector<16xi32>
        %sub3A_1707 = arith.subi %add3A_1705, %sub3A_1706 : vector<16xi32>
        %jit3A_1708 = arith.constant -32 : i32
        %jit3A_1709 = arith.constant 32 : i32
        %max3A_1710 = vector.broadcast %jit3A_1708 : i32 to vector<16xi32>
        %max3A_1711 = arith.maxsi %max3A_1710, %sub3A_1707 : vector<16xi32>
        %min3A_1712 = vector.broadcast %jit3A_1709 : i32 to vector<16xi32>
        %min3A_1713 = arith.minsi %min3A_1712, %max3A_1711 : vector<16xi32>
        %add3A_1714 = arith.constant 32 : i32
        %add3A_1715 = vector.broadcast %add3A_1714 : i32 to vector<16xi32>
        %add3A_1716 = arith.addi %min3A_1713, %add3A_1715 : vector<16xi32>
        %mul3A_1717 = arith.constant 16 : i32
        %mul3A_1718 = vector.broadcast %mul3A_1717 : i32 to vector<16xi32>
        %mul3A_1719 = arith.muli %add3A_1716, %mul3A_1718 : vector<16xi32>
        %add3A_1720 = vector.broadcast %add3A_1673 : i32 to vector<16xi32>
        %add3A_1721 = arith.addi %mul3A_1719, %add3A_1720 : vector<16xi32>
        %gather3A_1722 = tpu.vector_load_idx %arg4[%add3A_1721] : memref<1040xf32, #tpu.memory_space<vmem>>[vector<16xi32>], vector<16xf32>,
        %swap3A_1723 = arith.constant 7 : i32
        %swap3A_1724 = arith.index_cast %scan3A_131 : i32 to index
        %swap3A_1725 = arith.index_cast %swap3A_1723 : i32 to index
        %swap3A_1726 = arith.constant 16 : index
        %swap3A_1727 = tpu.vector_load %arg7[%swap3A_1724, %swap3A_1725, %swap3A_1726] {strides = array<i32>} : memref<32x8x128xf32, #tpu.memory_space<vmem>>, vector<16xf32>,
        tpu.vector_store %arg7[%swap3A_1724, %swap3A_1725, %swap3A_1726], %gather3A_1722 {strides = array<i32>} : memref<32x8x128xf32, #tpu.memory_space<vmem>>, vector<16xf32>,
        %add3A_1728 = arith.constant 32 : i32
        %add3A_1729 = arith.addi %multiple_of3A_3, %add3A_1728 : i32
        %iota3A_1730 = tpu.iota {dimensions = array<i32: 0>} : vector<16xi32>
        %add3A_1731 = vector.broadcast %add3A_1729 : i32 to vector<16xi32>
        %add3A_1732 = arith.addi %add3A_1731, %iota3A_1730 : vector<16xi32>
        %sub3A_1733 = vector.broadcast %add3A_132 : i32 to vector<16xi32>
        %sub3A_1734 = arith.subi %add3A_1732, %sub3A_1733 : vector<16xi32>
        %jit3A_1735 = arith.constant -32 : i32
        %jit3A_1736 = arith.constant 32 : i32
        %max3A_1737 = vector.broadcast %jit3A_1735 : i32 to vector<16xi32>
        %max3A_1738 = arith.maxsi %max3A_1737, %sub3A_1734 : vector<16xi32>
        %min3A_1739 = vector.broadcast %jit3A_1736 : i32 to vector<16xi32>
        %min3A_1740 = arith.minsi %min3A_1739, %max3A_1738 : vector<16xi32>
        %add3A_1741 = arith.constant 32 : i32
        %add3A_1742 = vector.broadcast %add3A_1741 : i32 to vector<16xi32>
        %add3A_1743 = arith.addi %min3A_1740, %add3A_1742 : vector<16xi32>
        %mul3A_1744 = arith.constant 16 : i32
        %mul3A_1745 = vector.broadcast %mul3A_1744 : i32 to vector<16xi32>
        %mul3A_1746 = arith.muli %add3A_1743, %mul3A_1745 : vector<16xi32>
        %add3A_1747 = vector.broadcast %add3A_1673 : i32 to vector<16xi32>
        %add3A_1748 = arith.addi %mul3A_1746, %add3A_1747 : vector<16xi32>
        %gather3A_1749 = tpu.vector_load_idx %arg4[%add3A_1748] : memref<1040xf32, #tpu.memory_space<vmem>>[vector<16xi32>], vector<16xf32>,
        %swap3A_1750 = arith.constant 7 : i32
        %swap3A_1751 = arith.index_cast %scan3A_131 : i32 to index
        %swap3A_1752 = arith.index_cast %swap3A_1750 : i32 to index
        %swap3A_1753 = arith.constant 32 : index
        %swap3A_1754 = tpu.vector_load %arg7[%swap3A_1751, %swap3A_1752, %swap3A_1753] {strides = array<i32>} : memref<32x8x128xf32, #tpu.memory_space<vmem>>, vector<16xf32>,
        tpu.vector_store %arg7[%swap3A_1751, %swap3A_1752, %swap3A_1753], %gather3A_1749 {strides = array<i32>} : memref<32x8x128xf32, #tpu.memory_space<vmem>>, vector<16xf32>,
        %add3A_1755 = arith.constant 48 : i32
        %add3A_1756 = arith.addi %multiple_of3A_3, %add3A_1755 : i32
        %iota3A_1757 = tpu.iota {dimensions = array<i32: 0>} : vector<16xi32>
        %add3A_1758 = vector.broadcast %add3A_1756 : i32 to vector<16xi32>
        %add3A_1759 = arith.addi %add3A_1758, %iota3A_1757 : vector<16xi32>
        %sub3A_1760 = vector.broadcast %add3A_132 : i32 to vector<16xi32>
        %sub3A_1761 = arith.subi %add3A_1759, %sub3A_1760 : vector<16xi32>
        %jit3A_1762 = arith.constant -32 : i32
        %jit3A_1763 = arith.constant 32 : i32
        %max3A_1764 = vector.broadcast %jit3A_1762 : i32 to vector<16xi32>
        %max3A_1765 = arith.maxsi %max3A_1764, %sub3A_1761 : vector<16xi32>
        %min3A_1766 = vector.broadcast %jit3A_1763 : i32 to vector<16xi32>
        %min3A_1767 = arith.minsi %min3A_1766, %max3A_1765 : vector<16xi32>
        %add3A_1768 = arith.constant 32 : i32
        %add3A_1769 = vector.broadcast %add3A_1768 : i32 to vector<16xi32>
        %add3A_1770 = arith.addi %min3A_1767, %add3A_1769 : vector<16xi32>
        %mul3A_1771 = arith.constant 16 : i32
        %mul3A_1772 = vector.broadcast %mul3A_1771 : i32 to vector<16xi32>
        %mul3A_1773 = arith.muli %add3A_1770, %mul3A_1772 : vector<16xi32>
        %add3A_1774 = vector.broadcast %add3A_1673 : i32 to vector<16xi32>
        %add3A_1775 = arith.addi %mul3A_1773, %add3A_1774 : vector<16xi32>
        %gather3A_1776 = tpu.vector_load_idx %arg4[%add3A_1775] : memref<1040xf32, #tpu.memory_space<vmem>>[vector<16xi32>], vector<16xf32>,
        %swap3A_1777 = arith.constant 7 : i32
        %swap3A_1778 = arith.index_cast %scan3A_131 : i32 to index
        %swap3A_1779 = arith.index_cast %swap3A_1777 : i32 to index
        %swap3A_1780 = arith.constant 48 : index
        %swap3A_1781 = tpu.vector_load %arg7[%swap3A_1778, %swap3A_1779, %swap3A_1780] {strides = array<i32>} : memref<32x8x128xf32, #tpu.memory_space<vmem>>, vector<16xf32>,
        tpu.vector_store %arg7[%swap3A_1778, %swap3A_1779, %swap3A_1780], %gather3A_1776 {strides = array<i32>} : memref<32x8x128xf32, #tpu.memory_space<vmem>>, vector<16xf32>,
        %add3A_1782 = arith.constant 64 : i32
        %add3A_1783 = arith.addi %multiple_of3A_3, %add3A_1782 : i32
        %iota3A_1784 = tpu.iota {dimensions = array<i32: 0>} : vector<16xi32>
        %add3A_1785 = vector.broadcast %add3A_1783 : i32 to vector<16xi32>
        %add3A_1786 = arith.addi %add3A_1785, %iota3A_1784 : vector<16xi32>
        %sub3A_1787 = vector.broadcast %add3A_132 : i32 to vector<16xi32>
        %sub3A_1788 = arith.subi %add3A_1786, %sub3A_1787 : vector<16xi32>
        %jit3A_1789 = arith.constant -32 : i32
        %jit3A_1790 = arith.constant 32 : i32
        %max3A_1791 = vector.broadcast %jit3A_1789 : i32 to vector<16xi32>
        %max3A_1792 = arith.maxsi %max3A_1791, %sub3A_1788 : vector<16xi32>
        %min3A_1793 = vector.broadcast %jit3A_1790 : i32 to vector<16xi32>
        %min3A_1794 = arith.minsi %min3A_1793, %max3A_1792 : vector<16xi32>
        %add3A_1795 = arith.constant 32 : i32
        %add3A_1796 = vector.broadcast %add3A_1795 : i32 to vector<16xi32>
        %add3A_1797 = arith.addi %min3A_1794, %add3A_1796 : vector<16xi32>
        %mul3A_1798 = arith.constant 16 : i32
        %mul3A_1799 = vector.broadcast %mul3A_1798 : i32 to vector<16xi32>
        %mul3A_1800 = arith.muli %add3A_1797, %mul3A_1799 : vector<16xi32>
        %add3A_1801 = vector.broadcast %add3A_1673 : i32 to vector<16xi32>
        %add3A_1802 = arith.addi %mul3A_1800, %add3A_1801 : vector<16xi32>
        %gather3A_1803 = tpu.vector_load_idx %arg4[%add3A_1802] : memref<1040xf32, #tpu.memory_space<vmem>>[vector<16xi32>], vector<16xf32>,
        %swap3A_1804 = arith.constant 7 : i32
        %swap3A_1805 = arith.index_cast %scan3A_131 : i32 to index
        %swap3A_1806 = arith.index_cast %swap3A_1804 : i32 to index
        %swap3A_1807 = arith.constant 64 : index
        %swap3A_1808 = tpu.vector_load %arg7[%swap3A_1805, %swap3A_1806, %swap3A_1807] {strides = array<i32>} : memref<32x8x128xf32, #tpu.memory_space<vmem>>, vector<16xf32>,
        tpu.vector_store %arg7[%swap3A_1805, %swap3A_1806, %swap3A_1807], %gather3A_1803 {strides = array<i32>} : memref<32x8x128xf32, #tpu.memory_space<vmem>>, vector<16xf32>,
        %add3A_1809 = arith.constant 80 : i32
        %add3A_1810 = arith.addi %multiple_of3A_3, %add3A_1809 : i32
        %iota3A_1811 = tpu.iota {dimensions = array<i32: 0>} : vector<16xi32>
        %add3A_1812 = vector.broadcast %add3A_1810 : i32 to vector<16xi32>
        %add3A_1813 = arith.addi %add3A_1812, %iota3A_1811 : vector<16xi32>
        %sub3A_1814 = vector.broadcast %add3A_132 : i32 to vector<16xi32>
        %sub3A_1815 = arith.subi %add3A_1813, %sub3A_1814 : vector<16xi32>
        %jit3A_1816 = arith.constant -32 : i32
        %jit3A_1817 = arith.constant 32 : i32
        %max3A_1818 = vector.broadcast %jit3A_1816 : i32 to vector<16xi32>
        %max3A_1819 = arith.maxsi %max3A_1818, %sub3A_1815 : vector<16xi32>
        %min3A_1820 = vector.broadcast %jit3A_1817 : i32 to vector<16xi32>
        %min3A_1821 = arith.minsi %min3A_1820, %max3A_1819 : vector<16xi32>
        %add3A_1822 = arith.constant 32 : i32
        %add3A_1823 = vector.broadcast %add3A_1822 : i32 to vector<16xi32>
        %add3A_1824 = arith.addi %min3A_1821, %add3A_1823 : vector<16xi32>
        %mul3A_1825 = arith.constant 16 : i32
        %mul3A_1826 = vector.broadcast %mul3A_1825 : i32 to vector<16xi32>
        %mul3A_1827 = arith.muli %add3A_1824, %mul3A_1826 : vector<16xi32>
        %add3A_1828 = vector.broadcast %add3A_1673 : i32 to vector<16xi32>
        %add3A_1829 = arith.addi %mul3A_1827, %add3A_1828 : vector<16xi32>
        %gather3A_1830 = tpu.vector_load_idx %arg4[%add3A_1829] : memref<1040xf32, #tpu.memory_space<vmem>>[vector<16xi32>], vector<16xf32>,
        %swap3A_1831 = arith.constant 7 : i32
        %swap3A_1832 = arith.index_cast %scan3A_131 : i32 to index
        %swap3A_1833 = arith.index_cast %swap3A_1831 : i32 to index
        %swap3A_1834 = arith.constant 80 : index
        %swap3A_1835 = tpu.vector_load %arg7[%swap3A_1832, %swap3A_1833, %swap3A_1834] {strides = array<i32>} : memref<32x8x128xf32, #tpu.memory_space<vmem>>, vector<16xf32>,
        tpu.vector_store %arg7[%swap3A_1832, %swap3A_1833, %swap3A_1834], %gather3A_1830 {strides = array<i32>} : memref<32x8x128xf32, #tpu.memory_space<vmem>>, vector<16xf32>,
        %add3A_1836 = arith.constant 96 : i32
        %add3A_1837 = arith.addi %multiple_of3A_3, %add3A_1836 : i32
        %iota3A_1838 = tpu.iota {dimensions = array<i32: 0>} : vector<16xi32>
        %add3A_1839 = vector.broadcast %add3A_1837 : i32 to vector<16xi32>
        %add3A_1840 = arith.addi %add3A_1839, %iota3A_1838 : vector<16xi32>
        %sub3A_1841 = vector.broadcast %add3A_132 : i32 to vector<16xi32>
        %sub3A_1842 = arith.subi %add3A_1840, %sub3A_1841 : vector<16xi32>
        %jit3A_1843 = arith.constant -32 : i32
        %jit3A_1844 = arith.constant 32 : i32
        %max3A_1845 = vector.broadcast %jit3A_1843 : i32 to vector<16xi32>
        %max3A_1846 = arith.maxsi %max3A_1845, %sub3A_1842 : vector<16xi32>
        %min3A_1847 = vector.broadcast %jit3A_1844 : i32 to vector<16xi32>
        %min3A_1848 = arith.minsi %min3A_1847, %max3A_1846 : vector<16xi32>
        %add3A_1849 = arith.constant 32 : i32
        %add3A_1850 = vector.broadcast %add3A_1849 : i32 to vector<16xi32>
        %add3A_1851 = arith.addi %min3A_1848, %add3A_1850 : vector<16xi32>
        %mul3A_1852 = arith.constant 16 : i32
        %mul3A_1853 = vector.broadcast %mul3A_1852 : i32 to vector<16xi32>
        %mul3A_1854 = arith.muli %add3A_1851, %mul3A_1853 : vector<16xi32>
        %add3A_1855 = vector.broadcast %add3A_1673 : i32 to vector<16xi32>
        %add3A_1856 = arith.addi %mul3A_1854, %add3A_1855 : vector<16xi32>
        %gather3A_1857 = tpu.vector_load_idx %arg4[%add3A_1856] : memref<1040xf32, #tpu.memory_space<vmem>>[vector<16xi32>], vector<16xf32>,
        %swap3A_1858 = arith.constant 7 : i32
        %swap3A_1859 = arith.index_cast %scan3A_131 : i32 to index
        %swap3A_1860 = arith.index_cast %swap3A_1858 : i32 to index
        %swap3A_1861 = arith.constant 96 : index
        %swap3A_1862 = tpu.vector_load %arg7[%swap3A_1859, %swap3A_1860, %swap3A_1861] {strides = array<i32>} : memref<32x8x128xf32, #tpu.memory_space<vmem>>, vector<16xf32>,
        tpu.vector_store %arg7[%swap3A_1859, %swap3A_1860, %swap3A_1861], %gather3A_1857 {strides = array<i32>} : memref<32x8x128xf32, #tpu.memory_space<vmem>>, vector<16xf32>,
        %add3A_1863 = arith.constant 112 : i32
        %add3A_1864 = arith.addi %multiple_of3A_3, %add3A_1863 : i32
        %iota3A_1865 = tpu.iota {dimensions = array<i32: 0>} : vector<16xi32>
        %add3A_1866 = vector.broadcast %add3A_1864 : i32 to vector<16xi32>
        %add3A_1867 = arith.addi %add3A_1866, %iota3A_1865 : vector<16xi32>
        %sub3A_1868 = vector.broadcast %add3A_132 : i32 to vector<16xi32>
        %sub3A_1869 = arith.subi %add3A_1867, %sub3A_1868 : vector<16xi32>
        %jit3A_1870 = arith.constant -32 : i32
        %jit3A_1871 = arith.constant 32 : i32
        %max3A_1872 = vector.broadcast %jit3A_1870 : i32 to vector<16xi32>
        %max3A_1873 = arith.maxsi %max3A_1872, %sub3A_1869 : vector<16xi32>
        %min3A_1874 = vector.broadcast %jit3A_1871 : i32 to vector<16xi32>
        %min3A_1875 = arith.minsi %min3A_1874, %max3A_1873 : vector<16xi32>
        %add3A_1876 = arith.constant 32 : i32
        %add3A_1877 = vector.broadcast %add3A_1876 : i32 to vector<16xi32>
        %add3A_1878 = arith.addi %min3A_1875, %add3A_1877 : vector<16xi32>
        %mul3A_1879 = arith.constant 16 : i32
        %mul3A_1880 = vector.broadcast %mul3A_1879 : i32 to vector<16xi32>
        %mul3A_1881 = arith.muli %add3A_1878, %mul3A_1880 : vector<16xi32>
        %add3A_1882 = vector.broadcast %add3A_1673 : i32 to vector<16xi32>
        %add3A_1883 = arith.addi %mul3A_1881, %add3A_1882 : vector<16xi32>
        %gather3A_1884 = tpu.vector_load_idx %arg4[%add3A_1883] : memref<1040xf32, #tpu.memory_space<vmem>>[vector<16xi32>], vector<16xf32>,
        %swap3A_1885 = arith.constant 7 : i32
        %swap3A_1886 = arith.index_cast %scan3A_131 : i32 to index
        %swap3A_1887 = arith.index_cast %swap3A_1885 : i32 to index
        %swap3A_1888 = arith.constant 112 : index
        %swap3A_1889 = tpu.vector_load %arg7[%swap3A_1886, %swap3A_1887, %swap3A_1888] {strides = array<i32>} : memref<32x8x128xf32, #tpu.memory_space<vmem>>, vector<16xf32>,
        tpu.vector_store %arg7[%swap3A_1886, %swap3A_1887, %swap3A_1888], %gather3A_1884 {strides = array<i32>} : memref<32x8x128xf32, #tpu.memory_space<vmem>>, vector<16xf32>,
      }
      %scan3A_128 = arith.constant 32 : i32
      %dma_start3A = tpu.memref_slice %arg3[%add3A_122, %multiple_of3A, %multiple_of3A_3] : memref<2048x16x2048xf32, #tpu.memory_space<hbm>> -> memref<32x8x128xf32, #tpu.memory_space<hbm>>
      %dma_start3A_129 = tpu.memref_slice %arg3[%add3A_122, %multiple_of3A, %multiple_of3A_3] : memref<2048x16x2048xf32, #tpu.memory_space<hbm>> -> memref<32x8x128xf32, #tpu.memory_space<hbm>>
      tpu.enqueue_dma source(%arg7 : memref<32x8x128xf32, #tpu.memory_space<vmem>>) target(%dma_start3A_129 : memref<32x8x128xf32, #tpu.memory_space<hbm>>) target_semaphore(%arg9 : memref<!tpu.dma_semaphore, #tpu.memory_space<semaphore_mem>>)
      %dma_wait3A = tpu.memref_slice %arg3[%add3A_122, %multiple_of3A, %multiple_of3A_3] : memref<2048x16x2048xf32, #tpu.memory_space<hbm>> -> memref<32x8x128xf32, #tpu.memory_space<hbm>>
      %dma_wait3A_130 = tpu.memref_slice %arg3[%add3A_122, %multiple_of3A, %multiple_of3A_3] : memref<2048x16x2048xf32, #tpu.memory_space<hbm>> -> memref<32x8x128xf32, #tpu.memory_space<hbm>>
      tpu.wait_dma2 semaphore(%arg9 : memref<!tpu.dma_semaphore, #tpu.memory_space<semaphore_mem>>) src(%arg7 : memref<32x8x128xf32, #tpu.memory_space<vmem>>) dst(%dma_wait3A_130 : memref<32x8x128xf32, #tpu.memory_space<hbm>>)
    }
    %min3A_107 = arith.constant 16 : i32
    %min3A_108 = arith.minsi %add3A_87, %min3A_107 : i32
    %while3A_109 = arith.constant 0 : i32
    %while3A_110 = arith.constant 0 : i32
    %while3A_111 = arith.subi %min3A_108, %while3A_110 : i32
    %while3A_112 = arith.addi %while3A_110, %while3A_111 : i32
    %while3A_113 = arith.constant 1 : i32
    %while3A_114 = arith.divsi %while3A_111, %while3A_113 : i32
    %while3A_115 = arith.muli %while3A_114, %while3A_113 : i32
    %while3A_116 = arith.addi %while3A_110, %while3A_115 : i32
    %while3A_117 = arith.constant 1 : i32
    scf.for %while3A_119 = %while3A_110 to %while3A_116 step %while3A_117  : i32 {
      %dma_wait3A = arith.constant 0 : i32
      %dma_wait3A_120 = tpu.memref_slice %arg3[%dma_wait3A, %multiple_of3A, %multiple_of3A_3] : memref<2048x16x2048xf32, #tpu.memory_space<hbm>> -> memref<32x8x128xf32, #tpu.memory_space<hbm>>
      %dma_wait3A_121 = arith.constant 0 : i32
      %dma_wait3A_122 = tpu.memref_slice %arg3[%dma_wait3A_121, %multiple_of3A, %multiple_of3A_3] : memref<2048x16x2048xf32, #tpu.memory_space<hbm>> -> memref<32x8x128xf32, #tpu.memory_space<hbm>>
      tpu.wait_dma2 semaphore(%arg8 : memref<!tpu.dma_semaphore, #tpu.memory_space<semaphore_mem>>) src(%dma_wait3A_122 : memref<32x8x128xf32, #tpu.memory_space<hbm>>) dst(%arg5 : memref<32x8x128xf32, #tpu.memory_space<vmem>>)
    }
    %while3A_118 = arith.constant 1 : i32
    scf.for %while3A_119 = %while3A_116 to %while3A_112 step %while3A_118  : i32 {
      %dma_wait3A = arith.constant 0 : i32
      %dma_wait3A_120 = tpu.memref_slice %arg3[%dma_wait3A, %multiple_of3A, %multiple_of3A_3] : memref<2048x16x2048xf32, #tpu.memory_space<hbm>> -> memref<32x8x128xf32, #tpu.memory_space<hbm>>
      %dma_wait3A_121 = arith.constant 0 : i32
      %dma_wait3A_122 = tpu.memref_slice %arg3[%dma_wait3A_121, %multiple_of3A, %multiple_of3A_3] : memref<2048x16x2048xf32, #tpu.memory_space<hbm>> -> memref<32x8x128xf32, #tpu.memory_space<hbm>>
      tpu.wait_dma2 semaphore(%arg8 : memref<!tpu.dma_semaphore, #tpu.memory_space<semaphore_mem>>) src(%dma_wait3A_122 : memref<32x8x128xf32, #tpu.memory_space<hbm>>) dst(%arg5 : memref<32x8x128xf32, #tpu.memory_space<vmem>>)
    }
    return
  }
}

</mosaic_0001>

<sc_bundles>
// kernel: kernel.3.cloned.1.call-start
scs
__scs_entry_jumppad:
0x0: {  	(pc) =	sbr.rel $0x88, $3  }
0x1: {  	(tag) =	ssettag $0x0;
	lr =	simm.s32 $0x1  }
0x2: {  	[smem:$0x3FA0] =	sst lr;
	_ =	strace $0xD0000000  }
0x3: {  	_ = 	snop  }
0x4: {  	_ = 	snop  }
0x5: {  	_ = 	snop  }
0x6: {  	_ = 	snop  }
0x7: {  	_ = 	snop  }
__scs_overlays_trampoline_lowered:
0x8: {  	[smem:$0x3FAF] =	sst s0  }
0x9: {  	[smem:$0x3FB0] =	sst s1  }
0xa: {  	[smem:$0x3FB1] =	sst s2  }
0xb: {  	[smem:$0x3FB2] =	sst s3  }
0xc: {  	[smem:$0x3FB3] =	sst s4  }
0xd: {  	[smem:$0x3FB4] =	sst s5  }
0xe: {  	[smem:$0x3FB5] =	sst s6  }
0xf: {  	[smem:$0x3FB6] =	sst s7  }
0x10: {  	[smem:$0x3FB7] =	sst s8  }
0x11: {  	[smem:$0x3FB8] =	sst s9;
	s0 =	simm.s32 @!p0 $0x0  }
0x12: {  	s1 =	sld [smem:$0x3F9E];
	s0 =	simm.s32 @p0 $0x1  }
0x13: {  	[smem:$0x3FB9] =	sst s0;
	s0 =	simm.s32 @!p1 $0x0  }
0x14: {  	s2 =	sld [smem:$0x3F9D];
	s0 =	simm.s32 @p1 $0x1  }
0x15: {  	[smem:$0x3FBA] =	sst s0;
	s0 =	simm.s32 @!p2 $0x0  }
0x16: {  	s3 =	sld [smem:$0x3FDB];
	s0 =	simm.s32 @p2 $0x1  }
0x17: {  	s4 =	simm.s32 $0x1BF5;
	[smem:$0x3FBC] =	sst s0  }
0x18: {  	s0 =	sld [smem:$0x3F9F];
	_ =	swait.ge [sflag:s4], $0x0  }
0x19: {  	s7 =	sld [smem:$0x3FA0]  }
0x1a: {  	s8 =	sadd.s32 $0xFFFFE003, lr  }
0x1b: {  	s9 =	sadd.s32 $0xFFFFFEF7, lr;
	s5 =	simm.s32 $0xFFFFFFFF;
	p2 =	slt.u32 s8, $0xFFFFF086  }
0x1c: {  	p1 =	slt.u32 s9, $0xF7A;
	s5 =	simm.s32 @!p2 $0x0  }
0x1d: {  	s5 =	simm.s32 @p1 $0x1;
	p0 =	seq.s32 s7, s2  }
0x1e: {  	s7 =	smul.u32 @!p0 $0xF7A, s2;
	p2 =	seq.s32 @!p0 s5, $0x0  }
0x1f: {  	s9 =	smul.u32 $0xF7A, s1;
	s8 =	simm.s32 @!p0 $0x1BF5;
	p2 =	por !p2, p0  }
0x20: {  	[sflag:s8] =	ssyncset.s32 @!p0 $0xFFFFF086;
	s6 =	sadd.s32 @!p0 s3, s7;
	s7 =	simm.s32 @!p0 $0x108  }
0x21: {  	s3 =	sadd.s32 s3, s9;
	s6 =	sadd.s32 @!p0 $0x88, s6;
	s7 =	simm.s32 @p2 $0x1082  }
0x22: {  	[simem:s7], [sflag:s8] =	dma.local @!p0 [hbm:s6], $0xF7A  }
0x23: {  	s9 =	sor.u32 $0xD0000000, s2;
	s6 =	simm.s32 $0x108;
	_ =	swait.ge @!p0 [sflag:s8], $0x0  }
0x24: {  	s3 =	sadd.s32 $0x88, s3;
	s6 =	simm.s32 @!p1 $0x1082;
	[sflag:s4] =	ssyncset.s32 $0xFFFFF086  }
0x25: {  	[simem:s6], [sflag:s4] =	dma.local [hbm:s3], $0xF7A  }
0x26: {  	[smem:$0x3FA0] =	sst s1;
	(tag) =	ssettag s2;
	_ =	strace s9  }
0x27: {  	s1 =	sld [smem:$0x3FB0]  }
0x28: {  	s2 =	sld [smem:$0x3FB1]  }
0x29: {  	s4 =	sld [smem:$0x3FB3]  }
0x2a: {  	p0 =	seq.s32 s5, $0x0;
	s5 =	sld [smem:$0x3FB4]  }
0x2b: {  	s6 =	sld [smem:$0x3FB5]  }
0x2c: {  	s7 =	sld [smem:$0x3FB6]  }
0x2d: {  	s3 =	simm.s32 $0x108;
	s8 =	sld [smem:$0x3FB7]  }
0x2e: {  	s3 =	simm.s32 @!p0 $0x1082;
	s9 =	sld [smem:$0x3FB8]  }
0x2f: {  	lr =	sadd.s32 s0, s3;
	s0 =	sld [smem:$0x3FAF]  }
0x30: {  	s3 =	sld [smem:$0x3FB2]  }
0x31: {  	[smem:$0x3FBB] =	sst s10  }
0x32: {  	s10 =	sld [smem:$0x3FB9];
	_ =	sdelay $0x3  }
0x33: {  	p0 =	seq.s32 s10, $0x1;
	s10 =	sld [smem:$0x3FBB];
	_ =	sdelay $0x3  }
0x34: {  	[smem:$0x3FBB] =	sst s10  }
0x35: {  	s10 =	sld [smem:$0x3FBA];
	_ =	sdelay $0x3  }
0x36: {  	p1 =	seq.s32 s10, $0x1;
	s10 =	sld [smem:$0x3FBB];
	_ =	sdelay $0x3  }
0x37: {  	[smem:$0x3FBB] =	sst s10  }
0x38: {  	s10 =	sld [smem:$0x3FBC]  }
0x39: {  	_ = 	snop;
	(pc) =	sbr.ind lr, $3  }
0x3a: {  	_ = 	snop  }
0x3b: {  	_ = 	snop  }
0x3c: {  	p2 =	seq.s32 s10, $0x1;
	s10 =	sld [smem:$0x3FBB]  }
0x3d: {  	_ =	shalt  }
0x3e: {  	_ =	shalt  }
0x3f: {  	_ =	shalt  }
0x40: {  	_ =	shalt  }
0x41: {  	_ =	shalt  }
0x42: {  	_ =	shalt  }
0x43: {  	_ =	shalt  }
0x44: {  	_ =	shalt  }
0x45: {  	_ =	shalt  }
0x46: {  	_ =	shalt  }
0x47: {  	_ =	shalt  }
0x48: {  	_ =	shalt  }
0x49: {  	_ =	shalt  }
0x4a: {  	_ =	shalt  }
0x4b: {  	_ =	shalt  }
0x4c: {  	_ =	shalt  }
0x4d: {  	_ =	shalt  }
0x4e: {  	_ =	shalt  }
0x4f: {  	_ =	shalt  }
0x50: {  	_ =	shalt  }
0x51: {  	_ =	shalt  }
0x52: {  	_ =	shalt  }
0x53: {  	_ =	shalt  }
0x54: {  	_ =	shalt  }
0x55: {  	_ =	shalt  }
0x56: {  	_ =	shalt  }
0x57: {  	_ =	shalt  }
0x58: {  	_ =	shalt  }
0x59: {  	_ =	shalt  }
0x5a: {  	_ =	shalt  }
0x5b: {  	_ =	shalt  }
0x5c: {  	_ =	shalt  }
0x5d: {  	_ =	shalt  }
0x5e: {  	_ =	shalt  }
0x5f: {  	_ =	shalt  }
0x60: {  	_ =	shalt  }
0x61: {  	_ =	shalt  }
0x62: {  	_ =	shalt  }
0x63: {  	_ =	shalt  }
0x64: {  	_ =	shalt  }
0x65: {  	_ =	shalt  }
0x66: {  	_ =	shalt  }
0x67: {  	_ =	shalt  }
0x68: {  	_ =	shalt  }
0x69: {  	_ =	shalt  }
0x6a: {  	_ =	shalt  }
0x6b: {  	_ =	shalt  }
0x6c: {  	_ =	shalt  }
0x6d: {  	_ =	shalt  }
0x6e: {  	_ =	shalt  }
0x6f: {  	_ =	shalt  }
0x70: {  	_ =	shalt  }
0x71: {  	_ =	shalt  }
0x72: {  	_ =	shalt  }
0x73: {  	_ =	shalt  }
0x74: {  	_ =	shalt  }
0x75: {  	_ =	shalt  }
0x76: {  	_ =	shalt  }
0x77: {  	_ =	shalt  }
0x78: {  	_ =	shalt  }
0x79: {  	_ =	shalt  }
0x7a: {  	_ =	shalt  }
0x7b: {  	_ =	shalt  }
0x7c: {  	_ =	shalt  }
0x7d: {  	_ =	shalt  }
0x7e: {  	_ =	shalt  }
0x7f: {  	_ =	shalt  }
0x80: {  	_ =	shalt  }
0x81: {  	_ =	shalt  }
0x82: {  	_ =	shalt  }
0x83: {  	_ =	shalt  }
0x84: {  	_ =	shalt  }
0x85: {  	_ =	shalt  }
0x86: {  	_ =	shalt  }
0x87: {  	_ =	shalt  }
.Lfunc_end0:
.L_simem_size_0:
called_computation_lowered:
.L_overlay_start_0:
0x88: {  	s2 =	sld [smem:$0x3FD9]  }
0x89: {  	s3 =	sld [smem:$0x3FFE];
	_ =	sdelay $0x1  }
0x8a: {  	s1 =	srdreg.scid  }
0x8b: {  	s0 =	sand.u32 $0x1, s1  }
0x8c: {  	s17 =	sshll.u32 s0, $0xA;
	s2 =	sadd.s32 s3, s2  }
0x8d: {  	s2 =	sadd.s32 s2, s17  }
0x8e: {  	[smem:$0x3FC7] =	sst s2  }
0x8f: {  	_ = 	snop  }
0x90: {  	s2 =	sld [smem:$0x3FD0];
	(tm) =	ssettm $0x1  }
0x91: {  	s18 =	sld [smem:$0x3FFB];
	_ =	sdelay $0x3  }
0x92: {  	_ =	strace s18  }
0x93: {  	s3 =	sld [smem:$0x3FFC];
	_ =	sdelay $0x3  }
0x94: {  	_ =	strace s3  }
0x95: {  	s3 =	sld [smem:$0x3FFD];
	_ =	sdelay $0x3  }
0x96: {  	_ =	strace s3  }
0x97: {  	_ =	strace $0x8FFFFFFF  }
0x98: {  	s19 =	sld [smem:$0x3FDB];
	_ =	sdelay $0x1  }
0x99: {  	s4 =	simm.s32 $_scs_section_size  }
0x9a: {  	s5 =	simm.s32 $_size__tile_overlayer_lowered;
	s6 =	simm.s32 $_tile_overlayer_lowered  }
0x9b: {  	s22 =	simm.s32 $0x1BFF;
	s21 =	sshll.u32 s6, $0x1;
	s3 =	sadd.s32 s4, s19  }
0x9c: {  	s7 =	simm.s32 $0x0;
	s20 =	sshll.u32 s5, $0x1;
	s5 =	sadd.s32 s21, s3  }
0x9d: {  	[timem:s7], [sflag:s22] =	dma.local [hbm:s5], s20  }
0x9e: {  	_ =	swait.ge [sflag:s22], s20  }
0x9f: {  	s4 =	ssub.s32 $0x0, s20;
	[sflag:s22] =	ssyncset.done $0x0  }
0xa0: {  	[sflag:s22] =	ssyncadd.s32 s4;
	_ =	sdelay $0x1  }
0xa1: {  	s23 =	simm.s32 $0x1B8B  }
0xa2: {  	_ =	swait.ge [sflag:s23], $0x1  }
0xa3: {  	[sflag:s23] =	ssyncset.done $0x0  }
0xa4: {  	s25 =	simm.s32 $0x1B8E;
	s24 =	sld [smem:$0x3FFE];
	[sflag:s23] =	ssyncadd.s32 $0xFFFFFFFF  }
0xa5: {  	s26 =	simm.s32 $execute0_lowered;
	[smem:$0x3FD2] =	sst s25  }
0xa6: {  	s5 =	sshll.u32 s26, $0x1;
	_ =	strace $0x80000046;
	[dreg:$0x1] =	wrdreg $0xFFFFFFFF  }
0xa7: {  	s28 =	simm.s32 $_size_execute0_lowered;
	s3 =	sadd.s32 s3, s5;
	[dreg:$0x0] =	wrdreg $0x0  }
0xa8: {  	s5 =	sshll.u32 s28, $0x1;
	[dreg:$0x2] =	wrdreg s3  }
0xa9: {  	[dreg:$0x3] =	wrdreg s5  }
0xaa: {  	[dreg:$0x4] =	wrdreg $0xC0  }
0xab: {  	_ =	task [dreg:s7], $0x5FFFF  }
0xac: {  	[dreg:$0x1] =	wrdreg $0xFFFFFFFF  }
0xad: {  	[dreg:$0x0] =	wrdreg $0x60  }
0xae: {  	[dreg:$0x2] =	wrdreg s24  }
0xaf: {  	[dreg:$0x3] =	wrdreg s2  }
0xb0: {  	[dreg:$0x4] =	wrdreg $0x9  }
0xb1: {  	_ =	task.clear_ibuf [dreg:s7], $0x5FFFF;
	_ =	strace $0x90000046  }
0xb2: {  	s29 =	simm.s32 $0x9;
	_ =	strace $0x80000048  }
0xb3: {  	_ =	swait.ge [sflag:s29], $0x1  }
0xb4: {  	[sflag:s29] =	ssyncadd.s32 $0xFFFFFFFF  }
0xb5: {  	_ =	strace $0x90000048  }
0xb6: {  	_ =	sfence  }
0xb7: {  	s30 =	sld [smem:$0x0];
	_ =	sdelay $0x2  }
0xb8: {  	s31 =	sshll.u32 s1, $0xD;
	s1 =	sshrl.u32 s1, $0x2  }
0xb9: {  	s3 =	sand.u32 $0x4000, s31;
	s1 =	sadd.s32 s1, s30  }
0xba: {  	s0 =	sor.u32 s3, s0;
	s1 =	sshll.u32 s1, $0x11  }
0xbb: {  	s0 =	sor.u32 s1, s0  }
0xbc: {  	s0 =	sadd.s32 $0x8F2B, s0  }
0xbd: {  	[sflag:s0] =	ssyncadd.remote.s32 $0x1  }
0xbe: {  	_ =	sfence.sel $0xFFFF  }
0xbf: {  	[dreg:$0x0] =	wrdreg $0xFFFFFFFF;
	(pc) =	sbr.abs _section_cstart, $3  }
0xc0: {  	[dreg:$0x1] =	wrdreg $0xFFFFFFFF  }
0xc1: {  	_ =	task.clear_ibuf [dreg:s7], $0x2FFFF;
	_ =	strace $0x9FFFFFFF  }
0xc2: {  	(tm) =	ssettm $0x7FFFFFFF  }
0xc3: {  	_ =	shalt  }
tec
execute0_lowered:
.L_overlay_start_1:
0x0: {  	(tag) =	ssettag $0x1  }
0x1: {  	s4 =	rddreg [dreg:$0x0]  }
0x2: {  	s1 =	rddreg [dreg:$0x1]  }
0x3: {  	s0 =	rddreg [dreg:$0x2];
	s3 =	simm.s32 $0x0;
	s5 =	srdreg.scid  }
0x4: {  	s2 =	stileid.u32;
	[smem:$0x7FF] =	sst s3;
	s9 =	sand.u32 $0x1, s5  }
0x5: {  	s10 =	sshll.u32 s2, $0x7;
	s4 =	sadd.s32 $0x400, s4;
	s21 =	sshll.u32 s2, $0xA  }
0x6: {  	_ =	strace $0x80000047;
	s6 =	ssub.s32 $0x2, s9;
	s19 =	smax.u32 s10, $0x20  }
0x7: {  	s11 =	smin.u32 s10, $0x760;
	s13 =	sshll.u32 s9, $0x3;
	s22 =	sor.u32 $0x20, s10  }
0x8: {  	s23 =	sor.u32 $0x30, s10;
	s24 =	sor.u32 $0x40, s10;
	s25 =	sor.u32 $0x50, s10  }
0x9: {  	s28 =	sor.u32 $0x60, s10;
	s30 =	sor.u32 $0x70, s10;
	s7 =	sshrl.u32 s6, $0x1  }
0xa: {  	s5 =	sadd.s32 $0xFFFFFFE0, s19;
	s8 =	ssub.s32 $0x760, s11;
	s14 =	sor.u32 $0x1, s13  }
0xb: {  	s15 =	sor.u32 $0x2, s13;
	s16 =	sor.u32 $0x3, s13;
	s17 =	sor.u32 $0x4, s13  }
0xc: {  	s18 =	sor.u32 $0x5, s13;
	s19 =	sor.u32 $0x6, s13;
	v0 =	vmov s13;
	s13 =	simm.s32 $0x3  }
0xd: {  	s12 =	ssub.s32 s6, s7;
	s20 =	ssub.s32 s11, s5;
	s6 =	sshrl.u32 s5, $0x5  }
0xe: {  	s8 =	sshrl.u32 s8, $0x5;
	v1 =	vmov s14;
	s11 =	sshll.u32 s11, $0xF;
	s14 =	simm.s32 $0x400  }
0xf: {  	v2 =	vmov s15;
	v3 =	vmov s16;
	v4 =	vmov s17;
	s15 =	simm.s32 $0x8000;
	s16 =	simm.s32 $0x10480;
	s17 =	simm.s32 $0x2  }
0x10: {  	v23 =	vlaneseq.u32;
	v5 =	vmov s18;
	v6 =	vmov s19;
	s18 =	simm.s32 $0x1;
	s19 =	simm.s32 $0x0;
	s7 =	sadd.s32 $0xA0, s20  }
0x11: {  	v11 =	vor.u32 s10, v23;
	v17 =	vor.u32 s22, v23;
	s20 =	sshllo.u32 s9, $0x3;
	s8 =	sadd.s32 s8, s6;
	s9 =	sshll.u32 s9, $0xE  }
.Ltmp0:
0x12: {  	v18 =	vor.u32 s23, v23;
	v19 =	vor.u32 s24, v23;
	v20 =	vor.u32 s25, v23;
	s26 =	sshll.u32 s6, $0x14;
	s7 =	sshra.s32 s7, $0x5;
	(pc) =	sbr.rel .LBB2_1-.Ltmp0, $4  }
0x13: {  	v22 =	vor.u32 s28, v23;
	v7 =	vor.u32 $0x400, v0;
	v9 =	vor.u32 $0x400, v1;
	s9 =	sor.u32 s21, s9;
	s21 =	sor.u32 $0x10, s10;
	s29 =	smax.u32 s8, $0x1  }
0x14: {  	v10 =	vor.u32 $0x400, v2;
	v12 =	vor.u32 $0x400, v3;
	v13 =	vor.u32 $0x400, v4;
	s10 =	smax.u32 s12, $0x1;
	p0 =	sne.s32 s8, $0x0;
	s11 =	sor.u32 s11, s9  }
0x15: {  	v15 =	vor.u32 $0x400, v5;
	v16 =	vor.u32 $0x400, v6;
	v8 =	vmov s20;
	p2 =	seq.s32 s8, $0x0;
	s31 =	smin.u32 s29, $0x10;
	s11 =	ssub.s32 s11, s26  }
0x16: {  	v14 =	vor.u32 s21, v23;
	p1 =	sgt.s32 s7, $0x0;
	v21 =	vor.u32 $0x400, v8;
	v23 =	vor.u32 s30, v23;
	s12 =	ssub.s32 $0x0, s31;
	s11 =	sadd.s32 $0x500000, s11  }
.LBB2_11:
0x17: {  	[sflag:s18] =	ssyncadd.s32 $0xFFFF8000  }
.LBB2_12:
0x18: {  	s19 =	sadd.s32 $0x1, s19  }
0x19: {  	p3 =	sne.s32 s19, s10  }
.Ltmp1:
0x1a: {  	_ = 	snop;
	(pc) =	sbr.rel @!p3 .LBB2_13-.Ltmp1, $1  }
0x1b: {  	_ =	sdelay $0x3  }
.LBB2_1:
0x1c: {  	[tilespmem:s3], [sflag:$0x3] =	stream.linear.gather [hbm4b:s4+s3], $0x480, $0x38;
	[tilespmem:$0x18480] =	vst v63  }
0x1d: {  	_ =	swait.ge [sflag:s13], $0x480  }
0x1e: {  	[sflag:s13] =	ssyncset.done $0x0  }
0x1f: {  	s20 =	simm.s32 $0x0;
	[sflag:s13] =	ssyncadd.s32 $0xFFFFFB80  }
.LBB2_2:
0x20: {  	v24 =	vld.idx.msk [tilespmem:v0+s3+$0x0], $0xffff  }
0x21: {  	v25 =	vld.idx.msk [tilespmem:v7+s3+$0x0], $0xffff;
	_ =	sdelay $0x2  }
0x22: {  	s21 =	sshra.s32 s20, $0x2  }
0x23: {  	[tilespmem:s21+$0x480] =	vst v24  }
0x24: {  	[tilespmem:s21+$0x8480] =	vst v25  }
0x25: {  	[tilespmem:s21+$0x490] =	vst v24  }
0x26: {  	[tilespmem:s21+$0x8490] =	vst v25  }
0x27: {  	[tilespmem:s21+$0x4A0] =	vst v24  }
0x28: {  	[tilespmem:s21+$0x84A0] =	vst v25  }
0x29: {  	[tilespmem:s21+$0x4B0] =	vst v24  }
0x2a: {  	[tilespmem:s21+$0x84B0] =	vst v25  }
0x2b: {  	[tilespmem:s21+$0x4C0] =	vst v24  }
0x2c: {  	[tilespmem:s21+$0x84C0] =	vst v25  }
0x2d: {  	[tilespmem:s21+$0x4D0] =	vst v24  }
0x2e: {  	[tilespmem:s21+$0x84D0] =	vst v25  }
0x2f: {  	[tilespmem:s21+$0x4E0] =	vst v24  }
0x30: {  	[tilespmem:s21+$0x84E0] =	vst v25  }
0x31: {  	[tilespmem:s21+$0x4F0] =	vst v24  }
0x32: {  	[tilespmem:s21+$0x84F0] =	vst v25  }
0x33: {  	v24 =	vld.idx.msk [tilespmem:v1+s3+$0x0], $0xffff  }
0x34: {  	v25 =	vld.idx.msk [tilespmem:v9+s3+$0x0], $0xffff;
	_ =	sdelay $0x3  }
0x35: {  	[tilespmem:s21+$0x500] =	vst v24  }
0x36: {  	[tilespmem:s21+$0x8500] =	vst v25  }
0x37: {  	[tilespmem:s21+$0x510] =	vst v24  }
0x38: {  	[tilespmem:s21+$0x8510] =	vst v25  }
0x39: {  	[tilespmem:s21+$0x520] =	vst v24  }
0x3a: {  	[tilespmem:s21+$0x8520] =	vst v25  }
0x3b: {  	[tilespmem:s21+$0x530] =	vst v24  }
0x3c: {  	[tilespmem:s21+$0x8530] =	vst v25  }
0x3d: {  	[tilespmem:s21+$0x540] =	vst v24  }
0x3e: {  	[tilespmem:s21+$0x8540] =	vst v25  }
0x3f: {  	[tilespmem:s21+$0x550] =	vst v24  }
0x40: {  	[tilespmem:s21+$0x8550] =	vst v25  }
0x41: {  	[tilespmem:s21+$0x560] =	vst v24  }
0x42: {  	[tilespmem:s21+$0x8560] =	vst v25  }
0x43: {  	[tilespmem:s21+$0x570] =	vst v24  }
0x44: {  	[tilespmem:s21+$0x8570] =	vst v25  }
0x45: {  	v24 =	vld.idx.msk [tilespmem:v2+s3+$0x0], $0xffff  }
0x46: {  	v25 =	vld.idx.msk [tilespmem:v10+s3+$0x0], $0xffff;
	_ =	sdelay $0x3  }
0x47: {  	[tilespmem:s21+$0x580] =	vst v24  }
0x48: {  	[tilespmem:s21+$0x8580] =	vst v25  }
0x49: {  	[tilespmem:s21+$0x590] =	vst v24  }
0x4a: {  	[tilespmem:s21+$0x8590] =	vst v25  }
0x4b: {  	[tilespmem:s21+$0x5A0] =	vst v24  }
0x4c: {  	[tilespmem:s21+$0x85A0] =	vst v25  }
0x4d: {  	[tilespmem:s21+$0x5B0] =	vst v24  }
0x4e: {  	[tilespmem:s21+$0x85B0] =	vst v25  }
0x4f: {  	[tilespmem:s21+$0x5C0] =	vst v24  }
0x50: {  	[tilespmem:s21+$0x85C0] =	vst v25  }
0x51: {  	[tilespmem:s21+$0x5D0] =	vst v24  }
0x52: {  	[tilespmem:s21+$0x85D0] =	vst v25  }
0x53: {  	[tilespmem:s21+$0x5E0] =	vst v24  }
0x54: {  	[tilespmem:s21+$0x85E0] =	vst v25  }
0x55: {  	[tilespmem:s21+$0x5F0] =	vst v24  }
0x56: {  	[tilespmem:s21+$0x85F0] =	vst v25  }
0x57: {  	v24 =	vld.idx.msk [tilespmem:v3+s3+$0x0], $0xffff  }
0x58: {  	v25 =	vld.idx.msk [tilespmem:v12+s3+$0x0], $0xffff;
	_ =	sdelay $0x3  }
0x59: {  	[tilespmem:s21+$0x600] =	vst v24  }
0x5a: {  	[tilespmem:s21+$0x8600] =	vst v25  }
0x5b: {  	[tilespmem:s21+$0x610] =	vst v24  }
0x5c: {  	[tilespmem:s21+$0x8610] =	vst v25  }
0x5d: {  	[tilespmem:s21+$0x620] =	vst v24  }
0x5e: {  	[tilespmem:s21+$0x8620] =	vst v25  }
0x5f: {  	[tilespmem:s21+$0x630] =	vst v24  }
0x60: {  	[tilespmem:s21+$0x8630] =	vst v25  }
0x61: {  	[tilespmem:s21+$0x640] =	vst v24  }
0x62: {  	[tilespmem:s21+$0x8640] =	vst v25  }
0x63: {  	[tilespmem:s21+$0x650] =	vst v24  }
0x64: {  	[tilespmem:s21+$0x8650] =	vst v25  }
0x65: {  	[tilespmem:s21+$0x660] =	vst v24  }
0x66: {  	[tilespmem:s21+$0x8660] =	vst v25  }
0x67: {  	[tilespmem:s21+$0x670] =	vst v24  }
0x68: {  	[tilespmem:s21+$0x8670] =	vst v25  }
0x69: {  	v24 =	vld.idx.msk [tilespmem:v4+s3+$0x0], $0xffff  }
0x6a: {  	v25 =	vld.idx.msk [tilespmem:v13+s3+$0x0], $0xffff;
	_ =	sdelay $0x3  }
0x6b: {  	[tilespmem:s21+$0x680] =	vst v24  }
0x6c: {  	[tilespmem:s21+$0x8680] =	vst v25  }
0x6d: {  	[tilespmem:s21+$0x690] =	vst v24  }
0x6e: {  	[tilespmem:s21+$0x8690] =	vst v25  }
0x6f: {  	[tilespmem:s21+$0x6A0] =	vst v24  }
0x70: {  	[tilespmem:s21+$0x86A0] =	vst v25  }
0x71: {  	[tilespmem:s21+$0x6B0] =	vst v24  }
0x72: {  	[tilespmem:s21+$0x86B0] =	vst v25  }
0x73: {  	[tilespmem:s21+$0x6C0] =	vst v24  }
0x74: {  	[tilespmem:s21+$0x86C0] =	vst v25  }
0x75: {  	[tilespmem:s21+$0x6D0] =	vst v24  }
0x76: {  	[tilespmem:s21+$0x86D0] =	vst v25  }
0x77: {  	[tilespmem:s21+$0x6E0] =	vst v24  }
0x78: {  	[tilespmem:s21+$0x86E0] =	vst v25  }
0x79: {  	[tilespmem:s21+$0x6F0] =	vst v24  }
0x7a: {  	[tilespmem:s21+$0x86F0] =	vst v25  }
0x7b: {  	v24 =	vld.idx.msk [tilespmem:v5+s3+$0x0], $0xffff  }
0x7c: {  	v25 =	vld.idx.msk [tilespmem:v15+s3+$0x0], $0xffff;
	_ =	sdelay $0x3  }
0x7d: {  	[tilespmem:s21+$0x700] =	vst v24  }
0x7e: {  	[tilespmem:s21+$0x8700] =	vst v25  }
0x7f: {  	[tilespmem:s21+$0x710] =	vst v24  }
0x80: {  	[tilespmem:s21+$0x8710] =	vst v25  }
0x81: {  	[tilespmem:s21+$0x720] =	vst v24  }
0x82: {  	[tilespmem:s21+$0x8720] =	vst v25  }
0x83: {  	[tilespmem:s21+$0x730] =	vst v24  }
0x84: {  	[tilespmem:s21+$0x8730] =	vst v25  }
0x85: {  	[tilespmem:s21+$0x740] =	vst v24  }
0x86: {  	[tilespmem:s21+$0x8740] =	vst v25  }
0x87: {  	[tilespmem:s21+$0x750] =	vst v24  }
0x88: {  	[tilespmem:s21+$0x8750] =	vst v25  }
0x89: {  	[tilespmem:s21+$0x760] =	vst v24  }
0x8a: {  	[tilespmem:s21+$0x8760] =	vst v25  }
0x8b: {  	[tilespmem:s21+$0x770] =	vst v24  }
0x8c: {  	[tilespmem:s21+$0x8770] =	vst v25  }
0x8d: {  	v24 =	vld.idx.msk [tilespmem:v6+s3+$0x0], $0xffff  }
0x8e: {  	v25 =	vld.idx.msk [tilespmem:v16+s3+$0x0], $0xffff;
	_ =	sdelay $0x3  }
0x8f: {  	[tilespmem:s21+$0x780] =	vst v24  }
0x90: {  	[tilespmem:s21+$0x8780] =	vst v25  }
0x91: {  	[tilespmem:s21+$0x790] =	vst v24  }
0x92: {  	[tilespmem:s21+$0x8790] =	vst v25  }
0x93: {  	[tilespmem:s21+$0x7A0] =	vst v24  }
0x94: {  	[tilespmem:s21+$0x87A0] =	vst v25  }
0x95: {  	[tilespmem:s21+$0x7B0] =	vst v24  }
0x96: {  	[tilespmem:s21+$0x87B0] =	vst v25  }
0x97: {  	[tilespmem:s21+$0x7C0] =	vst v24  }
0x98: {  	[tilespmem:s21+$0x87C0] =	vst v25  }
0x99: {  	[tilespmem:s21+$0x7D0] =	vst v24  }
0x9a: {  	[tilespmem:s21+$0x87D0] =	vst v25  }
0x9b: {  	[tilespmem:s21+$0x7E0] =	vst v24  }
0x9c: {  	[tilespmem:s21+$0x87E0] =	vst v25  }
0x9d: {  	[tilespmem:s21+$0x7F0] =	vst v24  }
0x9e: {  	[tilespmem:s21+$0x87F0] =	vst v25  }
0x9f: {  	v24 =	vld.idx.msk [tilespmem:v8+s3+$0x0], $0xffff  }
0xa0: {  	v25 =	vld.idx.msk [tilespmem:v21+s3+$0x0], $0xffff;
	_ =	sdelay $0x3  }
0xa1: {  	[tilespmem:s21+$0x800] =	vst v24  }
0xa2: {  	[tilespmem:s21+$0x8800] =	vst v25  }
0xa3: {  	[tilespmem:s21+$0x810] =	vst v24  }
0xa4: {  	[tilespmem:s21+$0x8810] =	vst v25  }
0xa5: {  	[tilespmem:s21+$0x820] =	vst v24  }
0xa6: {  	[tilespmem:s21+$0x8820] =	vst v25  }
0xa7: {  	[tilespmem:s21+$0x830] =	vst v24  }
0xa8: {  	[tilespmem:s21+$0x8830] =	vst v25  }
0xa9: {  	[tilespmem:s21+$0x840] =	vst v24  }
0xaa: {  	[tilespmem:s21+$0x8840] =	vst v25  }
0xab: {  	p3 =	sne.s32 s20, $0x1F000;
	[tilespmem:s21+$0x850] =	vst v24  }
.Ltmp2:
0xac: {  	[tilespmem:s21+$0x8850] =	vst v25;
	(pc) =	sbr.rel @p3 .LBB2_2-.Ltmp2, $4  }
0xad: {  	[tilespmem:s21+$0x860] =	vst v24  }
0xae: {  	[tilespmem:s21+$0x8860] =	vst v25  }
0xaf: {  	[tilespmem:s21+$0x870] =	vst v24  }
0xb0: {  	s20 =	sadd.s32 $0x1000, s20;
	[tilespmem:s21+$0x8870] =	vst v25  }
.Ltmp3:
0xb1: {  	(pc) =	sbr.rel @!p0 .LBB2_4-.Ltmp3, $2  }
0xb2: {  	_ =	sdelay $0x2  }
0xb3: {  	s20 =	simm.s32 $0x0  }
0xb4: {  	s21 =	simm.s32 $0x0;
	p3 =	sgt.u32 s6, $0x0  }
0xb5: {  	s22 =	smov.u32 s11;
	p4 =	seq.s32 s8, $0x1;
	s21 =	sor.u32 s9, s21  }
.Ltmp4:
0xb6: {  	s22 =	smov.u32 @p3 s21;
	(pc) =	sbr.rel @p4 .LBB2_16-.Ltmp4, $4  }
0xb7: {  	s21 =	sshrl.u32 s22, $0x3;
	s22 =	simm.s32 $0x8480  }
0xb8: {  	s22 =	simm.s32 @!p3 $0x480;
	s21 =	sadd.s32 s1, s21  }
0xb9: {  	[hbm4b:s21+s14] =	stream.strided.scatter [tilespmem:s22], [sflag:$0x1], $0x8000, s15, s14, $0x38;
	[tilespmem:$0x18480] =	vst v63  }
0xba: {  	p3 =	por $0x1, $0x1;
	s21 =	simm.s32 $0x1;
	s22 =	smov.u32 s11  }
.LBB2_15:
0xbb: {  	s23 =	sshll.u32 s21, $0x14;
	s24 =	simm.s32 @!p3 $0x1  }
0xbc: {  	s22 =	sadd.s32 $0x100000, s22;
	s25 =	smov.u32 s21;
	p4 =	slt.u32 s21, s6  }
0xbd: {  	s23 =	sor.u32 s9, s23;
	_ =	swait.ge @!p3 [sflag:s24], $0x8000;
	s26 =	smov.u32 s22  }
0xbe: {  	s26 =	smov.u32 @p4 s23;
	[sflag:s24] =	ssyncset.done @!p3 $0x0  }
0xbf: {  	s21 =	sadd.s32 $0x1, s21;
	[sflag:s24] =	ssyncadd.s32 @!p3 $0xFFFF8000;
	s24 =	simm.s32 $0x8480  }
0xc0: {  	s24 =	simm.s32 @!p4 $0x480;
	p4 =	seq.s32 s8, s21  }
.Ltmp5:
0xc1: {  	_ = 	snop;
	(pc) =	sbr.rel @!p4 .LBB2_15-.Ltmp5, $4  }
0xc2: {  	s23 =	sshrl.u32 s26, $0x3  }
0xc3: {  	s23 =	sadd.s32 s1, s23  }
0xc4: {  	[hbm4b:s23+s14] =	stream.strided.scatter [tilespmem:s24], [sflag:$0x1], $0x8000, s15, s14, $0x38;
	[tilespmem:$0x18480] =	vst v63  }
0xc5: {  	p3 =	slt.u32 s25, $0x10  }
.LBB2_16:
0xc6: {  	s21 =	simm.s32 @!p3 $0x1  }
0xc7: {  	_ =	swait.ge @!p3 [sflag:s21], $0x8000  }
0xc8: {  	[sflag:s21] =	ssyncset.done @!p3 $0x0  }
0xc9: {  	[sflag:s21] =	ssyncadd.s32 @!p3 $0xFFFF8000  }
.LBB2_4:
.Ltmp6:
0xca: {  	(pc) =	sbr.rel @!p1 .LBB2_8-.Ltmp6, $2  }
0xcb: {  	_ =	sdelay $0x2  }
0xcc: {  	s21 =	smov.u32 s5  }
.LBB2_5:
0xcd: {  	s22 =	sadd.s32 $0x0, s21  }
0xce: {  	v24 =	vmov s22  }
0xcf: {  	v24 =	vsub.s32 $0x0, v24  }
0xd0: {  	v24 =	vbroadcast v24, $0x0;
	_ =	sdelay $0x1  }
0xd1: {  	v25 =	vadd.s32 v24, v11  }
0xd2: {  	vm0 =	vgt.s32 v25, $0xFFFFFFE0  }
0xd3: {  	v25 =	vnsel vm0, $0xFFFFFFE0, v25  }
0xd4: {  	vm0 =	vlt.s32 v25, $0x20  }
0xd5: {  	v25 =	vnsel vm0, $0x20, v25  }
0xd6: {  	v25 =	vshll.u32 v25, $0x4  }
0xd7: {  	v26 =	vadd.s32 v24, v14;
	v25 =	vadd.s32 $0x200, v25  }
0xd8: {  	vm9 =	vgt.s32 v26, $0xFFFFFFE0;
	v27 =	vor.u32 v0, v25  }
0xd9: {  	v26 =	vnsel vm9, $0xFFFFFFE0, v26  }
0xda: {  	vm0 =	vlt.s32 v26, $0x20  }
0xdb: {  	v26 =	vnsel vm0, $0x20, v26  }
0xdc: {  	v26 =	vshll.u32 v26, $0x4  }
0xdd: {  	v28 =	vadd.s32 v24, v17;
	v26 =	vadd.s32 $0x200, v26;
	v27 =	vld.idx.msk [tilespmem:v27+s3+$0x0], $0xffff  }
0xde: {  	vm10 =	vgt.s32 v28, $0xFFFFFFE0;
	v29 =	vor.u32 v0, v26  }
0xdf: {  	v28 =	vnsel vm10, $0xFFFFFFE0, v28  }
0xe0: {  	vm0 =	vlt.s32 v28, $0x20  }
0xe1: {  	s23 =	simm.s32 $0x10680;
	v28 =	vnsel vm0, $0x20, v28  }
0xe2: {  	[tilespmem:s23+$0xFFFFFE00] =	vst v27;
	v27 =	vshll.u32 v28, $0x4  }
0xe3: {  	v58 =	vadd.s32 v24, v18;
	v57 =	vld.idx.msk [tilespmem:v29+s3+$0x0], $0xffff;
	v27 =	vadd.s32 $0x200, v27  }
0xe4: {  	vm11 =	vgt.s32 v58, $0xFFFFFFE0;
	v30 =	vor.u32 v0, v27  }
0xe5: {  	v29 =	vnsel vm11, $0xFFFFFFE0, v58  }
0xe6: {  	vm0 =	vlt.s32 v29, $0x20  }
0xe7: {  	v29 =	vnsel vm0, $0x20, v29  }
0xe8: {  	v59 =	vshll.u32 v29, $0x4;
	[tilespmem:s23+$0xFFFFFE10] =	vst v57  }
0xe9: {  	v61 =	vadd.s32 v24, v19;
	v28 =	vadd.s32 $0x200, v59;
	v60 =	vld.idx.msk [tilespmem:v30+s3+$0x0], $0xffff  }
0xea: {  	vm12 =	vgt.s32 v61, $0xFFFFFFE0;
	v31 =	vor.u32 v0, v28  }
0xeb: {  	v30 =	vnsel vm12, $0xFFFFFFE0, v61  }
0xec: {  	vm0 =	vlt.s32 v30, $0x20  }
0xed: {  	v30 =	vnsel vm0, $0x20, v30  }
0xee: {  	v62 =	vshll.u32 v30, $0x4;
	[tilespmem:s23+$0xFFFFFE20] =	vst v60  }
0xef: {  	v36 =	vadd.s32 v24, v20;
	v29 =	vadd.s32 $0x200, v62;
	v63 =	vld.idx.msk [tilespmem:v31+s3+$0x0], $0xffff  }
0xf0: {  	vm13 =	vgt.s32 v36, $0xFFFFFFE0;
	v32 =	vor.u32 v0, v29  }
0xf1: {  	v31 =	vnsel vm13, $0xFFFFFFE0, v36  }
0xf2: {  	vm0 =	vlt.s32 v31, $0x20  }
0xf3: {  	v31 =	vnsel vm0, $0x20, v31  }
0xf4: {  	v37 =	vshll.u32 v31, $0x4;
	[tilespmem:s23+$0xFFFFFE30] =	vst v63  }
0xf5: {  	v39 =	vadd.s32 v24, v22;
	v30 =	vadd.s32 $0x200, v37;
	v38 =	vld.idx.msk [tilespmem:v32+s3+$0x0], $0xffff  }
0xf6: {  	vm14 =	vgt.s32 v39, $0xFFFFFFE0;
	v33 =	vor.u32 v0, v30  }
0xf7: {  	v32 =	vnsel vm14, $0xFFFFFFE0, v39  }
0xf8: {  	vm0 =	vlt.s32 v32, $0x20  }
0xf9: {  	v32 =	vnsel vm0, $0x20, v32  }
0xfa: {  	v40 =	vshll.u32 v32, $0x4;
	[tilespmem:s23+$0xFFFFFE40] =	vst v38  }
0xfb: {  	v24 =	vadd.s32 v24, v23;
	v31 =	vadd.s32 $0x200, v40;
	v41 =	vld.idx.msk [tilespmem:v33+s3+$0x0], $0xffff  }
0xfc: {  	vm15 =	vgt.s32 v24, $0xFFFFFFE0;
	v42 =	vor.u32 v0, v31  }
0xfd: {  	v24 =	vnsel vm15, $0xFFFFFFE0, v24  }
0xfe: {  	vm0 =	vlt.s32 v24, $0x20  }
0xff: {  	v24 =	vnsel vm0, $0x20, v24  }
0x100: {  	v24 =	vshll.u32 v24, $0x4;
	[tilespmem:s23+$0xFFFFFE50] =	vst v41  }
0x101: {  	v24 =	vadd.s32 $0x200, v24;
	v32 =	vld.idx.msk [tilespmem:v42+s3+$0x0], $0xffff  }
0x102: {  	v43 =	vor.u32 v0, v24;
	_ =	sdelay $0x3  }
0x103: {  	[tilespmem:s23+$0xFFFFFE60] =	vst v32  }
0x104: {  	v32 =	vld.idx.msk [tilespmem:v43+s3+$0x0], $0xffff  }
0x105: {  	v44 =	vor.u32 v1, v25;
	_ =	sdelay $0x3  }
0x106: {  	[tilespmem:s23+$0xFFFFFE70] =	vst v32  }
0x107: {  	v32 =	vld.idx.msk [tilespmem:v44+s3+$0x0], $0xffff  }
0x108: {  	v45 =	vor.u32 v1, v26;
	_ =	sdelay $0x3  }
0x109: {  	[tilespmem:s23+$0xFFFFFE80] =	vst v32  }
0x10a: {  	v32 =	vld.idx.msk [tilespmem:v45+s3+$0x0], $0xffff  }
0x10b: {  	v46 =	vor.u32 v1, v27;
	_ =	sdelay $0x3  }
0x10c: {  	[tilespmem:s23+$0xFFFFFE90] =	vst v32  }
0x10d: {  	v32 =	vld.idx.msk [tilespmem:v46+s3+$0x0], $0xffff  }
0x10e: {  	v47 =	vor.u32 v1, v28;
	_ =	sdelay $0x3  }
0x10f: {  	[tilespmem:s23+$0xFFFFFEA0] =	vst v32  }
0x110: {  	v32 =	vld.idx.msk [tilespmem:v47+s3+$0x0], $0xffff  }
0x111: {  	v48 =	vor.u32 v1, v29;
	_ =	sdelay $0x3  }
0x112: {  	[tilespmem:s23+$0xFFFFFEB0] =	vst v32  }
0x113: {  	v32 =	vld.idx.msk [tilespmem:v48+s3+$0x0], $0xffff  }
0x114: {  	v49 =	vor.u32 v1, v30;
	_ =	sdelay $0x3  }
0x115: {  	[tilespmem:s23+$0xFFFFFEC0] =	vst v32  }
0x116: {  	v32 =	vld.idx.msk [tilespmem:v49+s3+$0x0], $0xffff  }
0x117: {  	v50 =	vor.u32 v1, v31;
	_ =	sdelay $0x3  }
0x118: {  	[tilespmem:s23+$0xFFFFFED0] =	vst v32  }
0x119: {  	v32 =	vld.idx.msk [tilespmem:v50+s3+$0x0], $0xffff  }
0x11a: {  	v51 =	vor.u32 v1, v24;
	_ =	sdelay $0x3  }
0x11b: {  	[tilespmem:s23+$0xFFFFFEE0] =	vst v32  }
0x11c: {  	v32 =	vld.idx.msk [tilespmem:v51+s3+$0x0], $0xffff  }
0x11d: {  	v52 =	vor.u32 v2, v25;
	_ =	sdelay $0x3  }
0x11e: {  	[tilespmem:s23+$0xFFFFFEF0] =	vst v32  }
0x11f: {  	v32 =	vld.idx.msk [tilespmem:v52+s3+$0x0], $0xffff  }
0x120: {  	v53 =	vor.u32 v2, v26;
	_ =	sdelay $0x3  }
0x121: {  	[tilespmem:s23+$0xFFFFFF00] =	vst v32  }
0x122: {  	v32 =	vld.idx.msk [tilespmem:v53+s3+$0x0], $0xffff  }
0x123: {  	v54 =	vor.u32 v2, v27;
	_ =	sdelay $0x3  }
0x124: {  	[tilespmem:s23+$0xFFFFFF10] =	vst v32  }
0x125: {  	v32 =	vld.idx.msk [tilespmem:v54+s3+$0x0], $0xffff  }
0x126: {  	v55 =	vor.u32 v2, v28;
	_ =	sdelay $0x3  }
0x127: {  	[tilespmem:s23+$0xFFFFFF20] =	vst v32  }
0x128: {  	v32 =	vld.idx.msk [tilespmem:v55+s3+$0x0], $0xffff  }
0x129: {  	v56 =	vor.u32 v2, v29;
	_ =	sdelay $0x3  }
0x12a: {  	[tilespmem:s23+$0xFFFFFF30] =	vst v32  }
0x12b: {  	v32 =	vld.idx.msk [tilespmem:v56+s3+$0x0], $0xffff  }
0x12c: {  	v57 =	vor.u32 v2, v30;
	_ =	sdelay $0x3  }
0x12d: {  	[tilespmem:s23+$0xFFFFFF40] =	vst v32  }
0x12e: {  	v32 =	vld.idx.msk [tilespmem:v57+s3+$0x0], $0xffff  }
0x12f: {  	v58 =	vor.u32 v2, v31;
	_ =	sdelay $0x3  }
0x130: {  	[tilespmem:s23+$0xFFFFFF50] =	vst v32  }
0x131: {  	v32 =	vld.idx.msk [tilespmem:v58+s3+$0x0], $0xffff  }
0x132: {  	v59 =	vor.u32 v2, v24;
	_ =	sdelay $0x3  }
0x133: {  	[tilespmem:s23+$0xFFFFFF60] =	vst v32  }
0x134: {  	v32 =	vld.idx.msk [tilespmem:v59+s3+$0x0], $0xffff  }
0x135: {  	v60 =	vor.u32 v3, v25;
	_ =	sdelay $0x3  }
0x136: {  	[tilespmem:s23+$0xFFFFFF70] =	vst v32  }
0x137: {  	v32 =	vld.idx.msk [tilespmem:v60+s3+$0x0], $0xffff  }
0x138: {  	v61 =	vor.u32 v3, v26;
	_ =	sdelay $0x3  }
0x139: {  	[tilespmem:s23+$0xFFFFFF80] =	vst v32  }
0x13a: {  	v32 =	vld.idx.msk [tilespmem:v61+s3+$0x0], $0xffff  }
0x13b: {  	v62 =	vor.u32 v3, v27;
	_ =	sdelay $0x3  }
0x13c: {  	[tilespmem:s23+$0xFFFFFF90] =	vst v32  }
0x13d: {  	v32 =	vld.idx.msk [tilespmem:v62+s3+$0x0], $0xffff  }
0x13e: {  	v63 =	vor.u32 v3, v28;
	_ =	sdelay $0x3  }
0x13f: {  	[tilespmem:s23+$0xFFFFFFA0] =	vst v32  }
0x140: {  	v32 =	vld.idx.msk [tilespmem:v63+s3+$0x0], $0xffff  }
0x141: {  	v36 =	vor.u32 v3, v29;
	_ =	sdelay $0x3  }
0x142: {  	[tilespmem:s23+$0xFFFFFFB0] =	vst v32  }
0x143: {  	v32 =	vld.idx.msk [tilespmem:v36+s3+$0x0], $0xffff  }
0x144: {  	v37 =	vor.u32 v3, v30;
	_ =	sdelay $0x3  }
0x145: {  	[tilespmem:s23+$0xFFFFFFC0] =	vst v32  }
0x146: {  	v32 =	vld.idx.msk [tilespmem:v37+s3+$0x0], $0xffff  }
0x147: {  	v38 =	vor.u32 v3, v31;
	_ =	sdelay $0x3  }
0x148: {  	[tilespmem:s23+$0xFFFFFFD0] =	vst v32  }
0x149: {  	v32 =	vld.idx.msk [tilespmem:v38+s3+$0x0], $0xffff  }
0x14a: {  	v39 =	vor.u32 v3, v24;
	_ =	sdelay $0x3  }
0x14b: {  	[tilespmem:s23+$0xFFFFFFE0] =	vst v32  }
0x14c: {  	v32 =	vld.idx.msk [tilespmem:v39+s3+$0x0], $0xffff  }
0x14d: {  	v40 =	vor.u32 v4, v25;
	_ =	sdelay $0x3  }
0x14e: {  	[tilespmem:s23+$0xFFFFFFF0] =	vst v32  }
0x14f: {  	v32 =	vld.idx.msk [tilespmem:v40+s3+$0x0], $0xffff  }
0x150: {  	v41 =	vor.u32 v4, v26;
	_ =	sdelay $0x3  }
0x151: {  	[tilespmem:s23+$0x0] =	vst v32  }
0x152: {  	v32 =	vld.idx.msk [tilespmem:v41+s3+$0x0], $0xffff  }
0x153: {  	v42 =	vor.u32 v4, v27;
	_ =	sdelay $0x3  }
0x154: {  	[tilespmem:s23+$0x10] =	vst v32  }
0x155: {  	v32 =	vld.idx.msk [tilespmem:v42+s3+$0x0], $0xffff  }
0x156: {  	v43 =	vor.u32 v4, v28;
	_ =	sdelay $0x3  }
0x157: {  	[tilespmem:s23+$0x20] =	vst v32  }
0x158: {  	v32 =	vld.idx.msk [tilespmem:v43+s3+$0x0], $0xffff  }
0x159: {  	v44 =	vor.u32 v4, v29;
	_ =	sdelay $0x3  }
0x15a: {  	[tilespmem:s23+$0x30] =	vst v32  }
0x15b: {  	v32 =	vld.idx.msk [tilespmem:v44+s3+$0x0], $0xffff  }
0x15c: {  	v45 =	vor.u32 v4, v30;
	_ =	sdelay $0x3  }
0x15d: {  	[tilespmem:s23+$0x40] =	vst v32  }
0x15e: {  	v32 =	vld.idx.msk [tilespmem:v45+s3+$0x0], $0xffff  }
0x15f: {  	v46 =	vor.u32 v4, v31;
	_ =	sdelay $0x3  }
0x160: {  	[tilespmem:s23+$0x50] =	vst v32  }
0x161: {  	v32 =	vld.idx.msk [tilespmem:v46+s3+$0x0], $0xffff  }
0x162: {  	v47 =	vor.u32 v4, v24;
	_ =	sdelay $0x3  }
0x163: {  	[tilespmem:s23+$0x60] =	vst v32  }
0x164: {  	v32 =	vld.idx.msk [tilespmem:v47+s3+$0x0], $0xffff  }
0x165: {  	v48 =	vor.u32 v5, v25;
	_ =	sdelay $0x3  }
0x166: {  	[tilespmem:s23+$0x70] =	vst v32  }
0x167: {  	v32 =	vld.idx.msk [tilespmem:v48+s3+$0x0], $0xffff  }
0x168: {  	v49 =	vor.u32 v5, v26;
	_ =	sdelay $0x3  }
0x169: {  	[tilespmem:s23+$0x80] =	vst v32  }
0x16a: {  	v32 =	vld.idx.msk [tilespmem:v49+s3+$0x0], $0xffff  }
0x16b: {  	v50 =	vor.u32 v5, v27;
	_ =	sdelay $0x3  }
0x16c: {  	[tilespmem:s23+$0x90] =	vst v32  }
0x16d: {  	v32 =	vld.idx.msk [tilespmem:v50+s3+$0x0], $0xffff  }
0x16e: {  	v51 =	vor.u32 v5, v28;
	_ =	sdelay $0x3  }
0x16f: {  	[tilespmem:s23+$0xA0] =	vst v32  }
0x170: {  	v32 =	vld.idx.msk [tilespmem:v51+s3+$0x0], $0xffff  }
0x171: {  	v52 =	vor.u32 v5, v29;
	_ =	sdelay $0x3  }
0x172: {  	[tilespmem:s23+$0xB0] =	vst v32  }
0x173: {  	v32 =	vld.idx.msk [tilespmem:v52+s3+$0x0], $0xffff  }
0x174: {  	v53 =	vor.u32 v5, v30;
	_ =	sdelay $0x3  }
0x175: {  	[tilespmem:s23+$0xC0] =	vst v32  }
0x176: {  	v32 =	vld.idx.msk [tilespmem:v53+s3+$0x0], $0xffff  }
0x177: {  	v54 =	vor.u32 v5, v31;
	_ =	sdelay $0x3  }
0x178: {  	[tilespmem:s23+$0xD0] =	vst v32  }
0x179: {  	v32 =	vld.idx.msk [tilespmem:v54+s3+$0x0], $0xffff  }
0x17a: {  	v55 =	vor.u32 v5, v24;
	_ =	sdelay $0x3  }
0x17b: {  	[tilespmem:s23+$0xE0] =	vst v32  }
0x17c: {  	v32 =	vld.idx.msk [tilespmem:v55+s3+$0x0], $0xffff  }
0x17d: {  	v56 =	vor.u32 v6, v25;
	_ =	sdelay $0x3  }
0x17e: {  	[tilespmem:s23+$0xF0] =	vst v32  }
0x17f: {  	v32 =	vld.idx.msk [tilespmem:v56+s3+$0x0], $0xffff  }
0x180: {  	v57 =	vor.u32 v6, v26;
	_ =	sdelay $0x3  }
0x181: {  	[tilespmem:s23+$0x100] =	vst v32  }
0x182: {  	v32 =	vld.idx.msk [tilespmem:v57+s3+$0x0], $0xffff  }
0x183: {  	v58 =	vor.u32 v6, v27;
	_ =	sdelay $0x3  }
0x184: {  	[tilespmem:s23+$0x110] =	vst v32  }
0x185: {  	v32 =	vld.idx.msk [tilespmem:v58+s3+$0x0], $0xffff  }
0x186: {  	v59 =	vor.u32 v6, v28;
	_ =	sdelay $0x3  }
0x187: {  	[tilespmem:s23+$0x120] =	vst v32  }
0x188: {  	v32 =	vld.idx.msk [tilespmem:v59+s3+$0x0], $0xffff  }
0x189: {  	v60 =	vor.u32 v6, v29;
	_ =	sdelay $0x3  }
0x18a: {  	[tilespmem:s23+$0x130] =	vst v32  }
0x18b: {  	v32 =	vld.idx.msk [tilespmem:v60+s3+$0x0], $0xffff  }
0x18c: {  	v61 =	vor.u32 v6, v30;
	_ =	sdelay $0x3  }
0x18d: {  	[tilespmem:s23+$0x140] =	vst v32  }
0x18e: {  	v32 =	vld.idx.msk [tilespmem:v61+s3+$0x0], $0xffff  }
0x18f: {  	v62 =	vor.u32 v6, v31;
	_ =	sdelay $0x3  }
0x190: {  	[tilespmem:s23+$0x150] =	vst v32  }
0x191: {  	v32 =	vld.idx.msk [tilespmem:v62+s3+$0x0], $0xffff  }
0x192: {  	v63 =	vor.u32 v6, v24;
	_ =	sdelay $0x3  }
0x193: {  	[tilespmem:s23+$0x160] =	vst v32  }
0x194: {  	v32 =	vld.idx.msk [tilespmem:v63+s3+$0x0], $0xffff  }
0x195: {  	v25 =	vor.u32 v8, v25;
	_ =	sdelay $0x3  }
0x196: {  	[tilespmem:s23+$0x170] =	vst v32  }
0x197: {  	v25 =	vld.idx.msk [tilespmem:v25+s3+$0x0], $0xffff  }
0x198: {  	v26 =	vor.u32 v8, v26;
	_ =	sdelay $0x3  }
0x199: {  	[tilespmem:s23+$0x180] =	vst v25  }
0x19a: {  	v25 =	vld.idx.msk [tilespmem:v26+s3+$0x0], $0xffff  }
0x19b: {  	v26 =	vor.u32 v8, v27;
	_ =	sdelay $0x3  }
0x19c: {  	[tilespmem:s23+$0x190] =	vst v25  }
0x19d: {  	v25 =	vld.idx.msk [tilespmem:v26+s3+$0x0], $0xffff  }
0x19e: {  	v26 =	vor.u32 v8, v28;
	_ =	sdelay $0x3  }
0x19f: {  	[tilespmem:s23+$0x1A0] =	vst v25  }
0x1a0: {  	v25 =	vld.idx.msk [tilespmem:v26+s3+$0x0], $0xffff  }
0x1a1: {  	v26 =	vor.u32 v8, v29;
	_ =	sdelay $0x3  }
0x1a2: {  	[tilespmem:s23+$0x1B0] =	vst v25  }
0x1a3: {  	v25 =	vld.idx.msk [tilespmem:v26+s3+$0x0], $0xffff  }
0x1a4: {  	v26 =	vor.u32 v8, v30;
	_ =	sdelay $0x3  }
0x1a5: {  	[tilespmem:s23+$0x1C0] =	vst v25  }
0x1a6: {  	v25 =	vld.idx.msk [tilespmem:v26+s3+$0x0], $0xffff  }
0x1a7: {  	v26 =	vor.u32 v8, v31  }
0x1a8: {  	s31 =	sshll.u32 s20, $0x5  }
0x1a9: {  	s25 =	sadd.s32 $0x1, s21;
	s24 =	simm.s32 $0x2;
	s22 =	sadd.s32 s5, s31  }
.LBB2_6:
0x1aa: {  	p3 =	sne.s32 s24, $0x1F;
	v27 =	vmov s25  }
0x1ab: {  	v27 =	vsub.s32 $0x0, v27;
	[tilespmem:s23+$0x1D0] =	vst v25  }
0x1ac: {  	v32 =	vbroadcast v27, $0x0;
	v25 =	vld.idx.msk [tilespmem:v26+s3+$0x0], $0xffff;
	_ =	sdelay $0x1  }
0x1ad: {  	v24 =	vor.u32 v8, v24;
	v26 =	vadd.s32 v32, v11  }
0x1ae: {  	vm0 =	vgt.s32 v26, $0xFFFFFFE0  }
0x1af: {  	v26 =	vnsel vm0, $0xFFFFFFE0, v26  }
0x1b0: {  	vm0 =	vlt.s32 v26, $0x20  }
0x1b1: {  	v26 =	vnsel vm0, $0x20, v26;
	[tilespmem:s23+$0x1E0] =	vst v25  }
0x1b2: {  	v25 =	vshll.u32 v26, $0x4;
	v24 =	vld.idx.msk [tilespmem:v24+s3+$0x0], $0xffff  }
0x1b3: {  	v25 =	vadd.s32 $0x200, v25  }
0x1b4: {  	v27 =	vadd.s32 v32, v14;
	v26 =	vor.u32 v0, v25  }
0x1b5: {  	vm0 =	vgt.s32 v27, $0xFFFFFFE0  }
0x1b6: {  	v27 =	vnsel vm0, $0xFFFFFFE0, v27  }
0x1b7: {  	vm0 =	vlt.s32 v27, $0x20  }
0x1b8: {  	v27 =	vnsel vm0, $0x20, v27;
	[tilespmem:s23+$0x1F0] =	vst v24  }
0x1b9: {  	v24 =	vld.idx.msk [tilespmem:v26+s3+$0x0], $0xffff;
	v26 =	vshll.u32 v27, $0x4  }
0x1ba: {  	v26 =	vadd.s32 $0x200, v26  }
0x1bb: {  	v28 =	vadd.s32 v32, v17;
	v27 =	vor.u32 v0, v26  }
0x1bc: {  	vm0 =	vgt.s32 v28, $0xFFFFFFE0  }
0x1bd: {  	v28 =	vnsel vm0, $0xFFFFFFE0, v28  }
0x1be: {  	vm0 =	vlt.s32 v28, $0x20;
	s23 =	sadd.s32 $0x400, s23  }
0x1bf: {  	[tilespmem:s23+$0xFFFFFE00] =	vst v24;
	v24 =	vnsel vm0, $0x20, v28  }
0x1c0: {  	v28 =	vld.idx.msk [tilespmem:v27+s3+$0x0], $0xffff;
	v24 =	vshll.u32 v24, $0x4  }
0x1c1: {  	v27 =	vadd.s32 $0x200, v24  }
0x1c2: {  	v29 =	vadd.s32 v32, v18;
	v24 =	vor.u32 v0, v27  }
0x1c3: {  	vm0 =	vgt.s32 v29, $0xFFFFFFE0  }
0x1c4: {  	v29 =	vnsel vm0, $0xFFFFFFE0, v29  }
0x1c5: {  	vm0 =	vlt.s32 v29, $0x20  }
0x1c6: {  	[tilespmem:s23+$0xFFFFFE10] =	vst v28;
	v28 =	vnsel vm0, $0x20, v29  }
0x1c7: {  	v24 =	vld.idx.msk [tilespmem:v24+s3+$0x0], $0xffff;
	v28 =	vshll.u32 v28, $0x4  }
0x1c8: {  	v28 =	vadd.s32 $0x200, v28  }
0x1c9: {  	v30 =	vadd.s32 v32, v19;
	v29 =	vor.u32 v0, v28  }
0x1ca: {  	vm0 =	vgt.s32 v30, $0xFFFFFFE0  }
0x1cb: {  	v30 =	vnsel vm0, $0xFFFFFFE0, v30  }
0x1cc: {  	vm0 =	vlt.s32 v30, $0x20  }
0x1cd: {  	[tilespmem:s23+$0xFFFFFE20] =	vst v24;
	v24 =	vnsel vm0, $0x20, v30  }
0x1ce: {  	v30 =	vld.idx.msk [tilespmem:v29+s3+$0x0], $0xffff;
	v24 =	vshll.u32 v24, $0x4  }
0x1cf: {  	v29 =	vadd.s32 $0x200, v24  }
0x1d0: {  	v31 =	vadd.s32 v32, v20;
	v24 =	vor.u32 v0, v29  }
0x1d1: {  	vm0 =	vgt.s32 v31, $0xFFFFFFE0  }
0x1d2: {  	v31 =	vnsel vm0, $0xFFFFFFE0, v31  }
0x1d3: {  	vm0 =	vlt.s32 v31, $0x20  }
0x1d4: {  	[tilespmem:s23+$0xFFFFFE30] =	vst v30;
	v30 =	vnsel vm0, $0x20, v31  }
0x1d5: {  	v24 =	vld.idx.msk [tilespmem:v24+s3+$0x0], $0xffff;
	v30 =	vshll.u32 v30, $0x4  }
0x1d6: {  	v30 =	vadd.s32 $0x200, v30  }
0x1d7: {  	v33 =	vadd.s32 v32, v22;
	v31 =	vor.u32 v0, v30  }
0x1d8: {  	vm0 =	vgt.s32 v33, $0xFFFFFFE0  }
0x1d9: {  	v33 =	vnsel vm0, $0xFFFFFFE0, v33  }
0x1da: {  	vm0 =	vlt.s32 v33, $0x20  }
0x1db: {  	[tilespmem:s23+$0xFFFFFE40] =	vst v24;
	v24 =	vnsel vm0, $0x20, v33  }
0x1dc: {  	v33 =	vld.idx.msk [tilespmem:v31+s3+$0x0], $0xffff;
	v24 =	vshll.u32 v24, $0x4  }
0x1dd: {  	v31 =	vadd.s32 $0x200, v24  }
0x1de: {  	v32 =	vadd.s32 v32, v23;
	v24 =	vor.u32 v0, v31  }
0x1df: {  	vm0 =	vgt.s32 v32, $0xFFFFFFE0  }
0x1e0: {  	v32 =	vnsel vm0, $0xFFFFFFE0, v32  }
0x1e1: {  	vm0 =	vlt.s32 v32, $0x20  }
0x1e2: {  	v32 =	vnsel vm0, $0x20, v32;
	[tilespmem:s23+$0xFFFFFE50] =	vst v33  }
0x1e3: {  	v33 =	vld.idx.msk [tilespmem:v24+s3+$0x0], $0xffff;
	v24 =	vshll.u32 v32, $0x4  }
0x1e4: {  	v24 =	vadd.s32 $0x200, v24  }
0x1e5: {  	v32 =	vor.u32 v0, v24;
	_ =	sdelay $0x3  }
0x1e6: {  	[tilespmem:s23+$0xFFFFFE60] =	vst v33  }
0x1e7: {  	v32 =	vld.idx.msk [tilespmem:v32+s3+$0x0], $0xffff;
	_ =	sdelay $0x1  }
0x1e8: {  	v33 =	vor.u32 v1, v25;
	_ =	sdelay $0x3  }
0x1e9: {  	[tilespmem:s23+$0xFFFFFE70] =	vst v32  }
0x1ea: {  	v32 =	vld.idx.msk [tilespmem:v33+s3+$0x0], $0xffff;
	_ =	sdelay $0x1  }
0x1eb: {  	v33 =	vor.u32 v1, v26;
	_ =	sdelay $0x3  }
0x1ec: {  	[tilespmem:s23+$0xFFFFFE80] =	vst v32  }
0x1ed: {  	v32 =	vld.idx.msk [tilespmem:v33+s3+$0x0], $0xffff;
	_ =	sdelay $0x1  }
0x1ee: {  	v33 =	vor.u32 v1, v27;
	_ =	sdelay $0x3  }
0x1ef: {  	[tilespmem:s23+$0xFFFFFE90] =	vst v32  }
0x1f0: {  	v32 =	vld.idx.msk [tilespmem:v33+s3+$0x0], $0xffff;
	_ =	sdelay $0x1  }
0x1f1: {  	v33 =	vor.u32 v1, v28;
	_ =	sdelay $0x3  }
0x1f2: {  	[tilespmem:s23+$0xFFFFFEA0] =	vst v32  }
0x1f3: {  	v32 =	vld.idx.msk [tilespmem:v33+s3+$0x0], $0xffff;
	_ =	sdelay $0x1  }
0x1f4: {  	v33 =	vor.u32 v1, v29;
	_ =	sdelay $0x3  }
0x1f5: {  	[tilespmem:s23+$0xFFFFFEB0] =	vst v32  }
0x1f6: {  	v32 =	vld.idx.msk [tilespmem:v33+s3+$0x0], $0xffff;
	_ =	sdelay $0x1  }
0x1f7: {  	v33 =	vor.u32 v1, v30;
	_ =	sdelay $0x3  }
0x1f8: {  	[tilespmem:s23+$0xFFFFFEC0] =	vst v32  }
0x1f9: {  	v32 =	vld.idx.msk [tilespmem:v33+s3+$0x0], $0xffff;
	_ =	sdelay $0x1  }
0x1fa: {  	v33 =	vor.u32 v1, v31;
	_ =	sdelay $0x3  }
0x1fb: {  	[tilespmem:s23+$0xFFFFFED0] =	vst v32  }
0x1fc: {  	v32 =	vld.idx.msk [tilespmem:v33+s3+$0x0], $0xffff;
	_ =	sdelay $0x1  }
0x1fd: {  	v33 =	vor.u32 v1, v24;
	_ =	sdelay $0x3  }
0x1fe: {  	[tilespmem:s23+$0xFFFFFEE0] =	vst v32  }
0x1ff: {  	v32 =	vld.idx.msk [tilespmem:v33+s3+$0x0], $0xffff;
	_ =	sdelay $0x1  }
0x200: {  	v33 =	vor.u32 v2, v25;
	_ =	sdelay $0x3  }
0x201: {  	[tilespmem:s23+$0xFFFFFEF0] =	vst v32  }
0x202: {  	v32 =	vld.idx.msk [tilespmem:v33+s3+$0x0], $0xffff;
	_ =	sdelay $0x1  }
0x203: {  	v33 =	vor.u32 v2, v26;
	_ =	sdelay $0x3  }
0x204: {  	[tilespmem:s23+$0xFFFFFF00] =	vst v32  }
0x205: {  	v32 =	vld.idx.msk [tilespmem:v33+s3+$0x0], $0xffff;
	_ =	sdelay $0x1  }
0x206: {  	v33 =	vor.u32 v2, v27;
	_ =	sdelay $0x3  }
0x207: {  	[tilespmem:s23+$0xFFFFFF10] =	vst v32  }
0x208: {  	v32 =	vld.idx.msk [tilespmem:v33+s3+$0x0], $0xffff;
	_ =	sdelay $0x1  }
0x209: {  	v33 =	vor.u32 v2, v28;
	_ =	sdelay $0x3  }
0x20a: {  	[tilespmem:s23+$0xFFFFFF20] =	vst v32  }
0x20b: {  	v32 =	vld.idx.msk [tilespmem:v33+s3+$0x0], $0xffff;
	_ =	sdelay $0x1  }
0x20c: {  	v33 =	vor.u32 v2, v29;
	_ =	sdelay $0x3  }
0x20d: {  	[tilespmem:s23+$0xFFFFFF30] =	vst v32  }
0x20e: {  	v32 =	vld.idx.msk [tilespmem:v33+s3+$0x0], $0xffff;
	_ =	sdelay $0x1  }
0x20f: {  	v33 =	vor.u32 v2, v30;
	_ =	sdelay $0x3  }
0x210: {  	[tilespmem:s23+$0xFFFFFF40] =	vst v32  }
0x211: {  	v32 =	vld.idx.msk [tilespmem:v33+s3+$0x0], $0xffff;
	_ =	sdelay $0x1  }
0x212: {  	v33 =	vor.u32 v2, v31;
	_ =	sdelay $0x3  }
0x213: {  	[tilespmem:s23+$0xFFFFFF50] =	vst v32  }
0x214: {  	v32 =	vld.idx.msk [tilespmem:v33+s3+$0x0], $0xffff;
	_ =	sdelay $0x1  }
0x215: {  	v33 =	vor.u32 v2, v24;
	_ =	sdelay $0x3  }
0x216: {  	[tilespmem:s23+$0xFFFFFF60] =	vst v32  }
0x217: {  	v32 =	vld.idx.msk [tilespmem:v33+s3+$0x0], $0xffff;
	_ =	sdelay $0x1  }
0x218: {  	v33 =	vor.u32 v3, v25;
	_ =	sdelay $0x3  }
0x219: {  	[tilespmem:s23+$0xFFFFFF70] =	vst v32  }
0x21a: {  	v32 =	vld.idx.msk [tilespmem:v33+s3+$0x0], $0xffff;
	_ =	sdelay $0x1  }
0x21b: {  	v33 =	vor.u32 v3, v26;
	_ =	sdelay $0x3  }
0x21c: {  	[tilespmem:s23+$0xFFFFFF80] =	vst v32  }
0x21d: {  	v32 =	vld.idx.msk [tilespmem:v33+s3+$0x0], $0xffff;
	_ =	sdelay $0x1  }
0x21e: {  	v33 =	vor.u32 v3, v27;
	_ =	sdelay $0x3  }
0x21f: {  	[tilespmem:s23+$0xFFFFFF90] =	vst v32  }
0x220: {  	v32 =	vld.idx.msk [tilespmem:v33+s3+$0x0], $0xffff;
	_ =	sdelay $0x1  }
0x221: {  	v33 =	vor.u32 v3, v28;
	_ =	sdelay $0x3  }
0x222: {  	[tilespmem:s23+$0xFFFFFFA0] =	vst v32  }
0x223: {  	v32 =	vld.idx.msk [tilespmem:v33+s3+$0x0], $0xffff;
	_ =	sdelay $0x1  }
0x224: {  	v33 =	vor.u32 v3, v29;
	_ =	sdelay $0x3  }
0x225: {  	[tilespmem:s23+$0xFFFFFFB0] =	vst v32  }
0x226: {  	v32 =	vld.idx.msk [tilespmem:v33+s3+$0x0], $0xffff;
	_ =	sdelay $0x1  }
0x227: {  	v33 =	vor.u32 v3, v30;
	_ =	sdelay $0x3  }
0x228: {  	[tilespmem:s23+$0xFFFFFFC0] =	vst v32  }
0x229: {  	v32 =	vld.idx.msk [tilespmem:v33+s3+$0x0], $0xffff;
	_ =	sdelay $0x1  }
0x22a: {  	v33 =	vor.u32 v3, v31;
	_ =	sdelay $0x3  }
0x22b: {  	[tilespmem:s23+$0xFFFFFFD0] =	vst v32  }
0x22c: {  	v32 =	vld.idx.msk [tilespmem:v33+s3+$0x0], $0xffff;
	_ =	sdelay $0x1  }
0x22d: {  	v33 =	vor.u32 v3, v24;
	_ =	sdelay $0x3  }
0x22e: {  	[tilespmem:s23+$0xFFFFFFE0] =	vst v32  }
0x22f: {  	v32 =	vld.idx.msk [tilespmem:v33+s3+$0x0], $0xffff;
	_ =	sdelay $0x1  }
0x230: {  	v33 =	vor.u32 v4, v25;
	_ =	sdelay $0x3  }
0x231: {  	[tilespmem:s23+$0xFFFFFFF0] =	vst v32  }
0x232: {  	v32 =	vld.idx.msk [tilespmem:v33+s3+$0x0], $0xffff;
	_ =	sdelay $0x1  }
0x233: {  	v33 =	vor.u32 v4, v26;
	_ =	sdelay $0x3  }
0x234: {  	[tilespmem:s23+$0x0] =	vst v32  }
0x235: {  	v32 =	vld.idx.msk [tilespmem:v33+s3+$0x0], $0xffff;
	_ =	sdelay $0x1  }
0x236: {  	v33 =	vor.u32 v4, v27;
	_ =	sdelay $0x3  }
0x237: {  	[tilespmem:s23+$0x10] =	vst v32  }
0x238: {  	v32 =	vld.idx.msk [tilespmem:v33+s3+$0x0], $0xffff;
	_ =	sdelay $0x1  }
0x239: {  	v33 =	vor.u32 v4, v28;
	_ =	sdelay $0x3  }
0x23a: {  	[tilespmem:s23+$0x20] =	vst v32  }
0x23b: {  	v32 =	vld.idx.msk [tilespmem:v33+s3+$0x0], $0xffff;
	_ =	sdelay $0x1  }
0x23c: {  	v33 =	vor.u32 v4, v29;
	_ =	sdelay $0x3  }
0x23d: {  	[tilespmem:s23+$0x30] =	vst v32  }
0x23e: {  	v32 =	vld.idx.msk [tilespmem:v33+s3+$0x0], $0xffff;
	_ =	sdelay $0x1  }
0x23f: {  	v33 =	vor.u32 v4, v30;
	_ =	sdelay $0x3  }
0x240: {  	[tilespmem:s23+$0x40] =	vst v32  }
0x241: {  	v32 =	vld.idx.msk [tilespmem:v33+s3+$0x0], $0xffff;
	_ =	sdelay $0x1  }
0x242: {  	v33 =	vor.u32 v4, v31;
	_ =	sdelay $0x3  }
0x243: {  	[tilespmem:s23+$0x50] =	vst v32  }
0x244: {  	v32 =	vld.idx.msk [tilespmem:v33+s3+$0x0], $0xffff;
	_ =	sdelay $0x1  }
0x245: {  	v33 =	vor.u32 v4, v24;
	_ =	sdelay $0x3  }
0x246: {  	[tilespmem:s23+$0x60] =	vst v32  }
0x247: {  	v32 =	vld.idx.msk [tilespmem:v33+s3+$0x0], $0xffff;
	_ =	sdelay $0x1  }
0x248: {  	v33 =	vor.u32 v5, v25;
	_ =	sdelay $0x3  }
0x249: {  	[tilespmem:s23+$0x70] =	vst v32  }
0x24a: {  	v32 =	vld.idx.msk [tilespmem:v33+s3+$0x0], $0xffff;
	_ =	sdelay $0x1  }
0x24b: {  	v33 =	vor.u32 v5, v26;
	_ =	sdelay $0x3  }
0x24c: {  	[tilespmem:s23+$0x80] =	vst v32  }
0x24d: {  	v32 =	vld.idx.msk [tilespmem:v33+s3+$0x0], $0xffff;
	_ =	sdelay $0x1  }
0x24e: {  	v33 =	vor.u32 v5, v27;
	_ =	sdelay $0x3  }
0x24f: {  	[tilespmem:s23+$0x90] =	vst v32  }
0x250: {  	v32 =	vld.idx.msk [tilespmem:v33+s3+$0x0], $0xffff;
	_ =	sdelay $0x1  }
0x251: {  	v33 =	vor.u32 v5, v28;
	_ =	sdelay $0x3  }
0x252: {  	[tilespmem:s23+$0xA0] =	vst v32  }
0x253: {  	v32 =	vld.idx.msk [tilespmem:v33+s3+$0x0], $0xffff;
	_ =	sdelay $0x1  }
0x254: {  	v33 =	vor.u32 v5, v29;
	_ =	sdelay $0x3  }
0x255: {  	[tilespmem:s23+$0xB0] =	vst v32  }
0x256: {  	v32 =	vld.idx.msk [tilespmem:v33+s3+$0x0], $0xffff;
	_ =	sdelay $0x1  }
0x257: {  	v33 =	vor.u32 v5, v30;
	_ =	sdelay $0x3  }
0x258: {  	[tilespmem:s23+$0xC0] =	vst v32  }
0x259: {  	v32 =	vld.idx.msk [tilespmem:v33+s3+$0x0], $0xffff;
	_ =	sdelay $0x1  }
0x25a: {  	v33 =	vor.u32 v5, v31;
	_ =	sdelay $0x3  }
0x25b: {  	[tilespmem:s23+$0xD0] =	vst v32  }
0x25c: {  	v32 =	vld.idx.msk [tilespmem:v33+s3+$0x0], $0xffff;
	_ =	sdelay $0x1  }
0x25d: {  	v33 =	vor.u32 v5, v24;
	_ =	sdelay $0x3  }
0x25e: {  	[tilespmem:s23+$0xE0] =	vst v32  }
0x25f: {  	v32 =	vld.idx.msk [tilespmem:v33+s3+$0x0], $0xffff;
	_ =	sdelay $0x1  }
0x260: {  	v33 =	vor.u32 v6, v25;
	_ =	sdelay $0x3  }
0x261: {  	[tilespmem:s23+$0xF0] =	vst v32  }
0x262: {  	v32 =	vld.idx.msk [tilespmem:v33+s3+$0x0], $0xffff;
	_ =	sdelay $0x1  }
0x263: {  	v33 =	vor.u32 v6, v26;
	_ =	sdelay $0x3  }
0x264: {  	[tilespmem:s23+$0x100] =	vst v32  }
0x265: {  	v32 =	vld.idx.msk [tilespmem:v33+s3+$0x0], $0xffff;
	_ =	sdelay $0x1  }
0x266: {  	v33 =	vor.u32 v6, v27;
	_ =	sdelay $0x3  }
0x267: {  	[tilespmem:s23+$0x110] =	vst v32  }
0x268: {  	v32 =	vld.idx.msk [tilespmem:v33+s3+$0x0], $0xffff;
	_ =	sdelay $0x1  }
0x269: {  	v33 =	vor.u32 v6, v28;
	_ =	sdelay $0x3  }
0x26a: {  	[tilespmem:s23+$0x120] =	vst v32  }
0x26b: {  	v32 =	vld.idx.msk [tilespmem:v33+s3+$0x0], $0xffff;
	_ =	sdelay $0x1  }
0x26c: {  	v33 =	vor.u32 v6, v29;
	_ =	sdelay $0x3  }
0x26d: {  	[tilespmem:s23+$0x130] =	vst v32  }
0x26e: {  	v32 =	vld.idx.msk [tilespmem:v33+s3+$0x0], $0xffff;
	_ =	sdelay $0x1  }
0x26f: {  	v33 =	vor.u32 v6, v30;
	_ =	sdelay $0x3  }
0x270: {  	[tilespmem:s23+$0x140] =	vst v32  }
0x271: {  	v32 =	vld.idx.msk [tilespmem:v33+s3+$0x0], $0xffff;
	_ =	sdelay $0x1  }
0x272: {  	v33 =	vor.u32 v6, v31;
	_ =	sdelay $0x3  }
0x273: {  	[tilespmem:s23+$0x150] =	vst v32  }
0x274: {  	v32 =	vld.idx.msk [tilespmem:v33+s3+$0x0], $0xffff;
	_ =	sdelay $0x1  }
0x275: {  	v33 =	vor.u32 v6, v24;
	_ =	sdelay $0x3  }
0x276: {  	[tilespmem:s23+$0x160] =	vst v32  }
0x277: {  	v32 =	vld.idx.msk [tilespmem:v33+s3+$0x0], $0xffff;
	_ =	sdelay $0x1  }
0x278: {  	v25 =	vor.u32 v8, v25;
	_ =	sdelay $0x3  }
0x279: {  	[tilespmem:s23+$0x170] =	vst v32  }
0x27a: {  	v25 =	vld.idx.msk [tilespmem:v25+s3+$0x0], $0xffff;
	_ =	sdelay $0x1  }
0x27b: {  	v26 =	vor.u32 v8, v26;
	_ =	sdelay $0x3  }
0x27c: {  	[tilespmem:s23+$0x180] =	vst v25  }
0x27d: {  	v25 =	vld.idx.msk [tilespmem:v26+s3+$0x0], $0xffff;
	_ =	sdelay $0x1  }
0x27e: {  	v26 =	vor.u32 v8, v27;
	_ =	sdelay $0x3  }
0x27f: {  	[tilespmem:s23+$0x190] =	vst v25  }
0x280: {  	v25 =	vld.idx.msk [tilespmem:v26+s3+$0x0], $0xffff;
	_ =	sdelay $0x1  }
0x281: {  	v26 =	vor.u32 v8, v28;
	_ =	sdelay $0x3  }
0x282: {  	[tilespmem:s23+$0x1A0] =	vst v25  }
0x283: {  	v25 =	vld.idx.msk [tilespmem:v26+s3+$0x0], $0xffff;
	_ =	sdelay $0x1  }
0x284: {  	v26 =	vor.u32 v8, v29;
	_ =	sdelay $0x3  }
0x285: {  	[tilespmem:s23+$0x1B0] =	vst v25  }
0x286: {  	v25 =	vld.idx.msk [tilespmem:v26+s3+$0x0], $0xffff;
	_ =	sdelay $0x1  }
0x287: {  	v26 =	vor.u32 v8, v30;
	_ =	sdelay $0x3  }
0x288: {  	[tilespmem:s23+$0x1C0] =	vst v25  }
.Ltmp7:
0x289: {  	v25 =	vld.idx.msk [tilespmem:v26+s3+$0x0], $0xffff;
	(pc) =	sbr.rel @p3 .LBB2_6-.Ltmp7, $3  }
0x28a: {  	_ = 	snop  }
0x28b: {  	v26 =	vor.u32 v8, v31;
	_ =	sdelay $0x1  }
0x28c: {  	s25 =	sadd.s32 s24, s21;
	s24 =	sadd.s32 $0x1, s24  }
0x28d: {  	v27 =	vmov s25  }
0x28e: {  	v27 =	vsub.s32 $0x0, v27  }
0x28f: {  	v31 =	vbroadcast v27, $0x0  }
0x290: {  	[tilespmem:s23+$0x1D0] =	vst v25  }
0x291: {  	v25 =	vld.idx.msk [tilespmem:v26+s3+$0x0], $0xffff;
	v44 =	vadd.s32 v31, v11  }
0x292: {  	v24 =	vor.u32 v8, v24;
	vm0 =	vgt.s32 v44, $0xFFFFFFE0  }
0x293: {  	v26 =	vnsel vm0, $0xFFFFFFE0, v44  }
0x294: {  	vm0 =	vlt.s32 v26, $0x20  }
0x295: {  	v26 =	vnsel vm0, $0x20, v26  }
0x296: {  	[tilespmem:s23+$0x1E0] =	vst v25;
	v45 =	vshll.u32 v26, $0x4  }
0x297: {  	v47 =	vadd.s32 v31, v14;
	v46 =	vld.idx.msk [tilespmem:v24+s3+$0x0], $0xffff;
	v24 =	vadd.s32 $0x200, v45  }
0x298: {  	vm9 =	vgt.s32 v47, $0xFFFFFFE0;
	v48 =	vor.u32 v0, v24  }
0x299: {  	v25 =	vnsel vm9, $0xFFFFFFE0, v47  }
0x29a: {  	vm0 =	vlt.s32 v25, $0x20  }
0x29b: {  	v25 =	vnsel vm0, $0x20, v25  }
0x29c: {  	v25 =	vshll.u32 v25, $0x4;
	[tilespmem:s23+$0x1F0] =	vst v46  }
0x29d: {  	v49 =	vadd.s32 v31, v17;
	v25 =	vadd.s32 $0x200, v25;
	v26 =	vld.idx.msk [tilespmem:v48+s3+$0x0], $0xffff  }
0x29e: {  	vm10 =	vgt.s32 v49, $0xFFFFFFE0;
	v28 =	vor.u32 v0, v25  }
0x29f: {  	v27 =	vnsel vm10, $0xFFFFFFE0, v49  }
0x2a0: {  	vm0 =	vlt.s32 v27, $0x20  }
0x2a1: {  	s31 =	sadd.s32 $0x400, s23;
	v27 =	vnsel vm0, $0x20, v27  }
0x2a2: {  	v50 =	vshll.u32 v27, $0x4;
	[tilespmem:s31+$0xFFFFFE00] =	vst v26  }
0x2a3: {  	v52 =	vadd.s32 v31, v18;
	v26 =	vadd.s32 $0x200, v50;
	v51 =	vld.idx.msk [tilespmem:v28+s3+$0x0], $0xffff  }
0x2a4: {  	vm11 =	vgt.s32 v52, $0xFFFFFFE0;
	v29 =	vor.u32 v0, v26  }
0x2a5: {  	v28 =	vnsel vm11, $0xFFFFFFE0, v52  }
0x2a6: {  	vm0 =	vlt.s32 v28, $0x20  }
0x2a7: {  	v28 =	vnsel vm0, $0x20, v28  }
0x2a8: {  	v53 =	vshll.u32 v28, $0x4;
	[tilespmem:s31+$0xFFFFFE10] =	vst v51  }
0x2a9: {  	v55 =	vadd.s32 v31, v19;
	v27 =	vadd.s32 $0x200, v53;
	v54 =	vld.idx.msk [tilespmem:v29+s3+$0x0], $0xffff  }
0x2aa: {  	vm12 =	vgt.s32 v55, $0xFFFFFFE0;
	v30 =	vor.u32 v0, v27  }
0x2ab: {  	v29 =	vnsel vm12, $0xFFFFFFE0, v55  }
0x2ac: {  	vm0 =	vlt.s32 v29, $0x20  }
0x2ad: {  	v29 =	vnsel vm0, $0x20, v29  }
0x2ae: {  	v56 =	vshll.u32 v29, $0x4;
	[tilespmem:s31+$0xFFFFFE20] =	vst v54  }
0x2af: {  	v58 =	vadd.s32 v31, v20;
	v28 =	vadd.s32 $0x200, v56;
	v57 =	vld.idx.msk [tilespmem:v30+s3+$0x0], $0xffff  }
0x2b0: {  	vm13 =	vgt.s32 v58, $0xFFFFFFE0;
	v32 =	vor.u32 v0, v28  }
0x2b1: {  	v30 =	vnsel vm13, $0xFFFFFFE0, v58  }
0x2b2: {  	vm0 =	vlt.s32 v30, $0x20  }
0x2b3: {  	v30 =	vnsel vm0, $0x20, v30  }
0x2b4: {  	v59 =	vshll.u32 v30, $0x4;
	[tilespmem:s31+$0xFFFFFE30] =	vst v57  }
0x2b5: {  	v61 =	vadd.s32 v31, v22;
	v29 =	vadd.s32 $0x200, v59;
	v60 =	vld.idx.msk [tilespmem:v32+s3+$0x0], $0xffff  }
0x2b6: {  	vm14 =	vgt.s32 v61, $0xFFFFFFE0;
	v33 =	vor.u32 v0, v29  }
0x2b7: {  	v32 =	vnsel vm14, $0xFFFFFFE0, v61  }
0x2b8: {  	vm0 =	vlt.s32 v32, $0x20  }
0x2b9: {  	v32 =	vnsel vm0, $0x20, v32  }
0x2ba: {  	v62 =	vshll.u32 v32, $0x4;
	[tilespmem:s31+$0xFFFFFE40] =	vst v60  }
0x2bb: {  	v31 =	vadd.s32 v31, v23;
	v30 =	vadd.s32 $0x200, v62;
	v63 =	vld.idx.msk [tilespmem:v33+s3+$0x0], $0xffff  }
0x2bc: {  	vm15 =	vgt.s32 v31, $0xFFFFFFE0;
	v36 =	vor.u32 v0, v30  }
0x2bd: {  	v31 =	vnsel vm15, $0xFFFFFFE0, v31  }
0x2be: {  	vm0 =	vlt.s32 v31, $0x20  }
0x2bf: {  	v31 =	vnsel vm0, $0x20, v31  }
0x2c0: {  	v31 =	vshll.u32 v31, $0x4;
	[tilespmem:s31+$0xFFFFFE50] =	vst v63  }
0x2c1: {  	v31 =	vadd.s32 $0x200, v31;
	v32 =	vld.idx.msk [tilespmem:v36+s3+$0x0], $0xffff  }
0x2c2: {  	v37 =	vor.u32 v0, v31;
	_ =	sdelay $0x3  }
0x2c3: {  	[tilespmem:s31+$0xFFFFFE60] =	vst v32  }
0x2c4: {  	v32 =	vld.idx.msk [tilespmem:v37+s3+$0x0], $0xffff  }
0x2c5: {  	v38 =	vor.u32 v1, v24;
	_ =	sdelay $0x3  }
0x2c6: {  	[tilespmem:s31+$0xFFFFFE70] =	vst v32  }
0x2c7: {  	v32 =	vld.idx.msk [tilespmem:v38+s3+$0x0], $0xffff  }
0x2c8: {  	v39 =	vor.u32 v1, v25;
	_ =	sdelay $0x3  }
0x2c9: {  	[tilespmem:s31+$0xFFFFFE80] =	vst v32  }
0x2ca: {  	v32 =	vld.idx.msk [tilespmem:v39+s3+$0x0], $0xffff  }
0x2cb: {  	v40 =	vor.u32 v1, v26;
	_ =	sdelay $0x3  }
0x2cc: {  	[tilespmem:s31+$0xFFFFFE90] =	vst v32  }
0x2cd: {  	v32 =	vld.idx.msk [tilespmem:v40+s3+$0x0], $0xffff  }
0x2ce: {  	v41 =	vor.u32 v1, v27;
	_ =	sdelay $0x3  }
0x2cf: {  	[tilespmem:s31+$0xFFFFFEA0] =	vst v32  }
0x2d0: {  	v32 =	vld.idx.msk [tilespmem:v41+s3+$0x0], $0xffff  }
0x2d1: {  	v42 =	vor.u32 v1, v28;
	_ =	sdelay $0x3  }
0x2d2: {  	[tilespmem:s31+$0xFFFFFEB0] =	vst v32  }
0x2d3: {  	v32 =	vld.idx.msk [tilespmem:v42+s3+$0x0], $0xffff  }
0x2d4: {  	v43 =	vor.u32 v1, v29;
	_ =	sdelay $0x3  }
0x2d5: {  	[tilespmem:s31+$0xFFFFFEC0] =	vst v32  }
0x2d6: {  	v32 =	vld.idx.msk [tilespmem:v43+s3+$0x0], $0xffff  }
0x2d7: {  	v44 =	vor.u32 v1, v30;
	_ =	sdelay $0x3  }
0x2d8: {  	[tilespmem:s31+$0xFFFFFED0] =	vst v32  }
0x2d9: {  	v32 =	vld.idx.msk [tilespmem:v44+s3+$0x0], $0xffff  }
0x2da: {  	v45 =	vor.u32 v1, v31;
	_ =	sdelay $0x3  }
0x2db: {  	[tilespmem:s31+$0xFFFFFEE0] =	vst v32  }
0x2dc: {  	v32 =	vld.idx.msk [tilespmem:v45+s3+$0x0], $0xffff  }
0x2dd: {  	v46 =	vor.u32 v2, v24;
	_ =	sdelay $0x3  }
0x2de: {  	[tilespmem:s31+$0xFFFFFEF0] =	vst v32  }
0x2df: {  	v32 =	vld.idx.msk [tilespmem:v46+s3+$0x0], $0xffff  }
0x2e0: {  	v47 =	vor.u32 v2, v25;
	_ =	sdelay $0x3  }
0x2e1: {  	[tilespmem:s31+$0xFFFFFF00] =	vst v32  }
0x2e2: {  	v32 =	vld.idx.msk [tilespmem:v47+s3+$0x0], $0xffff  }
0x2e3: {  	v48 =	vor.u32 v2, v26;
	_ =	sdelay $0x3  }
0x2e4: {  	[tilespmem:s31+$0xFFFFFF10] =	vst v32  }
0x2e5: {  	v32 =	vld.idx.msk [tilespmem:v48+s3+$0x0], $0xffff  }
0x2e6: {  	v49 =	vor.u32 v2, v27;
	_ =	sdelay $0x3  }
0x2e7: {  	[tilespmem:s31+$0xFFFFFF20] =	vst v32  }
0x2e8: {  	v32 =	vld.idx.msk [tilespmem:v49+s3+$0x0], $0xffff  }
0x2e9: {  	v50 =	vor.u32 v2, v28;
	_ =	sdelay $0x3  }
0x2ea: {  	[tilespmem:s31+$0xFFFFFF30] =	vst v32  }
0x2eb: {  	v32 =	vld.idx.msk [tilespmem:v50+s3+$0x0], $0xffff  }
0x2ec: {  	v51 =	vor.u32 v2, v29;
	_ =	sdelay $0x3  }
0x2ed: {  	[tilespmem:s31+$0xFFFFFF40] =	vst v32  }
0x2ee: {  	v32 =	vld.idx.msk [tilespmem:v51+s3+$0x0], $0xffff  }
0x2ef: {  	v52 =	vor.u32 v2, v30;
	_ =	sdelay $0x3  }
0x2f0: {  	[tilespmem:s31+$0xFFFFFF50] =	vst v32  }
0x2f1: {  	v32 =	vld.idx.msk [tilespmem:v52+s3+$0x0], $0xffff  }
0x2f2: {  	v53 =	vor.u32 v2, v31;
	_ =	sdelay $0x3  }
0x2f3: {  	[tilespmem:s31+$0xFFFFFF60] =	vst v32  }
0x2f4: {  	v32 =	vld.idx.msk [tilespmem:v53+s3+$0x0], $0xffff  }
0x2f5: {  	v54 =	vor.u32 v3, v24;
	_ =	sdelay $0x3  }
0x2f6: {  	[tilespmem:s31+$0xFFFFFF70] =	vst v32  }
0x2f7: {  	v32 =	vld.idx.msk [tilespmem:v54+s3+$0x0], $0xffff  }
0x2f8: {  	v55 =	vor.u32 v3, v25;
	_ =	sdelay $0x3  }
0x2f9: {  	[tilespmem:s31+$0xFFFFFF80] =	vst v32  }
0x2fa: {  	v32 =	vld.idx.msk [tilespmem:v55+s3+$0x0], $0xffff  }
0x2fb: {  	v56 =	vor.u32 v3, v26;
	_ =	sdelay $0x3  }
0x2fc: {  	[tilespmem:s31+$0xFFFFFF90] =	vst v32  }
0x2fd: {  	v32 =	vld.idx.msk [tilespmem:v56+s3+$0x0], $0xffff  }
0x2fe: {  	v57 =	vor.u32 v3, v27;
	_ =	sdelay $0x3  }
0x2ff: {  	[tilespmem:s31+$0xFFFFFFA0] =	vst v32  }
0x300: {  	v32 =	vld.idx.msk [tilespmem:v57+s3+$0x0], $0xffff  }
0x301: {  	v58 =	vor.u32 v3, v28;
	_ =	sdelay $0x3  }
0x302: {  	[tilespmem:s31+$0xFFFFFFB0] =	vst v32  }
0x303: {  	v32 =	vld.idx.msk [tilespmem:v58+s3+$0x0], $0xffff  }
0x304: {  	v59 =	vor.u32 v3, v29;
	_ =	sdelay $0x3  }
0x305: {  	[tilespmem:s31+$0xFFFFFFC0] =	vst v32  }
0x306: {  	v32 =	vld.idx.msk [tilespmem:v59+s3+$0x0], $0xffff  }
0x307: {  	v60 =	vor.u32 v3, v30;
	_ =	sdelay $0x3  }
0x308: {  	[tilespmem:s31+$0xFFFFFFD0] =	vst v32  }
0x309: {  	v32 =	vld.idx.msk [tilespmem:v60+s3+$0x0], $0xffff  }
0x30a: {  	v61 =	vor.u32 v3, v31;
	_ =	sdelay $0x3  }
0x30b: {  	[tilespmem:s31+$0xFFFFFFE0] =	vst v32  }
0x30c: {  	v32 =	vld.idx.msk [tilespmem:v61+s3+$0x0], $0xffff  }
0x30d: {  	v62 =	vor.u32 v4, v24;
	_ =	sdelay $0x3  }
0x30e: {  	[tilespmem:s31+$0xFFFFFFF0] =	vst v32  }
0x30f: {  	v32 =	vld.idx.msk [tilespmem:v62+s3+$0x0], $0xffff  }
0x310: {  	v63 =	vor.u32 v4, v25;
	_ =	sdelay $0x3  }
0x311: {  	[tilespmem:s31+$0x0] =	vst v32  }
0x312: {  	v32 =	vld.idx.msk [tilespmem:v63+s3+$0x0], $0xffff  }
0x313: {  	v36 =	vor.u32 v4, v26;
	_ =	sdelay $0x3  }
0x314: {  	[tilespmem:s31+$0x10] =	vst v32  }
0x315: {  	v32 =	vld.idx.msk [tilespmem:v36+s3+$0x0], $0xffff  }
0x316: {  	v37 =	vor.u32 v4, v27;
	_ =	sdelay $0x3  }
0x317: {  	[tilespmem:s31+$0x20] =	vst v32  }
0x318: {  	v32 =	vld.idx.msk [tilespmem:v37+s3+$0x0], $0xffff  }
0x319: {  	v38 =	vor.u32 v4, v28;
	_ =	sdelay $0x3  }
0x31a: {  	[tilespmem:s31+$0x30] =	vst v32  }
0x31b: {  	v32 =	vld.idx.msk [tilespmem:v38+s3+$0x0], $0xffff  }
0x31c: {  	v39 =	vor.u32 v4, v29;
	_ =	sdelay $0x3  }
0x31d: {  	[tilespmem:s31+$0x40] =	vst v32  }
0x31e: {  	v32 =	vld.idx.msk [tilespmem:v39+s3+$0x0], $0xffff  }
0x31f: {  	v40 =	vor.u32 v4, v30;
	_ =	sdelay $0x3  }
0x320: {  	[tilespmem:s31+$0x50] =	vst v32  }
0x321: {  	v32 =	vld.idx.msk [tilespmem:v40+s3+$0x0], $0xffff  }
0x322: {  	v41 =	vor.u32 v4, v31;
	_ =	sdelay $0x3  }
0x323: {  	[tilespmem:s31+$0x60] =	vst v32  }
0x324: {  	v32 =	vld.idx.msk [tilespmem:v41+s3+$0x0], $0xffff  }
0x325: {  	v42 =	vor.u32 v5, v24;
	_ =	sdelay $0x3  }
0x326: {  	[tilespmem:s31+$0x70] =	vst v32  }
0x327: {  	v32 =	vld.idx.msk [tilespmem:v42+s3+$0x0], $0xffff  }
0x328: {  	v43 =	vor.u32 v5, v25;
	_ =	sdelay $0x3  }
0x329: {  	[tilespmem:s31+$0x80] =	vst v32  }
0x32a: {  	v32 =	vld.idx.msk [tilespmem:v43+s3+$0x0], $0xffff  }
0x32b: {  	v44 =	vor.u32 v5, v26;
	_ =	sdelay $0x3  }
0x32c: {  	[tilespmem:s31+$0x90] =	vst v32  }
0x32d: {  	v32 =	vld.idx.msk [tilespmem:v44+s3+$0x0], $0xffff  }
0x32e: {  	v45 =	vor.u32 v5, v27;
	_ =	sdelay $0x3  }
0x32f: {  	[tilespmem:s31+$0xA0] =	vst v32  }
0x330: {  	v32 =	vld.idx.msk [tilespmem:v45+s3+$0x0], $0xffff  }
0x331: {  	v46 =	vor.u32 v5, v28;
	_ =	sdelay $0x3  }
0x332: {  	[tilespmem:s31+$0xB0] =	vst v32  }
0x333: {  	v32 =	vld.idx.msk [tilespmem:v46+s3+$0x0], $0xffff  }
0x334: {  	v47 =	vor.u32 v5, v29;
	_ =	sdelay $0x3  }
0x335: {  	[tilespmem:s31+$0xC0] =	vst v32  }
0x336: {  	v32 =	vld.idx.msk [tilespmem:v47+s3+$0x0], $0xffff  }
0x337: {  	v48 =	vor.u32 v5, v30;
	_ =	sdelay $0x3  }
0x338: {  	[tilespmem:s31+$0xD0] =	vst v32  }
0x339: {  	v32 =	vld.idx.msk [tilespmem:v48+s3+$0x0], $0xffff  }
0x33a: {  	v49 =	vor.u32 v5, v31;
	_ =	sdelay $0x3  }
0x33b: {  	[tilespmem:s31+$0xE0] =	vst v32  }
0x33c: {  	v32 =	vld.idx.msk [tilespmem:v49+s3+$0x0], $0xffff  }
0x33d: {  	v50 =	vor.u32 v6, v24;
	_ =	sdelay $0x3  }
0x33e: {  	[tilespmem:s31+$0xF0] =	vst v32  }
0x33f: {  	v32 =	vld.idx.msk [tilespmem:v50+s3+$0x0], $0xffff  }
0x340: {  	v51 =	vor.u32 v6, v25;
	_ =	sdelay $0x3  }
0x341: {  	[tilespmem:s31+$0x100] =	vst v32  }
0x342: {  	v32 =	vld.idx.msk [tilespmem:v51+s3+$0x0], $0xffff  }
0x343: {  	v52 =	vor.u32 v6, v26;
	_ =	sdelay $0x3  }
0x344: {  	[tilespmem:s31+$0x110] =	vst v32  }
0x345: {  	v32 =	vld.idx.msk [tilespmem:v52+s3+$0x0], $0xffff  }
0x346: {  	v53 =	vor.u32 v6, v27;
	_ =	sdelay $0x3  }
0x347: {  	[tilespmem:s31+$0x120] =	vst v32  }
0x348: {  	v32 =	vld.idx.msk [tilespmem:v53+s3+$0x0], $0xffff  }
0x349: {  	v54 =	vor.u32 v6, v28;
	_ =	sdelay $0x3  }
0x34a: {  	[tilespmem:s31+$0x130] =	vst v32  }
0x34b: {  	v32 =	vld.idx.msk [tilespmem:v54+s3+$0x0], $0xffff  }
0x34c: {  	v55 =	vor.u32 v6, v29;
	_ =	sdelay $0x3  }
0x34d: {  	[tilespmem:s31+$0x140] =	vst v32  }
0x34e: {  	v32 =	vld.idx.msk [tilespmem:v55+s3+$0x0], $0xffff  }
0x34f: {  	v56 =	vor.u32 v6, v30;
	_ =	sdelay $0x3  }
0x350: {  	[tilespmem:s31+$0x150] =	vst v32  }
0x351: {  	v32 =	vld.idx.msk [tilespmem:v56+s3+$0x0], $0xffff  }
0x352: {  	v57 =	vor.u32 v6, v31;
	_ =	sdelay $0x3  }
0x353: {  	[tilespmem:s31+$0x160] =	vst v32  }
0x354: {  	v32 =	vld.idx.msk [tilespmem:v57+s3+$0x0], $0xffff  }
0x355: {  	v24 =	vor.u32 v8, v24;
	_ =	sdelay $0x3  }
0x356: {  	[tilespmem:s31+$0x170] =	vst v32  }
0x357: {  	v24 =	vld.idx.msk [tilespmem:v24+s3+$0x0], $0xffff  }
0x358: {  	v25 =	vor.u32 v8, v25;
	_ =	sdelay $0x3  }
0x359: {  	[tilespmem:s31+$0x180] =	vst v24  }
0x35a: {  	v24 =	vld.idx.msk [tilespmem:v25+s3+$0x0], $0xffff  }
0x35b: {  	v58 =	vor.u32 v8, v26;
	_ =	sdelay $0x3  }
0x35c: {  	[tilespmem:s31+$0x190] =	vst v24  }
0x35d: {  	v24 =	vld.idx.msk [tilespmem:v58+s3+$0x0], $0xffff  }
0x35e: {  	v59 =	vor.u32 v8, v27;
	_ =	sdelay $0x3  }
0x35f: {  	[tilespmem:s31+$0x1A0] =	vst v24  }
0x360: {  	v24 =	vld.idx.msk [tilespmem:v59+s3+$0x0], $0xffff  }
0x361: {  	v60 =	vor.u32 v8, v28;
	_ =	sdelay $0x3  }
0x362: {  	[tilespmem:s31+$0x1B0] =	vst v24  }
0x363: {  	v24 =	vld.idx.msk [tilespmem:v60+s3+$0x0], $0xffff  }
0x364: {  	v61 =	vor.u32 v8, v29;
	_ =	sdelay $0x3  }
0x365: {  	[tilespmem:s31+$0x1C0] =	vst v24  }
0x366: {  	v24 =	vld.idx.msk [tilespmem:v61+s3+$0x0], $0xffff  }
0x367: {  	v62 =	vor.u32 v8, v30;
	_ =	sdelay $0x3  }
0x368: {  	[tilespmem:s31+$0x1D0] =	vst v24  }
0x369: {  	v24 =	vld.idx.msk [tilespmem:v62+s3+$0x0], $0xffff  }
0x36a: {  	v63 =	vor.u32 v8, v31;
	_ =	sdelay $0x3  }
0x36b: {  	[tilespmem:s31+$0x1E0] =	vst v24  }
0x36c: {  	v24 =	vld.idx.msk [tilespmem:v63+s3+$0x0], $0xffff;
	_ =	sdelay $0x1  }
0x36d: {  	s22 =	sshll.u32 s22, $0xF  }
0x36e: {  	s20 =	sadd.s32 $0x1, s20;
	s22 =	sor.u32 s9, s22  }
0x36f: {  	p3 =	sne.s32 s20, s7;
	s22 =	sshrl.u32 s22, $0x3  }
.Ltmp8:
0x370: {  	s22 =	sadd.s32 s1, s22;
	[tilespmem:s31+$0x1F0] =	vst v24;
	(pc) =	sbr.rel @p3 .LBB2_5-.Ltmp8, $4  }
0x371: {  	[hbm4b:s22+s14] =	stream.strided.scatter [tilespmem:s16], [sflag:$0x2], $0x8000, s15, s14, $0x38;
	[tilespmem:$0x18480] =	vst v63  }
0x372: {  	_ =	swait.ge [sflag:s17], $0x8000  }
0x373: {  	[sflag:s17] =	ssyncset.done $0x0  }
0x374: {  	s21 =	sadd.s32 $0x20, s21;
	[sflag:s17] =	ssyncadd.s32 $0xFFFF8000  }
.LBB2_8:
.Ltmp9:
0x375: {  	(pc) =	sbr.rel @p2 .LBB2_12-.Ltmp9, $1  }
0x376: {  	_ =	sdelay $0x3  }
0x377: {  	s20 =	sadd.s32 $0x1, s12  }
0x378: {  	p3 =	seq.s32 s20, $0x0  }
.Ltmp10:
0x379: {  	_ = 	snop;
	(pc) =	sbr.rel @p3 .LBB2_11-.Ltmp10, $3  }
0x37a: {  	_ =	sdelay $0x1  }
0x37b: {  	_ =	swait.ge [sflag:s18], $0x8000  }
0x37c: {  	[sflag:s18] =	ssyncset.done $0x0  }
.LBB2_10:
0x37d: {  	s20 =	sadd.s32 $0x1, s20  }
0x37e: {  	[sflag:s18] =	ssyncadd.s32 $0xFFFF8000;
	p3 =	seq.s32 s20, $0x0  }
.Ltmp11:
0x37f: {  	(pc) =	sbr.rel @!p3 .LBB2_10-.Ltmp11, $3  }
0x380: {  	_ =	sdelay $0x1  }
0x381: {  	_ =	swait.ge [sflag:s18], $0x8000  }
0x382: {  	[sflag:s18] =	ssyncset.done $0x0  }
.Ltmp12:
0x383: {  	_ = 	snop;
	(pc) =	sbr.rel .LBB2_11-.Ltmp12, $1  }
0x384: {  	_ =	sdelay $0x3  }
.LBB2_13:
0x385: {  	_ =	sfence.sel $0x180000  }
0x386: {  	[bflag:$0x0] =	sbarrier.arrive $0xFFFF  }
0x387: {  	p0 =	sne.s32 s2, $0x0;
	_ =	strace $0x90000047  }
0x388: {  	s0 =	sadd.s32 @!p0 $0x100000, s0;
	[bflag:$0x2] =	sbarrier.arrive $0xFFFF  }
0x389: {  	[sflag:s0] =	ssyncadd.tile.s32 @!p0 $0x1;
	_ =	shalt  }
.Lfunc_end2:
_tile_overlayer_lowered:
.L_overlay_start_2:
0x38a: {  	(tag) =	ssettag $0x2  }
0x38b: {  	s0 =	rddreg [dreg:$0x0];
	s2 =	stileid.u32  }
0x38c: {  	s1 =	rddreg [dreg:$0x1];
	p0 =	sne.s32 s2, $0x0  }
0x38d: {  	s3 =	rddreg [dreg:$0x2];
	[bflag:$0x3] =	sbarrier.arrive $0xFFFF;
	s2 =	simm.s32 @!p0 $0x1C03  }
0x38e: {  	[timem:s3], [sflag:s2] =	dma.local @!p0 [hbm:s0], s1  }
0x38f: {  	s0 =	simm.s32 @!p0 $0x3  }
0x390: {  	_ =	swait.ge @!p0 [sflag:s0], s1  }
0x391: {  	s1 =	ssub.s32 @!p0 $0x0, s1;
	[sflag:s0] =	ssyncset.done @!p0 $0x0  }
0x392: {  	[sflag:s0] =	ssyncadd.s32 @!p0 s1  }
0x393: {  	[bflag:$0x3] =	sbarrier.arrive $0xFFFF  }
0x394: {  	_ =	shalt  }

</sc_bundles>
